<compile_context>
chip_gen: v7x
topology: tpu7x:2x2x1
jax: 0.10.2.dev20260603
libtpu: 0.0.44.dev20260713+nightly
codegen_flags: <defaults>
</compile_context>

<pallas_src>
import functools

import jax
import jax.numpy as jnp
from jax import lax
from jax.experimental import pallas as pl
from jax.experimental.pallas import tpu as pltpu
from jax.experimental.pallas import tpu_sc as plsc

N_USERS = 1000000
N_ITEMS = 1000000
EMBED_DIM = 16
N_CLIMATE = 4
BATCH = 16384

NUM_CORES = 2
NUM_SUBCORES = 16
LANES = 16
NW = NUM_CORES * NUM_SUBCORES
B_PER_W = BATCH // NW
CHUNKS = B_PER_W // LANES
HALF = LANES // 2


@functools.partial(
    pl.kernel,
    out_type=jax.ShapeDtypeStruct((BATCH,), jnp.float32),
    mesh=plsc.VectorSubcoreMesh(core_axis_name="c", subcore_axis_name="s"),
    compiler_params=pltpu.CompilerParams(
        needs_layout_passes=False, use_tc_tiling_on_sc=False),
    scratch_types=[
        pltpu.VMEM((B_PER_W,), jnp.int32),
        pltpu.VMEM((B_PER_W,), jnp.int32),
        pltpu.VMEM((B_PER_W,), jnp.float32),
        pltpu.VMEM((B_PER_W,), jnp.float32),
        pltpu.VMEM((N_CLIMATE * B_PER_W,), jnp.float32),
        pltpu.VMEM((5 * LANES,), jnp.float32),
        pltpu.VMEM((B_PER_W,), jnp.float32),
        pltpu.VMEM((B_PER_W,), jnp.float32),
        pltpu.SemaphoreType.DMA,
    ],
)
def _bias_kernel(uids_hbm, iids_hbm, ubiasT_hbm, ibiasT_hbm, clim_hbm,
                 params_hbm, fm_hbm, out_hbm,
                 uid_v, iid_v, ub_v, ib_v, clim_v, params_v, fm_v, out_v, sem):
    wid = lax.axis_index("s") * NUM_CORES + lax.axis_index("c")
    base = wid * B_PER_W

    pltpu.sync_copy(uids_hbm.at[pl.ds(base, B_PER_W)], uid_v)
    pltpu.sync_copy(iids_hbm.at[pl.ds(base, B_PER_W)], iid_v)
    pltpu.sync_copy(fm_hbm.at[pl.ds(base, B_PER_W)], fm_v)
    pltpu.sync_copy(clim_hbm.at[pl.ds(base * N_CLIMATE, B_PER_W * N_CLIMATE)],
                    clim_v)
    pltpu.sync_copy(params_hbm, params_v)

    ub1 = ubiasT_hbm.at[0]
    ib1 = ibiasT_hbm.at[0]
    copies = []
    for j in range(B_PER_W // 128):
        sl = pl.ds(j * 128, 128)
        copies.append(pltpu.async_copy(ub1.at[uid_v.at[sl]], ub_v.at[sl], sem))
        copies.append(pltpu.async_copy(ib1.at[iid_v.at[sl]], ib_v.at[sl], sem))
    for cp in copies:
        cp.wait()

    iota = jnp.arange(LANES, dtype=jnp.int32)

    def chunk_body(c, carry):
        rows = c * LANES + iota
        acc = params_v[pl.ds(4 * LANES, LANES)]
        for cc in range(N_CLIMATE):
            f = plsc.load_gather(clim_v, [rows * N_CLIMATE + cc])
            acc = acc + f * params_v[pl.ds(cc * LANES, LANES)]
        ub = plsc.load_gather(ub_v, [rows])
        ib = plsc.load_gather(ib_v, [rows])
        fm = fm_v[pl.ds(c * LANES, LANES)]
        out_v[pl.ds(c * LANES, LANES)] = acc + ub + ib + fm
        return carry

    lax.fori_loop(0, CHUNKS, chunk_body, 0)
    pltpu.sync_copy(out_v, out_hbm.at[pl.ds(base, B_PER_W)])


@functools.partial(
    pl.kernel,
    out_type=jax.ShapeDtypeStruct((BATCH,), jnp.float32),
    mesh=plsc.VectorSubcoreMesh(core_axis_name="c", subcore_axis_name="s"),
    compiler_params=pltpu.CompilerParams(
        needs_layout_passes=False, use_tc_tiling_on_sc=True),
    scratch_types=[
        pltpu.VMEM((B_PER_W,), jnp.int32),
        pltpu.VMEM((B_PER_W,), jnp.int32),
        pltpu.VMEM((2, HALF, EMBED_DIM, 128), jnp.float32),
        pltpu.VMEM((2, HALF, EMBED_DIM, 128), jnp.float32),
        pltpu.VMEM((LANES, LANES), jnp.float32),
        pltpu.VMEM((B_PER_W,), jnp.float32),
        pltpu.SemaphoreType.DMA,
        pltpu.SemaphoreType.DMA,
    ],
)
def _fm_kernel(uids_hbm, iids_hbm, uembT_hbm, iembT_hbm, out_hbm,
               uid_v, iid_v, ublk_v, iblk_v, pmat_v, out_v, sem0, sem1):
    wid = lax.axis_index("s") * NUM_CORES + lax.axis_index("c")
    base = wid * B_PER_W

    pltpu.sync_copy(uids_hbm.at[pl.ds(base, B_PER_W)], uid_v)
    pltpu.sync_copy(iids_hbm.at[pl.ds(base, B_PER_W)], iid_v)

    iota = jnp.arange(LANES, dtype=jnp.int32)

    def fire_half(c, half, sem):
        ids_u = uid_v[pl.ds(c * LANES, LANES)]
        ids_i = iid_v[pl.ds(c * LANES, LANES)]
        for e in range(HALF):
            k = half * HALF + e
            ucol0 = pl.multiple_of((ids_u[k] // 128) * 128, 128)
            icol0 = pl.multiple_of((ids_i[k] // 128) * 128, 128)
            pltpu.async_copy(uembT_hbm.at[:, pl.ds(ucol0, 128)],
                             ublk_v.at[half, e], sem)
            pltpu.async_copy(iembT_hbm.at[:, pl.ds(icol0, 128)],
                             iblk_v.at[half, e], sem)

    def drain_half(sem):
        for _ in range(2 * HALF):
            pltpu.make_async_copy(
                uembT_hbm.at[:, pl.ds(0, 128)], ublk_v.at[0, 0], sem).wait()

    def compute_half(c, half):
        ids_u = uid_v[pl.ds(c * LANES, LANES)]
        ids_i = iid_v[pl.ds(c * LANES, LANES)]
        for e in range(HALF):
            k = half * HALF + e
            ulane = jnp.full((LANES,), ids_u[k] % 128, jnp.int32)
            ilane = jnp.full((LANES,), ids_i[k] % 128, jnp.int32)
            u = plsc.load_gather(ublk_v.at[half, e], [iota, ulane])
            v = plsc.load_gather(iblk_v.at[half, e], [iota, ilane])
            plsc.store_scatter(pmat_v,
                               [iota, jnp.full((LANES,), k, jnp.int32)],
                               u * v)

    fire_half(0, 0, sem0)
    fire_half(0, 1, sem1)

    def chunk_body(c, carry):
        drain_half(sem0)
        compute_half(c, 0)

        @pl.when(c + 1 < CHUNKS)
        def _():
            fire_half(c + 1, 0, sem0)

        drain_half(sem1)
        compute_half(c, 1)

        @pl.when(c + 1 < CHUNKS)
        def _():
            fire_half(c + 1, 1, sem1)

        dot = pmat_v[0]
        for r in range(1, LANES):
            dot = dot + pmat_v[r]
        out_v[pl.ds(c * LANES, LANES)] = dot
        return carry

    lax.fori_loop(0, CHUNKS, chunk_body, 0)

    pltpu.sync_copy(out_v, out_hbm.at[pl.ds(base, B_PER_W)])


def kernel(user_ids, item_ids, climate_feats, user_emb, item_emb,
           user_bias, item_bias, W_climate, b_climate, global_bias):
    w_bcast = jnp.broadcast_to(W_climate.reshape(N_CLIMATE, 1), (N_CLIMATE, LANES))
    const_bcast = jnp.broadcast_to(b_climate + global_bias, (1, LANES))
    params = jnp.concatenate([w_bcast, const_bcast], axis=0).reshape(5 * LANES)
    uids32 = user_ids.astype(jnp.int32)
    iids32 = item_ids.astype(jnp.int32)
    fm = _fm_kernel(uids32, iids32, user_emb.T, item_emb.T)
    out = _bias_kernel(uids32, iids32, user_bias.T, item_bias.T,
                       climate_feats.reshape(BATCH * N_CLIMATE), params, fm)
    return out.reshape(BATCH, 1)

# --- scband reference (transcript-rebuilt; emitter-appended) ---
"""Pipeline reference for scband-climate-pytorch-fm-60378650247826 (READ-ONLY COPY).

The authoritative reference and input builder live on the scoring server;
editing this copy changes nothing except your own understanding.
"""

import jax, jax.numpy as jnp
import numpy as np

N_USERS = 1000000
N_ITEMS = 1000000
EMBED_DIM = 16
N_CLIMATE = 4
BATCH = 16384


def setup_inputs(seed: int = 0) -> dict:
    key = jax.random.key(seed)
    k1, k2, k3, k4, k5, k6, k7, k8 = jax.random.split(key, 8)
    user_ids = jax.random.randint(k1, (BATCH,), 0, N_USERS, dtype=jnp.int64 if jax.config.jax_enable_x64 else jnp.int32)
    item_ids = jax.random.randint(k2, (BATCH,), 0, N_ITEMS, dtype=jnp.int64 if jax.config.jax_enable_x64 else jnp.int32)
    climate_feats = jax.random.uniform(k3, (BATCH, N_CLIMATE), dtype=jnp.float32)
    user_emb = jax.random.normal(k4, (N_USERS, EMBED_DIM), dtype=jnp.float32) * 0.01
    item_emb = jax.random.normal(k5, (N_ITEMS, EMBED_DIM), dtype=jnp.float32) * 0.01
    user_bias = jax.random.normal(k6, (N_USERS, 1), dtype=jnp.float32) * 0.01
    item_bias = jax.random.normal(k7, (N_ITEMS, 1), dtype=jnp.float32) * 0.01
    W_climate = jax.random.normal(k8, (1, N_CLIMATE), dtype=jnp.float32) * 0.1
    b_climate = jnp.zeros((1,), dtype=jnp.float32)
    global_bias = jnp.zeros((1,), dtype=jnp.float32)
    return {
        "user_ids": user_ids,
        "item_ids": item_ids,
        "climate_feats": climate_feats,
        "user_emb": user_emb,
        "item_emb": item_emb,
        "user_bias": user_bias,
        "item_bias": item_bias,
        "W_climate": W_climate,
        "b_climate": b_climate,
        "global_bias": global_bias,
    }


def reference(user_ids, item_ids, climate_feats, user_emb, item_emb, user_bias, item_bias, W_climate, b_climate, global_bias):
    # nn.Embedding lookups -> gathers (SparseCore friendly)
    user_vec = jnp.take(user_emb, user_ids, axis=0)           # [B, D]
    item_vec = jnp.take(item_emb, item_ids, axis=0)           # [B, D]
    dot = jnp.sum(user_vec * item_vec, axis=1, keepdims=True)  # [B, 1]
    u_b = jnp.take(user_bias, user_ids, axis=0)               # [B, 1]
    i_b = jnp.take(item_bias, item_ids, axis=0)               # [B, 1]
    clim = climate_feats @ W_climate.T + b_climate             # [B, 1]
    bias = u_b + i_b + clim
    return global_bias + dot + bias                            # [B, 1]

if __name__ == "__main__":
    import jax
    _d = setup_inputs()
    print(jax.jit(kernel)(*tuple(_d.values())))

</pallas_src>

<mosaic_0001>
#map = affine_map<(d0, d1) -> (0)>
#map1 = affine_map<(d0, d1) -> (0, 0)>
module attributes {stable_mosaic.version = 14 : i64} {
  func.func @_bias_kernel(%arg0: i32, %arg1: i32, %arg2: memref<16384xi32, #tpu.memory_space<hbm>>, %arg3: memref<16384xi32, #tpu.memory_space<hbm>>, %arg4: memref<1x1000000xf32, #tpu.memory_space<hbm>>, %arg5: memref<1x1000000xf32, #tpu.memory_space<hbm>>, %arg6: memref<65536xf32, #tpu.memory_space<hbm>>, %arg7: memref<80xf32, #tpu.memory_space<hbm>>, %arg8: memref<16384xf32, #tpu.memory_space<hbm>>, %arg9: memref<16384xf32, #tpu.memory_space<hbm>>, %arg10: memref<512xi32, #tpu.memory_space<vmem>>, %arg11: memref<512xi32, #tpu.memory_space<vmem>>, %arg12: memref<512xf32, #tpu.memory_space<vmem>>, %arg13: memref<512xf32, #tpu.memory_space<vmem>>, %arg14: memref<2048xf32, #tpu.memory_space<vmem>>, %arg15: memref<80xf32, #tpu.memory_space<vmem>>, %arg16: memref<512xf32, #tpu.memory_space<vmem>>, %arg17: memref<512xf32, #tpu.memory_space<vmem>>, %arg18: memref<!tpu.dma_semaphore, #tpu.memory_space<semaphore_mem>>) attributes {dimension_semantics = [#tpu.dimension_semantics<core_parallel>, #tpu.dimension_semantics<subcore_parallel>], iteration_bounds = array<i64: 2, 16>, scalar_prefetch = 0 : i64, scratch_operands = 9 : i64, tpu.core_type = #tpu.core_type<sc_vector_subcore>, window_params = [{transform_indices = #map}, {transform_indices = #map}, {transform_indices = #map1}, {transform_indices = #map1}, {transform_indices = #map}, {transform_indices = #map}, {transform_indices = #map}, {transform_indices = #map}]} {
    %mul3A = arith.constant 2 : i32
    %mul3A_0 = arith.muli %arg1, %mul3A : i32
    %add3A = arith.addi %mul3A_0, %arg0 : i32
    %mul3A_1 = arith.constant 512 : i32
    %mul3A_2 = arith.muli %add3A, %mul3A_1 : i32
    "tpu.region"() ({
      %run_scoped3A = tpu.sem_alloc : memref<!tpu.dma_semaphore, #tpu.memory_space<semaphore_mem>>
      %dma_start3A_168 = tpu.memref_slice %arg2[%mul3A_2] : memref<16384xi32, #tpu.memory_space<hbm>> -> memref<512xi32, #tpu.memory_space<hbm>>
      %dma_start3A_169 = tpu.memref_slice %arg2[%mul3A_2] : memref<16384xi32, #tpu.memory_space<hbm>> -> memref<512xi32, #tpu.memory_space<hbm>>
      tpu.enqueue_dma source(%dma_start3A_169 : memref<512xi32, #tpu.memory_space<hbm>>) target(%arg10 : memref<512xi32, #tpu.memory_space<vmem>>) target_semaphore(%run_scoped3A : memref<!tpu.dma_semaphore, #tpu.memory_space<semaphore_mem>>)
      %dma_wait3A_170 = tpu.memref_slice %arg2[%mul3A_2] : memref<16384xi32, #tpu.memory_space<hbm>> -> memref<512xi32, #tpu.memory_space<hbm>>
      %dma_wait3A_171 = tpu.memref_slice %arg2[%mul3A_2] : memref<16384xi32, #tpu.memory_space<hbm>> -> memref<512xi32, #tpu.memory_space<hbm>>
      tpu.wait_dma2 semaphore(%run_scoped3A : memref<!tpu.dma_semaphore, #tpu.memory_space<semaphore_mem>>) src(%dma_wait3A_171 : memref<512xi32, #tpu.memory_space<hbm>>) dst(%arg10 : memref<512xi32, #tpu.memory_space<vmem>>)
      tpu.yield
    }) : () -> ()
    "tpu.region"() ({
      %run_scoped3A = tpu.sem_alloc : memref<!tpu.dma_semaphore, #tpu.memory_space<semaphore_mem>>
      %dma_start3A_168 = tpu.memref_slice %arg3[%mul3A_2] : memref<16384xi32, #tpu.memory_space<hbm>> -> memref<512xi32, #tpu.memory_space<hbm>>
      %dma_start3A_169 = tpu.memref_slice %arg3[%mul3A_2] : memref<16384xi32, #tpu.memory_space<hbm>> -> memref<512xi32, #tpu.memory_space<hbm>>
      tpu.enqueue_dma source(%dma_start3A_169 : memref<512xi32, #tpu.memory_space<hbm>>) target(%arg11 : memref<512xi32, #tpu.memory_space<vmem>>) target_semaphore(%run_scoped3A : memref<!tpu.dma_semaphore, #tpu.memory_space<semaphore_mem>>)
      %dma_wait3A_170 = tpu.memref_slice %arg3[%mul3A_2] : memref<16384xi32, #tpu.memory_space<hbm>> -> memref<512xi32, #tpu.memory_space<hbm>>
      %dma_wait3A_171 = tpu.memref_slice %arg3[%mul3A_2] : memref<16384xi32, #tpu.memory_space<hbm>> -> memref<512xi32, #tpu.memory_space<hbm>>
      tpu.wait_dma2 semaphore(%run_scoped3A : memref<!tpu.dma_semaphore, #tpu.memory_space<semaphore_mem>>) src(%dma_wait3A_171 : memref<512xi32, #tpu.memory_space<hbm>>) dst(%arg11 : memref<512xi32, #tpu.memory_space<vmem>>)
      tpu.yield
    }) : () -> ()
    "tpu.region"() ({
      %run_scoped3A = tpu.sem_alloc : memref<!tpu.dma_semaphore, #tpu.memory_space<semaphore_mem>>
      %dma_start3A_168 = tpu.memref_slice %arg8[%mul3A_2] : memref<16384xf32, #tpu.memory_space<hbm>> -> memref<512xf32, #tpu.memory_space<hbm>>
      %dma_start3A_169 = tpu.memref_slice %arg8[%mul3A_2] : memref<16384xf32, #tpu.memory_space<hbm>> -> memref<512xf32, #tpu.memory_space<hbm>>
      tpu.enqueue_dma source(%dma_start3A_169 : memref<512xf32, #tpu.memory_space<hbm>>) target(%arg16 : memref<512xf32, #tpu.memory_space<vmem>>) target_semaphore(%run_scoped3A : memref<!tpu.dma_semaphore, #tpu.memory_space<semaphore_mem>>)
      %dma_wait3A_170 = tpu.memref_slice %arg8[%mul3A_2] : memref<16384xf32, #tpu.memory_space<hbm>> -> memref<512xf32, #tpu.memory_space<hbm>>
      %dma_wait3A_171 = tpu.memref_slice %arg8[%mul3A_2] : memref<16384xf32, #tpu.memory_space<hbm>> -> memref<512xf32, #tpu.memory_space<hbm>>
      tpu.wait_dma2 semaphore(%run_scoped3A : memref<!tpu.dma_semaphore, #tpu.memory_space<semaphore_mem>>) src(%dma_wait3A_171 : memref<512xf32, #tpu.memory_space<hbm>>) dst(%arg16 : memref<512xf32, #tpu.memory_space<vmem>>)
      tpu.yield
    }) : () -> ()
    %mul3A_3 = arith.constant 4 : i32
    %mul3A_4 = arith.muli %mul3A_2, %mul3A_3 : i32
    "tpu.region"() ({
      %run_scoped3A = tpu.sem_alloc : memref<!tpu.dma_semaphore, #tpu.memory_space<semaphore_mem>>
      %dma_start3A_168 = tpu.memref_slice %arg6[%mul3A_4] : memref<65536xf32, #tpu.memory_space<hbm>> -> memref<2048xf32, #tpu.memory_space<hbm>>
      %dma_start3A_169 = tpu.memref_slice %arg6[%mul3A_4] : memref<65536xf32, #tpu.memory_space<hbm>> -> memref<2048xf32, #tpu.memory_space<hbm>>
      tpu.enqueue_dma source(%dma_start3A_169 : memref<2048xf32, #tpu.memory_space<hbm>>) target(%arg14 : memref<2048xf32, #tpu.memory_space<vmem>>) target_semaphore(%run_scoped3A : memref<!tpu.dma_semaphore, #tpu.memory_space<semaphore_mem>>)
      %dma_wait3A_170 = tpu.memref_slice %arg6[%mul3A_4] : memref<65536xf32, #tpu.memory_space<hbm>> -> memref<2048xf32, #tpu.memory_space<hbm>>
      %dma_wait3A_171 = tpu.memref_slice %arg6[%mul3A_4] : memref<65536xf32, #tpu.memory_space<hbm>> -> memref<2048xf32, #tpu.memory_space<hbm>>
      tpu.wait_dma2 semaphore(%run_scoped3A : memref<!tpu.dma_semaphore, #tpu.memory_space<semaphore_mem>>) src(%dma_wait3A_171 : memref<2048xf32, #tpu.memory_space<hbm>>) dst(%arg14 : memref<2048xf32, #tpu.memory_space<vmem>>)
      tpu.yield
    }) : () -> ()
    "tpu.region"() ({
      %run_scoped3A = tpu.sem_alloc : memref<!tpu.dma_semaphore, #tpu.memory_space<semaphore_mem>>
      tpu.enqueue_dma source(%arg7 : memref<80xf32, #tpu.memory_space<hbm>>) target(%arg15 : memref<80xf32, #tpu.memory_space<vmem>>) target_semaphore(%run_scoped3A : memref<!tpu.dma_semaphore, #tpu.memory_space<semaphore_mem>>)
      tpu.wait_dma2 semaphore(%run_scoped3A : memref<!tpu.dma_semaphore, #tpu.memory_space<semaphore_mem>>) src(%arg7 : memref<80xf32, #tpu.memory_space<hbm>>) dst(%arg15 : memref<80xf32, #tpu.memory_space<vmem>>)
      tpu.yield
    }) : () -> ()
    %dma_start3A = arith.constant 0 : i32
    %dma_start3A_5 = arith.constant 0 : i32
    %dma_start3A_6 = tpu.memref_slice %arg12[%dma_start3A_5] : memref<512xf32, #tpu.memory_space<vmem>> -> memref<128xf32, #tpu.memory_space<vmem>>
    %dma_start3A_7 = arith.constant 0 : i32
    %dma_start3A_8 = tpu.memref_slice %arg10[%dma_start3A_7] : memref<512xi32, #tpu.memory_space<vmem>> -> memref<128xi32, #tpu.memory_space<vmem>>
    %dma_start3A_9 = arith.constant 0 : i32
    %dma_start3A_10 = tpu.memref_slice %arg4[%dma_start3A, %dma_start3A_9] : memref<1x1000000xf32, #tpu.memory_space<hbm>> -> memref<1x1000000xf32, #tpu.memory_space<hbm>>
    %dma_start3A_11 = tpu.memref_squeeze %dma_start3A_10 : memref<1x1000000xf32, #tpu.memory_space<hbm>> -> memref<1000000xf32, #tpu.memory_space<hbm>>
    %dma_start3A_12 = arith.constant 0 : i32
    %dma_start3A_13 = tpu.memref_slice %dma_start3A_11[%dma_start3A_12] : memref<1000000xf32, #tpu.memory_space<hbm>> -> memref<1000000xf32, #tpu.memory_space<hbm>>
    tpu.enqueue_indirect_dma source(%dma_start3A_13 : memref<1000000xf32, #tpu.memory_space<hbm>>) target(%dma_start3A_6 : memref<128xf32, #tpu.memory_space<vmem>>) offsets(%dma_start3A_8 : memref<128xi32, #tpu.memory_space<vmem>>) semaphore(%arg18 : memref<!tpu.dma_semaphore, #tpu.memory_space<semaphore_mem>>)
    %dma_start3A_14 = arith.constant 0 : i32
    %dma_start3A_15 = arith.constant 0 : i32
    %dma_start3A_16 = tpu.memref_slice %arg13[%dma_start3A_15] : memref<512xf32, #tpu.memory_space<vmem>> -> memref<128xf32, #tpu.memory_space<vmem>>
    %dma_start3A_17 = arith.constant 0 : i32
    %dma_start3A_18 = tpu.memref_slice %arg11[%dma_start3A_17] : memref<512xi32, #tpu.memory_space<vmem>> -> memref<128xi32, #tpu.memory_space<vmem>>
    %dma_start3A_19 = arith.constant 0 : i32
    %dma_start3A_20 = tpu.memref_slice %arg5[%dma_start3A_14, %dma_start3A_19] : memref<1x1000000xf32, #tpu.memory_space<hbm>> -> memref<1x1000000xf32, #tpu.memory_space<hbm>>
    %dma_start3A_21 = tpu.memref_squeeze %dma_start3A_20 : memref<1x1000000xf32, #tpu.memory_space<hbm>> -> memref<1000000xf32, #tpu.memory_space<hbm>>
    %dma_start3A_22 = arith.constant 0 : i32
    %dma_start3A_23 = tpu.memref_slice %dma_start3A_21[%dma_start3A_22] : memref<1000000xf32, #tpu.memory_space<hbm>> -> memref<1000000xf32, #tpu.memory_space<hbm>>
    tpu.enqueue_indirect_dma source(%dma_start3A_23 : memref<1000000xf32, #tpu.memory_space<hbm>>) target(%dma_start3A_16 : memref<128xf32, #tpu.memory_space<vmem>>) offsets(%dma_start3A_18 : memref<128xi32, #tpu.memory_space<vmem>>) semaphore(%arg18 : memref<!tpu.dma_semaphore, #tpu.memory_space<semaphore_mem>>)
    %dma_start3A_24 = arith.constant 0 : i32
    %dma_start3A_25 = arith.constant 128 : i32
    %dma_start3A_26 = tpu.memref_slice %arg12[%dma_start3A_25] : memref<512xf32, #tpu.memory_space<vmem>> -> memref<128xf32, #tpu.memory_space<vmem>>
    %dma_start3A_27 = arith.constant 128 : i32
    %dma_start3A_28 = tpu.memref_slice %arg10[%dma_start3A_27] : memref<512xi32, #tpu.memory_space<vmem>> -> memref<128xi32, #tpu.memory_space<vmem>>
    %dma_start3A_29 = arith.constant 0 : i32
    %dma_start3A_30 = tpu.memref_slice %arg4[%dma_start3A_24, %dma_start3A_29] : memref<1x1000000xf32, #tpu.memory_space<hbm>> -> memref<1x1000000xf32, #tpu.memory_space<hbm>>
    %dma_start3A_31 = tpu.memref_squeeze %dma_start3A_30 : memref<1x1000000xf32, #tpu.memory_space<hbm>> -> memref<1000000xf32, #tpu.memory_space<hbm>>
    %dma_start3A_32 = arith.constant 0 : i32
    %dma_start3A_33 = tpu.memref_slice %dma_start3A_31[%dma_start3A_32] : memref<1000000xf32, #tpu.memory_space<hbm>> -> memref<1000000xf32, #tpu.memory_space<hbm>>
    tpu.enqueue_indirect_dma source(%dma_start3A_33 : memref<1000000xf32, #tpu.memory_space<hbm>>) target(%dma_start3A_26 : memref<128xf32, #tpu.memory_space<vmem>>) offsets(%dma_start3A_28 : memref<128xi32, #tpu.memory_space<vmem>>) semaphore(%arg18 : memref<!tpu.dma_semaphore, #tpu.memory_space<semaphore_mem>>)
    %dma_start3A_34 = arith.constant 0 : i32
    %dma_start3A_35 = arith.constant 128 : i32
    %dma_start3A_36 = tpu.memref_slice %arg13[%dma_start3A_35] : memref<512xf32, #tpu.memory_space<vmem>> -> memref<128xf32, #tpu.memory_space<vmem>>
    %dma_start3A_37 = arith.constant 128 : i32
    %dma_start3A_38 = tpu.memref_slice %arg11[%dma_start3A_37] : memref<512xi32, #tpu.memory_space<vmem>> -> memref<128xi32, #tpu.memory_space<vmem>>
    %dma_start3A_39 = arith.constant 0 : i32
    %dma_start3A_40 = tpu.memref_slice %arg5[%dma_start3A_34, %dma_start3A_39] : memref<1x1000000xf32, #tpu.memory_space<hbm>> -> memref<1x1000000xf32, #tpu.memory_space<hbm>>
    %dma_start3A_41 = tpu.memref_squeeze %dma_start3A_40 : memref<1x1000000xf32, #tpu.memory_space<hbm>> -> memref<1000000xf32, #tpu.memory_space<hbm>>
    %dma_start3A_42 = arith.constant 0 : i32
    %dma_start3A_43 = tpu.memref_slice %dma_start3A_41[%dma_start3A_42] : memref<1000000xf32, #tpu.memory_space<hbm>> -> memref<1000000xf32, #tpu.memory_space<hbm>>
    tpu.enqueue_indirect_dma source(%dma_start3A_43 : memref<1000000xf32, #tpu.memory_space<hbm>>) target(%dma_start3A_36 : memref<128xf32, #tpu.memory_space<vmem>>) offsets(%dma_start3A_38 : memref<128xi32, #tpu.memory_space<vmem>>) semaphore(%arg18 : memref<!tpu.dma_semaphore, #tpu.memory_space<semaphore_mem>>)
    %dma_start3A_44 = arith.constant 0 : i32
    %dma_start3A_45 = arith.constant 256 : i32
    %dma_start3A_46 = tpu.memref_slice %arg12[%dma_start3A_45] : memref<512xf32, #tpu.memory_space<vmem>> -> memref<128xf32, #tpu.memory_space<vmem>>
    %dma_start3A_47 = arith.constant 256 : i32
    %dma_start3A_48 = tpu.memref_slice %arg10[%dma_start3A_47] : memref<512xi32, #tpu.memory_space<vmem>> -> memref<128xi32, #tpu.memory_space<vmem>>
    %dma_start3A_49 = arith.constant 0 : i32
    %dma_start3A_50 = tpu.memref_slice %arg4[%dma_start3A_44, %dma_start3A_49] : memref<1x1000000xf32, #tpu.memory_space<hbm>> -> memref<1x1000000xf32, #tpu.memory_space<hbm>>
    %dma_start3A_51 = tpu.memref_squeeze %dma_start3A_50 : memref<1x1000000xf32, #tpu.memory_space<hbm>> -> memref<1000000xf32, #tpu.memory_space<hbm>>
    %dma_start3A_52 = arith.constant 0 : i32
    %dma_start3A_53 = tpu.memref_slice %dma_start3A_51[%dma_start3A_52] : memref<1000000xf32, #tpu.memory_space<hbm>> -> memref<1000000xf32, #tpu.memory_space<hbm>>
    tpu.enqueue_indirect_dma source(%dma_start3A_53 : memref<1000000xf32, #tpu.memory_space<hbm>>) target(%dma_start3A_46 : memref<128xf32, #tpu.memory_space<vmem>>) offsets(%dma_start3A_48 : memref<128xi32, #tpu.memory_space<vmem>>) semaphore(%arg18 : memref<!tpu.dma_semaphore, #tpu.memory_space<semaphore_mem>>)
    %dma_start3A_54 = arith.constant 0 : i32
    %dma_start3A_55 = arith.constant 256 : i32
    %dma_start3A_56 = tpu.memref_slice %arg13[%dma_start3A_55] : memref<512xf32, #tpu.memory_space<vmem>> -> memref<128xf32, #tpu.memory_space<vmem>>
    %dma_start3A_57 = arith.constant 256 : i32
    %dma_start3A_58 = tpu.memref_slice %arg11[%dma_start3A_57] : memref<512xi32, #tpu.memory_space<vmem>> -> memref<128xi32, #tpu.memory_space<vmem>>
    %dma_start3A_59 = arith.constant 0 : i32
    %dma_start3A_60 = tpu.memref_slice %arg5[%dma_start3A_54, %dma_start3A_59] : memref<1x1000000xf32, #tpu.memory_space<hbm>> -> memref<1x1000000xf32, #tpu.memory_space<hbm>>
    %dma_start3A_61 = tpu.memref_squeeze %dma_start3A_60 : memref<1x1000000xf32, #tpu.memory_space<hbm>> -> memref<1000000xf32, #tpu.memory_space<hbm>>
    %dma_start3A_62 = arith.constant 0 : i32
    %dma_start3A_63 = tpu.memref_slice %dma_start3A_61[%dma_start3A_62] : memref<1000000xf32, #tpu.memory_space<hbm>> -> memref<1000000xf32, #tpu.memory_space<hbm>>
    tpu.enqueue_indirect_dma source(%dma_start3A_63 : memref<1000000xf32, #tpu.memory_space<hbm>>) target(%dma_start3A_56 : memref<128xf32, #tpu.memory_space<vmem>>) offsets(%dma_start3A_58 : memref<128xi32, #tpu.memory_space<vmem>>) semaphore(%arg18 : memref<!tpu.dma_semaphore, #tpu.memory_space<semaphore_mem>>)
    %dma_start3A_64 = arith.constant 0 : i32
    %dma_start3A_65 = arith.constant 384 : i32
    %dma_start3A_66 = tpu.memref_slice %arg12[%dma_start3A_65] : memref<512xf32, #tpu.memory_space<vmem>> -> memref<128xf32, #tpu.memory_space<vmem>>
    %dma_start3A_67 = arith.constant 384 : i32
    %dma_start3A_68 = tpu.memref_slice %arg10[%dma_start3A_67] : memref<512xi32, #tpu.memory_space<vmem>> -> memref<128xi32, #tpu.memory_space<vmem>>
    %dma_start3A_69 = arith.constant 0 : i32
    %dma_start3A_70 = tpu.memref_slice %arg4[%dma_start3A_64, %dma_start3A_69] : memref<1x1000000xf32, #tpu.memory_space<hbm>> -> memref<1x1000000xf32, #tpu.memory_space<hbm>>
    %dma_start3A_71 = tpu.memref_squeeze %dma_start3A_70 : memref<1x1000000xf32, #tpu.memory_space<hbm>> -> memref<1000000xf32, #tpu.memory_space<hbm>>
    %dma_start3A_72 = arith.constant 0 : i32
    %dma_start3A_73 = tpu.memref_slice %dma_start3A_71[%dma_start3A_72] : memref<1000000xf32, #tpu.memory_space<hbm>> -> memref<1000000xf32, #tpu.memory_space<hbm>>
    tpu.enqueue_indirect_dma source(%dma_start3A_73 : memref<1000000xf32, #tpu.memory_space<hbm>>) target(%dma_start3A_66 : memref<128xf32, #tpu.memory_space<vmem>>) offsets(%dma_start3A_68 : memref<128xi32, #tpu.memory_space<vmem>>) semaphore(%arg18 : memref<!tpu.dma_semaphore, #tpu.memory_space<semaphore_mem>>)
    %dma_start3A_74 = arith.constant 0 : i32
    %dma_start3A_75 = arith.constant 384 : i32
    %dma_start3A_76 = tpu.memref_slice %arg13[%dma_start3A_75] : memref<512xf32, #tpu.memory_space<vmem>> -> memref<128xf32, #tpu.memory_space<vmem>>
    %dma_start3A_77 = arith.constant 384 : i32
    %dma_start3A_78 = tpu.memref_slice %arg11[%dma_start3A_77] : memref<512xi32, #tpu.memory_space<vmem>> -> memref<128xi32, #tpu.memory_space<vmem>>
    %dma_start3A_79 = arith.constant 0 : i32
    %dma_start3A_80 = tpu.memref_slice %arg5[%dma_start3A_74, %dma_start3A_79] : memref<1x1000000xf32, #tpu.memory_space<hbm>> -> memref<1x1000000xf32, #tpu.memory_space<hbm>>
    %dma_start3A_81 = tpu.memref_squeeze %dma_start3A_80 : memref<1x1000000xf32, #tpu.memory_space<hbm>> -> memref<1000000xf32, #tpu.memory_space<hbm>>
    %dma_start3A_82 = arith.constant 0 : i32
    %dma_start3A_83 = tpu.memref_slice %dma_start3A_81[%dma_start3A_82] : memref<1000000xf32, #tpu.memory_space<hbm>> -> memref<1000000xf32, #tpu.memory_space<hbm>>
    tpu.enqueue_indirect_dma source(%dma_start3A_83 : memref<1000000xf32, #tpu.memory_space<hbm>>) target(%dma_start3A_76 : memref<128xf32, #tpu.memory_space<vmem>>) offsets(%dma_start3A_78 : memref<128xi32, #tpu.memory_space<vmem>>) semaphore(%arg18 : memref<!tpu.dma_semaphore, #tpu.memory_space<semaphore_mem>>)
    %dma_wait3A = arith.constant 0 : i32
    %dma_wait3A_84 = arith.constant 0 : i32
    %dma_wait3A_85 = tpu.memref_slice %arg12[%dma_wait3A_84] : memref<512xf32, #tpu.memory_space<vmem>> -> memref<128xf32, #tpu.memory_space<vmem>>
    %dma_wait3A_86 = arith.constant 0 : i32
    %dma_wait3A_87 = tpu.memref_slice %arg10[%dma_wait3A_86] : memref<512xi32, #tpu.memory_space<vmem>> -> memref<128xi32, #tpu.memory_space<vmem>>
    %dma_wait3A_88 = arith.constant 0 : i32
    %dma_wait3A_89 = tpu.memref_slice %arg4[%dma_wait3A, %dma_wait3A_88] : memref<1x1000000xf32, #tpu.memory_space<hbm>> -> memref<1x1000000xf32, #tpu.memory_space<hbm>>
    %dma_wait3A_90 = tpu.memref_squeeze %dma_wait3A_89 : memref<1x1000000xf32, #tpu.memory_space<hbm>> -> memref<1000000xf32, #tpu.memory_space<hbm>>
    %dma_wait3A_91 = arith.constant 0 : i32
    %dma_wait3A_92 = tpu.memref_slice %dma_wait3A_90[%dma_wait3A_91] : memref<1000000xf32, #tpu.memory_space<hbm>> -> memref<1000000xf32, #tpu.memory_space<hbm>>
    tpu.wait_indirect_dma semaphore(%arg18 : memref<!tpu.dma_semaphore, #tpu.memory_space<semaphore_mem>>) src(%dma_wait3A_92 : memref<1000000xf32, #tpu.memory_space<hbm>>) dst(%dma_wait3A_85 : memref<128xf32, #tpu.memory_space<vmem>>)
    %dma_wait3A_93 = arith.constant 0 : i32
    %dma_wait3A_94 = arith.constant 0 : i32
    %dma_wait3A_95 = tpu.memref_slice %arg13[%dma_wait3A_94] : memref<512xf32, #tpu.memory_space<vmem>> -> memref<128xf32, #tpu.memory_space<vmem>>
    %dma_wait3A_96 = arith.constant 0 : i32
    %dma_wait3A_97 = tpu.memref_slice %arg11[%dma_wait3A_96] : memref<512xi32, #tpu.memory_space<vmem>> -> memref<128xi32, #tpu.memory_space<vmem>>
    %dma_wait3A_98 = arith.constant 0 : i32
    %dma_wait3A_99 = tpu.memref_slice %arg5[%dma_wait3A_93, %dma_wait3A_98] : memref<1x1000000xf32, #tpu.memory_space<hbm>> -> memref<1x1000000xf32, #tpu.memory_space<hbm>>
    %dma_wait3A_100 = tpu.memref_squeeze %dma_wait3A_99 : memref<1x1000000xf32, #tpu.memory_space<hbm>> -> memref<1000000xf32, #tpu.memory_space<hbm>>
    %dma_wait3A_101 = arith.constant 0 : i32
    %dma_wait3A_102 = tpu.memref_slice %dma_wait3A_100[%dma_wait3A_101] : memref<1000000xf32, #tpu.memory_space<hbm>> -> memref<1000000xf32, #tpu.memory_space<hbm>>
    tpu.wait_indirect_dma semaphore(%arg18 : memref<!tpu.dma_semaphore, #tpu.memory_space<semaphore_mem>>) src(%dma_wait3A_102 : memref<1000000xf32, #tpu.memory_space<hbm>>) dst(%dma_wait3A_95 : memref<128xf32, #tpu.memory_space<vmem>>)
    %dma_wait3A_103 = arith.constant 0 : i32
    %dma_wait3A_104 = arith.constant 128 : i32
    %dma_wait3A_105 = tpu.memref_slice %arg12[%dma_wait3A_104] : memref<512xf32, #tpu.memory_space<vmem>> -> memref<128xf32, #tpu.memory_space<vmem>>
    %dma_wait3A_106 = arith.constant 128 : i32
    %dma_wait3A_107 = tpu.memref_slice %arg10[%dma_wait3A_106] : memref<512xi32, #tpu.memory_space<vmem>> -> memref<128xi32, #tpu.memory_space<vmem>>
    %dma_wait3A_108 = arith.constant 0 : i32
    %dma_wait3A_109 = tpu.memref_slice %arg4[%dma_wait3A_103, %dma_wait3A_108] : memref<1x1000000xf32, #tpu.memory_space<hbm>> -> memref<1x1000000xf32, #tpu.memory_space<hbm>>
    %dma_wait3A_110 = tpu.memref_squeeze %dma_wait3A_109 : memref<1x1000000xf32, #tpu.memory_space<hbm>> -> memref<1000000xf32, #tpu.memory_space<hbm>>
    %dma_wait3A_111 = arith.constant 0 : i32
    %dma_wait3A_112 = tpu.memref_slice %dma_wait3A_110[%dma_wait3A_111] : memref<1000000xf32, #tpu.memory_space<hbm>> -> memref<1000000xf32, #tpu.memory_space<hbm>>
    tpu.wait_indirect_dma semaphore(%arg18 : memref<!tpu.dma_semaphore, #tpu.memory_space<semaphore_mem>>) src(%dma_wait3A_112 : memref<1000000xf32, #tpu.memory_space<hbm>>) dst(%dma_wait3A_105 : memref<128xf32, #tpu.memory_space<vmem>>)
    %dma_wait3A_113 = arith.constant 0 : i32
    %dma_wait3A_114 = arith.constant 128 : i32
    %dma_wait3A_115 = tpu.memref_slice %arg13[%dma_wait3A_114] : memref<512xf32, #tpu.memory_space<vmem>> -> memref<128xf32, #tpu.memory_space<vmem>>
    %dma_wait3A_116 = arith.constant 128 : i32
    %dma_wait3A_117 = tpu.memref_slice %arg11[%dma_wait3A_116] : memref<512xi32, #tpu.memory_space<vmem>> -> memref<128xi32, #tpu.memory_space<vmem>>
    %dma_wait3A_118 = arith.constant 0 : i32
    %dma_wait3A_119 = tpu.memref_slice %arg5[%dma_wait3A_113, %dma_wait3A_118] : memref<1x1000000xf32, #tpu.memory_space<hbm>> -> memref<1x1000000xf32, #tpu.memory_space<hbm>>
    %dma_wait3A_120 = tpu.memref_squeeze %dma_wait3A_119 : memref<1x1000000xf32, #tpu.memory_space<hbm>> -> memref<1000000xf32, #tpu.memory_space<hbm>>
    %dma_wait3A_121 = arith.constant 0 : i32
    %dma_wait3A_122 = tpu.memref_slice %dma_wait3A_120[%dma_wait3A_121] : memref<1000000xf32, #tpu.memory_space<hbm>> -> memref<1000000xf32, #tpu.memory_space<hbm>>
    tpu.wait_indirect_dma semaphore(%arg18 : memref<!tpu.dma_semaphore, #tpu.memory_space<semaphore_mem>>) src(%dma_wait3A_122 : memref<1000000xf32, #tpu.memory_space<hbm>>) dst(%dma_wait3A_115 : memref<128xf32, #tpu.memory_space<vmem>>)
    %dma_wait3A_123 = arith.constant 0 : i32
    %dma_wait3A_124 = arith.constant 256 : i32
    %dma_wait3A_125 = tpu.memref_slice %arg12[%dma_wait3A_124] : memref<512xf32, #tpu.memory_space<vmem>> -> memref<128xf32, #tpu.memory_space<vmem>>
    %dma_wait3A_126 = arith.constant 256 : i32
    %dma_wait3A_127 = tpu.memref_slice %arg10[%dma_wait3A_126] : memref<512xi32, #tpu.memory_space<vmem>> -> memref<128xi32, #tpu.memory_space<vmem>>
    %dma_wait3A_128 = arith.constant 0 : i32
    %dma_wait3A_129 = tpu.memref_slice %arg4[%dma_wait3A_123, %dma_wait3A_128] : memref<1x1000000xf32, #tpu.memory_space<hbm>> -> memref<1x1000000xf32, #tpu.memory_space<hbm>>
    %dma_wait3A_130 = tpu.memref_squeeze %dma_wait3A_129 : memref<1x1000000xf32, #tpu.memory_space<hbm>> -> memref<1000000xf32, #tpu.memory_space<hbm>>
    %dma_wait3A_131 = arith.constant 0 : i32
    %dma_wait3A_132 = tpu.memref_slice %dma_wait3A_130[%dma_wait3A_131] : memref<1000000xf32, #tpu.memory_space<hbm>> -> memref<1000000xf32, #tpu.memory_space<hbm>>
    tpu.wait_indirect_dma semaphore(%arg18 : memref<!tpu.dma_semaphore, #tpu.memory_space<semaphore_mem>>) src(%dma_wait3A_132 : memref<1000000xf32, #tpu.memory_space<hbm>>) dst(%dma_wait3A_125 : memref<128xf32, #tpu.memory_space<vmem>>)
    %dma_wait3A_133 = arith.constant 0 : i32
    %dma_wait3A_134 = arith.constant 256 : i32
    %dma_wait3A_135 = tpu.memref_slice %arg13[%dma_wait3A_134] : memref<512xf32, #tpu.memory_space<vmem>> -> memref<128xf32, #tpu.memory_space<vmem>>
    %dma_wait3A_136 = arith.constant 256 : i32
    %dma_wait3A_137 = tpu.memref_slice %arg11[%dma_wait3A_136] : memref<512xi32, #tpu.memory_space<vmem>> -> memref<128xi32, #tpu.memory_space<vmem>>
    %dma_wait3A_138 = arith.constant 0 : i32
    %dma_wait3A_139 = tpu.memref_slice %arg5[%dma_wait3A_133, %dma_wait3A_138] : memref<1x1000000xf32, #tpu.memory_space<hbm>> -> memref<1x1000000xf32, #tpu.memory_space<hbm>>
    %dma_wait3A_140 = tpu.memref_squeeze %dma_wait3A_139 : memref<1x1000000xf32, #tpu.memory_space<hbm>> -> memref<1000000xf32, #tpu.memory_space<hbm>>
    %dma_wait3A_141 = arith.constant 0 : i32
    %dma_wait3A_142 = tpu.memref_slice %dma_wait3A_140[%dma_wait3A_141] : memref<1000000xf32, #tpu.memory_space<hbm>> -> memref<1000000xf32, #tpu.memory_space<hbm>>
    tpu.wait_indirect_dma semaphore(%arg18 : memref<!tpu.dma_semaphore, #tpu.memory_space<semaphore_mem>>) src(%dma_wait3A_142 : memref<1000000xf32, #tpu.memory_space<hbm>>) dst(%dma_wait3A_135 : memref<128xf32, #tpu.memory_space<vmem>>)
    %dma_wait3A_143 = arith.constant 0 : i32
    %dma_wait3A_144 = arith.constant 384 : i32
    %dma_wait3A_145 = tpu.memref_slice %arg12[%dma_wait3A_144] : memref<512xf32, #tpu.memory_space<vmem>> -> memref<128xf32, #tpu.memory_space<vmem>>
    %dma_wait3A_146 = arith.constant 384 : i32
    %dma_wait3A_147 = tpu.memref_slice %arg10[%dma_wait3A_146] : memref<512xi32, #tpu.memory_space<vmem>> -> memref<128xi32, #tpu.memory_space<vmem>>
    %dma_wait3A_148 = arith.constant 0 : i32
    %dma_wait3A_149 = tpu.memref_slice %arg4[%dma_wait3A_143, %dma_wait3A_148] : memref<1x1000000xf32, #tpu.memory_space<hbm>> -> memref<1x1000000xf32, #tpu.memory_space<hbm>>
    %dma_wait3A_150 = tpu.memref_squeeze %dma_wait3A_149 : memref<1x1000000xf32, #tpu.memory_space<hbm>> -> memref<1000000xf32, #tpu.memory_space<hbm>>
    %dma_wait3A_151 = arith.constant 0 : i32
    %dma_wait3A_152 = tpu.memref_slice %dma_wait3A_150[%dma_wait3A_151] : memref<1000000xf32, #tpu.memory_space<hbm>> -> memref<1000000xf32, #tpu.memory_space<hbm>>
    tpu.wait_indirect_dma semaphore(%arg18 : memref<!tpu.dma_semaphore, #tpu.memory_space<semaphore_mem>>) src(%dma_wait3A_152 : memref<1000000xf32, #tpu.memory_space<hbm>>) dst(%dma_wait3A_145 : memref<128xf32, #tpu.memory_space<vmem>>)
    %dma_wait3A_153 = arith.constant 0 : i32
    %dma_wait3A_154 = arith.constant 384 : i32
    %dma_wait3A_155 = tpu.memref_slice %arg13[%dma_wait3A_154] : memref<512xf32, #tpu.memory_space<vmem>> -> memref<128xf32, #tpu.memory_space<vmem>>
    %dma_wait3A_156 = arith.constant 384 : i32
    %dma_wait3A_157 = tpu.memref_slice %arg11[%dma_wait3A_156] : memref<512xi32, #tpu.memory_space<vmem>> -> memref<128xi32, #tpu.memory_space<vmem>>
    %dma_wait3A_158 = arith.constant 0 : i32
    %dma_wait3A_159 = tpu.memref_slice %arg5[%dma_wait3A_153, %dma_wait3A_158] : memref<1x1000000xf32, #tpu.memory_space<hbm>> -> memref<1x1000000xf32, #tpu.memory_space<hbm>>
    %dma_wait3A_160 = tpu.memref_squeeze %dma_wait3A_159 : memref<1x1000000xf32, #tpu.memory_space<hbm>> -> memref<1000000xf32, #tpu.memory_space<hbm>>
    %dma_wait3A_161 = arith.constant 0 : i32
    %dma_wait3A_162 = tpu.memref_slice %dma_wait3A_160[%dma_wait3A_161] : memref<1000000xf32, #tpu.memory_space<hbm>> -> memref<1000000xf32, #tpu.memory_space<hbm>>
    tpu.wait_indirect_dma semaphore(%arg18 : memref<!tpu.dma_semaphore, #tpu.memory_space<semaphore_mem>>) src(%dma_wait3A_162 : memref<1000000xf32, #tpu.memory_space<hbm>>) dst(%dma_wait3A_155 : memref<128xf32, #tpu.memory_space<vmem>>)
    %iota3A = tpu.iota {dimensions = array<i32: 0>} : vector<16xi32>
    %scan3A = arith.constant 0 : i32
    %scan3A_163 = arith.constant 0 : i32
    %scan3A_164 = arith.constant 32 : i32
    %scan3A_165 = arith.addi %scan3A_163, %scan3A_164 : i32
    %scan3A_166 = arith.constant 1 : i32
    scf.for %scan3A_168 = %scan3A_163 to %scan3A_165 step %scan3A_166  : i32 {
      %mul3A_169 = arith.constant 16 : i32
      %mul3A_170 = arith.muli %scan3A_168, %mul3A_169 : i32
      %add3A_171 = vector.broadcast %mul3A_170 : i32 to vector<16xi32>
      %add3A_172 = arith.addi %add3A_171, %iota3A : vector<16xi32>
      %get3A = arith.constant 64 : index
      %get3A_173 = tpu.vector_load %arg15[%get3A] {strides = array<i32>} : memref<80xf32, #tpu.memory_space<vmem>>, vector<16xf32>,
      %mul3A_174 = arith.constant 4 : i32
      %mul3A_175 = vector.broadcast %mul3A_174 : i32 to vector<16xi32>
      %mul3A_176 = arith.muli %add3A_172, %mul3A_175 : vector<16xi32>
      %add3A_177 = arith.constant 0 : i32
      %add3A_178 = vector.broadcast %add3A_177 : i32 to vector<16xi32>
      %add3A_179 = arith.addi %mul3A_176, %add3A_178 : vector<16xi32>
      %gather3A = tpu.vector_load_idx %arg14[%add3A_179] : memref<2048xf32, #tpu.memory_space<vmem>>[vector<16xi32>], vector<16xf32>,
      %get3A_180 = arith.constant 0 : index
      %get3A_181 = tpu.vector_load %arg15[%get3A_180] {strides = array<i32>} : memref<80xf32, #tpu.memory_space<vmem>>, vector<16xf32>,
      %mul3A_182 = arith.mulf %gather3A, %get3A_181 : vector<16xf32>
      %add3A_183 = arith.addf %get3A_173, %mul3A_182 : vector<16xf32>
      %mul3A_184 = arith.constant 4 : i32
      %mul3A_185 = vector.broadcast %mul3A_184 : i32 to vector<16xi32>
      %mul3A_186 = arith.muli %add3A_172, %mul3A_185 : vector<16xi32>
      %add3A_187 = arith.constant 1 : i32
      %add3A_188 = vector.broadcast %add3A_187 : i32 to vector<16xi32>
      %add3A_189 = arith.addi %mul3A_186, %add3A_188 : vector<16xi32>
      %gather3A_190 = tpu.vector_load_idx %arg14[%add3A_189] : memref<2048xf32, #tpu.memory_space<vmem>>[vector<16xi32>], vector<16xf32>,
      %get3A_191 = arith.constant 16 : index
      %get3A_192 = tpu.vector_load %arg15[%get3A_191] {strides = array<i32>} : memref<80xf32, #tpu.memory_space<vmem>>, vector<16xf32>,
      %mul3A_193 = arith.mulf %gather3A_190, %get3A_192 : vector<16xf32>
      %add3A_194 = arith.addf %add3A_183, %mul3A_193 : vector<16xf32>
      %mul3A_195 = arith.constant 4 : i32
      %mul3A_196 = vector.broadcast %mul3A_195 : i32 to vector<16xi32>
      %mul3A_197 = arith.muli %add3A_172, %mul3A_196 : vector<16xi32>
      %add3A_198 = arith.constant 2 : i32
      %add3A_199 = vector.broadcast %add3A_198 : i32 to vector<16xi32>
      %add3A_200 = arith.addi %mul3A_197, %add3A_199 : vector<16xi32>
      %gather3A_201 = tpu.vector_load_idx %arg14[%add3A_200] : memref<2048xf32, #tpu.memory_space<vmem>>[vector<16xi32>], vector<16xf32>,
      %get3A_202 = arith.constant 32 : index
      %get3A_203 = tpu.vector_load %arg15[%get3A_202] {strides = array<i32>} : memref<80xf32, #tpu.memory_space<vmem>>, vector<16xf32>,
      %mul3A_204 = arith.mulf %gather3A_201, %get3A_203 : vector<16xf32>
      %add3A_205 = arith.addf %add3A_194, %mul3A_204 : vector<16xf32>
      %mul3A_206 = arith.constant 4 : i32
      %mul3A_207 = vector.broadcast %mul3A_206 : i32 to vector<16xi32>
      %mul3A_208 = arith.muli %add3A_172, %mul3A_207 : vector<16xi32>
      %add3A_209 = arith.constant 3 : i32
      %add3A_210 = vector.broadcast %add3A_209 : i32 to vector<16xi32>
      %add3A_211 = arith.addi %mul3A_208, %add3A_210 : vector<16xi32>
      %gather3A_212 = tpu.vector_load_idx %arg14[%add3A_211] : memref<2048xf32, #tpu.memory_space<vmem>>[vector<16xi32>], vector<16xf32>,
      %get3A_213 = arith.constant 48 : index
      %get3A_214 = tpu.vector_load %arg15[%get3A_213] {strides = array<i32>} : memref<80xf32, #tpu.memory_space<vmem>>, vector<16xf32>,
      %mul3A_215 = arith.mulf %gather3A_212, %get3A_214 : vector<16xf32>
      %add3A_216 = arith.addf %add3A_205, %mul3A_215 : vector<16xf32>
      %gather3A_217 = tpu.vector_load_idx %arg12[%add3A_172] : memref<512xf32, #tpu.memory_space<vmem>>[vector<16xi32>], vector<16xf32>,
      %gather3A_218 = tpu.vector_load_idx %arg13[%add3A_172] : memref<512xf32, #tpu.memory_space<vmem>>[vector<16xi32>], vector<16xf32>,
      %mul3A_219 = arith.constant 16 : i32
      %mul3A_220 = arith.muli %scan3A_168, %mul3A_219 : i32
      %get3A_221 = arith.index_cast %mul3A_220 : i32 to index
      %get3A_222 = tpu.vector_load %arg16[%get3A_221] {strides = array<i32>} : memref<512xf32, #tpu.memory_space<vmem>>, vector<16xf32>,
      %add3A_223 = arith.addf %add3A_216, %gather3A_217 : vector<16xf32>
      %add3A_224 = arith.addf %add3A_223, %gather3A_218 : vector<16xf32>
      %add3A_225 = arith.addf %add3A_224, %get3A_222 : vector<16xf32>
      %mul3A_226 = arith.constant 16 : i32
      %mul3A_227 = arith.muli %scan3A_168, %mul3A_226 : i32
      %swap3A = arith.index_cast %mul3A_227 : i32 to index
      %swap3A_228 = tpu.vector_load %arg17[%swap3A] {strides = array<i32>} : memref<512xf32, #tpu.memory_space<vmem>>, vector<16xf32>,
      tpu.vector_store %arg17[%swap3A], %add3A_225 {strides = array<i32>} : memref<512xf32, #tpu.memory_space<vmem>>, vector<16xf32>,
    }
    %scan3A_167 = arith.constant 32 : i32
    "tpu.region"() ({
      %run_scoped3A = tpu.sem_alloc : memref<!tpu.dma_semaphore, #tpu.memory_space<semaphore_mem>>
      %dma_start3A_168 = tpu.memref_slice %arg9[%mul3A_2] : memref<16384xf32, #tpu.memory_space<hbm>> -> memref<512xf32, #tpu.memory_space<hbm>>
      %dma_start3A_169 = tpu.memref_slice %arg9[%mul3A_2] : memref<16384xf32, #tpu.memory_space<hbm>> -> memref<512xf32, #tpu.memory_space<hbm>>
      tpu.enqueue_dma source(%arg17 : memref<512xf32, #tpu.memory_space<vmem>>) target(%dma_start3A_169 : memref<512xf32, #tpu.memory_space<hbm>>) target_semaphore(%run_scoped3A : memref<!tpu.dma_semaphore, #tpu.memory_space<semaphore_mem>>)
      %dma_wait3A_170 = tpu.memref_slice %arg9[%mul3A_2] : memref<16384xf32, #tpu.memory_space<hbm>> -> memref<512xf32, #tpu.memory_space<hbm>>
      %dma_wait3A_171 = tpu.memref_slice %arg9[%mul3A_2] : memref<16384xf32, #tpu.memory_space<hbm>> -> memref<512xf32, #tpu.memory_space<hbm>>
      tpu.wait_dma2 semaphore(%run_scoped3A : memref<!tpu.dma_semaphore, #tpu.memory_space<semaphore_mem>>) src(%arg17 : memref<512xf32, #tpu.memory_space<vmem>>) dst(%dma_wait3A_171 : memref<512xf32, #tpu.memory_space<hbm>>)
      tpu.yield
    }) : () -> ()
    return
  }
}

#map = affine_map<(d0, d1) -> (0)>
#map1 = affine_map<(d0, d1) -> (0, 0)>
module attributes {stable_mosaic.version = 14 : i64} {
  func.func @_fm_kernel(%arg0: i32, %arg1: i32, %arg2: memref<16384xi32, #tpu.memory_space<hbm>>, %arg3: memref<16384xi32, #tpu.memory_space<hbm>>, %arg4: memref<16x1000000xf32, #tpu.memory_space<hbm>>, %arg5: memref<16x1000000xf32, #tpu.memory_space<hbm>>, %arg6: memref<16384xf32, #tpu.memory_space<hbm>>, %arg7: memref<512xi32, #tpu.memory_space<vmem>>, %arg8: memref<512xi32, #tpu.memory_space<vmem>>, %arg9: memref<2x8x16x128xf32, #tpu.memory_space<vmem>>, %arg10: memref<2x8x16x128xf32, #tpu.memory_space<vmem>>, %arg11: memref<16x16xf32, #tpu.memory_space<vmem>>, %arg12: memref<512xf32, #tpu.memory_space<vmem>>, %arg13: memref<!tpu.dma_semaphore, #tpu.memory_space<semaphore_mem>>, %arg14: memref<!tpu.dma_semaphore, #tpu.memory_space<semaphore_mem>>) attributes {dimension_semantics = [#tpu.dimension_semantics<core_parallel>, #tpu.dimension_semantics<subcore_parallel>], iteration_bounds = array<i64: 2, 16>, scalar_prefetch = 0 : i64, scratch_operands = 8 : i64, tpu.core_type = #tpu.core_type<sc_vector_subcore>, window_params = [{transform_indices = #map}, {transform_indices = #map}, {transform_indices = #map1}, {transform_indices = #map1}, {transform_indices = #map}]} {
    %mul3A = arith.constant 2 : i32
    %mul3A_0 = arith.muli %arg1, %mul3A : i32
    %add3A = arith.addi %mul3A_0, %arg0 : i32
    %mul3A_1 = arith.constant 512 : i32
    %mul3A_2 = arith.muli %add3A, %mul3A_1 : i32
    "tpu.region"() ({
      %run_scoped3A = tpu.sem_alloc : memref<!tpu.dma_semaphore, #tpu.memory_space<semaphore_mem>>
      %dma_start3A_1379 = tpu.memref_slice %arg2[%mul3A_2] : memref<16384xi32, #tpu.memory_space<hbm>> -> memref<512xi32, #tpu.memory_space<hbm>>
      %dma_start3A_1380 = tpu.memref_slice %arg2[%mul3A_2] : memref<16384xi32, #tpu.memory_space<hbm>> -> memref<512xi32, #tpu.memory_space<hbm>>
      tpu.enqueue_dma source(%dma_start3A_1380 : memref<512xi32, #tpu.memory_space<hbm>>) target(%arg7 : memref<512xi32, #tpu.memory_space<vmem>>) target_semaphore(%run_scoped3A : memref<!tpu.dma_semaphore, #tpu.memory_space<semaphore_mem>>)
      %dma_wait3A = tpu.memref_slice %arg2[%mul3A_2] : memref<16384xi32, #tpu.memory_space<hbm>> -> memref<512xi32, #tpu.memory_space<hbm>>
      %dma_wait3A_1381 = tpu.memref_slice %arg2[%mul3A_2] : memref<16384xi32, #tpu.memory_space<hbm>> -> memref<512xi32, #tpu.memory_space<hbm>>
      tpu.wait_dma2 semaphore(%run_scoped3A : memref<!tpu.dma_semaphore, #tpu.memory_space<semaphore_mem>>) src(%dma_wait3A_1381 : memref<512xi32, #tpu.memory_space<hbm>>) dst(%arg7 : memref<512xi32, #tpu.memory_space<vmem>>)
      tpu.yield
    }) : () -> ()
    "tpu.region"() ({
      %run_scoped3A = tpu.sem_alloc : memref<!tpu.dma_semaphore, #tpu.memory_space<semaphore_mem>>
      %dma_start3A_1379 = tpu.memref_slice %arg3[%mul3A_2] : memref<16384xi32, #tpu.memory_space<hbm>> -> memref<512xi32, #tpu.memory_space<hbm>>
      %dma_start3A_1380 = tpu.memref_slice %arg3[%mul3A_2] : memref<16384xi32, #tpu.memory_space<hbm>> -> memref<512xi32, #tpu.memory_space<hbm>>
      tpu.enqueue_dma source(%dma_start3A_1380 : memref<512xi32, #tpu.memory_space<hbm>>) target(%arg8 : memref<512xi32, #tpu.memory_space<vmem>>) target_semaphore(%run_scoped3A : memref<!tpu.dma_semaphore, #tpu.memory_space<semaphore_mem>>)
      %dma_wait3A = tpu.memref_slice %arg3[%mul3A_2] : memref<16384xi32, #tpu.memory_space<hbm>> -> memref<512xi32, #tpu.memory_space<hbm>>
      %dma_wait3A_1381 = tpu.memref_slice %arg3[%mul3A_2] : memref<16384xi32, #tpu.memory_space<hbm>> -> memref<512xi32, #tpu.memory_space<hbm>>
      tpu.wait_dma2 semaphore(%run_scoped3A : memref<!tpu.dma_semaphore, #tpu.memory_space<semaphore_mem>>) src(%dma_wait3A_1381 : memref<512xi32, #tpu.memory_space<hbm>>) dst(%arg8 : memref<512xi32, #tpu.memory_space<vmem>>)
      tpu.yield
    }) : () -> ()
    %iota3A = tpu.iota {dimensions = array<i32: 0>} : vector<16xi32>
    %get3A = arith.constant 0 : index
    %get3A_3 = tpu.vector_load %arg7[%get3A] {strides = array<i32>} : memref<512xi32, #tpu.memory_space<vmem>>, vector<16xi32>,
    %get3A_4 = arith.constant 0 : index
    %get3A_5 = tpu.vector_load %arg8[%get3A_4] {strides = array<i32>} : memref<512xi32, #tpu.memory_space<vmem>>, vector<16xi32>,
    %slice3A = vector.extract_strided_slice %get3A_3 {offsets = [0], sizes = [1], strides = [1]} : vector<16xi32> to vector<1xi32>
    %squeeze3A = vector.extract %slice3A[0] : i32 from vector<1xi32>
    %jit3A = arith.constant 128 : i32
    %div3A = arith.divsi %squeeze3A, %jit3A : i32
    %sign3A = arith.constant 0 : i32
    %sign3A_6 = arith.cmpi sgt, %squeeze3A, %sign3A : i32
    %sign3A_7 = arith.extui %sign3A_6 : i1 to i32
    %sign3A_8 = arith.constant 0 : i32
    %sign3A_9 = arith.cmpi slt, %squeeze3A, %sign3A_8 : i32
    %sign3A_10 = arith.extui %sign3A_9 : i1 to i32
    %sign3A_11 = arith.subi %sign3A_7, %sign3A_10 : i32
    %sign3A_12 = arith.constant 0 : i32
    %sign3A_13 = arith.cmpi sgt, %jit3A, %sign3A_12 : i32
    %sign3A_14 = arith.extui %sign3A_13 : i1 to i32
    %sign3A_15 = arith.constant 0 : i32
    %sign3A_16 = arith.cmpi slt, %jit3A, %sign3A_15 : i32
    %sign3A_17 = arith.extui %sign3A_16 : i1 to i32
    %sign3A_18 = arith.subi %sign3A_14, %sign3A_17 : i32
    %ne3A = arith.cmpi ne, %sign3A_11, %sign3A_18 : i32
    %rem3A = arith.remsi %squeeze3A, %jit3A : i32
    %ne3A_19 = arith.constant 0 : i32
    %ne3A_20 = arith.cmpi ne, %rem3A, %ne3A_19 : i32
    %and3A = arith.andi %ne3A, %ne3A_20 : i1
    %sub3A = arith.constant 1 : i32
    %sub3A_21 = arith.subi %div3A, %sub3A : i32
    %select_n3A = arith.select %and3A, %sub3A_21, %div3A : i32
    %mul3A_22 = arith.constant 128 : i32
    %mul3A_23 = arith.muli %select_n3A, %mul3A_22 : i32
    %multiple_of3A = tpu.assume_multiple %mul3A_23, 128 : i32
    %slice3A_24 = vector.extract_strided_slice %get3A_5 {offsets = [0], sizes = [1], strides = [1]} : vector<16xi32> to vector<1xi32>
    %squeeze3A_25 = vector.extract %slice3A_24[0] : i32 from vector<1xi32>
    %jit3A_26 = arith.constant 128 : i32
    %div3A_27 = arith.divsi %squeeze3A_25, %jit3A_26 : i32
    %sign3A_28 = arith.constant 0 : i32
    %sign3A_29 = arith.cmpi sgt, %squeeze3A_25, %sign3A_28 : i32
    %sign3A_30 = arith.extui %sign3A_29 : i1 to i32
    %sign3A_31 = arith.constant 0 : i32
    %sign3A_32 = arith.cmpi slt, %squeeze3A_25, %sign3A_31 : i32
    %sign3A_33 = arith.extui %sign3A_32 : i1 to i32
    %sign3A_34 = arith.subi %sign3A_30, %sign3A_33 : i32
    %sign3A_35 = arith.constant 0 : i32
    %sign3A_36 = arith.cmpi sgt, %jit3A_26, %sign3A_35 : i32
    %sign3A_37 = arith.extui %sign3A_36 : i1 to i32
    %sign3A_38 = arith.constant 0 : i32
    %sign3A_39 = arith.cmpi slt, %jit3A_26, %sign3A_38 : i32
    %sign3A_40 = arith.extui %sign3A_39 : i1 to i32
    %sign3A_41 = arith.subi %sign3A_37, %sign3A_40 : i32
    %ne3A_42 = arith.cmpi ne, %sign3A_34, %sign3A_41 : i32
    %rem3A_43 = arith.remsi %squeeze3A_25, %jit3A_26 : i32
    %ne3A_44 = arith.constant 0 : i32
    %ne3A_45 = arith.cmpi ne, %rem3A_43, %ne3A_44 : i32
    %and3A_46 = arith.andi %ne3A_42, %ne3A_45 : i1
    %sub3A_47 = arith.constant 1 : i32
    %sub3A_48 = arith.subi %div3A_27, %sub3A_47 : i32
    %select_n3A_49 = arith.select %and3A_46, %sub3A_48, %div3A_27 : i32
    %mul3A_50 = arith.constant 128 : i32
    %mul3A_51 = arith.muli %select_n3A_49, %mul3A_50 : i32
    %multiple_of3A_52 = tpu.assume_multiple %mul3A_51, 128 : i32
    %dma_start3A = arith.constant 0 : i32
    %dma_start3A_53 = arith.constant 0 : i32
    %dma_start3A_54 = arith.constant 0 : i32
    %dma_start3A_55 = arith.constant 0 : i32
    %dma_start3A_56 = tpu.memref_slice %arg9[%dma_start3A, %dma_start3A_53, %dma_start3A_54, %dma_start3A_55] : memref<2x8x16x128xf32, #tpu.memory_space<vmem>> -> memref<1x1x16x128xf32, #tpu.memory_space<vmem>>
    %dma_start3A_57 = tpu.memref_squeeze %dma_start3A_56 : memref<1x1x16x128xf32, #tpu.memory_space<vmem>> -> memref<16x128xf32, #tpu.memory_space<vmem>>
    %dma_start3A_58 = arith.constant 0 : i32
    %dma_start3A_59 = tpu.memref_slice %arg4[%dma_start3A_58, %multiple_of3A] : memref<16x1000000xf32, #tpu.memory_space<hbm>> -> memref<16x128xf32, #tpu.memory_space<hbm>>
    %dma_start3A_60 = arith.constant 0 : i32
    %dma_start3A_61 = arith.constant 0 : i32
    %dma_start3A_62 = tpu.memref_slice %arg9[%dma_start3A, %dma_start3A_53, %dma_start3A_60, %dma_start3A_61] : memref<2x8x16x128xf32, #tpu.memory_space<vmem>> -> memref<1x1x16x128xf32, #tpu.memory_space<vmem>>
    %dma_start3A_63 = tpu.memref_squeeze %dma_start3A_62 : memref<1x1x16x128xf32, #tpu.memory_space<vmem>> -> memref<16x128xf32, #tpu.memory_space<vmem>>
    %dma_start3A_64 = arith.constant 0 : i32
    %dma_start3A_65 = tpu.memref_slice %arg4[%dma_start3A_64, %multiple_of3A] : memref<16x1000000xf32, #tpu.memory_space<hbm>> -> memref<16x128xf32, #tpu.memory_space<hbm>>
    tpu.enqueue_dma source(%dma_start3A_65 : memref<16x128xf32, #tpu.memory_space<hbm>>) target(%dma_start3A_63 : memref<16x128xf32, #tpu.memory_space<vmem>>) target_semaphore(%arg13 : memref<!tpu.dma_semaphore, #tpu.memory_space<semaphore_mem>>)
    %dma_start3A_66 = arith.constant 0 : i32
    %dma_start3A_67 = arith.constant 0 : i32
    %dma_start3A_68 = arith.constant 0 : i32
    %dma_start3A_69 = arith.constant 0 : i32
    %dma_start3A_70 = tpu.memref_slice %arg10[%dma_start3A_66, %dma_start3A_67, %dma_start3A_68, %dma_start3A_69] : memref<2x8x16x128xf32, #tpu.memory_space<vmem>> -> memref<1x1x16x128xf32, #tpu.memory_space<vmem>>
    %dma_start3A_71 = tpu.memref_squeeze %dma_start3A_70 : memref<1x1x16x128xf32, #tpu.memory_space<vmem>> -> memref<16x128xf32, #tpu.memory_space<vmem>>
    %dma_start3A_72 = arith.constant 0 : i32
    %dma_start3A_73 = tpu.memref_slice %arg5[%dma_start3A_72, %multiple_of3A_52] : memref<16x1000000xf32, #tpu.memory_space<hbm>> -> memref<16x128xf32, #tpu.memory_space<hbm>>
    %dma_start3A_74 = arith.constant 0 : i32
    %dma_start3A_75 = arith.constant 0 : i32
    %dma_start3A_76 = tpu.memref_slice %arg10[%dma_start3A_66, %dma_start3A_67, %dma_start3A_74, %dma_start3A_75] : memref<2x8x16x128xf32, #tpu.memory_space<vmem>> -> memref<1x1x16x128xf32, #tpu.memory_space<vmem>>
    %dma_start3A_77 = tpu.memref_squeeze %dma_start3A_76 : memref<1x1x16x128xf32, #tpu.memory_space<vmem>> -> memref<16x128xf32, #tpu.memory_space<vmem>>
    %dma_start3A_78 = arith.constant 0 : i32
    %dma_start3A_79 = tpu.memref_slice %arg5[%dma_start3A_78, %multiple_of3A_52] : memref<16x1000000xf32, #tpu.memory_space<hbm>> -> memref<16x128xf32, #tpu.memory_space<hbm>>
    tpu.enqueue_dma source(%dma_start3A_79 : memref<16x128xf32, #tpu.memory_space<hbm>>) target(%dma_start3A_77 : memref<16x128xf32, #tpu.memory_space<vmem>>) target_semaphore(%arg13 : memref<!tpu.dma_semaphore, #tpu.memory_space<semaphore_mem>>)
    %slice3A_80 = vector.extract_strided_slice %get3A_3 {offsets = [1], sizes = [1], strides = [1]} : vector<16xi32> to vector<1xi32>
    %squeeze3A_81 = vector.extract %slice3A_80[0] : i32 from vector<1xi32>
    %jit3A_82 = arith.constant 128 : i32
    %div3A_83 = arith.divsi %squeeze3A_81, %jit3A_82 : i32
    %sign3A_84 = arith.constant 0 : i32
    %sign3A_85 = arith.cmpi sgt, %squeeze3A_81, %sign3A_84 : i32
    %sign3A_86 = arith.extui %sign3A_85 : i1 to i32
    %sign3A_87 = arith.constant 0 : i32
    %sign3A_88 = arith.cmpi slt, %squeeze3A_81, %sign3A_87 : i32
    %sign3A_89 = arith.extui %sign3A_88 : i1 to i32
    %sign3A_90 = arith.subi %sign3A_86, %sign3A_89 : i32
    %sign3A_91 = arith.constant 0 : i32
    %sign3A_92 = arith.cmpi sgt, %jit3A_82, %sign3A_91 : i32
    %sign3A_93 = arith.extui %sign3A_92 : i1 to i32
    %sign3A_94 = arith.constant 0 : i32
    %sign3A_95 = arith.cmpi slt, %jit3A_82, %sign3A_94 : i32
    %sign3A_96 = arith.extui %sign3A_95 : i1 to i32
    %sign3A_97 = arith.subi %sign3A_93, %sign3A_96 : i32
    %ne3A_98 = arith.cmpi ne, %sign3A_90, %sign3A_97 : i32
    %rem3A_99 = arith.remsi %squeeze3A_81, %jit3A_82 : i32
    %ne3A_100 = arith.constant 0 : i32
    %ne3A_101 = arith.cmpi ne, %rem3A_99, %ne3A_100 : i32
    %and3A_102 = arith.andi %ne3A_98, %ne3A_101 : i1
    %sub3A_103 = arith.constant 1 : i32
    %sub3A_104 = arith.subi %div3A_83, %sub3A_103 : i32
    %select_n3A_105 = arith.select %and3A_102, %sub3A_104, %div3A_83 : i32
    %mul3A_106 = arith.constant 128 : i32
    %mul3A_107 = arith.muli %select_n3A_105, %mul3A_106 : i32
    %multiple_of3A_108 = tpu.assume_multiple %mul3A_107, 128 : i32
    %slice3A_109 = vector.extract_strided_slice %get3A_5 {offsets = [1], sizes = [1], strides = [1]} : vector<16xi32> to vector<1xi32>
    %squeeze3A_110 = vector.extract %slice3A_109[0] : i32 from vector<1xi32>
    %jit3A_111 = arith.constant 128 : i32
    %div3A_112 = arith.divsi %squeeze3A_110, %jit3A_111 : i32
    %sign3A_113 = arith.constant 0 : i32
    %sign3A_114 = arith.cmpi sgt, %squeeze3A_110, %sign3A_113 : i32
    %sign3A_115 = arith.extui %sign3A_114 : i1 to i32
    %sign3A_116 = arith.constant 0 : i32
    %sign3A_117 = arith.cmpi slt, %squeeze3A_110, %sign3A_116 : i32
    %sign3A_118 = arith.extui %sign3A_117 : i1 to i32
    %sign3A_119 = arith.subi %sign3A_115, %sign3A_118 : i32
    %sign3A_120 = arith.constant 0 : i32
    %sign3A_121 = arith.cmpi sgt, %jit3A_111, %sign3A_120 : i32
    %sign3A_122 = arith.extui %sign3A_121 : i1 to i32
    %sign3A_123 = arith.constant 0 : i32
    %sign3A_124 = arith.cmpi slt, %jit3A_111, %sign3A_123 : i32
    %sign3A_125 = arith.extui %sign3A_124 : i1 to i32
    %sign3A_126 = arith.subi %sign3A_122, %sign3A_125 : i32
    %ne3A_127 = arith.cmpi ne, %sign3A_119, %sign3A_126 : i32
    %rem3A_128 = arith.remsi %squeeze3A_110, %jit3A_111 : i32
    %ne3A_129 = arith.constant 0 : i32
    %ne3A_130 = arith.cmpi ne, %rem3A_128, %ne3A_129 : i32
    %and3A_131 = arith.andi %ne3A_127, %ne3A_130 : i1
    %sub3A_132 = arith.constant 1 : i32
    %sub3A_133 = arith.subi %div3A_112, %sub3A_132 : i32
    %select_n3A_134 = arith.select %and3A_131, %sub3A_133, %div3A_112 : i32
    %mul3A_135 = arith.constant 128 : i32
    %mul3A_136 = arith.muli %select_n3A_134, %mul3A_135 : i32
    %multiple_of3A_137 = tpu.assume_multiple %mul3A_136, 128 : i32
    %dma_start3A_138 = arith.constant 0 : i32
    %dma_start3A_139 = arith.constant 1 : i32
    %dma_start3A_140 = arith.constant 0 : i32
    %dma_start3A_141 = arith.constant 0 : i32
    %dma_start3A_142 = tpu.memref_slice %arg9[%dma_start3A_138, %dma_start3A_139, %dma_start3A_140, %dma_start3A_141] : memref<2x8x16x128xf32, #tpu.memory_space<vmem>> -> memref<1x1x16x128xf32, #tpu.memory_space<vmem>>
    %dma_start3A_143 = tpu.memref_squeeze %dma_start3A_142 : memref<1x1x16x128xf32, #tpu.memory_space<vmem>> -> memref<16x128xf32, #tpu.memory_space<vmem>>
    %dma_start3A_144 = arith.constant 0 : i32
    %dma_start3A_145 = tpu.memref_slice %arg4[%dma_start3A_144, %multiple_of3A_108] : memref<16x1000000xf32, #tpu.memory_space<hbm>> -> memref<16x128xf32, #tpu.memory_space<hbm>>
    %dma_start3A_146 = arith.constant 0 : i32
    %dma_start3A_147 = arith.constant 0 : i32
    %dma_start3A_148 = tpu.memref_slice %arg9[%dma_start3A_138, %dma_start3A_139, %dma_start3A_146, %dma_start3A_147] : memref<2x8x16x128xf32, #tpu.memory_space<vmem>> -> memref<1x1x16x128xf32, #tpu.memory_space<vmem>>
    %dma_start3A_149 = tpu.memref_squeeze %dma_start3A_148 : memref<1x1x16x128xf32, #tpu.memory_space<vmem>> -> memref<16x128xf32, #tpu.memory_space<vmem>>
    %dma_start3A_150 = arith.constant 0 : i32
    %dma_start3A_151 = tpu.memref_slice %arg4[%dma_start3A_150, %multiple_of3A_108] : memref<16x1000000xf32, #tpu.memory_space<hbm>> -> memref<16x128xf32, #tpu.memory_space<hbm>>
    tpu.enqueue_dma source(%dma_start3A_151 : memref<16x128xf32, #tpu.memory_space<hbm>>) target(%dma_start3A_149 : memref<16x128xf32, #tpu.memory_space<vmem>>) target_semaphore(%arg13 : memref<!tpu.dma_semaphore, #tpu.memory_space<semaphore_mem>>)
    %dma_start3A_152 = arith.constant 0 : i32
    %dma_start3A_153 = arith.constant 1 : i32
    %dma_start3A_154 = arith.constant 0 : i32
    %dma_start3A_155 = arith.constant 0 : i32
    %dma_start3A_156 = tpu.memref_slice %arg10[%dma_start3A_152, %dma_start3A_153, %dma_start3A_154, %dma_start3A_155] : memref<2x8x16x128xf32, #tpu.memory_space<vmem>> -> memref<1x1x16x128xf32, #tpu.memory_space<vmem>>
    %dma_start3A_157 = tpu.memref_squeeze %dma_start3A_156 : memref<1x1x16x128xf32, #tpu.memory_space<vmem>> -> memref<16x128xf32, #tpu.memory_space<vmem>>
    %dma_start3A_158 = arith.constant 0 : i32
    %dma_start3A_159 = tpu.memref_slice %arg5[%dma_start3A_158, %multiple_of3A_137] : memref<16x1000000xf32, #tpu.memory_space<hbm>> -> memref<16x128xf32, #tpu.memory_space<hbm>>
    %dma_start3A_160 = arith.constant 0 : i32
    %dma_start3A_161 = arith.constant 0 : i32
    %dma_start3A_162 = tpu.memref_slice %arg10[%dma_start3A_152, %dma_start3A_153, %dma_start3A_160, %dma_start3A_161] : memref<2x8x16x128xf32, #tpu.memory_space<vmem>> -> memref<1x1x16x128xf32, #tpu.memory_space<vmem>>
    %dma_start3A_163 = tpu.memref_squeeze %dma_start3A_162 : memref<1x1x16x128xf32, #tpu.memory_space<vmem>> -> memref<16x128xf32, #tpu.memory_space<vmem>>
    %dma_start3A_164 = arith.constant 0 : i32
    %dma_start3A_165 = tpu.memref_slice %arg5[%dma_start3A_164, %multiple_of3A_137] : memref<16x1000000xf32, #tpu.memory_space<hbm>> -> memref<16x128xf32, #tpu.memory_space<hbm>>
    tpu.enqueue_dma source(%dma_start3A_165 : memref<16x128xf32, #tpu.memory_space<hbm>>) target(%dma_start3A_163 : memref<16x128xf32, #tpu.memory_space<vmem>>) target_semaphore(%arg13 : memref<!tpu.dma_semaphore, #tpu.memory_space<semaphore_mem>>)
    %slice3A_166 = vector.extract_strided_slice %get3A_3 {offsets = [2], sizes = [1], strides = [1]} : vector<16xi32> to vector<1xi32>
    %squeeze3A_167 = vector.extract %slice3A_166[0] : i32 from vector<1xi32>
    %jit3A_168 = arith.constant 128 : i32
    %div3A_169 = arith.divsi %squeeze3A_167, %jit3A_168 : i32
    %sign3A_170 = arith.constant 0 : i32
    %sign3A_171 = arith.cmpi sgt, %squeeze3A_167, %sign3A_170 : i32
    %sign3A_172 = arith.extui %sign3A_171 : i1 to i32
    %sign3A_173 = arith.constant 0 : i32
    %sign3A_174 = arith.cmpi slt, %squeeze3A_167, %sign3A_173 : i32
    %sign3A_175 = arith.extui %sign3A_174 : i1 to i32
    %sign3A_176 = arith.subi %sign3A_172, %sign3A_175 : i32
    %sign3A_177 = arith.constant 0 : i32
    %sign3A_178 = arith.cmpi sgt, %jit3A_168, %sign3A_177 : i32
    %sign3A_179 = arith.extui %sign3A_178 : i1 to i32
    %sign3A_180 = arith.constant 0 : i32
    %sign3A_181 = arith.cmpi slt, %jit3A_168, %sign3A_180 : i32
    %sign3A_182 = arith.extui %sign3A_181 : i1 to i32
    %sign3A_183 = arith.subi %sign3A_179, %sign3A_182 : i32
    %ne3A_184 = arith.cmpi ne, %sign3A_176, %sign3A_183 : i32
    %rem3A_185 = arith.remsi %squeeze3A_167, %jit3A_168 : i32
    %ne3A_186 = arith.constant 0 : i32
    %ne3A_187 = arith.cmpi ne, %rem3A_185, %ne3A_186 : i32
    %and3A_188 = arith.andi %ne3A_184, %ne3A_187 : i1
    %sub3A_189 = arith.constant 1 : i32
    %sub3A_190 = arith.subi %div3A_169, %sub3A_189 : i32
    %select_n3A_191 = arith.select %and3A_188, %sub3A_190, %div3A_169 : i32
    %mul3A_192 = arith.constant 128 : i32
    %mul3A_193 = arith.muli %select_n3A_191, %mul3A_192 : i32
    %multiple_of3A_194 = tpu.assume_multiple %mul3A_193, 128 : i32
    %slice3A_195 = vector.extract_strided_slice %get3A_5 {offsets = [2], sizes = [1], strides = [1]} : vector<16xi32> to vector<1xi32>
    %squeeze3A_196 = vector.extract %slice3A_195[0] : i32 from vector<1xi32>
    %jit3A_197 = arith.constant 128 : i32
    %div3A_198 = arith.divsi %squeeze3A_196, %jit3A_197 : i32
    %sign3A_199 = arith.constant 0 : i32
    %sign3A_200 = arith.cmpi sgt, %squeeze3A_196, %sign3A_199 : i32
    %sign3A_201 = arith.extui %sign3A_200 : i1 to i32
    %sign3A_202 = arith.constant 0 : i32
    %sign3A_203 = arith.cmpi slt, %squeeze3A_196, %sign3A_202 : i32
    %sign3A_204 = arith.extui %sign3A_203 : i1 to i32
    %sign3A_205 = arith.subi %sign3A_201, %sign3A_204 : i32
    %sign3A_206 = arith.constant 0 : i32
    %sign3A_207 = arith.cmpi sgt, %jit3A_197, %sign3A_206 : i32
    %sign3A_208 = arith.extui %sign3A_207 : i1 to i32
    %sign3A_209 = arith.constant 0 : i32
    %sign3A_210 = arith.cmpi slt, %jit3A_197, %sign3A_209 : i32
    %sign3A_211 = arith.extui %sign3A_210 : i1 to i32
    %sign3A_212 = arith.subi %sign3A_208, %sign3A_211 : i32
    %ne3A_213 = arith.cmpi ne, %sign3A_205, %sign3A_212 : i32
    %rem3A_214 = arith.remsi %squeeze3A_196, %jit3A_197 : i32
    %ne3A_215 = arith.constant 0 : i32
    %ne3A_216 = arith.cmpi ne, %rem3A_214, %ne3A_215 : i32
    %and3A_217 = arith.andi %ne3A_213, %ne3A_216 : i1
    %sub3A_218 = arith.constant 1 : i32
    %sub3A_219 = arith.subi %div3A_198, %sub3A_218 : i32
    %select_n3A_220 = arith.select %and3A_217, %sub3A_219, %div3A_198 : i32
    %mul3A_221 = arith.constant 128 : i32
    %mul3A_222 = arith.muli %select_n3A_220, %mul3A_221 : i32
    %multiple_of3A_223 = tpu.assume_multiple %mul3A_222, 128 : i32
    %dma_start3A_224 = arith.constant 0 : i32
    %dma_start3A_225 = arith.constant 2 : i32
    %dma_start3A_226 = arith.constant 0 : i32
    %dma_start3A_227 = arith.constant 0 : i32
    %dma_start3A_228 = tpu.memref_slice %arg9[%dma_start3A_224, %dma_start3A_225, %dma_start3A_226, %dma_start3A_227] : memref<2x8x16x128xf32, #tpu.memory_space<vmem>> -> memref<1x1x16x128xf32, #tpu.memory_space<vmem>>
    %dma_start3A_229 = tpu.memref_squeeze %dma_start3A_228 : memref<1x1x16x128xf32, #tpu.memory_space<vmem>> -> memref<16x128xf32, #tpu.memory_space<vmem>>
    %dma_start3A_230 = arith.constant 0 : i32
    %dma_start3A_231 = tpu.memref_slice %arg4[%dma_start3A_230, %multiple_of3A_194] : memref<16x1000000xf32, #tpu.memory_space<hbm>> -> memref<16x128xf32, #tpu.memory_space<hbm>>
    %dma_start3A_232 = arith.constant 0 : i32
    %dma_start3A_233 = arith.constant 0 : i32
    %dma_start3A_234 = tpu.memref_slice %arg9[%dma_start3A_224, %dma_start3A_225, %dma_start3A_232, %dma_start3A_233] : memref<2x8x16x128xf32, #tpu.memory_space<vmem>> -> memref<1x1x16x128xf32, #tpu.memory_space<vmem>>
    %dma_start3A_235 = tpu.memref_squeeze %dma_start3A_234 : memref<1x1x16x128xf32, #tpu.memory_space<vmem>> -> memref<16x128xf32, #tpu.memory_space<vmem>>
    %dma_start3A_236 = arith.constant 0 : i32
    %dma_start3A_237 = tpu.memref_slice %arg4[%dma_start3A_236, %multiple_of3A_194] : memref<16x1000000xf32, #tpu.memory_space<hbm>> -> memref<16x128xf32, #tpu.memory_space<hbm>>
    tpu.enqueue_dma source(%dma_start3A_237 : memref<16x128xf32, #tpu.memory_space<hbm>>) target(%dma_start3A_235 : memref<16x128xf32, #tpu.memory_space<vmem>>) target_semaphore(%arg13 : memref<!tpu.dma_semaphore, #tpu.memory_space<semaphore_mem>>)
    %dma_start3A_238 = arith.constant 0 : i32
    %dma_start3A_239 = arith.constant 2 : i32
    %dma_start3A_240 = arith.constant 0 : i32
    %dma_start3A_241 = arith.constant 0 : i32
    %dma_start3A_242 = tpu.memref_slice %arg10[%dma_start3A_238, %dma_start3A_239, %dma_start3A_240, %dma_start3A_241] : memref<2x8x16x128xf32, #tpu.memory_space<vmem>> -> memref<1x1x16x128xf32, #tpu.memory_space<vmem>>
    %dma_start3A_243 = tpu.memref_squeeze %dma_start3A_242 : memref<1x1x16x128xf32, #tpu.memory_space<vmem>> -> memref<16x128xf32, #tpu.memory_space<vmem>>
    %dma_start3A_244 = arith.constant 0 : i32
    %dma_start3A_245 = tpu.memref_slice %arg5[%dma_start3A_244, %multiple_of3A_223] : memref<16x1000000xf32, #tpu.memory_space<hbm>> -> memref<16x128xf32, #tpu.memory_space<hbm>>
    %dma_start3A_246 = arith.constant 0 : i32
    %dma_start3A_247 = arith.constant 0 : i32
    %dma_start3A_248 = tpu.memref_slice %arg10[%dma_start3A_238, %dma_start3A_239, %dma_start3A_246, %dma_start3A_247] : memref<2x8x16x128xf32, #tpu.memory_space<vmem>> -> memref<1x1x16x128xf32, #tpu.memory_space<vmem>>
    %dma_start3A_249 = tpu.memref_squeeze %dma_start3A_248 : memref<1x1x16x128xf32, #tpu.memory_space<vmem>> -> memref<16x128xf32, #tpu.memory_space<vmem>>
    %dma_start3A_250 = arith.constant 0 : i32
    %dma_start3A_251 = tpu.memref_slice %arg5[%dma_start3A_250, %multiple_of3A_223] : memref<16x1000000xf32, #tpu.memory_space<hbm>> -> memref<16x128xf32, #tpu.memory_space<hbm>>
    tpu.enqueue_dma source(%dma_start3A_251 : memref<16x128xf32, #tpu.memory_space<hbm>>) target(%dma_start3A_249 : memref<16x128xf32, #tpu.memory_space<vmem>>) target_semaphore(%arg13 : memref<!tpu.dma_semaphore, #tpu.memory_space<semaphore_mem>>)
    %slice3A_252 = vector.extract_strided_slice %get3A_3 {offsets = [3], sizes = [1], strides = [1]} : vector<16xi32> to vector<1xi32>
    %squeeze3A_253 = vector.extract %slice3A_252[0] : i32 from vector<1xi32>
    %jit3A_254 = arith.constant 128 : i32
    %div3A_255 = arith.divsi %squeeze3A_253, %jit3A_254 : i32
    %sign3A_256 = arith.constant 0 : i32
    %sign3A_257 = arith.cmpi sgt, %squeeze3A_253, %sign3A_256 : i32
    %sign3A_258 = arith.extui %sign3A_257 : i1 to i32
    %sign3A_259 = arith.constant 0 : i32
    %sign3A_260 = arith.cmpi slt, %squeeze3A_253, %sign3A_259 : i32
    %sign3A_261 = arith.extui %sign3A_260 : i1 to i32
    %sign3A_262 = arith.subi %sign3A_258, %sign3A_261 : i32
    %sign3A_263 = arith.constant 0 : i32
    %sign3A_264 = arith.cmpi sgt, %jit3A_254, %sign3A_263 : i32
    %sign3A_265 = arith.extui %sign3A_264 : i1 to i32
    %sign3A_266 = arith.constant 0 : i32
    %sign3A_267 = arith.cmpi slt, %jit3A_254, %sign3A_266 : i32
    %sign3A_268 = arith.extui %sign3A_267 : i1 to i32
    %sign3A_269 = arith.subi %sign3A_265, %sign3A_268 : i32
    %ne3A_270 = arith.cmpi ne, %sign3A_262, %sign3A_269 : i32
    %rem3A_271 = arith.remsi %squeeze3A_253, %jit3A_254 : i32
    %ne3A_272 = arith.constant 0 : i32
    %ne3A_273 = arith.cmpi ne, %rem3A_271, %ne3A_272 : i32
    %and3A_274 = arith.andi %ne3A_270, %ne3A_273 : i1
    %sub3A_275 = arith.constant 1 : i32
    %sub3A_276 = arith.subi %div3A_255, %sub3A_275 : i32
    %select_n3A_277 = arith.select %and3A_274, %sub3A_276, %div3A_255 : i32
    %mul3A_278 = arith.constant 128 : i32
    %mul3A_279 = arith.muli %select_n3A_277, %mul3A_278 : i32
    %multiple_of3A_280 = tpu.assume_multiple %mul3A_279, 128 : i32
    %slice3A_281 = vector.extract_strided_slice %get3A_5 {offsets = [3], sizes = [1], strides = [1]} : vector<16xi32> to vector<1xi32>
    %squeeze3A_282 = vector.extract %slice3A_281[0] : i32 from vector<1xi32>
    %jit3A_283 = arith.constant 128 : i32
    %div3A_284 = arith.divsi %squeeze3A_282, %jit3A_283 : i32
    %sign3A_285 = arith.constant 0 : i32
    %sign3A_286 = arith.cmpi sgt, %squeeze3A_282, %sign3A_285 : i32
    %sign3A_287 = arith.extui %sign3A_286 : i1 to i32
    %sign3A_288 = arith.constant 0 : i32
    %sign3A_289 = arith.cmpi slt, %squeeze3A_282, %sign3A_288 : i32
    %sign3A_290 = arith.extui %sign3A_289 : i1 to i32
    %sign3A_291 = arith.subi %sign3A_287, %sign3A_290 : i32
    %sign3A_292 = arith.constant 0 : i32
    %sign3A_293 = arith.cmpi sgt, %jit3A_283, %sign3A_292 : i32
    %sign3A_294 = arith.extui %sign3A_293 : i1 to i32
    %sign3A_295 = arith.constant 0 : i32
    %sign3A_296 = arith.cmpi slt, %jit3A_283, %sign3A_295 : i32
    %sign3A_297 = arith.extui %sign3A_296 : i1 to i32
    %sign3A_298 = arith.subi %sign3A_294, %sign3A_297 : i32
    %ne3A_299 = arith.cmpi ne, %sign3A_291, %sign3A_298 : i32
    %rem3A_300 = arith.remsi %squeeze3A_282, %jit3A_283 : i32
    %ne3A_301 = arith.constant 0 : i32
    %ne3A_302 = arith.cmpi ne, %rem3A_300, %ne3A_301 : i32
    %and3A_303 = arith.andi %ne3A_299, %ne3A_302 : i1
    %sub3A_304 = arith.constant 1 : i32
    %sub3A_305 = arith.subi %div3A_284, %sub3A_304 : i32
    %select_n3A_306 = arith.select %and3A_303, %sub3A_305, %div3A_284 : i32
    %mul3A_307 = arith.constant 128 : i32
    %mul3A_308 = arith.muli %select_n3A_306, %mul3A_307 : i32
    %multiple_of3A_309 = tpu.assume_multiple %mul3A_308, 128 : i32
    %dma_start3A_310 = arith.constant 0 : i32
    %dma_start3A_311 = arith.constant 3 : i32
    %dma_start3A_312 = arith.constant 0 : i32
    %dma_start3A_313 = arith.constant 0 : i32
    %dma_start3A_314 = tpu.memref_slice %arg9[%dma_start3A_310, %dma_start3A_311, %dma_start3A_312, %dma_start3A_313] : memref<2x8x16x128xf32, #tpu.memory_space<vmem>> -> memref<1x1x16x128xf32, #tpu.memory_space<vmem>>
    %dma_start3A_315 = tpu.memref_squeeze %dma_start3A_314 : memref<1x1x16x128xf32, #tpu.memory_space<vmem>> -> memref<16x128xf32, #tpu.memory_space<vmem>>
    %dma_start3A_316 = arith.constant 0 : i32
    %dma_start3A_317 = tpu.memref_slice %arg4[%dma_start3A_316, %multiple_of3A_280] : memref<16x1000000xf32, #tpu.memory_space<hbm>> -> memref<16x128xf32, #tpu.memory_space<hbm>>
    %dma_start3A_318 = arith.constant 0 : i32
    %dma_start3A_319 = arith.constant 0 : i32
    %dma_start3A_320 = tpu.memref_slice %arg9[%dma_start3A_310, %dma_start3A_311, %dma_start3A_318, %dma_start3A_319] : memref<2x8x16x128xf32, #tpu.memory_space<vmem>> -> memref<1x1x16x128xf32, #tpu.memory_space<vmem>>
    %dma_start3A_321 = tpu.memref_squeeze %dma_start3A_320 : memref<1x1x16x128xf32, #tpu.memory_space<vmem>> -> memref<16x128xf32, #tpu.memory_space<vmem>>
    %dma_start3A_322 = arith.constant 0 : i32
    %dma_start3A_323 = tpu.memref_slice %arg4[%dma_start3A_322, %multiple_of3A_280] : memref<16x1000000xf32, #tpu.memory_space<hbm>> -> memref<16x128xf32, #tpu.memory_space<hbm>>
    tpu.enqueue_dma source(%dma_start3A_323 : memref<16x128xf32, #tpu.memory_space<hbm>>) target(%dma_start3A_321 : memref<16x128xf32, #tpu.memory_space<vmem>>) target_semaphore(%arg13 : memref<!tpu.dma_semaphore, #tpu.memory_space<semaphore_mem>>)
    %dma_start3A_324 = arith.constant 0 : i32
    %dma_start3A_325 = arith.constant 3 : i32
    %dma_start3A_326 = arith.constant 0 : i32
    %dma_start3A_327 = arith.constant 0 : i32
    %dma_start3A_328 = tpu.memref_slice %arg10[%dma_start3A_324, %dma_start3A_325, %dma_start3A_326, %dma_start3A_327] : memref<2x8x16x128xf32, #tpu.memory_space<vmem>> -> memref<1x1x16x128xf32, #tpu.memory_space<vmem>>
    %dma_start3A_329 = tpu.memref_squeeze %dma_start3A_328 : memref<1x1x16x128xf32, #tpu.memory_space<vmem>> -> memref<16x128xf32, #tpu.memory_space<vmem>>
    %dma_start3A_330 = arith.constant 0 : i32
    %dma_start3A_331 = tpu.memref_slice %arg5[%dma_start3A_330, %multiple_of3A_309] : memref<16x1000000xf32, #tpu.memory_space<hbm>> -> memref<16x128xf32, #tpu.memory_space<hbm>>
    %dma_start3A_332 = arith.constant 0 : i32
    %dma_start3A_333 = arith.constant 0 : i32
    %dma_start3A_334 = tpu.memref_slice %arg10[%dma_start3A_324, %dma_start3A_325, %dma_start3A_332, %dma_start3A_333] : memref<2x8x16x128xf32, #tpu.memory_space<vmem>> -> memref<1x1x16x128xf32, #tpu.memory_space<vmem>>
    %dma_start3A_335 = tpu.memref_squeeze %dma_start3A_334 : memref<1x1x16x128xf32, #tpu.memory_space<vmem>> -> memref<16x128xf32, #tpu.memory_space<vmem>>
    %dma_start3A_336 = arith.constant 0 : i32
    %dma_start3A_337 = tpu.memref_slice %arg5[%dma_start3A_336, %multiple_of3A_309] : memref<16x1000000xf32, #tpu.memory_space<hbm>> -> memref<16x128xf32, #tpu.memory_space<hbm>>
    tpu.enqueue_dma source(%dma_start3A_337 : memref<16x128xf32, #tpu.memory_space<hbm>>) target(%dma_start3A_335 : memref<16x128xf32, #tpu.memory_space<vmem>>) target_semaphore(%arg13 : memref<!tpu.dma_semaphore, #tpu.memory_space<semaphore_mem>>)
    %slice3A_338 = vector.extract_strided_slice %get3A_3 {offsets = [4], sizes = [1], strides = [1]} : vector<16xi32> to vector<1xi32>
    %squeeze3A_339 = vector.extract %slice3A_338[0] : i32 from vector<1xi32>
    %jit3A_340 = arith.constant 128 : i32
    %div3A_341 = arith.divsi %squeeze3A_339, %jit3A_340 : i32
    %sign3A_342 = arith.constant 0 : i32
    %sign3A_343 = arith.cmpi sgt, %squeeze3A_339, %sign3A_342 : i32
    %sign3A_344 = arith.extui %sign3A_343 : i1 to i32
    %sign3A_345 = arith.constant 0 : i32
    %sign3A_346 = arith.cmpi slt, %squeeze3A_339, %sign3A_345 : i32
    %sign3A_347 = arith.extui %sign3A_346 : i1 to i32
    %sign3A_348 = arith.subi %sign3A_344, %sign3A_347 : i32
    %sign3A_349 = arith.constant 0 : i32
    %sign3A_350 = arith.cmpi sgt, %jit3A_340, %sign3A_349 : i32
    %sign3A_351 = arith.extui %sign3A_350 : i1 to i32
    %sign3A_352 = arith.constant 0 : i32
    %sign3A_353 = arith.cmpi slt, %jit3A_340, %sign3A_352 : i32
    %sign3A_354 = arith.extui %sign3A_353 : i1 to i32
    %sign3A_355 = arith.subi %sign3A_351, %sign3A_354 : i32
    %ne3A_356 = arith.cmpi ne, %sign3A_348, %sign3A_355 : i32
    %rem3A_357 = arith.remsi %squeeze3A_339, %jit3A_340 : i32
    %ne3A_358 = arith.constant 0 : i32
    %ne3A_359 = arith.cmpi ne, %rem3A_357, %ne3A_358 : i32
    %and3A_360 = arith.andi %ne3A_356, %ne3A_359 : i1
    %sub3A_361 = arith.constant 1 : i32
    %sub3A_362 = arith.subi %div3A_341, %sub3A_361 : i32
    %select_n3A_363 = arith.select %and3A_360, %sub3A_362, %div3A_341 : i32
    %mul3A_364 = arith.constant 128 : i32
    %mul3A_365 = arith.muli %select_n3A_363, %mul3A_364 : i32
    %multiple_of3A_366 = tpu.assume_multiple %mul3A_365, 128 : i32
    %slice3A_367 = vector.extract_strided_slice %get3A_5 {offsets = [4], sizes = [1], strides = [1]} : vector<16xi32> to vector<1xi32>
    %squeeze3A_368 = vector.extract %slice3A_367[0] : i32 from vector<1xi32>
    %jit3A_369 = arith.constant 128 : i32
    %div3A_370 = arith.divsi %squeeze3A_368, %jit3A_369 : i32
    %sign3A_371 = arith.constant 0 : i32
    %sign3A_372 = arith.cmpi sgt, %squeeze3A_368, %sign3A_371 : i32
    %sign3A_373 = arith.extui %sign3A_372 : i1 to i32
    %sign3A_374 = arith.constant 0 : i32
    %sign3A_375 = arith.cmpi slt, %squeeze3A_368, %sign3A_374 : i32
    %sign3A_376 = arith.extui %sign3A_375 : i1 to i32
    %sign3A_377 = arith.subi %sign3A_373, %sign3A_376 : i32
    %sign3A_378 = arith.constant 0 : i32
    %sign3A_379 = arith.cmpi sgt, %jit3A_369, %sign3A_378 : i32
    %sign3A_380 = arith.extui %sign3A_379 : i1 to i32
    %sign3A_381 = arith.constant 0 : i32
    %sign3A_382 = arith.cmpi slt, %jit3A_369, %sign3A_381 : i32
    %sign3A_383 = arith.extui %sign3A_382 : i1 to i32
    %sign3A_384 = arith.subi %sign3A_380, %sign3A_383 : i32
    %ne3A_385 = arith.cmpi ne, %sign3A_377, %sign3A_384 : i32
    %rem3A_386 = arith.remsi %squeeze3A_368, %jit3A_369 : i32
    %ne3A_387 = arith.constant 0 : i32
    %ne3A_388 = arith.cmpi ne, %rem3A_386, %ne3A_387 : i32
    %and3A_389 = arith.andi %ne3A_385, %ne3A_388 : i1
    %sub3A_390 = arith.constant 1 : i32
    %sub3A_391 = arith.subi %div3A_370, %sub3A_390 : i32
    %select_n3A_392 = arith.select %and3A_389, %sub3A_391, %div3A_370 : i32
    %mul3A_393 = arith.constant 128 : i32
    %mul3A_394 = arith.muli %select_n3A_392, %mul3A_393 : i32
    %multiple_of3A_395 = tpu.assume_multiple %mul3A_394, 128 : i32
    %dma_start3A_396 = arith.constant 0 : i32
    %dma_start3A_397 = arith.constant 4 : i32
    %dma_start3A_398 = arith.constant 0 : i32
    %dma_start3A_399 = arith.constant 0 : i32
    %dma_start3A_400 = tpu.memref_slice %arg9[%dma_start3A_396, %dma_start3A_397, %dma_start3A_398, %dma_start3A_399] : memref<2x8x16x128xf32, #tpu.memory_space<vmem>> -> memref<1x1x16x128xf32, #tpu.memory_space<vmem>>
    %dma_start3A_401 = tpu.memref_squeeze %dma_start3A_400 : memref<1x1x16x128xf32, #tpu.memory_space<vmem>> -> memref<16x128xf32, #tpu.memory_space<vmem>>
    %dma_start3A_402 = arith.constant 0 : i32
    %dma_start3A_403 = tpu.memref_slice %arg4[%dma_start3A_402, %multiple_of3A_366] : memref<16x1000000xf32, #tpu.memory_space<hbm>> -> memref<16x128xf32, #tpu.memory_space<hbm>>
    %dma_start3A_404 = arith.constant 0 : i32
    %dma_start3A_405 = arith.constant 0 : i32
    %dma_start3A_406 = tpu.memref_slice %arg9[%dma_start3A_396, %dma_start3A_397, %dma_start3A_404, %dma_start3A_405] : memref<2x8x16x128xf32, #tpu.memory_space<vmem>> -> memref<1x1x16x128xf32, #tpu.memory_space<vmem>>
    %dma_start3A_407 = tpu.memref_squeeze %dma_start3A_406 : memref<1x1x16x128xf32, #tpu.memory_space<vmem>> -> memref<16x128xf32, #tpu.memory_space<vmem>>
    %dma_start3A_408 = arith.constant 0 : i32
    %dma_start3A_409 = tpu.memref_slice %arg4[%dma_start3A_408, %multiple_of3A_366] : memref<16x1000000xf32, #tpu.memory_space<hbm>> -> memref<16x128xf32, #tpu.memory_space<hbm>>
    tpu.enqueue_dma source(%dma_start3A_409 : memref<16x128xf32, #tpu.memory_space<hbm>>) target(%dma_start3A_407 : memref<16x128xf32, #tpu.memory_space<vmem>>) target_semaphore(%arg13 : memref<!tpu.dma_semaphore, #tpu.memory_space<semaphore_mem>>)
    %dma_start3A_410 = arith.constant 0 : i32
    %dma_start3A_411 = arith.constant 4 : i32
    %dma_start3A_412 = arith.constant 0 : i32
    %dma_start3A_413 = arith.constant 0 : i32
    %dma_start3A_414 = tpu.memref_slice %arg10[%dma_start3A_410, %dma_start3A_411, %dma_start3A_412, %dma_start3A_413] : memref<2x8x16x128xf32, #tpu.memory_space<vmem>> -> memref<1x1x16x128xf32, #tpu.memory_space<vmem>>
    %dma_start3A_415 = tpu.memref_squeeze %dma_start3A_414 : memref<1x1x16x128xf32, #tpu.memory_space<vmem>> -> memref<16x128xf32, #tpu.memory_space<vmem>>
    %dma_start3A_416 = arith.constant 0 : i32
    %dma_start3A_417 = tpu.memref_slice %arg5[%dma_start3A_416, %multiple_of3A_395] : memref<16x1000000xf32, #tpu.memory_space<hbm>> -> memref<16x128xf32, #tpu.memory_space<hbm>>
    %dma_start3A_418 = arith.constant 0 : i32
    %dma_start3A_419 = arith.constant 0 : i32
    %dma_start3A_420 = tpu.memref_slice %arg10[%dma_start3A_410, %dma_start3A_411, %dma_start3A_418, %dma_start3A_419] : memref<2x8x16x128xf32, #tpu.memory_space<vmem>> -> memref<1x1x16x128xf32, #tpu.memory_space<vmem>>
    %dma_start3A_421 = tpu.memref_squeeze %dma_start3A_420 : memref<1x1x16x128xf32, #tpu.memory_space<vmem>> -> memref<16x128xf32, #tpu.memory_space<vmem>>
    %dma_start3A_422 = arith.constant 0 : i32
    %dma_start3A_423 = tpu.memref_slice %arg5[%dma_start3A_422, %multiple_of3A_395] : memref<16x1000000xf32, #tpu.memory_space<hbm>> -> memref<16x128xf32, #tpu.memory_space<hbm>>
    tpu.enqueue_dma source(%dma_start3A_423 : memref<16x128xf32, #tpu.memory_space<hbm>>) target(%dma_start3A_421 : memref<16x128xf32, #tpu.memory_space<vmem>>) target_semaphore(%arg13 : memref<!tpu.dma_semaphore, #tpu.memory_space<semaphore_mem>>)
    %slice3A_424 = vector.extract_strided_slice %get3A_3 {offsets = [5], sizes = [1], strides = [1]} : vector<16xi32> to vector<1xi32>
    %squeeze3A_425 = vector.extract %slice3A_424[0] : i32 from vector<1xi32>
    %jit3A_426 = arith.constant 128 : i32
    %div3A_427 = arith.divsi %squeeze3A_425, %jit3A_426 : i32
    %sign3A_428 = arith.constant 0 : i32
    %sign3A_429 = arith.cmpi sgt, %squeeze3A_425, %sign3A_428 : i32
    %sign3A_430 = arith.extui %sign3A_429 : i1 to i32
    %sign3A_431 = arith.constant 0 : i32
    %sign3A_432 = arith.cmpi slt, %squeeze3A_425, %sign3A_431 : i32
    %sign3A_433 = arith.extui %sign3A_432 : i1 to i32
    %sign3A_434 = arith.subi %sign3A_430, %sign3A_433 : i32
    %sign3A_435 = arith.constant 0 : i32
    %sign3A_436 = arith.cmpi sgt, %jit3A_426, %sign3A_435 : i32
    %sign3A_437 = arith.extui %sign3A_436 : i1 to i32
    %sign3A_438 = arith.constant 0 : i32
    %sign3A_439 = arith.cmpi slt, %jit3A_426, %sign3A_438 : i32
    %sign3A_440 = arith.extui %sign3A_439 : i1 to i32
    %sign3A_441 = arith.subi %sign3A_437, %sign3A_440 : i32
    %ne3A_442 = arith.cmpi ne, %sign3A_434, %sign3A_441 : i32
    %rem3A_443 = arith.remsi %squeeze3A_425, %jit3A_426 : i32
    %ne3A_444 = arith.constant 0 : i32
    %ne3A_445 = arith.cmpi ne, %rem3A_443, %ne3A_444 : i32
    %and3A_446 = arith.andi %ne3A_442, %ne3A_445 : i1
    %sub3A_447 = arith.constant 1 : i32
    %sub3A_448 = arith.subi %div3A_427, %sub3A_447 : i32
    %select_n3A_449 = arith.select %and3A_446, %sub3A_448, %div3A_427 : i32
    %mul3A_450 = arith.constant 128 : i32
    %mul3A_451 = arith.muli %select_n3A_449, %mul3A_450 : i32
    %multiple_of3A_452 = tpu.assume_multiple %mul3A_451, 128 : i32
    %slice3A_453 = vector.extract_strided_slice %get3A_5 {offsets = [5], sizes = [1], strides = [1]} : vector<16xi32> to vector<1xi32>
    %squeeze3A_454 = vector.extract %slice3A_453[0] : i32 from vector<1xi32>
    %jit3A_455 = arith.constant 128 : i32
    %div3A_456 = arith.divsi %squeeze3A_454, %jit3A_455 : i32
    %sign3A_457 = arith.constant 0 : i32
    %sign3A_458 = arith.cmpi sgt, %squeeze3A_454, %sign3A_457 : i32
    %sign3A_459 = arith.extui %sign3A_458 : i1 to i32
    %sign3A_460 = arith.constant 0 : i32
    %sign3A_461 = arith.cmpi slt, %squeeze3A_454, %sign3A_460 : i32
    %sign3A_462 = arith.extui %sign3A_461 : i1 to i32
    %sign3A_463 = arith.subi %sign3A_459, %sign3A_462 : i32
    %sign3A_464 = arith.constant 0 : i32
    %sign3A_465 = arith.cmpi sgt, %jit3A_455, %sign3A_464 : i32
    %sign3A_466 = arith.extui %sign3A_465 : i1 to i32
    %sign3A_467 = arith.constant 0 : i32
    %sign3A_468 = arith.cmpi slt, %jit3A_455, %sign3A_467 : i32
    %sign3A_469 = arith.extui %sign3A_468 : i1 to i32
    %sign3A_470 = arith.subi %sign3A_466, %sign3A_469 : i32
    %ne3A_471 = arith.cmpi ne, %sign3A_463, %sign3A_470 : i32
    %rem3A_472 = arith.remsi %squeeze3A_454, %jit3A_455 : i32
    %ne3A_473 = arith.constant 0 : i32
    %ne3A_474 = arith.cmpi ne, %rem3A_472, %ne3A_473 : i32
    %and3A_475 = arith.andi %ne3A_471, %ne3A_474 : i1
    %sub3A_476 = arith.constant 1 : i32
    %sub3A_477 = arith.subi %div3A_456, %sub3A_476 : i32
    %select_n3A_478 = arith.select %and3A_475, %sub3A_477, %div3A_456 : i32
    %mul3A_479 = arith.constant 128 : i32
    %mul3A_480 = arith.muli %select_n3A_478, %mul3A_479 : i32
    %multiple_of3A_481 = tpu.assume_multiple %mul3A_480, 128 : i32
    %dma_start3A_482 = arith.constant 0 : i32
    %dma_start3A_483 = arith.constant 5 : i32
    %dma_start3A_484 = arith.constant 0 : i32
    %dma_start3A_485 = arith.constant 0 : i32
    %dma_start3A_486 = tpu.memref_slice %arg9[%dma_start3A_482, %dma_start3A_483, %dma_start3A_484, %dma_start3A_485] : memref<2x8x16x128xf32, #tpu.memory_space<vmem>> -> memref<1x1x16x128xf32, #tpu.memory_space<vmem>>
    %dma_start3A_487 = tpu.memref_squeeze %dma_start3A_486 : memref<1x1x16x128xf32, #tpu.memory_space<vmem>> -> memref<16x128xf32, #tpu.memory_space<vmem>>
    %dma_start3A_488 = arith.constant 0 : i32
    %dma_start3A_489 = tpu.memref_slice %arg4[%dma_start3A_488, %multiple_of3A_452] : memref<16x1000000xf32, #tpu.memory_space<hbm>> -> memref<16x128xf32, #tpu.memory_space<hbm>>
    %dma_start3A_490 = arith.constant 0 : i32
    %dma_start3A_491 = arith.constant 0 : i32
    %dma_start3A_492 = tpu.memref_slice %arg9[%dma_start3A_482, %dma_start3A_483, %dma_start3A_490, %dma_start3A_491] : memref<2x8x16x128xf32, #tpu.memory_space<vmem>> -> memref<1x1x16x128xf32, #tpu.memory_space<vmem>>
    %dma_start3A_493 = tpu.memref_squeeze %dma_start3A_492 : memref<1x1x16x128xf32, #tpu.memory_space<vmem>> -> memref<16x128xf32, #tpu.memory_space<vmem>>
    %dma_start3A_494 = arith.constant 0 : i32
    %dma_start3A_495 = tpu.memref_slice %arg4[%dma_start3A_494, %multiple_of3A_452] : memref<16x1000000xf32, #tpu.memory_space<hbm>> -> memref<16x128xf32, #tpu.memory_space<hbm>>
    tpu.enqueue_dma source(%dma_start3A_495 : memref<16x128xf32, #tpu.memory_space<hbm>>) target(%dma_start3A_493 : memref<16x128xf32, #tpu.memory_space<vmem>>) target_semaphore(%arg13 : memref<!tpu.dma_semaphore, #tpu.memory_space<semaphore_mem>>)
    %dma_start3A_496 = arith.constant 0 : i32
    %dma_start3A_497 = arith.constant 5 : i32
    %dma_start3A_498 = arith.constant 0 : i32
    %dma_start3A_499 = arith.constant 0 : i32
    %dma_start3A_500 = tpu.memref_slice %arg10[%dma_start3A_496, %dma_start3A_497, %dma_start3A_498, %dma_start3A_499] : memref<2x8x16x128xf32, #tpu.memory_space<vmem>> -> memref<1x1x16x128xf32, #tpu.memory_space<vmem>>
    %dma_start3A_501 = tpu.memref_squeeze %dma_start3A_500 : memref<1x1x16x128xf32, #tpu.memory_space<vmem>> -> memref<16x128xf32, #tpu.memory_space<vmem>>
    %dma_start3A_502 = arith.constant 0 : i32
    %dma_start3A_503 = tpu.memref_slice %arg5[%dma_start3A_502, %multiple_of3A_481] : memref<16x1000000xf32, #tpu.memory_space<hbm>> -> memref<16x128xf32, #tpu.memory_space<hbm>>
    %dma_start3A_504 = arith.constant 0 : i32
    %dma_start3A_505 = arith.constant 0 : i32
    %dma_start3A_506 = tpu.memref_slice %arg10[%dma_start3A_496, %dma_start3A_497, %dma_start3A_504, %dma_start3A_505] : memref<2x8x16x128xf32, #tpu.memory_space<vmem>> -> memref<1x1x16x128xf32, #tpu.memory_space<vmem>>
    %dma_start3A_507 = tpu.memref_squeeze %dma_start3A_506 : memref<1x1x16x128xf32, #tpu.memory_space<vmem>> -> memref<16x128xf32, #tpu.memory_space<vmem>>
    %dma_start3A_508 = arith.constant 0 : i32
    %dma_start3A_509 = tpu.memref_slice %arg5[%dma_start3A_508, %multiple_of3A_481] : memref<16x1000000xf32, #tpu.memory_space<hbm>> -> memref<16x128xf32, #tpu.memory_space<hbm>>
    tpu.enqueue_dma source(%dma_start3A_509 : memref<16x128xf32, #tpu.memory_space<hbm>>) target(%dma_start3A_507 : memref<16x128xf32, #tpu.memory_space<vmem>>) target_semaphore(%arg13 : memref<!tpu.dma_semaphore, #tpu.memory_space<semaphore_mem>>)
    %slice3A_510 = vector.extract_strided_slice %get3A_3 {offsets = [6], sizes = [1], strides = [1]} : vector<16xi32> to vector<1xi32>
    %squeeze3A_511 = vector.extract %slice3A_510[0] : i32 from vector<1xi32>
    %jit3A_512 = arith.constant 128 : i32
    %div3A_513 = arith.divsi %squeeze3A_511, %jit3A_512 : i32
    %sign3A_514 = arith.constant 0 : i32
    %sign3A_515 = arith.cmpi sgt, %squeeze3A_511, %sign3A_514 : i32
    %sign3A_516 = arith.extui %sign3A_515 : i1 to i32
    %sign3A_517 = arith.constant 0 : i32
    %sign3A_518 = arith.cmpi slt, %squeeze3A_511, %sign3A_517 : i32
    %sign3A_519 = arith.extui %sign3A_518 : i1 to i32
    %sign3A_520 = arith.subi %sign3A_516, %sign3A_519 : i32
    %sign3A_521 = arith.constant 0 : i32
    %sign3A_522 = arith.cmpi sgt, %jit3A_512, %sign3A_521 : i32
    %sign3A_523 = arith.extui %sign3A_522 : i1 to i32
    %sign3A_524 = arith.constant 0 : i32
    %sign3A_525 = arith.cmpi slt, %jit3A_512, %sign3A_524 : i32
    %sign3A_526 = arith.extui %sign3A_525 : i1 to i32
    %sign3A_527 = arith.subi %sign3A_523, %sign3A_526 : i32
    %ne3A_528 = arith.cmpi ne, %sign3A_520, %sign3A_527 : i32
    %rem3A_529 = arith.remsi %squeeze3A_511, %jit3A_512 : i32
    %ne3A_530 = arith.constant 0 : i32
    %ne3A_531 = arith.cmpi ne, %rem3A_529, %ne3A_530 : i32
    %and3A_532 = arith.andi %ne3A_528, %ne3A_531 : i1
    %sub3A_533 = arith.constant 1 : i32
    %sub3A_534 = arith.subi %div3A_513, %sub3A_533 : i32
    %select_n3A_535 = arith.select %and3A_532, %sub3A_534, %div3A_513 : i32
    %mul3A_536 = arith.constant 128 : i32
    %mul3A_537 = arith.muli %select_n3A_535, %mul3A_536 : i32
    %multiple_of3A_538 = tpu.assume_multiple %mul3A_537, 128 : i32
    %slice3A_539 = vector.extract_strided_slice %get3A_5 {offsets = [6], sizes = [1], strides = [1]} : vector<16xi32> to vector<1xi32>
    %squeeze3A_540 = vector.extract %slice3A_539[0] : i32 from vector<1xi32>
    %jit3A_541 = arith.constant 128 : i32
    %div3A_542 = arith.divsi %squeeze3A_540, %jit3A_541 : i32
    %sign3A_543 = arith.constant 0 : i32
    %sign3A_544 = arith.cmpi sgt, %squeeze3A_540, %sign3A_543 : i32
    %sign3A_545 = arith.extui %sign3A_544 : i1 to i32
    %sign3A_546 = arith.constant 0 : i32
    %sign3A_547 = arith.cmpi slt, %squeeze3A_540, %sign3A_546 : i32
    %sign3A_548 = arith.extui %sign3A_547 : i1 to i32
    %sign3A_549 = arith.subi %sign3A_545, %sign3A_548 : i32
    %sign3A_550 = arith.constant 0 : i32
    %sign3A_551 = arith.cmpi sgt, %jit3A_541, %sign3A_550 : i32
    %sign3A_552 = arith.extui %sign3A_551 : i1 to i32
    %sign3A_553 = arith.constant 0 : i32
    %sign3A_554 = arith.cmpi slt, %jit3A_541, %sign3A_553 : i32
    %sign3A_555 = arith.extui %sign3A_554 : i1 to i32
    %sign3A_556 = arith.subi %sign3A_552, %sign3A_555 : i32
    %ne3A_557 = arith.cmpi ne, %sign3A_549, %sign3A_556 : i32
    %rem3A_558 = arith.remsi %squeeze3A_540, %jit3A_541 : i32
    %ne3A_559 = arith.constant 0 : i32
    %ne3A_560 = arith.cmpi ne, %rem3A_558, %ne3A_559 : i32
    %and3A_561 = arith.andi %ne3A_557, %ne3A_560 : i1
    %sub3A_562 = arith.constant 1 : i32
    %sub3A_563 = arith.subi %div3A_542, %sub3A_562 : i32
    %select_n3A_564 = arith.select %and3A_561, %sub3A_563, %div3A_542 : i32
    %mul3A_565 = arith.constant 128 : i32
    %mul3A_566 = arith.muli %select_n3A_564, %mul3A_565 : i32
    %multiple_of3A_567 = tpu.assume_multiple %mul3A_566, 128 : i32
    %dma_start3A_568 = arith.constant 0 : i32
    %dma_start3A_569 = arith.constant 6 : i32
    %dma_start3A_570 = arith.constant 0 : i32
    %dma_start3A_571 = arith.constant 0 : i32
    %dma_start3A_572 = tpu.memref_slice %arg9[%dma_start3A_568, %dma_start3A_569, %dma_start3A_570, %dma_start3A_571] : memref<2x8x16x128xf32, #tpu.memory_space<vmem>> -> memref<1x1x16x128xf32, #tpu.memory_space<vmem>>
    %dma_start3A_573 = tpu.memref_squeeze %dma_start3A_572 : memref<1x1x16x128xf32, #tpu.memory_space<vmem>> -> memref<16x128xf32, #tpu.memory_space<vmem>>
    %dma_start3A_574 = arith.constant 0 : i32
    %dma_start3A_575 = tpu.memref_slice %arg4[%dma_start3A_574, %multiple_of3A_538] : memref<16x1000000xf32, #tpu.memory_space<hbm>> -> memref<16x128xf32, #tpu.memory_space<hbm>>
    %dma_start3A_576 = arith.constant 0 : i32
    %dma_start3A_577 = arith.constant 0 : i32
    %dma_start3A_578 = tpu.memref_slice %arg9[%dma_start3A_568, %dma_start3A_569, %dma_start3A_576, %dma_start3A_577] : memref<2x8x16x128xf32, #tpu.memory_space<vmem>> -> memref<1x1x16x128xf32, #tpu.memory_space<vmem>>
    %dma_start3A_579 = tpu.memref_squeeze %dma_start3A_578 : memref<1x1x16x128xf32, #tpu.memory_space<vmem>> -> memref<16x128xf32, #tpu.memory_space<vmem>>
    %dma_start3A_580 = arith.constant 0 : i32
    %dma_start3A_581 = tpu.memref_slice %arg4[%dma_start3A_580, %multiple_of3A_538] : memref<16x1000000xf32, #tpu.memory_space<hbm>> -> memref<16x128xf32, #tpu.memory_space<hbm>>
    tpu.enqueue_dma source(%dma_start3A_581 : memref<16x128xf32, #tpu.memory_space<hbm>>) target(%dma_start3A_579 : memref<16x128xf32, #tpu.memory_space<vmem>>) target_semaphore(%arg13 : memref<!tpu.dma_semaphore, #tpu.memory_space<semaphore_mem>>)
    %dma_start3A_582 = arith.constant 0 : i32
    %dma_start3A_583 = arith.constant 6 : i32
    %dma_start3A_584 = arith.constant 0 : i32
    %dma_start3A_585 = arith.constant 0 : i32
    %dma_start3A_586 = tpu.memref_slice %arg10[%dma_start3A_582, %dma_start3A_583, %dma_start3A_584, %dma_start3A_585] : memref<2x8x16x128xf32, #tpu.memory_space<vmem>> -> memref<1x1x16x128xf32, #tpu.memory_space<vmem>>
    %dma_start3A_587 = tpu.memref_squeeze %dma_start3A_586 : memref<1x1x16x128xf32, #tpu.memory_space<vmem>> -> memref<16x128xf32, #tpu.memory_space<vmem>>
    %dma_start3A_588 = arith.constant 0 : i32
    %dma_start3A_589 = tpu.memref_slice %arg5[%dma_start3A_588, %multiple_of3A_567] : memref<16x1000000xf32, #tpu.memory_space<hbm>> -> memref<16x128xf32, #tpu.memory_space<hbm>>
    %dma_start3A_590 = arith.constant 0 : i32
    %dma_start3A_591 = arith.constant 0 : i32
    %dma_start3A_592 = tpu.memref_slice %arg10[%dma_start3A_582, %dma_start3A_583, %dma_start3A_590, %dma_start3A_591] : memref<2x8x16x128xf32, #tpu.memory_space<vmem>> -> memref<1x1x16x128xf32, #tpu.memory_space<vmem>>
    %dma_start3A_593 = tpu.memref_squeeze %dma_start3A_592 : memref<1x1x16x128xf32, #tpu.memory_space<vmem>> -> memref<16x128xf32, #tpu.memory_space<vmem>>
    %dma_start3A_594 = arith.constant 0 : i32
    %dma_start3A_595 = tpu.memref_slice %arg5[%dma_start3A_594, %multiple_of3A_567] : memref<16x1000000xf32, #tpu.memory_space<hbm>> -> memref<16x128xf32, #tpu.memory_space<hbm>>
    tpu.enqueue_dma source(%dma_start3A_595 : memref<16x128xf32, #tpu.memory_space<hbm>>) target(%dma_start3A_593 : memref<16x128xf32, #tpu.memory_space<vmem>>) target_semaphore(%arg13 : memref<!tpu.dma_semaphore, #tpu.memory_space<semaphore_mem>>)
    %slice3A_596 = vector.extract_strided_slice %get3A_3 {offsets = [7], sizes = [1], strides = [1]} : vector<16xi32> to vector<1xi32>
    %squeeze3A_597 = vector.extract %slice3A_596[0] : i32 from vector<1xi32>
    %jit3A_598 = arith.constant 128 : i32
    %div3A_599 = arith.divsi %squeeze3A_597, %jit3A_598 : i32
    %sign3A_600 = arith.constant 0 : i32
    %sign3A_601 = arith.cmpi sgt, %squeeze3A_597, %sign3A_600 : i32
    %sign3A_602 = arith.extui %sign3A_601 : i1 to i32
    %sign3A_603 = arith.constant 0 : i32
    %sign3A_604 = arith.cmpi slt, %squeeze3A_597, %sign3A_603 : i32
    %sign3A_605 = arith.extui %sign3A_604 : i1 to i32
    %sign3A_606 = arith.subi %sign3A_602, %sign3A_605 : i32
    %sign3A_607 = arith.constant 0 : i32
    %sign3A_608 = arith.cmpi sgt, %jit3A_598, %sign3A_607 : i32
    %sign3A_609 = arith.extui %sign3A_608 : i1 to i32
    %sign3A_610 = arith.constant 0 : i32
    %sign3A_611 = arith.cmpi slt, %jit3A_598, %sign3A_610 : i32
    %sign3A_612 = arith.extui %sign3A_611 : i1 to i32
    %sign3A_613 = arith.subi %sign3A_609, %sign3A_612 : i32
    %ne3A_614 = arith.cmpi ne, %sign3A_606, %sign3A_613 : i32
    %rem3A_615 = arith.remsi %squeeze3A_597, %jit3A_598 : i32
    %ne3A_616 = arith.constant 0 : i32
    %ne3A_617 = arith.cmpi ne, %rem3A_615, %ne3A_616 : i32
    %and3A_618 = arith.andi %ne3A_614, %ne3A_617 : i1
    %sub3A_619 = arith.constant 1 : i32
    %sub3A_620 = arith.subi %div3A_599, %sub3A_619 : i32
    %select_n3A_621 = arith.select %and3A_618, %sub3A_620, %div3A_599 : i32
    %mul3A_622 = arith.constant 128 : i32
    %mul3A_623 = arith.muli %select_n3A_621, %mul3A_622 : i32
    %multiple_of3A_624 = tpu.assume_multiple %mul3A_623, 128 : i32
    %slice3A_625 = vector.extract_strided_slice %get3A_5 {offsets = [7], sizes = [1], strides = [1]} : vector<16xi32> to vector<1xi32>
    %squeeze3A_626 = vector.extract %slice3A_625[0] : i32 from vector<1xi32>
    %jit3A_627 = arith.constant 128 : i32
    %div3A_628 = arith.divsi %squeeze3A_626, %jit3A_627 : i32
    %sign3A_629 = arith.constant 0 : i32
    %sign3A_630 = arith.cmpi sgt, %squeeze3A_626, %sign3A_629 : i32
    %sign3A_631 = arith.extui %sign3A_630 : i1 to i32
    %sign3A_632 = arith.constant 0 : i32
    %sign3A_633 = arith.cmpi slt, %squeeze3A_626, %sign3A_632 : i32
    %sign3A_634 = arith.extui %sign3A_633 : i1 to i32
    %sign3A_635 = arith.subi %sign3A_631, %sign3A_634 : i32
    %sign3A_636 = arith.constant 0 : i32
    %sign3A_637 = arith.cmpi sgt, %jit3A_627, %sign3A_636 : i32
    %sign3A_638 = arith.extui %sign3A_637 : i1 to i32
    %sign3A_639 = arith.constant 0 : i32
    %sign3A_640 = arith.cmpi slt, %jit3A_627, %sign3A_639 : i32
    %sign3A_641 = arith.extui %sign3A_640 : i1 to i32
    %sign3A_642 = arith.subi %sign3A_638, %sign3A_641 : i32
    %ne3A_643 = arith.cmpi ne, %sign3A_635, %sign3A_642 : i32
    %rem3A_644 = arith.remsi %squeeze3A_626, %jit3A_627 : i32
    %ne3A_645 = arith.constant 0 : i32
    %ne3A_646 = arith.cmpi ne, %rem3A_644, %ne3A_645 : i32
    %and3A_647 = arith.andi %ne3A_643, %ne3A_646 : i1
    %sub3A_648 = arith.constant 1 : i32
    %sub3A_649 = arith.subi %div3A_628, %sub3A_648 : i32
    %select_n3A_650 = arith.select %and3A_647, %sub3A_649, %div3A_628 : i32
    %mul3A_651 = arith.constant 128 : i32
    %mul3A_652 = arith.muli %select_n3A_650, %mul3A_651 : i32
    %multiple_of3A_653 = tpu.assume_multiple %mul3A_652, 128 : i32
    %dma_start3A_654 = arith.constant 0 : i32
    %dma_start3A_655 = arith.constant 7 : i32
    %dma_start3A_656 = arith.constant 0 : i32
    %dma_start3A_657 = arith.constant 0 : i32
    %dma_start3A_658 = tpu.memref_slice %arg9[%dma_start3A_654, %dma_start3A_655, %dma_start3A_656, %dma_start3A_657] : memref<2x8x16x128xf32, #tpu.memory_space<vmem>> -> memref<1x1x16x128xf32, #tpu.memory_space<vmem>>
    %dma_start3A_659 = tpu.memref_squeeze %dma_start3A_658 : memref<1x1x16x128xf32, #tpu.memory_space<vmem>> -> memref<16x128xf32, #tpu.memory_space<vmem>>
    %dma_start3A_660 = arith.constant 0 : i32
    %dma_start3A_661 = tpu.memref_slice %arg4[%dma_start3A_660, %multiple_of3A_624] : memref<16x1000000xf32, #tpu.memory_space<hbm>> -> memref<16x128xf32, #tpu.memory_space<hbm>>
    %dma_start3A_662 = arith.constant 0 : i32
    %dma_start3A_663 = arith.constant 0 : i32
    %dma_start3A_664 = tpu.memref_slice %arg9[%dma_start3A_654, %dma_start3A_655, %dma_start3A_662, %dma_start3A_663] : memref<2x8x16x128xf32, #tpu.memory_space<vmem>> -> memref<1x1x16x128xf32, #tpu.memory_space<vmem>>
    %dma_start3A_665 = tpu.memref_squeeze %dma_start3A_664 : memref<1x1x16x128xf32, #tpu.memory_space<vmem>> -> memref<16x128xf32, #tpu.memory_space<vmem>>
    %dma_start3A_666 = arith.constant 0 : i32
    %dma_start3A_667 = tpu.memref_slice %arg4[%dma_start3A_666, %multiple_of3A_624] : memref<16x1000000xf32, #tpu.memory_space<hbm>> -> memref<16x128xf32, #tpu.memory_space<hbm>>
    tpu.enqueue_dma source(%dma_start3A_667 : memref<16x128xf32, #tpu.memory_space<hbm>>) target(%dma_start3A_665 : memref<16x128xf32, #tpu.memory_space<vmem>>) target_semaphore(%arg13 : memref<!tpu.dma_semaphore, #tpu.memory_space<semaphore_mem>>)
    %dma_start3A_668 = arith.constant 0 : i32
    %dma_start3A_669 = arith.constant 7 : i32
    %dma_start3A_670 = arith.constant 0 : i32
    %dma_start3A_671 = arith.constant 0 : i32
    %dma_start3A_672 = tpu.memref_slice %arg10[%dma_start3A_668, %dma_start3A_669, %dma_start3A_670, %dma_start3A_671] : memref<2x8x16x128xf32, #tpu.memory_space<vmem>> -> memref<1x1x16x128xf32, #tpu.memory_space<vmem>>
    %dma_start3A_673 = tpu.memref_squeeze %dma_start3A_672 : memref<1x1x16x128xf32, #tpu.memory_space<vmem>> -> memref<16x128xf32, #tpu.memory_space<vmem>>
    %dma_start3A_674 = arith.constant 0 : i32
    %dma_start3A_675 = tpu.memref_slice %arg5[%dma_start3A_674, %multiple_of3A_653] : memref<16x1000000xf32, #tpu.memory_space<hbm>> -> memref<16x128xf32, #tpu.memory_space<hbm>>
    %dma_start3A_676 = arith.constant 0 : i32
    %dma_start3A_677 = arith.constant 0 : i32
    %dma_start3A_678 = tpu.memref_slice %arg10[%dma_start3A_668, %dma_start3A_669, %dma_start3A_676, %dma_start3A_677] : memref<2x8x16x128xf32, #tpu.memory_space<vmem>> -> memref<1x1x16x128xf32, #tpu.memory_space<vmem>>
    %dma_start3A_679 = tpu.memref_squeeze %dma_start3A_678 : memref<1x1x16x128xf32, #tpu.memory_space<vmem>> -> memref<16x128xf32, #tpu.memory_space<vmem>>
    %dma_start3A_680 = arith.constant 0 : i32
    %dma_start3A_681 = tpu.memref_slice %arg5[%dma_start3A_680, %multiple_of3A_653] : memref<16x1000000xf32, #tpu.memory_space<hbm>> -> memref<16x128xf32, #tpu.memory_space<hbm>>
    tpu.enqueue_dma source(%dma_start3A_681 : memref<16x128xf32, #tpu.memory_space<hbm>>) target(%dma_start3A_679 : memref<16x128xf32, #tpu.memory_space<vmem>>) target_semaphore(%arg13 : memref<!tpu.dma_semaphore, #tpu.memory_space<semaphore_mem>>)
    %get3A_682 = arith.constant 0 : index
    %get3A_683 = tpu.vector_load %arg7[%get3A_682] {strides = array<i32>} : memref<512xi32, #tpu.memory_space<vmem>>, vector<16xi32>,
    %get3A_684 = arith.constant 0 : index
    %get3A_685 = tpu.vector_load %arg8[%get3A_684] {strides = array<i32>} : memref<512xi32, #tpu.memory_space<vmem>>, vector<16xi32>,
    %slice3A_686 = vector.extract_strided_slice %get3A_683 {offsets = [8], sizes = [1], strides = [1]} : vector<16xi32> to vector<1xi32>
    %squeeze3A_687 = vector.extract %slice3A_686[0] : i32 from vector<1xi32>
    %jit3A_688 = arith.constant 128 : i32
    %div3A_689 = arith.divsi %squeeze3A_687, %jit3A_688 : i32
    %sign3A_690 = arith.constant 0 : i32
    %sign3A_691 = arith.cmpi sgt, %squeeze3A_687, %sign3A_690 : i32
    %sign3A_692 = arith.extui %sign3A_691 : i1 to i32
    %sign3A_693 = arith.constant 0 : i32
    %sign3A_694 = arith.cmpi slt, %squeeze3A_687, %sign3A_693 : i32
    %sign3A_695 = arith.extui %sign3A_694 : i1 to i32
    %sign3A_696 = arith.subi %sign3A_692, %sign3A_695 : i32
    %sign3A_697 = arith.constant 0 : i32
    %sign3A_698 = arith.cmpi sgt, %jit3A_688, %sign3A_697 : i32
    %sign3A_699 = arith.extui %sign3A_698 : i1 to i32
    %sign3A_700 = arith.constant 0 : i32
    %sign3A_701 = arith.cmpi slt, %jit3A_688, %sign3A_700 : i32
    %sign3A_702 = arith.extui %sign3A_701 : i1 to i32
    %sign3A_703 = arith.subi %sign3A_699, %sign3A_702 : i32
    %ne3A_704 = arith.cmpi ne, %sign3A_696, %sign3A_703 : i32
    %rem3A_705 = arith.remsi %squeeze3A_687, %jit3A_688 : i32
    %ne3A_706 = arith.constant 0 : i32
    %ne3A_707 = arith.cmpi ne, %rem3A_705, %ne3A_706 : i32
    %and3A_708 = arith.andi %ne3A_704, %ne3A_707 : i1
    %sub3A_709 = arith.constant 1 : i32
    %sub3A_710 = arith.subi %div3A_689, %sub3A_709 : i32
    %select_n3A_711 = arith.select %and3A_708, %sub3A_710, %div3A_689 : i32
    %mul3A_712 = arith.constant 128 : i32
    %mul3A_713 = arith.muli %select_n3A_711, %mul3A_712 : i32
    %multiple_of3A_714 = tpu.assume_multiple %mul3A_713, 128 : i32
    %slice3A_715 = vector.extract_strided_slice %get3A_685 {offsets = [8], sizes = [1], strides = [1]} : vector<16xi32> to vector<1xi32>
    %squeeze3A_716 = vector.extract %slice3A_715[0] : i32 from vector<1xi32>
    %jit3A_717 = arith.constant 128 : i32
    %div3A_718 = arith.divsi %squeeze3A_716, %jit3A_717 : i32
    %sign3A_719 = arith.constant 0 : i32
    %sign3A_720 = arith.cmpi sgt, %squeeze3A_716, %sign3A_719 : i32
    %sign3A_721 = arith.extui %sign3A_720 : i1 to i32
    %sign3A_722 = arith.constant 0 : i32
    %sign3A_723 = arith.cmpi slt, %squeeze3A_716, %sign3A_722 : i32
    %sign3A_724 = arith.extui %sign3A_723 : i1 to i32
    %sign3A_725 = arith.subi %sign3A_721, %sign3A_724 : i32
    %sign3A_726 = arith.constant 0 : i32
    %sign3A_727 = arith.cmpi sgt, %jit3A_717, %sign3A_726 : i32
    %sign3A_728 = arith.extui %sign3A_727 : i1 to i32
    %sign3A_729 = arith.constant 0 : i32
    %sign3A_730 = arith.cmpi slt, %jit3A_717, %sign3A_729 : i32
    %sign3A_731 = arith.extui %sign3A_730 : i1 to i32
    %sign3A_732 = arith.subi %sign3A_728, %sign3A_731 : i32
    %ne3A_733 = arith.cmpi ne, %sign3A_725, %sign3A_732 : i32
    %rem3A_734 = arith.remsi %squeeze3A_716, %jit3A_717 : i32
    %ne3A_735 = arith.constant 0 : i32
    %ne3A_736 = arith.cmpi ne, %rem3A_734, %ne3A_735 : i32
    %and3A_737 = arith.andi %ne3A_733, %ne3A_736 : i1
    %sub3A_738 = arith.constant 1 : i32
    %sub3A_739 = arith.subi %div3A_718, %sub3A_738 : i32
    %select_n3A_740 = arith.select %and3A_737, %sub3A_739, %div3A_718 : i32
    %mul3A_741 = arith.constant 128 : i32
    %mul3A_742 = arith.muli %select_n3A_740, %mul3A_741 : i32
    %multiple_of3A_743 = tpu.assume_multiple %mul3A_742, 128 : i32
    %dma_start3A_744 = arith.constant 1 : i32
    %dma_start3A_745 = arith.constant 0 : i32
    %dma_start3A_746 = arith.constant 0 : i32
    %dma_start3A_747 = arith.constant 0 : i32
    %dma_start3A_748 = tpu.memref_slice %arg9[%dma_start3A_744, %dma_start3A_745, %dma_start3A_746, %dma_start3A_747] : memref<2x8x16x128xf32, #tpu.memory_space<vmem>> -> memref<1x1x16x128xf32, #tpu.memory_space<vmem>>
    %dma_start3A_749 = tpu.memref_squeeze %dma_start3A_748 : memref<1x1x16x128xf32, #tpu.memory_space<vmem>> -> memref<16x128xf32, #tpu.memory_space<vmem>>
    %dma_start3A_750 = arith.constant 0 : i32
    %dma_start3A_751 = tpu.memref_slice %arg4[%dma_start3A_750, %multiple_of3A_714] : memref<16x1000000xf32, #tpu.memory_space<hbm>> -> memref<16x128xf32, #tpu.memory_space<hbm>>
    %dma_start3A_752 = arith.constant 0 : i32
    %dma_start3A_753 = arith.constant 0 : i32
    %dma_start3A_754 = tpu.memref_slice %arg9[%dma_start3A_744, %dma_start3A_745, %dma_start3A_752, %dma_start3A_753] : memref<2x8x16x128xf32, #tpu.memory_space<vmem>> -> memref<1x1x16x128xf32, #tpu.memory_space<vmem>>
    %dma_start3A_755 = tpu.memref_squeeze %dma_start3A_754 : memref<1x1x16x128xf32, #tpu.memory_space<vmem>> -> memref<16x128xf32, #tpu.memory_space<vmem>>
    %dma_start3A_756 = arith.constant 0 : i32
    %dma_start3A_757 = tpu.memref_slice %arg4[%dma_start3A_756, %multiple_of3A_714] : memref<16x1000000xf32, #tpu.memory_space<hbm>> -> memref<16x128xf32, #tpu.memory_space<hbm>>
    tpu.enqueue_dma source(%dma_start3A_757 : memref<16x128xf32, #tpu.memory_space<hbm>>) target(%dma_start3A_755 : memref<16x128xf32, #tpu.memory_space<vmem>>) target_semaphore(%arg14 : memref<!tpu.dma_semaphore, #tpu.memory_space<semaphore_mem>>)
    %dma_start3A_758 = arith.constant 1 : i32
    %dma_start3A_759 = arith.constant 0 : i32
    %dma_start3A_760 = arith.constant 0 : i32
    %dma_start3A_761 = arith.constant 0 : i32
    %dma_start3A_762 = tpu.memref_slice %arg10[%dma_start3A_758, %dma_start3A_759, %dma_start3A_760, %dma_start3A_761] : memref<2x8x16x128xf32, #tpu.memory_space<vmem>> -> memref<1x1x16x128xf32, #tpu.memory_space<vmem>>
    %dma_start3A_763 = tpu.memref_squeeze %dma_start3A_762 : memref<1x1x16x128xf32, #tpu.memory_space<vmem>> -> memref<16x128xf32, #tpu.memory_space<vmem>>
    %dma_start3A_764 = arith.constant 0 : i32
    %dma_start3A_765 = tpu.memref_slice %arg5[%dma_start3A_764, %multiple_of3A_743] : memref<16x1000000xf32, #tpu.memory_space<hbm>> -> memref<16x128xf32, #tpu.memory_space<hbm>>
    %dma_start3A_766 = arith.constant 0 : i32
    %dma_start3A_767 = arith.constant 0 : i32
    %dma_start3A_768 = tpu.memref_slice %arg10[%dma_start3A_758, %dma_start3A_759, %dma_start3A_766, %dma_start3A_767] : memref<2x8x16x128xf32, #tpu.memory_space<vmem>> -> memref<1x1x16x128xf32, #tpu.memory_space<vmem>>
    %dma_start3A_769 = tpu.memref_squeeze %dma_start3A_768 : memref<1x1x16x128xf32, #tpu.memory_space<vmem>> -> memref<16x128xf32, #tpu.memory_space<vmem>>
    %dma_start3A_770 = arith.constant 0 : i32
    %dma_start3A_771 = tpu.memref_slice %arg5[%dma_start3A_770, %multiple_of3A_743] : memref<16x1000000xf32, #tpu.memory_space<hbm>> -> memref<16x128xf32, #tpu.memory_space<hbm>>
    tpu.enqueue_dma source(%dma_start3A_771 : memref<16x128xf32, #tpu.memory_space<hbm>>) target(%dma_start3A_769 : memref<16x128xf32, #tpu.memory_space<vmem>>) target_semaphore(%arg14 : memref<!tpu.dma_semaphore, #tpu.memory_space<semaphore_mem>>)
    %slice3A_772 = vector.extract_strided_slice %get3A_683 {offsets = [9], sizes = [1], strides = [1]} : vector<16xi32> to vector<1xi32>
    %squeeze3A_773 = vector.extract %slice3A_772[0] : i32 from vector<1xi32>
    %jit3A_774 = arith.constant 128 : i32
    %div3A_775 = arith.divsi %squeeze3A_773, %jit3A_774 : i32
    %sign3A_776 = arith.constant 0 : i32
    %sign3A_777 = arith.cmpi sgt, %squeeze3A_773, %sign3A_776 : i32
    %sign3A_778 = arith.extui %sign3A_777 : i1 to i32
    %sign3A_779 = arith.constant 0 : i32
    %sign3A_780 = arith.cmpi slt, %squeeze3A_773, %sign3A_779 : i32
    %sign3A_781 = arith.extui %sign3A_780 : i1 to i32
    %sign3A_782 = arith.subi %sign3A_778, %sign3A_781 : i32
    %sign3A_783 = arith.constant 0 : i32
    %sign3A_784 = arith.cmpi sgt, %jit3A_774, %sign3A_783 : i32
    %sign3A_785 = arith.extui %sign3A_784 : i1 to i32
    %sign3A_786 = arith.constant 0 : i32
    %sign3A_787 = arith.cmpi slt, %jit3A_774, %sign3A_786 : i32
    %sign3A_788 = arith.extui %sign3A_787 : i1 to i32
    %sign3A_789 = arith.subi %sign3A_785, %sign3A_788 : i32
    %ne3A_790 = arith.cmpi ne, %sign3A_782, %sign3A_789 : i32
    %rem3A_791 = arith.remsi %squeeze3A_773, %jit3A_774 : i32
    %ne3A_792 = arith.constant 0 : i32
    %ne3A_793 = arith.cmpi ne, %rem3A_791, %ne3A_792 : i32
    %and3A_794 = arith.andi %ne3A_790, %ne3A_793 : i1
    %sub3A_795 = arith.constant 1 : i32
    %sub3A_796 = arith.subi %div3A_775, %sub3A_795 : i32
    %select_n3A_797 = arith.select %and3A_794, %sub3A_796, %div3A_775 : i32
    %mul3A_798 = arith.constant 128 : i32
    %mul3A_799 = arith.muli %select_n3A_797, %mul3A_798 : i32
    %multiple_of3A_800 = tpu.assume_multiple %mul3A_799, 128 : i32
    %slice3A_801 = vector.extract_strided_slice %get3A_685 {offsets = [9], sizes = [1], strides = [1]} : vector<16xi32> to vector<1xi32>
    %squeeze3A_802 = vector.extract %slice3A_801[0] : i32 from vector<1xi32>
    %jit3A_803 = arith.constant 128 : i32
    %div3A_804 = arith.divsi %squeeze3A_802, %jit3A_803 : i32
    %sign3A_805 = arith.constant 0 : i32
    %sign3A_806 = arith.cmpi sgt, %squeeze3A_802, %sign3A_805 : i32
    %sign3A_807 = arith.extui %sign3A_806 : i1 to i32
    %sign3A_808 = arith.constant 0 : i32
    %sign3A_809 = arith.cmpi slt, %squeeze3A_802, %sign3A_808 : i32
    %sign3A_810 = arith.extui %sign3A_809 : i1 to i32
    %sign3A_811 = arith.subi %sign3A_807, %sign3A_810 : i32
    %sign3A_812 = arith.constant 0 : i32
    %sign3A_813 = arith.cmpi sgt, %jit3A_803, %sign3A_812 : i32
    %sign3A_814 = arith.extui %sign3A_813 : i1 to i32
    %sign3A_815 = arith.constant 0 : i32
    %sign3A_816 = arith.cmpi slt, %jit3A_803, %sign3A_815 : i32
    %sign3A_817 = arith.extui %sign3A_816 : i1 to i32
    %sign3A_818 = arith.subi %sign3A_814, %sign3A_817 : i32
    %ne3A_819 = arith.cmpi ne, %sign3A_811, %sign3A_818 : i32
    %rem3A_820 = arith.remsi %squeeze3A_802, %jit3A_803 : i32
    %ne3A_821 = arith.constant 0 : i32
    %ne3A_822 = arith.cmpi ne, %rem3A_820, %ne3A_821 : i32
    %and3A_823 = arith.andi %ne3A_819, %ne3A_822 : i1
    %sub3A_824 = arith.constant 1 : i32
    %sub3A_825 = arith.subi %div3A_804, %sub3A_824 : i32
    %select_n3A_826 = arith.select %and3A_823, %sub3A_825, %div3A_804 : i32
    %mul3A_827 = arith.constant 128 : i32
    %mul3A_828 = arith.muli %select_n3A_826, %mul3A_827 : i32
    %multiple_of3A_829 = tpu.assume_multiple %mul3A_828, 128 : i32
    %dma_start3A_830 = arith.constant 1 : i32
    %dma_start3A_831 = arith.constant 1 : i32
    %dma_start3A_832 = arith.constant 0 : i32
    %dma_start3A_833 = arith.constant 0 : i32
    %dma_start3A_834 = tpu.memref_slice %arg9[%dma_start3A_830, %dma_start3A_831, %dma_start3A_832, %dma_start3A_833] : memref<2x8x16x128xf32, #tpu.memory_space<vmem>> -> memref<1x1x16x128xf32, #tpu.memory_space<vmem>>
    %dma_start3A_835 = tpu.memref_squeeze %dma_start3A_834 : memref<1x1x16x128xf32, #tpu.memory_space<vmem>> -> memref<16x128xf32, #tpu.memory_space<vmem>>
    %dma_start3A_836 = arith.constant 0 : i32
    %dma_start3A_837 = tpu.memref_slice %arg4[%dma_start3A_836, %multiple_of3A_800] : memref<16x1000000xf32, #tpu.memory_space<hbm>> -> memref<16x128xf32, #tpu.memory_space<hbm>>
    %dma_start3A_838 = arith.constant 0 : i32
    %dma_start3A_839 = arith.constant 0 : i32
    %dma_start3A_840 = tpu.memref_slice %arg9[%dma_start3A_830, %dma_start3A_831, %dma_start3A_838, %dma_start3A_839] : memref<2x8x16x128xf32, #tpu.memory_space<vmem>> -> memref<1x1x16x128xf32, #tpu.memory_space<vmem>>
    %dma_start3A_841 = tpu.memref_squeeze %dma_start3A_840 : memref<1x1x16x128xf32, #tpu.memory_space<vmem>> -> memref<16x128xf32, #tpu.memory_space<vmem>>
    %dma_start3A_842 = arith.constant 0 : i32
    %dma_start3A_843 = tpu.memref_slice %arg4[%dma_start3A_842, %multiple_of3A_800] : memref<16x1000000xf32, #tpu.memory_space<hbm>> -> memref<16x128xf32, #tpu.memory_space<hbm>>
    tpu.enqueue_dma source(%dma_start3A_843 : memref<16x128xf32, #tpu.memory_space<hbm>>) target(%dma_start3A_841 : memref<16x128xf32, #tpu.memory_space<vmem>>) target_semaphore(%arg14 : memref<!tpu.dma_semaphore, #tpu.memory_space<semaphore_mem>>)
    %dma_start3A_844 = arith.constant 1 : i32
    %dma_start3A_845 = arith.constant 1 : i32
    %dma_start3A_846 = arith.constant 0 : i32
    %dma_start3A_847 = arith.constant 0 : i32
    %dma_start3A_848 = tpu.memref_slice %arg10[%dma_start3A_844, %dma_start3A_845, %dma_start3A_846, %dma_start3A_847] : memref<2x8x16x128xf32, #tpu.memory_space<vmem>> -> memref<1x1x16x128xf32, #tpu.memory_space<vmem>>
    %dma_start3A_849 = tpu.memref_squeeze %dma_start3A_848 : memref<1x1x16x128xf32, #tpu.memory_space<vmem>> -> memref<16x128xf32, #tpu.memory_space<vmem>>
    %dma_start3A_850 = arith.constant 0 : i32
    %dma_start3A_851 = tpu.memref_slice %arg5[%dma_start3A_850, %multiple_of3A_829] : memref<16x1000000xf32, #tpu.memory_space<hbm>> -> memref<16x128xf32, #tpu.memory_space<hbm>>
    %dma_start3A_852 = arith.constant 0 : i32
    %dma_start3A_853 = arith.constant 0 : i32
    %dma_start3A_854 = tpu.memref_slice %arg10[%dma_start3A_844, %dma_start3A_845, %dma_start3A_852, %dma_start3A_853] : memref<2x8x16x128xf32, #tpu.memory_space<vmem>> -> memref<1x1x16x128xf32, #tpu.memory_space<vmem>>
    %dma_start3A_855 = tpu.memref_squeeze %dma_start3A_854 : memref<1x1x16x128xf32, #tpu.memory_space<vmem>> -> memref<16x128xf32, #tpu.memory_space<vmem>>
    %dma_start3A_856 = arith.constant 0 : i32
    %dma_start3A_857 = tpu.memref_slice %arg5[%dma_start3A_856, %multiple_of3A_829] : memref<16x1000000xf32, #tpu.memory_space<hbm>> -> memref<16x128xf32, #tpu.memory_space<hbm>>
    tpu.enqueue_dma source(%dma_start3A_857 : memref<16x128xf32, #tpu.memory_space<hbm>>) target(%dma_start3A_855 : memref<16x128xf32, #tpu.memory_space<vmem>>) target_semaphore(%arg14 : memref<!tpu.dma_semaphore, #tpu.memory_space<semaphore_mem>>)
    %slice3A_858 = vector.extract_strided_slice %get3A_683 {offsets = [10], sizes = [1], strides = [1]} : vector<16xi32> to vector<1xi32>
    %squeeze3A_859 = vector.extract %slice3A_858[0] : i32 from vector<1xi32>
    %jit3A_860 = arith.constant 128 : i32
    %div3A_861 = arith.divsi %squeeze3A_859, %jit3A_860 : i32
    %sign3A_862 = arith.constant 0 : i32
    %sign3A_863 = arith.cmpi sgt, %squeeze3A_859, %sign3A_862 : i32
    %sign3A_864 = arith.extui %sign3A_863 : i1 to i32
    %sign3A_865 = arith.constant 0 : i32
    %sign3A_866 = arith.cmpi slt, %squeeze3A_859, %sign3A_865 : i32
    %sign3A_867 = arith.extui %sign3A_866 : i1 to i32
    %sign3A_868 = arith.subi %sign3A_864, %sign3A_867 : i32
    %sign3A_869 = arith.constant 0 : i32
    %sign3A_870 = arith.cmpi sgt, %jit3A_860, %sign3A_869 : i32
    %sign3A_871 = arith.extui %sign3A_870 : i1 to i32
    %sign3A_872 = arith.constant 0 : i32
    %sign3A_873 = arith.cmpi slt, %jit3A_860, %sign3A_872 : i32
    %sign3A_874 = arith.extui %sign3A_873 : i1 to i32
    %sign3A_875 = arith.subi %sign3A_871, %sign3A_874 : i32
    %ne3A_876 = arith.cmpi ne, %sign3A_868, %sign3A_875 : i32
    %rem3A_877 = arith.remsi %squeeze3A_859, %jit3A_860 : i32
    %ne3A_878 = arith.constant 0 : i32
    %ne3A_879 = arith.cmpi ne, %rem3A_877, %ne3A_878 : i32
    %and3A_880 = arith.andi %ne3A_876, %ne3A_879 : i1
    %sub3A_881 = arith.constant 1 : i32
    %sub3A_882 = arith.subi %div3A_861, %sub3A_881 : i32
    %select_n3A_883 = arith.select %and3A_880, %sub3A_882, %div3A_861 : i32
    %mul3A_884 = arith.constant 128 : i32
    %mul3A_885 = arith.muli %select_n3A_883, %mul3A_884 : i32
    %multiple_of3A_886 = tpu.assume_multiple %mul3A_885, 128 : i32
    %slice3A_887 = vector.extract_strided_slice %get3A_685 {offsets = [10], sizes = [1], strides = [1]} : vector<16xi32> to vector<1xi32>
    %squeeze3A_888 = vector.extract %slice3A_887[0] : i32 from vector<1xi32>
    %jit3A_889 = arith.constant 128 : i32
    %div3A_890 = arith.divsi %squeeze3A_888, %jit3A_889 : i32
    %sign3A_891 = arith.constant 0 : i32
    %sign3A_892 = arith.cmpi sgt, %squeeze3A_888, %sign3A_891 : i32
    %sign3A_893 = arith.extui %sign3A_892 : i1 to i32
    %sign3A_894 = arith.constant 0 : i32
    %sign3A_895 = arith.cmpi slt, %squeeze3A_888, %sign3A_894 : i32
    %sign3A_896 = arith.extui %sign3A_895 : i1 to i32
    %sign3A_897 = arith.subi %sign3A_893, %sign3A_896 : i32
    %sign3A_898 = arith.constant 0 : i32
    %sign3A_899 = arith.cmpi sgt, %jit3A_889, %sign3A_898 : i32
    %sign3A_900 = arith.extui %sign3A_899 : i1 to i32
    %sign3A_901 = arith.constant 0 : i32
    %sign3A_902 = arith.cmpi slt, %jit3A_889, %sign3A_901 : i32
    %sign3A_903 = arith.extui %sign3A_902 : i1 to i32
    %sign3A_904 = arith.subi %sign3A_900, %sign3A_903 : i32
    %ne3A_905 = arith.cmpi ne, %sign3A_897, %sign3A_904 : i32
    %rem3A_906 = arith.remsi %squeeze3A_888, %jit3A_889 : i32
    %ne3A_907 = arith.constant 0 : i32
    %ne3A_908 = arith.cmpi ne, %rem3A_906, %ne3A_907 : i32
    %and3A_909 = arith.andi %ne3A_905, %ne3A_908 : i1
    %sub3A_910 = arith.constant 1 : i32
    %sub3A_911 = arith.subi %div3A_890, %sub3A_910 : i32
    %select_n3A_912 = arith.select %and3A_909, %sub3A_911, %div3A_890 : i32
    %mul3A_913 = arith.constant 128 : i32
    %mul3A_914 = arith.muli %select_n3A_912, %mul3A_913 : i32
    %multiple_of3A_915 = tpu.assume_multiple %mul3A_914, 128 : i32
    %dma_start3A_916 = arith.constant 1 : i32
    %dma_start3A_917 = arith.constant 2 : i32
    %dma_start3A_918 = arith.constant 0 : i32
    %dma_start3A_919 = arith.constant 0 : i32
    %dma_start3A_920 = tpu.memref_slice %arg9[%dma_start3A_916, %dma_start3A_917, %dma_start3A_918, %dma_start3A_919] : memref<2x8x16x128xf32, #tpu.memory_space<vmem>> -> memref<1x1x16x128xf32, #tpu.memory_space<vmem>>
    %dma_start3A_921 = tpu.memref_squeeze %dma_start3A_920 : memref<1x1x16x128xf32, #tpu.memory_space<vmem>> -> memref<16x128xf32, #tpu.memory_space<vmem>>
    %dma_start3A_922 = arith.constant 0 : i32
    %dma_start3A_923 = tpu.memref_slice %arg4[%dma_start3A_922, %multiple_of3A_886] : memref<16x1000000xf32, #tpu.memory_space<hbm>> -> memref<16x128xf32, #tpu.memory_space<hbm>>
    %dma_start3A_924 = arith.constant 0 : i32
    %dma_start3A_925 = arith.constant 0 : i32
    %dma_start3A_926 = tpu.memref_slice %arg9[%dma_start3A_916, %dma_start3A_917, %dma_start3A_924, %dma_start3A_925] : memref<2x8x16x128xf32, #tpu.memory_space<vmem>> -> memref<1x1x16x128xf32, #tpu.memory_space<vmem>>
    %dma_start3A_927 = tpu.memref_squeeze %dma_start3A_926 : memref<1x1x16x128xf32, #tpu.memory_space<vmem>> -> memref<16x128xf32, #tpu.memory_space<vmem>>
    %dma_start3A_928 = arith.constant 0 : i32
    %dma_start3A_929 = tpu.memref_slice %arg4[%dma_start3A_928, %multiple_of3A_886] : memref<16x1000000xf32, #tpu.memory_space<hbm>> -> memref<16x128xf32, #tpu.memory_space<hbm>>
    tpu.enqueue_dma source(%dma_start3A_929 : memref<16x128xf32, #tpu.memory_space<hbm>>) target(%dma_start3A_927 : memref<16x128xf32, #tpu.memory_space<vmem>>) target_semaphore(%arg14 : memref<!tpu.dma_semaphore, #tpu.memory_space<semaphore_mem>>)
    %dma_start3A_930 = arith.constant 1 : i32
    %dma_start3A_931 = arith.constant 2 : i32
    %dma_start3A_932 = arith.constant 0 : i32
    %dma_start3A_933 = arith.constant 0 : i32
    %dma_start3A_934 = tpu.memref_slice %arg10[%dma_start3A_930, %dma_start3A_931, %dma_start3A_932, %dma_start3A_933] : memref<2x8x16x128xf32, #tpu.memory_space<vmem>> -> memref<1x1x16x128xf32, #tpu.memory_space<vmem>>
    %dma_start3A_935 = tpu.memref_squeeze %dma_start3A_934 : memref<1x1x16x128xf32, #tpu.memory_space<vmem>> -> memref<16x128xf32, #tpu.memory_space<vmem>>
    %dma_start3A_936 = arith.constant 0 : i32
    %dma_start3A_937 = tpu.memref_slice %arg5[%dma_start3A_936, %multiple_of3A_915] : memref<16x1000000xf32, #tpu.memory_space<hbm>> -> memref<16x128xf32, #tpu.memory_space<hbm>>
    %dma_start3A_938 = arith.constant 0 : i32
    %dma_start3A_939 = arith.constant 0 : i32
    %dma_start3A_940 = tpu.memref_slice %arg10[%dma_start3A_930, %dma_start3A_931, %dma_start3A_938, %dma_start3A_939] : memref<2x8x16x128xf32, #tpu.memory_space<vmem>> -> memref<1x1x16x128xf32, #tpu.memory_space<vmem>>
    %dma_start3A_941 = tpu.memref_squeeze %dma_start3A_940 : memref<1x1x16x128xf32, #tpu.memory_space<vmem>> -> memref<16x128xf32, #tpu.memory_space<vmem>>
    %dma_start3A_942 = arith.constant 0 : i32
    %dma_start3A_943 = tpu.memref_slice %arg5[%dma_start3A_942, %multiple_of3A_915] : memref<16x1000000xf32, #tpu.memory_space<hbm>> -> memref<16x128xf32, #tpu.memory_space<hbm>>
    tpu.enqueue_dma source(%dma_start3A_943 : memref<16x128xf32, #tpu.memory_space<hbm>>) target(%dma_start3A_941 : memref<16x128xf32, #tpu.memory_space<vmem>>) target_semaphore(%arg14 : memref<!tpu.dma_semaphore, #tpu.memory_space<semaphore_mem>>)
    %slice3A_944 = vector.extract_strided_slice %get3A_683 {offsets = [11], sizes = [1], strides = [1]} : vector<16xi32> to vector<1xi32>
    %squeeze3A_945 = vector.extract %slice3A_944[0] : i32 from vector<1xi32>
    %jit3A_946 = arith.constant 128 : i32
    %div3A_947 = arith.divsi %squeeze3A_945, %jit3A_946 : i32
    %sign3A_948 = arith.constant 0 : i32
    %sign3A_949 = arith.cmpi sgt, %squeeze3A_945, %sign3A_948 : i32
    %sign3A_950 = arith.extui %sign3A_949 : i1 to i32
    %sign3A_951 = arith.constant 0 : i32
    %sign3A_952 = arith.cmpi slt, %squeeze3A_945, %sign3A_951 : i32
    %sign3A_953 = arith.extui %sign3A_952 : i1 to i32
    %sign3A_954 = arith.subi %sign3A_950, %sign3A_953 : i32
    %sign3A_955 = arith.constant 0 : i32
    %sign3A_956 = arith.cmpi sgt, %jit3A_946, %sign3A_955 : i32
    %sign3A_957 = arith.extui %sign3A_956 : i1 to i32
    %sign3A_958 = arith.constant 0 : i32
    %sign3A_959 = arith.cmpi slt, %jit3A_946, %sign3A_958 : i32
    %sign3A_960 = arith.extui %sign3A_959 : i1 to i32
    %sign3A_961 = arith.subi %sign3A_957, %sign3A_960 : i32
    %ne3A_962 = arith.cmpi ne, %sign3A_954, %sign3A_961 : i32
    %rem3A_963 = arith.remsi %squeeze3A_945, %jit3A_946 : i32
    %ne3A_964 = arith.constant 0 : i32
    %ne3A_965 = arith.cmpi ne, %rem3A_963, %ne3A_964 : i32
    %and3A_966 = arith.andi %ne3A_962, %ne3A_965 : i1
    %sub3A_967 = arith.constant 1 : i32
    %sub3A_968 = arith.subi %div3A_947, %sub3A_967 : i32
    %select_n3A_969 = arith.select %and3A_966, %sub3A_968, %div3A_947 : i32
    %mul3A_970 = arith.constant 128 : i32
    %mul3A_971 = arith.muli %select_n3A_969, %mul3A_970 : i32
    %multiple_of3A_972 = tpu.assume_multiple %mul3A_971, 128 : i32
    %slice3A_973 = vector.extract_strided_slice %get3A_685 {offsets = [11], sizes = [1], strides = [1]} : vector<16xi32> to vector<1xi32>
    %squeeze3A_974 = vector.extract %slice3A_973[0] : i32 from vector<1xi32>
    %jit3A_975 = arith.constant 128 : i32
    %div3A_976 = arith.divsi %squeeze3A_974, %jit3A_975 : i32
    %sign3A_977 = arith.constant 0 : i32
    %sign3A_978 = arith.cmpi sgt, %squeeze3A_974, %sign3A_977 : i32
    %sign3A_979 = arith.extui %sign3A_978 : i1 to i32
    %sign3A_980 = arith.constant 0 : i32
    %sign3A_981 = arith.cmpi slt, %squeeze3A_974, %sign3A_980 : i32
    %sign3A_982 = arith.extui %sign3A_981 : i1 to i32
    %sign3A_983 = arith.subi %sign3A_979, %sign3A_982 : i32
    %sign3A_984 = arith.constant 0 : i32
    %sign3A_985 = arith.cmpi sgt, %jit3A_975, %sign3A_984 : i32
    %sign3A_986 = arith.extui %sign3A_985 : i1 to i32
    %sign3A_987 = arith.constant 0 : i32
    %sign3A_988 = arith.cmpi slt, %jit3A_975, %sign3A_987 : i32
    %sign3A_989 = arith.extui %sign3A_988 : i1 to i32
    %sign3A_990 = arith.subi %sign3A_986, %sign3A_989 : i32
    %ne3A_991 = arith.cmpi ne, %sign3A_983, %sign3A_990 : i32
    %rem3A_992 = arith.remsi %squeeze3A_974, %jit3A_975 : i32
    %ne3A_993 = arith.constant 0 : i32
    %ne3A_994 = arith.cmpi ne, %rem3A_992, %ne3A_993 : i32
    %and3A_995 = arith.andi %ne3A_991, %ne3A_994 : i1
    %sub3A_996 = arith.constant 1 : i32
    %sub3A_997 = arith.subi %div3A_976, %sub3A_996 : i32
    %select_n3A_998 = arith.select %and3A_995, %sub3A_997, %div3A_976 : i32
    %mul3A_999 = arith.constant 128 : i32
    %mul3A_1000 = arith.muli %select_n3A_998, %mul3A_999 : i32
    %multiple_of3A_1001 = tpu.assume_multiple %mul3A_1000, 128 : i32
    %dma_start3A_1002 = arith.constant 1 : i32
    %dma_start3A_1003 = arith.constant 3 : i32
    %dma_start3A_1004 = arith.constant 0 : i32
    %dma_start3A_1005 = arith.constant 0 : i32
    %dma_start3A_1006 = tpu.memref_slice %arg9[%dma_start3A_1002, %dma_start3A_1003, %dma_start3A_1004, %dma_start3A_1005] : memref<2x8x16x128xf32, #tpu.memory_space<vmem>> -> memref<1x1x16x128xf32, #tpu.memory_space<vmem>>
    %dma_start3A_1007 = tpu.memref_squeeze %dma_start3A_1006 : memref<1x1x16x128xf32, #tpu.memory_space<vmem>> -> memref<16x128xf32, #tpu.memory_space<vmem>>
    %dma_start3A_1008 = arith.constant 0 : i32
    %dma_start3A_1009 = tpu.memref_slice %arg4[%dma_start3A_1008, %multiple_of3A_972] : memref<16x1000000xf32, #tpu.memory_space<hbm>> -> memref<16x128xf32, #tpu.memory_space<hbm>>
    %dma_start3A_1010 = arith.constant 0 : i32
    %dma_start3A_1011 = arith.constant 0 : i32
    %dma_start3A_1012 = tpu.memref_slice %arg9[%dma_start3A_1002, %dma_start3A_1003, %dma_start3A_1010, %dma_start3A_1011] : memref<2x8x16x128xf32, #tpu.memory_space<vmem>> -> memref<1x1x16x128xf32, #tpu.memory_space<vmem>>
    %dma_start3A_1013 = tpu.memref_squeeze %dma_start3A_1012 : memref<1x1x16x128xf32, #tpu.memory_space<vmem>> -> memref<16x128xf32, #tpu.memory_space<vmem>>
    %dma_start3A_1014 = arith.constant 0 : i32
    %dma_start3A_1015 = tpu.memref_slice %arg4[%dma_start3A_1014, %multiple_of3A_972] : memref<16x1000000xf32, #tpu.memory_space<hbm>> -> memref<16x128xf32, #tpu.memory_space<hbm>>
    tpu.enqueue_dma source(%dma_start3A_1015 : memref<16x128xf32, #tpu.memory_space<hbm>>) target(%dma_start3A_1013 : memref<16x128xf32, #tpu.memory_space<vmem>>) target_semaphore(%arg14 : memref<!tpu.dma_semaphore, #tpu.memory_space<semaphore_mem>>)
    %dma_start3A_1016 = arith.constant 1 : i32
    %dma_start3A_1017 = arith.constant 3 : i32
    %dma_start3A_1018 = arith.constant 0 : i32
    %dma_start3A_1019 = arith.constant 0 : i32
    %dma_start3A_1020 = tpu.memref_slice %arg10[%dma_start3A_1016, %dma_start3A_1017, %dma_start3A_1018, %dma_start3A_1019] : memref<2x8x16x128xf32, #tpu.memory_space<vmem>> -> memref<1x1x16x128xf32, #tpu.memory_space<vmem>>
    %dma_start3A_1021 = tpu.memref_squeeze %dma_start3A_1020 : memref<1x1x16x128xf32, #tpu.memory_space<vmem>> -> memref<16x128xf32, #tpu.memory_space<vmem>>
    %dma_start3A_1022 = arith.constant 0 : i32
    %dma_start3A_1023 = tpu.memref_slice %arg5[%dma_start3A_1022, %multiple_of3A_1001] : memref<16x1000000xf32, #tpu.memory_space<hbm>> -> memref<16x128xf32, #tpu.memory_space<hbm>>
    %dma_start3A_1024 = arith.constant 0 : i32
    %dma_start3A_1025 = arith.constant 0 : i32
    %dma_start3A_1026 = tpu.memref_slice %arg10[%dma_start3A_1016, %dma_start3A_1017, %dma_start3A_1024, %dma_start3A_1025] : memref<2x8x16x128xf32, #tpu.memory_space<vmem>> -> memref<1x1x16x128xf32, #tpu.memory_space<vmem>>
    %dma_start3A_1027 = tpu.memref_squeeze %dma_start3A_1026 : memref<1x1x16x128xf32, #tpu.memory_space<vmem>> -> memref<16x128xf32, #tpu.memory_space<vmem>>
    %dma_start3A_1028 = arith.constant 0 : i32
    %dma_start3A_1029 = tpu.memref_slice %arg5[%dma_start3A_1028, %multiple_of3A_1001] : memref<16x1000000xf32, #tpu.memory_space<hbm>> -> memref<16x128xf32, #tpu.memory_space<hbm>>
    tpu.enqueue_dma source(%dma_start3A_1029 : memref<16x128xf32, #tpu.memory_space<hbm>>) target(%dma_start3A_1027 : memref<16x128xf32, #tpu.memory_space<vmem>>) target_semaphore(%arg14 : memref<!tpu.dma_semaphore, #tpu.memory_space<semaphore_mem>>)
    %slice3A_1030 = vector.extract_strided_slice %get3A_683 {offsets = [12], sizes = [1], strides = [1]} : vector<16xi32> to vector<1xi32>
    %squeeze3A_1031 = vector.extract %slice3A_1030[0] : i32 from vector<1xi32>
    %jit3A_1032 = arith.constant 128 : i32
    %div3A_1033 = arith.divsi %squeeze3A_1031, %jit3A_1032 : i32
    %sign3A_1034 = arith.constant 0 : i32
    %sign3A_1035 = arith.cmpi sgt, %squeeze3A_1031, %sign3A_1034 : i32
    %sign3A_1036 = arith.extui %sign3A_1035 : i1 to i32
    %sign3A_1037 = arith.constant 0 : i32
    %sign3A_1038 = arith.cmpi slt, %squeeze3A_1031, %sign3A_1037 : i32
    %sign3A_1039 = arith.extui %sign3A_1038 : i1 to i32
    %sign3A_1040 = arith.subi %sign3A_1036, %sign3A_1039 : i32
    %sign3A_1041 = arith.constant 0 : i32
    %sign3A_1042 = arith.cmpi sgt, %jit3A_1032, %sign3A_1041 : i32
    %sign3A_1043 = arith.extui %sign3A_1042 : i1 to i32
    %sign3A_1044 = arith.constant 0 : i32
    %sign3A_1045 = arith.cmpi slt, %jit3A_1032, %sign3A_1044 : i32
    %sign3A_1046 = arith.extui %sign3A_1045 : i1 to i32
    %sign3A_1047 = arith.subi %sign3A_1043, %sign3A_1046 : i32
    %ne3A_1048 = arith.cmpi ne, %sign3A_1040, %sign3A_1047 : i32
    %rem3A_1049 = arith.remsi %squeeze3A_1031, %jit3A_1032 : i32
    %ne3A_1050 = arith.constant 0 : i32
    %ne3A_1051 = arith.cmpi ne, %rem3A_1049, %ne3A_1050 : i32
    %and3A_1052 = arith.andi %ne3A_1048, %ne3A_1051 : i1
    %sub3A_1053 = arith.constant 1 : i32
    %sub3A_1054 = arith.subi %div3A_1033, %sub3A_1053 : i32
    %select_n3A_1055 = arith.select %and3A_1052, %sub3A_1054, %div3A_1033 : i32
    %mul3A_1056 = arith.constant 128 : i32
    %mul3A_1057 = arith.muli %select_n3A_1055, %mul3A_1056 : i32
    %multiple_of3A_1058 = tpu.assume_multiple %mul3A_1057, 128 : i32
    %slice3A_1059 = vector.extract_strided_slice %get3A_685 {offsets = [12], sizes = [1], strides = [1]} : vector<16xi32> to vector<1xi32>
    %squeeze3A_1060 = vector.extract %slice3A_1059[0] : i32 from vector<1xi32>
    %jit3A_1061 = arith.constant 128 : i32
    %div3A_1062 = arith.divsi %squeeze3A_1060, %jit3A_1061 : i32
    %sign3A_1063 = arith.constant 0 : i32
    %sign3A_1064 = arith.cmpi sgt, %squeeze3A_1060, %sign3A_1063 : i32
    %sign3A_1065 = arith.extui %sign3A_1064 : i1 to i32
    %sign3A_1066 = arith.constant 0 : i32
    %sign3A_1067 = arith.cmpi slt, %squeeze3A_1060, %sign3A_1066 : i32
    %sign3A_1068 = arith.extui %sign3A_1067 : i1 to i32
    %sign3A_1069 = arith.subi %sign3A_1065, %sign3A_1068 : i32
    %sign3A_1070 = arith.constant 0 : i32
    %sign3A_1071 = arith.cmpi sgt, %jit3A_1061, %sign3A_1070 : i32
    %sign3A_1072 = arith.extui %sign3A_1071 : i1 to i32
    %sign3A_1073 = arith.constant 0 : i32
    %sign3A_1074 = arith.cmpi slt, %jit3A_1061, %sign3A_1073 : i32
    %sign3A_1075 = arith.extui %sign3A_1074 : i1 to i32
    %sign3A_1076 = arith.subi %sign3A_1072, %sign3A_1075 : i32
    %ne3A_1077 = arith.cmpi ne, %sign3A_1069, %sign3A_1076 : i32
    %rem3A_1078 = arith.remsi %squeeze3A_1060, %jit3A_1061 : i32
    %ne3A_1079 = arith.constant 0 : i32
    %ne3A_1080 = arith.cmpi ne, %rem3A_1078, %ne3A_1079 : i32
    %and3A_1081 = arith.andi %ne3A_1077, %ne3A_1080 : i1
    %sub3A_1082 = arith.constant 1 : i32
    %sub3A_1083 = arith.subi %div3A_1062, %sub3A_1082 : i32
    %select_n3A_1084 = arith.select %and3A_1081, %sub3A_1083, %div3A_1062 : i32
    %mul3A_1085 = arith.constant 128 : i32
    %mul3A_1086 = arith.muli %select_n3A_1084, %mul3A_1085 : i32
    %multiple_of3A_1087 = tpu.assume_multiple %mul3A_1086, 128 : i32
    %dma_start3A_1088 = arith.constant 1 : i32
    %dma_start3A_1089 = arith.constant 4 : i32
    %dma_start3A_1090 = arith.constant 0 : i32
    %dma_start3A_1091 = arith.constant 0 : i32
    %dma_start3A_1092 = tpu.memref_slice %arg9[%dma_start3A_1088, %dma_start3A_1089, %dma_start3A_1090, %dma_start3A_1091] : memref<2x8x16x128xf32, #tpu.memory_space<vmem>> -> memref<1x1x16x128xf32, #tpu.memory_space<vmem>>
    %dma_start3A_1093 = tpu.memref_squeeze %dma_start3A_1092 : memref<1x1x16x128xf32, #tpu.memory_space<vmem>> -> memref<16x128xf32, #tpu.memory_space<vmem>>
    %dma_start3A_1094 = arith.constant 0 : i32
    %dma_start3A_1095 = tpu.memref_slice %arg4[%dma_start3A_1094, %multiple_of3A_1058] : memref<16x1000000xf32, #tpu.memory_space<hbm>> -> memref<16x128xf32, #tpu.memory_space<hbm>>
    %dma_start3A_1096 = arith.constant 0 : i32
    %dma_start3A_1097 = arith.constant 0 : i32
    %dma_start3A_1098 = tpu.memref_slice %arg9[%dma_start3A_1088, %dma_start3A_1089, %dma_start3A_1096, %dma_start3A_1097] : memref<2x8x16x128xf32, #tpu.memory_space<vmem>> -> memref<1x1x16x128xf32, #tpu.memory_space<vmem>>
    %dma_start3A_1099 = tpu.memref_squeeze %dma_start3A_1098 : memref<1x1x16x128xf32, #tpu.memory_space<vmem>> -> memref<16x128xf32, #tpu.memory_space<vmem>>
    %dma_start3A_1100 = arith.constant 0 : i32
    %dma_start3A_1101 = tpu.memref_slice %arg4[%dma_start3A_1100, %multiple_of3A_1058] : memref<16x1000000xf32, #tpu.memory_space<hbm>> -> memref<16x128xf32, #tpu.memory_space<hbm>>
    tpu.enqueue_dma source(%dma_start3A_1101 : memref<16x128xf32, #tpu.memory_space<hbm>>) target(%dma_start3A_1099 : memref<16x128xf32, #tpu.memory_space<vmem>>) target_semaphore(%arg14 : memref<!tpu.dma_semaphore, #tpu.memory_space<semaphore_mem>>)
    %dma_start3A_1102 = arith.constant 1 : i32
    %dma_start3A_1103 = arith.constant 4 : i32
    %dma_start3A_1104 = arith.constant 0 : i32
    %dma_start3A_1105 = arith.constant 0 : i32
    %dma_start3A_1106 = tpu.memref_slice %arg10[%dma_start3A_1102, %dma_start3A_1103, %dma_start3A_1104, %dma_start3A_1105] : memref<2x8x16x128xf32, #tpu.memory_space<vmem>> -> memref<1x1x16x128xf32, #tpu.memory_space<vmem>>
    %dma_start3A_1107 = tpu.memref_squeeze %dma_start3A_1106 : memref<1x1x16x128xf32, #tpu.memory_space<vmem>> -> memref<16x128xf32, #tpu.memory_space<vmem>>
    %dma_start3A_1108 = arith.constant 0 : i32
    %dma_start3A_1109 = tpu.memref_slice %arg5[%dma_start3A_1108, %multiple_of3A_1087] : memref<16x1000000xf32, #tpu.memory_space<hbm>> -> memref<16x128xf32, #tpu.memory_space<hbm>>
    %dma_start3A_1110 = arith.constant 0 : i32
    %dma_start3A_1111 = arith.constant 0 : i32
    %dma_start3A_1112 = tpu.memref_slice %arg10[%dma_start3A_1102, %dma_start3A_1103, %dma_start3A_1110, %dma_start3A_1111] : memref<2x8x16x128xf32, #tpu.memory_space<vmem>> -> memref<1x1x16x128xf32, #tpu.memory_space<vmem>>
    %dma_start3A_1113 = tpu.memref_squeeze %dma_start3A_1112 : memref<1x1x16x128xf32, #tpu.memory_space<vmem>> -> memref<16x128xf32, #tpu.memory_space<vmem>>
    %dma_start3A_1114 = arith.constant 0 : i32
    %dma_start3A_1115 = tpu.memref_slice %arg5[%dma_start3A_1114, %multiple_of3A_1087] : memref<16x1000000xf32, #tpu.memory_space<hbm>> -> memref<16x128xf32, #tpu.memory_space<hbm>>
    tpu.enqueue_dma source(%dma_start3A_1115 : memref<16x128xf32, #tpu.memory_space<hbm>>) target(%dma_start3A_1113 : memref<16x128xf32, #tpu.memory_space<vmem>>) target_semaphore(%arg14 : memref<!tpu.dma_semaphore, #tpu.memory_space<semaphore_mem>>)
    %slice3A_1116 = vector.extract_strided_slice %get3A_683 {offsets = [13], sizes = [1], strides = [1]} : vector<16xi32> to vector<1xi32>
    %squeeze3A_1117 = vector.extract %slice3A_1116[0] : i32 from vector<1xi32>
    %jit3A_1118 = arith.constant 128 : i32
    %div3A_1119 = arith.divsi %squeeze3A_1117, %jit3A_1118 : i32
    %sign3A_1120 = arith.constant 0 : i32
    %sign3A_1121 = arith.cmpi sgt, %squeeze3A_1117, %sign3A_1120 : i32
    %sign3A_1122 = arith.extui %sign3A_1121 : i1 to i32
    %sign3A_1123 = arith.constant 0 : i32
    %sign3A_1124 = arith.cmpi slt, %squeeze3A_1117, %sign3A_1123 : i32
    %sign3A_1125 = arith.extui %sign3A_1124 : i1 to i32
    %sign3A_1126 = arith.subi %sign3A_1122, %sign3A_1125 : i32
    %sign3A_1127 = arith.constant 0 : i32
    %sign3A_1128 = arith.cmpi sgt, %jit3A_1118, %sign3A_1127 : i32
    %sign3A_1129 = arith.extui %sign3A_1128 : i1 to i32
    %sign3A_1130 = arith.constant 0 : i32
    %sign3A_1131 = arith.cmpi slt, %jit3A_1118, %sign3A_1130 : i32
    %sign3A_1132 = arith.extui %sign3A_1131 : i1 to i32
    %sign3A_1133 = arith.subi %sign3A_1129, %sign3A_1132 : i32
    %ne3A_1134 = arith.cmpi ne, %sign3A_1126, %sign3A_1133 : i32
    %rem3A_1135 = arith.remsi %squeeze3A_1117, %jit3A_1118 : i32
    %ne3A_1136 = arith.constant 0 : i32
    %ne3A_1137 = arith.cmpi ne, %rem3A_1135, %ne3A_1136 : i32
    %and3A_1138 = arith.andi %ne3A_1134, %ne3A_1137 : i1
    %sub3A_1139 = arith.constant 1 : i32
    %sub3A_1140 = arith.subi %div3A_1119, %sub3A_1139 : i32
    %select_n3A_1141 = arith.select %and3A_1138, %sub3A_1140, %div3A_1119 : i32
    %mul3A_1142 = arith.constant 128 : i32
    %mul3A_1143 = arith.muli %select_n3A_1141, %mul3A_1142 : i32
    %multiple_of3A_1144 = tpu.assume_multiple %mul3A_1143, 128 : i32
    %slice3A_1145 = vector.extract_strided_slice %get3A_685 {offsets = [13], sizes = [1], strides = [1]} : vector<16xi32> to vector<1xi32>
    %squeeze3A_1146 = vector.extract %slice3A_1145[0] : i32 from vector<1xi32>
    %jit3A_1147 = arith.constant 128 : i32
    %div3A_1148 = arith.divsi %squeeze3A_1146, %jit3A_1147 : i32
    %sign3A_1149 = arith.constant 0 : i32
    %sign3A_1150 = arith.cmpi sgt, %squeeze3A_1146, %sign3A_1149 : i32
    %sign3A_1151 = arith.extui %sign3A_1150 : i1 to i32
    %sign3A_1152 = arith.constant 0 : i32
    %sign3A_1153 = arith.cmpi slt, %squeeze3A_1146, %sign3A_1152 : i32
    %sign3A_1154 = arith.extui %sign3A_1153 : i1 to i32
    %sign3A_1155 = arith.subi %sign3A_1151, %sign3A_1154 : i32
    %sign3A_1156 = arith.constant 0 : i32
    %sign3A_1157 = arith.cmpi sgt, %jit3A_1147, %sign3A_1156 : i32
    %sign3A_1158 = arith.extui %sign3A_1157 : i1 to i32
    %sign3A_1159 = arith.constant 0 : i32
    %sign3A_1160 = arith.cmpi slt, %jit3A_1147, %sign3A_1159 : i32
    %sign3A_1161 = arith.extui %sign3A_1160 : i1 to i32
    %sign3A_1162 = arith.subi %sign3A_1158, %sign3A_1161 : i32
    %ne3A_1163 = arith.cmpi ne, %sign3A_1155, %sign3A_1162 : i32
    %rem3A_1164 = arith.remsi %squeeze3A_1146, %jit3A_1147 : i32
    %ne3A_1165 = arith.constant 0 : i32
    %ne3A_1166 = arith.cmpi ne, %rem3A_1164, %ne3A_1165 : i32
    %and3A_1167 = arith.andi %ne3A_1163, %ne3A_1166 : i1
    %sub3A_1168 = arith.constant 1 : i32
    %sub3A_1169 = arith.subi %div3A_1148, %sub3A_1168 : i32
    %select_n3A_1170 = arith.select %and3A_1167, %sub3A_1169, %div3A_1148 : i32
    %mul3A_1171 = arith.constant 128 : i32
    %mul3A_1172 = arith.muli %select_n3A_1170, %mul3A_1171 : i32
    %multiple_of3A_1173 = tpu.assume_multiple %mul3A_1172, 128 : i32
    %dma_start3A_1174 = arith.constant 1 : i32
    %dma_start3A_1175 = arith.constant 5 : i32
    %dma_start3A_1176 = arith.constant 0 : i32
    %dma_start3A_1177 = arith.constant 0 : i32
    %dma_start3A_1178 = tpu.memref_slice %arg9[%dma_start3A_1174, %dma_start3A_1175, %dma_start3A_1176, %dma_start3A_1177] : memref<2x8x16x128xf32, #tpu.memory_space<vmem>> -> memref<1x1x16x128xf32, #tpu.memory_space<vmem>>
    %dma_start3A_1179 = tpu.memref_squeeze %dma_start3A_1178 : memref<1x1x16x128xf32, #tpu.memory_space<vmem>> -> memref<16x128xf32, #tpu.memory_space<vmem>>
    %dma_start3A_1180 = arith.constant 0 : i32
    %dma_start3A_1181 = tpu.memref_slice %arg4[%dma_start3A_1180, %multiple_of3A_1144] : memref<16x1000000xf32, #tpu.memory_space<hbm>> -> memref<16x128xf32, #tpu.memory_space<hbm>>
    %dma_start3A_1182 = arith.constant 0 : i32
    %dma_start3A_1183 = arith.constant 0 : i32
    %dma_start3A_1184 = tpu.memref_slice %arg9[%dma_start3A_1174, %dma_start3A_1175, %dma_start3A_1182, %dma_start3A_1183] : memref<2x8x16x128xf32, #tpu.memory_space<vmem>> -> memref<1x1x16x128xf32, #tpu.memory_space<vmem>>
    %dma_start3A_1185 = tpu.memref_squeeze %dma_start3A_1184 : memref<1x1x16x128xf32, #tpu.memory_space<vmem>> -> memref<16x128xf32, #tpu.memory_space<vmem>>
    %dma_start3A_1186 = arith.constant 0 : i32
    %dma_start3A_1187 = tpu.memref_slice %arg4[%dma_start3A_1186, %multiple_of3A_1144] : memref<16x1000000xf32, #tpu.memory_space<hbm>> -> memref<16x128xf32, #tpu.memory_space<hbm>>
    tpu.enqueue_dma source(%dma_start3A_1187 : memref<16x128xf32, #tpu.memory_space<hbm>>) target(%dma_start3A_1185 : memref<16x128xf32, #tpu.memory_space<vmem>>) target_semaphore(%arg14 : memref<!tpu.dma_semaphore, #tpu.memory_space<semaphore_mem>>)
    %dma_start3A_1188 = arith.constant 1 : i32
    %dma_start3A_1189 = arith.constant 5 : i32
    %dma_start3A_1190 = arith.constant 0 : i32
    %dma_start3A_1191 = arith.constant 0 : i32
    %dma_start3A_1192 = tpu.memref_slice %arg10[%dma_start3A_1188, %dma_start3A_1189, %dma_start3A_1190, %dma_start3A_1191] : memref<2x8x16x128xf32, #tpu.memory_space<vmem>> -> memref<1x1x16x128xf32, #tpu.memory_space<vmem>>
    %dma_start3A_1193 = tpu.memref_squeeze %dma_start3A_1192 : memref<1x1x16x128xf32, #tpu.memory_space<vmem>> -> memref<16x128xf32, #tpu.memory_space<vmem>>
    %dma_start3A_1194 = arith.constant 0 : i32
    %dma_start3A_1195 = tpu.memref_slice %arg5[%dma_start3A_1194, %multiple_of3A_1173] : memref<16x1000000xf32, #tpu.memory_space<hbm>> -> memref<16x128xf32, #tpu.memory_space<hbm>>
    %dma_start3A_1196 = arith.constant 0 : i32
    %dma_start3A_1197 = arith.constant 0 : i32
    %dma_start3A_1198 = tpu.memref_slice %arg10[%dma_start3A_1188, %dma_start3A_1189, %dma_start3A_1196, %dma_start3A_1197] : memref<2x8x16x128xf32, #tpu.memory_space<vmem>> -> memref<1x1x16x128xf32, #tpu.memory_space<vmem>>
    %dma_start3A_1199 = tpu.memref_squeeze %dma_start3A_1198 : memref<1x1x16x128xf32, #tpu.memory_space<vmem>> -> memref<16x128xf32, #tpu.memory_space<vmem>>
    %dma_start3A_1200 = arith.constant 0 : i32
    %dma_start3A_1201 = tpu.memref_slice %arg5[%dma_start3A_1200, %multiple_of3A_1173] : memref<16x1000000xf32, #tpu.memory_space<hbm>> -> memref<16x128xf32, #tpu.memory_space<hbm>>
    tpu.enqueue_dma source(%dma_start3A_1201 : memref<16x128xf32, #tpu.memory_space<hbm>>) target(%dma_start3A_1199 : memref<16x128xf32, #tpu.memory_space<vmem>>) target_semaphore(%arg14 : memref<!tpu.dma_semaphore, #tpu.memory_space<semaphore_mem>>)
    %slice3A_1202 = vector.extract_strided_slice %get3A_683 {offsets = [14], sizes = [1], strides = [1]} : vector<16xi32> to vector<1xi32>
    %squeeze3A_1203 = vector.extract %slice3A_1202[0] : i32 from vector<1xi32>
    %jit3A_1204 = arith.constant 128 : i32
    %div3A_1205 = arith.divsi %squeeze3A_1203, %jit3A_1204 : i32
    %sign3A_1206 = arith.constant 0 : i32
    %sign3A_1207 = arith.cmpi sgt, %squeeze3A_1203, %sign3A_1206 : i32
    %sign3A_1208 = arith.extui %sign3A_1207 : i1 to i32
    %sign3A_1209 = arith.constant 0 : i32
    %sign3A_1210 = arith.cmpi slt, %squeeze3A_1203, %sign3A_1209 : i32
    %sign3A_1211 = arith.extui %sign3A_1210 : i1 to i32
    %sign3A_1212 = arith.subi %sign3A_1208, %sign3A_1211 : i32
    %sign3A_1213 = arith.constant 0 : i32
    %sign3A_1214 = arith.cmpi sgt, %jit3A_1204, %sign3A_1213 : i32
    %sign3A_1215 = arith.extui %sign3A_1214 : i1 to i32
    %sign3A_1216 = arith.constant 0 : i32
    %sign3A_1217 = arith.cmpi slt, %jit3A_1204, %sign3A_1216 : i32
    %sign3A_1218 = arith.extui %sign3A_1217 : i1 to i32
    %sign3A_1219 = arith.subi %sign3A_1215, %sign3A_1218 : i32
    %ne3A_1220 = arith.cmpi ne, %sign3A_1212, %sign3A_1219 : i32
    %rem3A_1221 = arith.remsi %squeeze3A_1203, %jit3A_1204 : i32
    %ne3A_1222 = arith.constant 0 : i32
    %ne3A_1223 = arith.cmpi ne, %rem3A_1221, %ne3A_1222 : i32
    %and3A_1224 = arith.andi %ne3A_1220, %ne3A_1223 : i1
    %sub3A_1225 = arith.constant 1 : i32
    %sub3A_1226 = arith.subi %div3A_1205, %sub3A_1225 : i32
    %select_n3A_1227 = arith.select %and3A_1224, %sub3A_1226, %div3A_1205 : i32
    %mul3A_1228 = arith.constant 128 : i32
    %mul3A_1229 = arith.muli %select_n3A_1227, %mul3A_1228 : i32
    %multiple_of3A_1230 = tpu.assume_multiple %mul3A_1229, 128 : i32
    %slice3A_1231 = vector.extract_strided_slice %get3A_685 {offsets = [14], sizes = [1], strides = [1]} : vector<16xi32> to vector<1xi32>
    %squeeze3A_1232 = vector.extract %slice3A_1231[0] : i32 from vector<1xi32>
    %jit3A_1233 = arith.constant 128 : i32
    %div3A_1234 = arith.divsi %squeeze3A_1232, %jit3A_1233 : i32
    %sign3A_1235 = arith.constant 0 : i32
    %sign3A_1236 = arith.cmpi sgt, %squeeze3A_1232, %sign3A_1235 : i32
    %sign3A_1237 = arith.extui %sign3A_1236 : i1 to i32
    %sign3A_1238 = arith.constant 0 : i32
    %sign3A_1239 = arith.cmpi slt, %squeeze3A_1232, %sign3A_1238 : i32
    %sign3A_1240 = arith.extui %sign3A_1239 : i1 to i32
    %sign3A_1241 = arith.subi %sign3A_1237, %sign3A_1240 : i32
    %sign3A_1242 = arith.constant 0 : i32
    %sign3A_1243 = arith.cmpi sgt, %jit3A_1233, %sign3A_1242 : i32
    %sign3A_1244 = arith.extui %sign3A_1243 : i1 to i32
    %sign3A_1245 = arith.constant 0 : i32
    %sign3A_1246 = arith.cmpi slt, %jit3A_1233, %sign3A_1245 : i32
    %sign3A_1247 = arith.extui %sign3A_1246 : i1 to i32
    %sign3A_1248 = arith.subi %sign3A_1244, %sign3A_1247 : i32
    %ne3A_1249 = arith.cmpi ne, %sign3A_1241, %sign3A_1248 : i32
    %rem3A_1250 = arith.remsi %squeeze3A_1232, %jit3A_1233 : i32
    %ne3A_1251 = arith.constant 0 : i32
    %ne3A_1252 = arith.cmpi ne, %rem3A_1250, %ne3A_1251 : i32
    %and3A_1253 = arith.andi %ne3A_1249, %ne3A_1252 : i1
    %sub3A_1254 = arith.constant 1 : i32
    %sub3A_1255 = arith.subi %div3A_1234, %sub3A_1254 : i32
    %select_n3A_1256 = arith.select %and3A_1253, %sub3A_1255, %div3A_1234 : i32
    %mul3A_1257 = arith.constant 128 : i32
    %mul3A_1258 = arith.muli %select_n3A_1256, %mul3A_1257 : i32
    %multiple_of3A_1259 = tpu.assume_multiple %mul3A_1258, 128 : i32
    %dma_start3A_1260 = arith.constant 1 : i32
    %dma_start3A_1261 = arith.constant 6 : i32
    %dma_start3A_1262 = arith.constant 0 : i32
    %dma_start3A_1263 = arith.constant 0 : i32
    %dma_start3A_1264 = tpu.memref_slice %arg9[%dma_start3A_1260, %dma_start3A_1261, %dma_start3A_1262, %dma_start3A_1263] : memref<2x8x16x128xf32, #tpu.memory_space<vmem>> -> memref<1x1x16x128xf32, #tpu.memory_space<vmem>>
    %dma_start3A_1265 = tpu.memref_squeeze %dma_start3A_1264 : memref<1x1x16x128xf32, #tpu.memory_space<vmem>> -> memref<16x128xf32, #tpu.memory_space<vmem>>
    %dma_start3A_1266 = arith.constant 0 : i32
    %dma_start3A_1267 = tpu.memref_slice %arg4[%dma_start3A_1266, %multiple_of3A_1230] : memref<16x1000000xf32, #tpu.memory_space<hbm>> -> memref<16x128xf32, #tpu.memory_space<hbm>>
    %dma_start3A_1268 = arith.constant 0 : i32
    %dma_start3A_1269 = arith.constant 0 : i32
    %dma_start3A_1270 = tpu.memref_slice %arg9[%dma_start3A_1260, %dma_start3A_1261, %dma_start3A_1268, %dma_start3A_1269] : memref<2x8x16x128xf32, #tpu.memory_space<vmem>> -> memref<1x1x16x128xf32, #tpu.memory_space<vmem>>
    %dma_start3A_1271 = tpu.memref_squeeze %dma_start3A_1270 : memref<1x1x16x128xf32, #tpu.memory_space<vmem>> -> memref<16x128xf32, #tpu.memory_space<vmem>>
    %dma_start3A_1272 = arith.constant 0 : i32
    %dma_start3A_1273 = tpu.memref_slice %arg4[%dma_start3A_1272, %multiple_of3A_1230] : memref<16x1000000xf32, #tpu.memory_space<hbm>> -> memref<16x128xf32, #tpu.memory_space<hbm>>
    tpu.enqueue_dma source(%dma_start3A_1273 : memref<16x128xf32, #tpu.memory_space<hbm>>) target(%dma_start3A_1271 : memref<16x128xf32, #tpu.memory_space<vmem>>) target_semaphore(%arg14 : memref<!tpu.dma_semaphore, #tpu.memory_space<semaphore_mem>>)
    %dma_start3A_1274 = arith.constant 1 : i32
    %dma_start3A_1275 = arith.constant 6 : i32
    %dma_start3A_1276 = arith.constant 0 : i32
    %dma_start3A_1277 = arith.constant 0 : i32
    %dma_start3A_1278 = tpu.memref_slice %arg10[%dma_start3A_1274, %dma_start3A_1275, %dma_start3A_1276, %dma_start3A_1277] : memref<2x8x16x128xf32, #tpu.memory_space<vmem>> -> memref<1x1x16x128xf32, #tpu.memory_space<vmem>>
    %dma_start3A_1279 = tpu.memref_squeeze %dma_start3A_1278 : memref<1x1x16x128xf32, #tpu.memory_space<vmem>> -> memref<16x128xf32, #tpu.memory_space<vmem>>
    %dma_start3A_1280 = arith.constant 0 : i32
    %dma_start3A_1281 = tpu.memref_slice %arg5[%dma_start3A_1280, %multiple_of3A_1259] : memref<16x1000000xf32, #tpu.memory_space<hbm>> -> memref<16x128xf32, #tpu.memory_space<hbm>>
    %dma_start3A_1282 = arith.constant 0 : i32
    %dma_start3A_1283 = arith.constant 0 : i32
    %dma_start3A_1284 = tpu.memref_slice %arg10[%dma_start3A_1274, %dma_start3A_1275, %dma_start3A_1282, %dma_start3A_1283] : memref<2x8x16x128xf32, #tpu.memory_space<vmem>> -> memref<1x1x16x128xf32, #tpu.memory_space<vmem>>
    %dma_start3A_1285 = tpu.memref_squeeze %dma_start3A_1284 : memref<1x1x16x128xf32, #tpu.memory_space<vmem>> -> memref<16x128xf32, #tpu.memory_space<vmem>>
    %dma_start3A_1286 = arith.constant 0 : i32
    %dma_start3A_1287 = tpu.memref_slice %arg5[%dma_start3A_1286, %multiple_of3A_1259] : memref<16x1000000xf32, #tpu.memory_space<hbm>> -> memref<16x128xf32, #tpu.memory_space<hbm>>
    tpu.enqueue_dma source(%dma_start3A_1287 : memref<16x128xf32, #tpu.memory_space<hbm>>) target(%dma_start3A_1285 : memref<16x128xf32, #tpu.memory_space<vmem>>) target_semaphore(%arg14 : memref<!tpu.dma_semaphore, #tpu.memory_space<semaphore_mem>>)
    %slice3A_1288 = vector.extract_strided_slice %get3A_683 {offsets = [15], sizes = [1], strides = [1]} : vector<16xi32> to vector<1xi32>
    %squeeze3A_1289 = vector.extract %slice3A_1288[0] : i32 from vector<1xi32>
    %jit3A_1290 = arith.constant 128 : i32
    %div3A_1291 = arith.divsi %squeeze3A_1289, %jit3A_1290 : i32
    %sign3A_1292 = arith.constant 0 : i32
    %sign3A_1293 = arith.cmpi sgt, %squeeze3A_1289, %sign3A_1292 : i32
    %sign3A_1294 = arith.extui %sign3A_1293 : i1 to i32
    %sign3A_1295 = arith.constant 0 : i32
    %sign3A_1296 = arith.cmpi slt, %squeeze3A_1289, %sign3A_1295 : i32
    %sign3A_1297 = arith.extui %sign3A_1296 : i1 to i32
    %sign3A_1298 = arith.subi %sign3A_1294, %sign3A_1297 : i32
    %sign3A_1299 = arith.constant 0 : i32
    %sign3A_1300 = arith.cmpi sgt, %jit3A_1290, %sign3A_1299 : i32
    %sign3A_1301 = arith.extui %sign3A_1300 : i1 to i32
    %sign3A_1302 = arith.constant 0 : i32
    %sign3A_1303 = arith.cmpi slt, %jit3A_1290, %sign3A_1302 : i32
    %sign3A_1304 = arith.extui %sign3A_1303 : i1 to i32
    %sign3A_1305 = arith.subi %sign3A_1301, %sign3A_1304 : i32
    %ne3A_1306 = arith.cmpi ne, %sign3A_1298, %sign3A_1305 : i32
    %rem3A_1307 = arith.remsi %squeeze3A_1289, %jit3A_1290 : i32
    %ne3A_1308 = arith.constant 0 : i32
    %ne3A_1309 = arith.cmpi ne, %rem3A_1307, %ne3A_1308 : i32
    %and3A_1310 = arith.andi %ne3A_1306, %ne3A_1309 : i1
    %sub3A_1311 = arith.constant 1 : i32
    %sub3A_1312 = arith.subi %div3A_1291, %sub3A_1311 : i32
    %select_n3A_1313 = arith.select %and3A_1310, %sub3A_1312, %div3A_1291 : i32
    %mul3A_1314 = arith.constant 128 : i32
    %mul3A_1315 = arith.muli %select_n3A_1313, %mul3A_1314 : i32
    %multiple_of3A_1316 = tpu.assume_multiple %mul3A_1315, 128 : i32
    %slice3A_1317 = vector.extract_strided_slice %get3A_685 {offsets = [15], sizes = [1], strides = [1]} : vector<16xi32> to vector<1xi32>
    %squeeze3A_1318 = vector.extract %slice3A_1317[0] : i32 from vector<1xi32>
    %jit3A_1319 = arith.constant 128 : i32
    %div3A_1320 = arith.divsi %squeeze3A_1318, %jit3A_1319 : i32
    %sign3A_1321 = arith.constant 0 : i32
    %sign3A_1322 = arith.cmpi sgt, %squeeze3A_1318, %sign3A_1321 : i32
    %sign3A_1323 = arith.extui %sign3A_1322 : i1 to i32
    %sign3A_1324 = arith.constant 0 : i32
    %sign3A_1325 = arith.cmpi slt, %squeeze3A_1318, %sign3A_1324 : i32
    %sign3A_1326 = arith.extui %sign3A_1325 : i1 to i32
    %sign3A_1327 = arith.subi %sign3A_1323, %sign3A_1326 : i32
    %sign3A_1328 = arith.constant 0 : i32
    %sign3A_1329 = arith.cmpi sgt, %jit3A_1319, %sign3A_1328 : i32
    %sign3A_1330 = arith.extui %sign3A_1329 : i1 to i32
    %sign3A_1331 = arith.constant 0 : i32
    %sign3A_1332 = arith.cmpi slt, %jit3A_1319, %sign3A_1331 : i32
    %sign3A_1333 = arith.extui %sign3A_1332 : i1 to i32
    %sign3A_1334 = arith.subi %sign3A_1330, %sign3A_1333 : i32
    %ne3A_1335 = arith.cmpi ne, %sign3A_1327, %sign3A_1334 : i32
    %rem3A_1336 = arith.remsi %squeeze3A_1318, %jit3A_1319 : i32
    %ne3A_1337 = arith.constant 0 : i32
    %ne3A_1338 = arith.cmpi ne, %rem3A_1336, %ne3A_1337 : i32
    %and3A_1339 = arith.andi %ne3A_1335, %ne3A_1338 : i1
    %sub3A_1340 = arith.constant 1 : i32
    %sub3A_1341 = arith.subi %div3A_1320, %sub3A_1340 : i32
    %select_n3A_1342 = arith.select %and3A_1339, %sub3A_1341, %div3A_1320 : i32
    %mul3A_1343 = arith.constant 128 : i32
    %mul3A_1344 = arith.muli %select_n3A_1342, %mul3A_1343 : i32
    %multiple_of3A_1345 = tpu.assume_multiple %mul3A_1344, 128 : i32
    %dma_start3A_1346 = arith.constant 1 : i32
    %dma_start3A_1347 = arith.constant 7 : i32
    %dma_start3A_1348 = arith.constant 0 : i32
    %dma_start3A_1349 = arith.constant 0 : i32
    %dma_start3A_1350 = tpu.memref_slice %arg9[%dma_start3A_1346, %dma_start3A_1347, %dma_start3A_1348, %dma_start3A_1349] : memref<2x8x16x128xf32, #tpu.memory_space<vmem>> -> memref<1x1x16x128xf32, #tpu.memory_space<vmem>>
    %dma_start3A_1351 = tpu.memref_squeeze %dma_start3A_1350 : memref<1x1x16x128xf32, #tpu.memory_space<vmem>> -> memref<16x128xf32, #tpu.memory_space<vmem>>
    %dma_start3A_1352 = arith.constant 0 : i32
    %dma_start3A_1353 = tpu.memref_slice %arg4[%dma_start3A_1352, %multiple_of3A_1316] : memref<16x1000000xf32, #tpu.memory_space<hbm>> -> memref<16x128xf32, #tpu.memory_space<hbm>>
    %dma_start3A_1354 = arith.constant 0 : i32
    %dma_start3A_1355 = arith.constant 0 : i32
    %dma_start3A_1356 = tpu.memref_slice %arg9[%dma_start3A_1346, %dma_start3A_1347, %dma_start3A_1354, %dma_start3A_1355] : memref<2x8x16x128xf32, #tpu.memory_space<vmem>> -> memref<1x1x16x128xf32, #tpu.memory_space<vmem>>
    %dma_start3A_1357 = tpu.memref_squeeze %dma_start3A_1356 : memref<1x1x16x128xf32, #tpu.memory_space<vmem>> -> memref<16x128xf32, #tpu.memory_space<vmem>>
    %dma_start3A_1358 = arith.constant 0 : i32
    %dma_start3A_1359 = tpu.memref_slice %arg4[%dma_start3A_1358, %multiple_of3A_1316] : memref<16x1000000xf32, #tpu.memory_space<hbm>> -> memref<16x128xf32, #tpu.memory_space<hbm>>
    tpu.enqueue_dma source(%dma_start3A_1359 : memref<16x128xf32, #tpu.memory_space<hbm>>) target(%dma_start3A_1357 : memref<16x128xf32, #tpu.memory_space<vmem>>) target_semaphore(%arg14 : memref<!tpu.dma_semaphore, #tpu.memory_space<semaphore_mem>>)
    %dma_start3A_1360 = arith.constant 1 : i32
    %dma_start3A_1361 = arith.constant 7 : i32
    %dma_start3A_1362 = arith.constant 0 : i32
    %dma_start3A_1363 = arith.constant 0 : i32
    %dma_start3A_1364 = tpu.memref_slice %arg10[%dma_start3A_1360, %dma_start3A_1361, %dma_start3A_1362, %dma_start3A_1363] : memref<2x8x16x128xf32, #tpu.memory_space<vmem>> -> memref<1x1x16x128xf32, #tpu.memory_space<vmem>>
    %dma_start3A_1365 = tpu.memref_squeeze %dma_start3A_1364 : memref<1x1x16x128xf32, #tpu.memory_space<vmem>> -> memref<16x128xf32, #tpu.memory_space<vmem>>
    %dma_start3A_1366 = arith.constant 0 : i32
    %dma_start3A_1367 = tpu.memref_slice %arg5[%dma_start3A_1366, %multiple_of3A_1345] : memref<16x1000000xf32, #tpu.memory_space<hbm>> -> memref<16x128xf32, #tpu.memory_space<hbm>>
    %dma_start3A_1368 = arith.constant 0 : i32
    %dma_start3A_1369 = arith.constant 0 : i32
    %dma_start3A_1370 = tpu.memref_slice %arg10[%dma_start3A_1360, %dma_start3A_1361, %dma_start3A_1368, %dma_start3A_1369] : memref<2x8x16x128xf32, #tpu.memory_space<vmem>> -> memref<1x1x16x128xf32, #tpu.memory_space<vmem>>
    %dma_start3A_1371 = tpu.memref_squeeze %dma_start3A_1370 : memref<1x1x16x128xf32, #tpu.memory_space<vmem>> -> memref<16x128xf32, #tpu.memory_space<vmem>>
    %dma_start3A_1372 = arith.constant 0 : i32
    %dma_start3A_1373 = tpu.memref_slice %arg5[%dma_start3A_1372, %multiple_of3A_1345] : memref<16x1000000xf32, #tpu.memory_space<hbm>> -> memref<16x128xf32, #tpu.memory_space<hbm>>
    tpu.enqueue_dma source(%dma_start3A_1373 : memref<16x128xf32, #tpu.memory_space<hbm>>) target(%dma_start3A_1371 : memref<16x128xf32, #tpu.memory_space<vmem>>) target_semaphore(%arg14 : memref<!tpu.dma_semaphore, #tpu.memory_space<semaphore_mem>>)
    %scan3A = arith.constant 0 : i32
    %scan3A_1374 = arith.constant 0 : i32
    %scan3A_1375 = arith.constant 32 : i32
    %scan3A_1376 = arith.addi %scan3A_1374, %scan3A_1375 : i32
    %scan3A_1377 = arith.constant 1 : i32
    scf.for %scan3A_1379 = %scan3A_1374 to %scan3A_1376 step %scan3A_1377  : i32 {
      %dma_wait3A = arith.constant 0 : i32
      %dma_wait3A_1380 = arith.constant 0 : i32
      %dma_wait3A_1381 = arith.constant 0 : i32
      %dma_wait3A_1382 = arith.constant 0 : i32
      %dma_wait3A_1383 = tpu.memref_slice %arg9[%dma_wait3A, %dma_wait3A_1380, %dma_wait3A_1381, %dma_wait3A_1382] : memref<2x8x16x128xf32, #tpu.memory_space<vmem>> -> memref<1x1x16x128xf32, #tpu.memory_space<vmem>>
      %dma_wait3A_1384 = tpu.memref_squeeze %dma_wait3A_1383 : memref<1x1x16x128xf32, #tpu.memory_space<vmem>> -> memref<16x128xf32, #tpu.memory_space<vmem>>
      %dma_wait3A_1385 = arith.constant 0 : i32
      %dma_wait3A_1386 = arith.constant 0 : i32
      %dma_wait3A_1387 = tpu.memref_slice %arg4[%dma_wait3A_1385, %dma_wait3A_1386] : memref<16x1000000xf32, #tpu.memory_space<hbm>> -> memref<16x128xf32, #tpu.memory_space<hbm>>
      %dma_wait3A_1388 = arith.constant 0 : i32
      %dma_wait3A_1389 = arith.constant 0 : i32
      %dma_wait3A_1390 = tpu.memref_slice %arg9[%dma_wait3A, %dma_wait3A_1380, %dma_wait3A_1388, %dma_wait3A_1389] : memref<2x8x16x128xf32, #tpu.memory_space<vmem>> -> memref<1x1x16x128xf32, #tpu.memory_space<vmem>>
      %dma_wait3A_1391 = tpu.memref_squeeze %dma_wait3A_1390 : memref<1x1x16x128xf32, #tpu.memory_space<vmem>> -> memref<16x128xf32, #tpu.memory_space<vmem>>
      %dma_wait3A_1392 = arith.constant 0 : i32
      %dma_wait3A_1393 = arith.constant 0 : i32
      %dma_wait3A_1394 = tpu.memref_slice %arg4[%dma_wait3A_1392, %dma_wait3A_1393] : memref<16x1000000xf32, #tpu.memory_space<hbm>> -> memref<16x128xf32, #tpu.memory_space<hbm>>
      tpu.wait_dma2 semaphore(%arg13 : memref<!tpu.dma_semaphore, #tpu.memory_space<semaphore_mem>>) src(%dma_wait3A_1394 : memref<16x128xf32, #tpu.memory_space<hbm>>) dst(%dma_wait3A_1391 : memref<16x128xf32, #tpu.memory_space<vmem>>)
      %dma_wait3A_1395 = arith.constant 0 : i32
      %dma_wait3A_1396 = arith.constant 0 : i32
      %dma_wait3A_1397 = arith.constant 0 : i32
      %dma_wait3A_1398 = arith.constant 0 : i32
      %dma_wait3A_1399 = tpu.memref_slice %arg9[%dma_wait3A_1395, %dma_wait3A_1396, %dma_wait3A_1397, %dma_wait3A_1398] : memref<2x8x16x128xf32, #tpu.memory_space<vmem>> -> memref<1x1x16x128xf32, #tpu.memory_space<vmem>>
      %dma_wait3A_1400 = tpu.memref_squeeze %dma_wait3A_1399 : memref<1x1x16x128xf32, #tpu.memory_space<vmem>> -> memref<16x128xf32, #tpu.memory_space<vmem>>
      %dma_wait3A_1401 = arith.constant 0 : i32
      %dma_wait3A_1402 = arith.constant 0 : i32
      %dma_wait3A_1403 = tpu.memref_slice %arg4[%dma_wait3A_1401, %dma_wait3A_1402] : memref<16x1000000xf32, #tpu.memory_space<hbm>> -> memref<16x128xf32, #tpu.memory_space<hbm>>
      %dma_wait3A_1404 = arith.constant 0 : i32
      %dma_wait3A_1405 = arith.constant 0 : i32
      %dma_wait3A_1406 = tpu.memref_slice %arg9[%dma_wait3A_1395, %dma_wait3A_1396, %dma_wait3A_1404, %dma_wait3A_1405] : memref<2x8x16x128xf32, #tpu.memory_space<vmem>> -> memref<1x1x16x128xf32, #tpu.memory_space<vmem>>
      %dma_wait3A_1407 = tpu.memref_squeeze %dma_wait3A_1406 : memref<1x1x16x128xf32, #tpu.memory_space<vmem>> -> memref<16x128xf32, #tpu.memory_space<vmem>>
      %dma_wait3A_1408 = arith.constant 0 : i32
      %dma_wait3A_1409 = arith.constant 0 : i32
      %dma_wait3A_1410 = tpu.memref_slice %arg4[%dma_wait3A_1408, %dma_wait3A_1409] : memref<16x1000000xf32, #tpu.memory_space<hbm>> -> memref<16x128xf32, #tpu.memory_space<hbm>>
      tpu.wait_dma2 semaphore(%arg13 : memref<!tpu.dma_semaphore, #tpu.memory_space<semaphore_mem>>) src(%dma_wait3A_1410 : memref<16x128xf32, #tpu.memory_space<hbm>>) dst(%dma_wait3A_1407 : memref<16x128xf32, #tpu.memory_space<vmem>>)
      %dma_wait3A_1411 = arith.constant 0 : i32
      %dma_wait3A_1412 = arith.constant 0 : i32
      %dma_wait3A_1413 = arith.constant 0 : i32
      %dma_wait3A_1414 = arith.constant 0 : i32
      %dma_wait3A_1415 = tpu.memref_slice %arg9[%dma_wait3A_1411, %dma_wait3A_1412, %dma_wait3A_1413, %dma_wait3A_1414] : memref<2x8x16x128xf32, #tpu.memory_space<vmem>> -> memref<1x1x16x128xf32, #tpu.memory_space<vmem>>
      %dma_wait3A_1416 = tpu.memref_squeeze %dma_wait3A_1415 : memref<1x1x16x128xf32, #tpu.memory_space<vmem>> -> memref<16x128xf32, #tpu.memory_space<vmem>>
      %dma_wait3A_1417 = arith.constant 0 : i32
      %dma_wait3A_1418 = arith.constant 0 : i32
      %dma_wait3A_1419 = tpu.memref_slice %arg4[%dma_wait3A_1417, %dma_wait3A_1418] : memref<16x1000000xf32, #tpu.memory_space<hbm>> -> memref<16x128xf32, #tpu.memory_space<hbm>>
      %dma_wait3A_1420 = arith.constant 0 : i32
      %dma_wait3A_1421 = arith.constant 0 : i32
      %dma_wait3A_1422 = tpu.memref_slice %arg9[%dma_wait3A_1411, %dma_wait3A_1412, %dma_wait3A_1420, %dma_wait3A_1421] : memref<2x8x16x128xf32, #tpu.memory_space<vmem>> -> memref<1x1x16x128xf32, #tpu.memory_space<vmem>>
      %dma_wait3A_1423 = tpu.memref_squeeze %dma_wait3A_1422 : memref<1x1x16x128xf32, #tpu.memory_space<vmem>> -> memref<16x128xf32, #tpu.memory_space<vmem>>
      %dma_wait3A_1424 = arith.constant 0 : i32
      %dma_wait3A_1425 = arith.constant 0 : i32
      %dma_wait3A_1426 = tpu.memref_slice %arg4[%dma_wait3A_1424, %dma_wait3A_1425] : memref<16x1000000xf32, #tpu.memory_space<hbm>> -> memref<16x128xf32, #tpu.memory_space<hbm>>
      tpu.wait_dma2 semaphore(%arg13 : memref<!tpu.dma_semaphore, #tpu.memory_space<semaphore_mem>>) src(%dma_wait3A_1426 : memref<16x128xf32, #tpu.memory_space<hbm>>) dst(%dma_wait3A_1423 : memref<16x128xf32, #tpu.memory_space<vmem>>)
      %dma_wait3A_1427 = arith.constant 0 : i32
      %dma_wait3A_1428 = arith.constant 0 : i32
      %dma_wait3A_1429 = arith.constant 0 : i32
      %dma_wait3A_1430 = arith.constant 0 : i32
      %dma_wait3A_1431 = tpu.memref_slice %arg9[%dma_wait3A_1427, %dma_wait3A_1428, %dma_wait3A_1429, %dma_wait3A_1430] : memref<2x8x16x128xf32, #tpu.memory_space<vmem>> -> memref<1x1x16x128xf32, #tpu.memory_space<vmem>>
      %dma_wait3A_1432 = tpu.memref_squeeze %dma_wait3A_1431 : memref<1x1x16x128xf32, #tpu.memory_space<vmem>> -> memref<16x128xf32, #tpu.memory_space<vmem>>
      %dma_wait3A_1433 = arith.constant 0 : i32
      %dma_wait3A_1434 = arith.constant 0 : i32
      %dma_wait3A_1435 = tpu.memref_slice %arg4[%dma_wait3A_1433, %dma_wait3A_1434] : memref<16x1000000xf32, #tpu.memory_space<hbm>> -> memref<16x128xf32, #tpu.memory_space<hbm>>
      %dma_wait3A_1436 = arith.constant 0 : i32
      %dma_wait3A_1437 = arith.constant 0 : i32
      %dma_wait3A_1438 = tpu.memref_slice %arg9[%dma_wait3A_1427, %dma_wait3A_1428, %dma_wait3A_1436, %dma_wait3A_1437] : memref<2x8x16x128xf32, #tpu.memory_space<vmem>> -> memref<1x1x16x128xf32, #tpu.memory_space<vmem>>
      %dma_wait3A_1439 = tpu.memref_squeeze %dma_wait3A_1438 : memref<1x1x16x128xf32, #tpu.memory_space<vmem>> -> memref<16x128xf32, #tpu.memory_space<vmem>>
      %dma_wait3A_1440 = arith.constant 0 : i32
      %dma_wait3A_1441 = arith.constant 0 : i32
      %dma_wait3A_1442 = tpu.memref_slice %arg4[%dma_wait3A_1440, %dma_wait3A_1441] : memref<16x1000000xf32, #tpu.memory_space<hbm>> -> memref<16x128xf32, #tpu.memory_space<hbm>>
      tpu.wait_dma2 semaphore(%arg13 : memref<!tpu.dma_semaphore, #tpu.memory_space<semaphore_mem>>) src(%dma_wait3A_1442 : memref<16x128xf32, #tpu.memory_space<hbm>>) dst(%dma_wait3A_1439 : memref<16x128xf32, #tpu.memory_space<vmem>>)
      %dma_wait3A_1443 = arith.constant 0 : i32
      %dma_wait3A_1444 = arith.constant 0 : i32
      %dma_wait3A_1445 = arith.constant 0 : i32
      %dma_wait3A_1446 = arith.constant 0 : i32
      %dma_wait3A_1447 = tpu.memref_slice %arg9[%dma_wait3A_1443, %dma_wait3A_1444, %dma_wait3A_1445, %dma_wait3A_1446] : memref<2x8x16x128xf32, #tpu.memory_space<vmem>> -> memref<1x1x16x128xf32, #tpu.memory_space<vmem>>
      %dma_wait3A_1448 = tpu.memref_squeeze %dma_wait3A_1447 : memref<1x1x16x128xf32, #tpu.memory_space<vmem>> -> memref<16x128xf32, #tpu.memory_space<vmem>>
      %dma_wait3A_1449 = arith.constant 0 : i32
      %dma_wait3A_1450 = arith.constant 0 : i32
      %dma_wait3A_1451 = tpu.memref_slice %arg4[%dma_wait3A_1449, %dma_wait3A_1450] : memref<16x1000000xf32, #tpu.memory_space<hbm>> -> memref<16x128xf32, #tpu.memory_space<hbm>>
      %dma_wait3A_1452 = arith.constant 0 : i32
      %dma_wait3A_1453 = arith.constant 0 : i32
      %dma_wait3A_1454 = tpu.memref_slice %arg9[%dma_wait3A_1443, %dma_wait3A_1444, %dma_wait3A_1452, %dma_wait3A_1453] : memref<2x8x16x128xf32, #tpu.memory_space<vmem>> -> memref<1x1x16x128xf32, #tpu.memory_space<vmem>>
      %dma_wait3A_1455 = tpu.memref_squeeze %dma_wait3A_1454 : memref<1x1x16x128xf32, #tpu.memory_space<vmem>> -> memref<16x128xf32, #tpu.memory_space<vmem>>
      %dma_wait3A_1456 = arith.constant 0 : i32
      %dma_wait3A_1457 = arith.constant 0 : i32
      %dma_wait3A_1458 = tpu.memref_slice %arg4[%dma_wait3A_1456, %dma_wait3A_1457] : memref<16x1000000xf32, #tpu.memory_space<hbm>> -> memref<16x128xf32, #tpu.memory_space<hbm>>
      tpu.wait_dma2 semaphore(%arg13 : memref<!tpu.dma_semaphore, #tpu.memory_space<semaphore_mem>>) src(%dma_wait3A_1458 : memref<16x128xf32, #tpu.memory_space<hbm>>) dst(%dma_wait3A_1455 : memref<16x128xf32, #tpu.memory_space<vmem>>)
      %dma_wait3A_1459 = arith.constant 0 : i32
      %dma_wait3A_1460 = arith.constant 0 : i32
      %dma_wait3A_1461 = arith.constant 0 : i32
      %dma_wait3A_1462 = arith.constant 0 : i32
      %dma_wait3A_1463 = tpu.memref_slice %arg9[%dma_wait3A_1459, %dma_wait3A_1460, %dma_wait3A_1461, %dma_wait3A_1462] : memref<2x8x16x128xf32, #tpu.memory_space<vmem>> -> memref<1x1x16x128xf32, #tpu.memory_space<vmem>>
      %dma_wait3A_1464 = tpu.memref_squeeze %dma_wait3A_1463 : memref<1x1x16x128xf32, #tpu.memory_space<vmem>> -> memref<16x128xf32, #tpu.memory_space<vmem>>
      %dma_wait3A_1465 = arith.constant 0 : i32
      %dma_wait3A_1466 = arith.constant 0 : i32
      %dma_wait3A_1467 = tpu.memref_slice %arg4[%dma_wait3A_1465, %dma_wait3A_1466] : memref<16x1000000xf32, #tpu.memory_space<hbm>> -> memref<16x128xf32, #tpu.memory_space<hbm>>
      %dma_wait3A_1468 = arith.constant 0 : i32
      %dma_wait3A_1469 = arith.constant 0 : i32
      %dma_wait3A_1470 = tpu.memref_slice %arg9[%dma_wait3A_1459, %dma_wait3A_1460, %dma_wait3A_1468, %dma_wait3A_1469] : memref<2x8x16x128xf32, #tpu.memory_space<vmem>> -> memref<1x1x16x128xf32, #tpu.memory_space<vmem>>
      %dma_wait3A_1471 = tpu.memref_squeeze %dma_wait3A_1470 : memref<1x1x16x128xf32, #tpu.memory_space<vmem>> -> memref<16x128xf32, #tpu.memory_space<vmem>>
      %dma_wait3A_1472 = arith.constant 0 : i32
      %dma_wait3A_1473 = arith.constant 0 : i32
      %dma_wait3A_1474 = tpu.memref_slice %arg4[%dma_wait3A_1472, %dma_wait3A_1473] : memref<16x1000000xf32, #tpu.memory_space<hbm>> -> memref<16x128xf32, #tpu.memory_space<hbm>>
      tpu.wait_dma2 semaphore(%arg13 : memref<!tpu.dma_semaphore, #tpu.memory_space<semaphore_mem>>) src(%dma_wait3A_1474 : memref<16x128xf32, #tpu.memory_space<hbm>>) dst(%dma_wait3A_1471 : memref<16x128xf32, #tpu.memory_space<vmem>>)
      %dma_wait3A_1475 = arith.constant 0 : i32
      %dma_wait3A_1476 = arith.constant 0 : i32
      %dma_wait3A_1477 = arith.constant 0 : i32
      %dma_wait3A_1478 = arith.constant 0 : i32
      %dma_wait3A_1479 = tpu.memref_slice %arg9[%dma_wait3A_1475, %dma_wait3A_1476, %dma_wait3A_1477, %dma_wait3A_1478] : memref<2x8x16x128xf32, #tpu.memory_space<vmem>> -> memref<1x1x16x128xf32, #tpu.memory_space<vmem>>
      %dma_wait3A_1480 = tpu.memref_squeeze %dma_wait3A_1479 : memref<1x1x16x128xf32, #tpu.memory_space<vmem>> -> memref<16x128xf32, #tpu.memory_space<vmem>>
      %dma_wait3A_1481 = arith.constant 0 : i32
      %dma_wait3A_1482 = arith.constant 0 : i32
      %dma_wait3A_1483 = tpu.memref_slice %arg4[%dma_wait3A_1481, %dma_wait3A_1482] : memref<16x1000000xf32, #tpu.memory_space<hbm>> -> memref<16x128xf32, #tpu.memory_space<hbm>>
      %dma_wait3A_1484 = arith.constant 0 : i32
      %dma_wait3A_1485 = arith.constant 0 : i32
      %dma_wait3A_1486 = tpu.memref_slice %arg9[%dma_wait3A_1475, %dma_wait3A_1476, %dma_wait3A_1484, %dma_wait3A_1485] : memref<2x8x16x128xf32, #tpu.memory_space<vmem>> -> memref<1x1x16x128xf32, #tpu.memory_space<vmem>>
      %dma_wait3A_1487 = tpu.memref_squeeze %dma_wait3A_1486 : memref<1x1x16x128xf32, #tpu.memory_space<vmem>> -> memref<16x128xf32, #tpu.memory_space<vmem>>
      %dma_wait3A_1488 = arith.constant 0 : i32
      %dma_wait3A_1489 = arith.constant 0 : i32
      %dma_wait3A_1490 = tpu.memref_slice %arg4[%dma_wait3A_1488, %dma_wait3A_1489] : memref<16x1000000xf32, #tpu.memory_space<hbm>> -> memref<16x128xf32, #tpu.memory_space<hbm>>
      tpu.wait_dma2 semaphore(%arg13 : memref<!tpu.dma_semaphore, #tpu.memory_space<semaphore_mem>>) src(%dma_wait3A_1490 : memref<16x128xf32, #tpu.memory_space<hbm>>) dst(%dma_wait3A_1487 : memref<16x128xf32, #tpu.memory_space<vmem>>)
      %dma_wait3A_1491 = arith.constant 0 : i32
      %dma_wait3A_1492 = arith.constant 0 : i32
      %dma_wait3A_1493 = arith.constant 0 : i32
      %dma_wait3A_1494 = arith.constant 0 : i32
      %dma_wait3A_1495 = tpu.memref_slice %arg9[%dma_wait3A_1491, %dma_wait3A_1492, %dma_wait3A_1493, %dma_wait3A_1494] : memref<2x8x16x128xf32, #tpu.memory_space<vmem>> -> memref<1x1x16x128xf32, #tpu.memory_space<vmem>>
      %dma_wait3A_1496 = tpu.memref_squeeze %dma_wait3A_1495 : memref<1x1x16x128xf32, #tpu.memory_space<vmem>> -> memref<16x128xf32, #tpu.memory_space<vmem>>
      %dma_wait3A_1497 = arith.constant 0 : i32
      %dma_wait3A_1498 = arith.constant 0 : i32
      %dma_wait3A_1499 = tpu.memref_slice %arg4[%dma_wait3A_1497, %dma_wait3A_1498] : memref<16x1000000xf32, #tpu.memory_space<hbm>> -> memref<16x128xf32, #tpu.memory_space<hbm>>
      %dma_wait3A_1500 = arith.constant 0 : i32
      %dma_wait3A_1501 = arith.constant 0 : i32
      %dma_wait3A_1502 = tpu.memref_slice %arg9[%dma_wait3A_1491, %dma_wait3A_1492, %dma_wait3A_1500, %dma_wait3A_1501] : memref<2x8x16x128xf32, #tpu.memory_space<vmem>> -> memref<1x1x16x128xf32, #tpu.memory_space<vmem>>
      %dma_wait3A_1503 = tpu.memref_squeeze %dma_wait3A_1502 : memref<1x1x16x128xf32, #tpu.memory_space<vmem>> -> memref<16x128xf32, #tpu.memory_space<vmem>>
      %dma_wait3A_1504 = arith.constant 0 : i32
      %dma_wait3A_1505 = arith.constant 0 : i32
      %dma_wait3A_1506 = tpu.memref_slice %arg4[%dma_wait3A_1504, %dma_wait3A_1505] : memref<16x1000000xf32, #tpu.memory_space<hbm>> -> memref<16x128xf32, #tpu.memory_space<hbm>>
      tpu.wait_dma2 semaphore(%arg13 : memref<!tpu.dma_semaphore, #tpu.memory_space<semaphore_mem>>) src(%dma_wait3A_1506 : memref<16x128xf32, #tpu.memory_space<hbm>>) dst(%dma_wait3A_1503 : memref<16x128xf32, #tpu.memory_space<vmem>>)
      %dma_wait3A_1507 = arith.constant 0 : i32
      %dma_wait3A_1508 = arith.constant 0 : i32
      %dma_wait3A_1509 = arith.constant 0 : i32
      %dma_wait3A_1510 = arith.constant 0 : i32
      %dma_wait3A_1511 = tpu.memref_slice %arg9[%dma_wait3A_1507, %dma_wait3A_1508, %dma_wait3A_1509, %dma_wait3A_1510] : memref<2x8x16x128xf32, #tpu.memory_space<vmem>> -> memref<1x1x16x128xf32, #tpu.memory_space<vmem>>
      %dma_wait3A_1512 = tpu.memref_squeeze %dma_wait3A_1511 : memref<1x1x16x128xf32, #tpu.memory_space<vmem>> -> memref<16x128xf32, #tpu.memory_space<vmem>>
      %dma_wait3A_1513 = arith.constant 0 : i32
      %dma_wait3A_1514 = arith.constant 0 : i32
      %dma_wait3A_1515 = tpu.memref_slice %arg4[%dma_wait3A_1513, %dma_wait3A_1514] : memref<16x1000000xf32, #tpu.memory_space<hbm>> -> memref<16x128xf32, #tpu.memory_space<hbm>>
      %dma_wait3A_1516 = arith.constant 0 : i32
      %dma_wait3A_1517 = arith.constant 0 : i32
      %dma_wait3A_1518 = tpu.memref_slice %arg9[%dma_wait3A_1507, %dma_wait3A_1508, %dma_wait3A_1516, %dma_wait3A_1517] : memref<2x8x16x128xf32, #tpu.memory_space<vmem>> -> memref<1x1x16x128xf32, #tpu.memory_space<vmem>>
      %dma_wait3A_1519 = tpu.memref_squeeze %dma_wait3A_1518 : memref<1x1x16x128xf32, #tpu.memory_space<vmem>> -> memref<16x128xf32, #tpu.memory_space<vmem>>
      %dma_wait3A_1520 = arith.constant 0 : i32
      %dma_wait3A_1521 = arith.constant 0 : i32
      %dma_wait3A_1522 = tpu.memref_slice %arg4[%dma_wait3A_1520, %dma_wait3A_1521] : memref<16x1000000xf32, #tpu.memory_space<hbm>> -> memref<16x128xf32, #tpu.memory_space<hbm>>
      tpu.wait_dma2 semaphore(%arg13 : memref<!tpu.dma_semaphore, #tpu.memory_space<semaphore_mem>>) src(%dma_wait3A_1522 : memref<16x128xf32, #tpu.memory_space<hbm>>) dst(%dma_wait3A_1519 : memref<16x128xf32, #tpu.memory_space<vmem>>)
      %dma_wait3A_1523 = arith.constant 0 : i32
      %dma_wait3A_1524 = arith.constant 0 : i32
      %dma_wait3A_1525 = arith.constant 0 : i32
      %dma_wait3A_1526 = arith.constant 0 : i32
      %dma_wait3A_1527 = tpu.memref_slice %arg9[%dma_wait3A_1523, %dma_wait3A_1524, %dma_wait3A_1525, %dma_wait3A_1526] : memref<2x8x16x128xf32, #tpu.memory_space<vmem>> -> memref<1x1x16x128xf32, #tpu.memory_space<vmem>>
      %dma_wait3A_1528 = tpu.memref_squeeze %dma_wait3A_1527 : memref<1x1x16x128xf32, #tpu.memory_space<vmem>> -> memref<16x128xf32, #tpu.memory_space<vmem>>
      %dma_wait3A_1529 = arith.constant 0 : i32
      %dma_wait3A_1530 = arith.constant 0 : i32
      %dma_wait3A_1531 = tpu.memref_slice %arg4[%dma_wait3A_1529, %dma_wait3A_1530] : memref<16x1000000xf32, #tpu.memory_space<hbm>> -> memref<16x128xf32, #tpu.memory_space<hbm>>
      %dma_wait3A_1532 = arith.constant 0 : i32
      %dma_wait3A_1533 = arith.constant 0 : i32
      %dma_wait3A_1534 = tpu.memref_slice %arg9[%dma_wait3A_1523, %dma_wait3A_1524, %dma_wait3A_1532, %dma_wait3A_1533] : memref<2x8x16x128xf32, #tpu.memory_space<vmem>> -> memref<1x1x16x128xf32, #tpu.memory_space<vmem>>
      %dma_wait3A_1535 = tpu.memref_squeeze %dma_wait3A_1534 : memref<1x1x16x128xf32, #tpu.memory_space<vmem>> -> memref<16x128xf32, #tpu.memory_space<vmem>>
      %dma_wait3A_1536 = arith.constant 0 : i32
      %dma_wait3A_1537 = arith.constant 0 : i32
      %dma_wait3A_1538 = tpu.memref_slice %arg4[%dma_wait3A_1536, %dma_wait3A_1537] : memref<16x1000000xf32, #tpu.memory_space<hbm>> -> memref<16x128xf32, #tpu.memory_space<hbm>>
      tpu.wait_dma2 semaphore(%arg13 : memref<!tpu.dma_semaphore, #tpu.memory_space<semaphore_mem>>) src(%dma_wait3A_1538 : memref<16x128xf32, #tpu.memory_space<hbm>>) dst(%dma_wait3A_1535 : memref<16x128xf32, #tpu.memory_space<vmem>>)
      %dma_wait3A_1539 = arith.constant 0 : i32
      %dma_wait3A_1540 = arith.constant 0 : i32
      %dma_wait3A_1541 = arith.constant 0 : i32
      %dma_wait3A_1542 = arith.constant 0 : i32
      %dma_wait3A_1543 = tpu.memref_slice %arg9[%dma_wait3A_1539, %dma_wait3A_1540, %dma_wait3A_1541, %dma_wait3A_1542] : memref<2x8x16x128xf32, #tpu.memory_space<vmem>> -> memref<1x1x16x128xf32, #tpu.memory_space<vmem>>
      %dma_wait3A_1544 = tpu.memref_squeeze %dma_wait3A_1543 : memref<1x1x16x128xf32, #tpu.memory_space<vmem>> -> memref<16x128xf32, #tpu.memory_space<vmem>>
      %dma_wait3A_1545 = arith.constant 0 : i32
      %dma_wait3A_1546 = arith.constant 0 : i32
      %dma_wait3A_1547 = tpu.memref_slice %arg4[%dma_wait3A_1545, %dma_wait3A_1546] : memref<16x1000000xf32, #tpu.memory_space<hbm>> -> memref<16x128xf32, #tpu.memory_space<hbm>>
      %dma_wait3A_1548 = arith.constant 0 : i32
      %dma_wait3A_1549 = arith.constant 0 : i32
      %dma_wait3A_1550 = tpu.memref_slice %arg9[%dma_wait3A_1539, %dma_wait3A_1540, %dma_wait3A_1548, %dma_wait3A_1549] : memref<2x8x16x128xf32, #tpu.memory_space<vmem>> -> memref<1x1x16x128xf32, #tpu.memory_space<vmem>>
      %dma_wait3A_1551 = tpu.memref_squeeze %dma_wait3A_1550 : memref<1x1x16x128xf32, #tpu.memory_space<vmem>> -> memref<16x128xf32, #tpu.memory_space<vmem>>
      %dma_wait3A_1552 = arith.constant 0 : i32
      %dma_wait3A_1553 = arith.constant 0 : i32
      %dma_wait3A_1554 = tpu.memref_slice %arg4[%dma_wait3A_1552, %dma_wait3A_1553] : memref<16x1000000xf32, #tpu.memory_space<hbm>> -> memref<16x128xf32, #tpu.memory_space<hbm>>
      tpu.wait_dma2 semaphore(%arg13 : memref<!tpu.dma_semaphore, #tpu.memory_space<semaphore_mem>>) src(%dma_wait3A_1554 : memref<16x128xf32, #tpu.memory_space<hbm>>) dst(%dma_wait3A_1551 : memref<16x128xf32, #tpu.memory_space<vmem>>)
      %dma_wait3A_1555 = arith.constant 0 : i32
      %dma_wait3A_1556 = arith.constant 0 : i32
      %dma_wait3A_1557 = arith.constant 0 : i32
      %dma_wait3A_1558 = arith.constant 0 : i32
      %dma_wait3A_1559 = tpu.memref_slice %arg9[%dma_wait3A_1555, %dma_wait3A_1556, %dma_wait3A_1557, %dma_wait3A_1558] : memref<2x8x16x128xf32, #tpu.memory_space<vmem>> -> memref<1x1x16x128xf32, #tpu.memory_space<vmem>>
      %dma_wait3A_1560 = tpu.memref_squeeze %dma_wait3A_1559 : memref<1x1x16x128xf32, #tpu.memory_space<vmem>> -> memref<16x128xf32, #tpu.memory_space<vmem>>
      %dma_wait3A_1561 = arith.constant 0 : i32
      %dma_wait3A_1562 = arith.constant 0 : i32
      %dma_wait3A_1563 = tpu.memref_slice %arg4[%dma_wait3A_1561, %dma_wait3A_1562] : memref<16x1000000xf32, #tpu.memory_space<hbm>> -> memref<16x128xf32, #tpu.memory_space<hbm>>
      %dma_wait3A_1564 = arith.constant 0 : i32
      %dma_wait3A_1565 = arith.constant 0 : i32
      %dma_wait3A_1566 = tpu.memref_slice %arg9[%dma_wait3A_1555, %dma_wait3A_1556, %dma_wait3A_1564, %dma_wait3A_1565] : memref<2x8x16x128xf32, #tpu.memory_space<vmem>> -> memref<1x1x16x128xf32, #tpu.memory_space<vmem>>
      %dma_wait3A_1567 = tpu.memref_squeeze %dma_wait3A_1566 : memref<1x1x16x128xf32, #tpu.memory_space<vmem>> -> memref<16x128xf32, #tpu.memory_space<vmem>>
      %dma_wait3A_1568 = arith.constant 0 : i32
      %dma_wait3A_1569 = arith.constant 0 : i32
      %dma_wait3A_1570 = tpu.memref_slice %arg4[%dma_wait3A_1568, %dma_wait3A_1569] : memref<16x1000000xf32, #tpu.memory_space<hbm>> -> memref<16x128xf32, #tpu.memory_space<hbm>>
      tpu.wait_dma2 semaphore(%arg13 : memref<!tpu.dma_semaphore, #tpu.memory_space<semaphore_mem>>) src(%dma_wait3A_1570 : memref<16x128xf32, #tpu.memory_space<hbm>>) dst(%dma_wait3A_1567 : memref<16x128xf32, #tpu.memory_space<vmem>>)
      %dma_wait3A_1571 = arith.constant 0 : i32
      %dma_wait3A_1572 = arith.constant 0 : i32
      %dma_wait3A_1573 = arith.constant 0 : i32
      %dma_wait3A_1574 = arith.constant 0 : i32
      %dma_wait3A_1575 = tpu.memref_slice %arg9[%dma_wait3A_1571, %dma_wait3A_1572, %dma_wait3A_1573, %dma_wait3A_1574] : memref<2x8x16x128xf32, #tpu.memory_space<vmem>> -> memref<1x1x16x128xf32, #tpu.memory_space<vmem>>
      %dma_wait3A_1576 = tpu.memref_squeeze %dma_wait3A_1575 : memref<1x1x16x128xf32, #tpu.memory_space<vmem>> -> memref<16x128xf32, #tpu.memory_space<vmem>>
      %dma_wait3A_1577 = arith.constant 0 : i32
      %dma_wait3A_1578 = arith.constant 0 : i32
      %dma_wait3A_1579 = tpu.memref_slice %arg4[%dma_wait3A_1577, %dma_wait3A_1578] : memref<16x1000000xf32, #tpu.memory_space<hbm>> -> memref<16x128xf32, #tpu.memory_space<hbm>>
      %dma_wait3A_1580 = arith.constant 0 : i32
      %dma_wait3A_1581 = arith.constant 0 : i32
      %dma_wait3A_1582 = tpu.memref_slice %arg9[%dma_wait3A_1571, %dma_wait3A_1572, %dma_wait3A_1580, %dma_wait3A_1581] : memref<2x8x16x128xf32, #tpu.memory_space<vmem>> -> memref<1x1x16x128xf32, #tpu.memory_space<vmem>>
      %dma_wait3A_1583 = tpu.memref_squeeze %dma_wait3A_1582 : memref<1x1x16x128xf32, #tpu.memory_space<vmem>> -> memref<16x128xf32, #tpu.memory_space<vmem>>
      %dma_wait3A_1584 = arith.constant 0 : i32
      %dma_wait3A_1585 = arith.constant 0 : i32
      %dma_wait3A_1586 = tpu.memref_slice %arg4[%dma_wait3A_1584, %dma_wait3A_1585] : memref<16x1000000xf32, #tpu.memory_space<hbm>> -> memref<16x128xf32, #tpu.memory_space<hbm>>
      tpu.wait_dma2 semaphore(%arg13 : memref<!tpu.dma_semaphore, #tpu.memory_space<semaphore_mem>>) src(%dma_wait3A_1586 : memref<16x128xf32, #tpu.memory_space<hbm>>) dst(%dma_wait3A_1583 : memref<16x128xf32, #tpu.memory_space<vmem>>)
      %dma_wait3A_1587 = arith.constant 0 : i32
      %dma_wait3A_1588 = arith.constant 0 : i32
      %dma_wait3A_1589 = arith.constant 0 : i32
      %dma_wait3A_1590 = arith.constant 0 : i32
      %dma_wait3A_1591 = tpu.memref_slice %arg9[%dma_wait3A_1587, %dma_wait3A_1588, %dma_wait3A_1589, %dma_wait3A_1590] : memref<2x8x16x128xf32, #tpu.memory_space<vmem>> -> memref<1x1x16x128xf32, #tpu.memory_space<vmem>>
      %dma_wait3A_1592 = tpu.memref_squeeze %dma_wait3A_1591 : memref<1x1x16x128xf32, #tpu.memory_space<vmem>> -> memref<16x128xf32, #tpu.memory_space<vmem>>
      %dma_wait3A_1593 = arith.constant 0 : i32
      %dma_wait3A_1594 = arith.constant 0 : i32
      %dma_wait3A_1595 = tpu.memref_slice %arg4[%dma_wait3A_1593, %dma_wait3A_1594] : memref<16x1000000xf32, #tpu.memory_space<hbm>> -> memref<16x128xf32, #tpu.memory_space<hbm>>
      %dma_wait3A_1596 = arith.constant 0 : i32
      %dma_wait3A_1597 = arith.constant 0 : i32
      %dma_wait3A_1598 = tpu.memref_slice %arg9[%dma_wait3A_1587, %dma_wait3A_1588, %dma_wait3A_1596, %dma_wait3A_1597] : memref<2x8x16x128xf32, #tpu.memory_space<vmem>> -> memref<1x1x16x128xf32, #tpu.memory_space<vmem>>
      %dma_wait3A_1599 = tpu.memref_squeeze %dma_wait3A_1598 : memref<1x1x16x128xf32, #tpu.memory_space<vmem>> -> memref<16x128xf32, #tpu.memory_space<vmem>>
      %dma_wait3A_1600 = arith.constant 0 : i32
      %dma_wait3A_1601 = arith.constant 0 : i32
      %dma_wait3A_1602 = tpu.memref_slice %arg4[%dma_wait3A_1600, %dma_wait3A_1601] : memref<16x1000000xf32, #tpu.memory_space<hbm>> -> memref<16x128xf32, #tpu.memory_space<hbm>>
      tpu.wait_dma2 semaphore(%arg13 : memref<!tpu.dma_semaphore, #tpu.memory_space<semaphore_mem>>) src(%dma_wait3A_1602 : memref<16x128xf32, #tpu.memory_space<hbm>>) dst(%dma_wait3A_1599 : memref<16x128xf32, #tpu.memory_space<vmem>>)
      %dma_wait3A_1603 = arith.constant 0 : i32
      %dma_wait3A_1604 = arith.constant 0 : i32
      %dma_wait3A_1605 = arith.constant 0 : i32
      %dma_wait3A_1606 = arith.constant 0 : i32
      %dma_wait3A_1607 = tpu.memref_slice %arg9[%dma_wait3A_1603, %dma_wait3A_1604, %dma_wait3A_1605, %dma_wait3A_1606] : memref<2x8x16x128xf32, #tpu.memory_space<vmem>> -> memref<1x1x16x128xf32, #tpu.memory_space<vmem>>
      %dma_wait3A_1608 = tpu.memref_squeeze %dma_wait3A_1607 : memref<1x1x16x128xf32, #tpu.memory_space<vmem>> -> memref<16x128xf32, #tpu.memory_space<vmem>>
      %dma_wait3A_1609 = arith.constant 0 : i32
      %dma_wait3A_1610 = arith.constant 0 : i32
      %dma_wait3A_1611 = tpu.memref_slice %arg4[%dma_wait3A_1609, %dma_wait3A_1610] : memref<16x1000000xf32, #tpu.memory_space<hbm>> -> memref<16x128xf32, #tpu.memory_space<hbm>>
      %dma_wait3A_1612 = arith.constant 0 : i32
      %dma_wait3A_1613 = arith.constant 0 : i32
      %dma_wait3A_1614 = tpu.memref_slice %arg9[%dma_wait3A_1603, %dma_wait3A_1604, %dma_wait3A_1612, %dma_wait3A_1613] : memref<2x8x16x128xf32, #tpu.memory_space<vmem>> -> memref<1x1x16x128xf32, #tpu.memory_space<vmem>>
      %dma_wait3A_1615 = tpu.memref_squeeze %dma_wait3A_1614 : memref<1x1x16x128xf32, #tpu.memory_space<vmem>> -> memref<16x128xf32, #tpu.memory_space<vmem>>
      %dma_wait3A_1616 = arith.constant 0 : i32
      %dma_wait3A_1617 = arith.constant 0 : i32
      %dma_wait3A_1618 = tpu.memref_slice %arg4[%dma_wait3A_1616, %dma_wait3A_1617] : memref<16x1000000xf32, #tpu.memory_space<hbm>> -> memref<16x128xf32, #tpu.memory_space<hbm>>
      tpu.wait_dma2 semaphore(%arg13 : memref<!tpu.dma_semaphore, #tpu.memory_space<semaphore_mem>>) src(%dma_wait3A_1618 : memref<16x128xf32, #tpu.memory_space<hbm>>) dst(%dma_wait3A_1615 : memref<16x128xf32, #tpu.memory_space<vmem>>)
      %dma_wait3A_1619 = arith.constant 0 : i32
      %dma_wait3A_1620 = arith.constant 0 : i32
      %dma_wait3A_1621 = arith.constant 0 : i32
      %dma_wait3A_1622 = arith.constant 0 : i32
      %dma_wait3A_1623 = tpu.memref_slice %arg9[%dma_wait3A_1619, %dma_wait3A_1620, %dma_wait3A_1621, %dma_wait3A_1622] : memref<2x8x16x128xf32, #tpu.memory_space<vmem>> -> memref<1x1x16x128xf32, #tpu.memory_space<vmem>>
      %dma_wait3A_1624 = tpu.memref_squeeze %dma_wait3A_1623 : memref<1x1x16x128xf32, #tpu.memory_space<vmem>> -> memref<16x128xf32, #tpu.memory_space<vmem>>
      %dma_wait3A_1625 = arith.constant 0 : i32
      %dma_wait3A_1626 = arith.constant 0 : i32
      %dma_wait3A_1627 = tpu.memref_slice %arg4[%dma_wait3A_1625, %dma_wait3A_1626] : memref<16x1000000xf32, #tpu.memory_space<hbm>> -> memref<16x128xf32, #tpu.memory_space<hbm>>
      %dma_wait3A_1628 = arith.constant 0 : i32
      %dma_wait3A_1629 = arith.constant 0 : i32
      %dma_wait3A_1630 = tpu.memref_slice %arg9[%dma_wait3A_1619, %dma_wait3A_1620, %dma_wait3A_1628, %dma_wait3A_1629] : memref<2x8x16x128xf32, #tpu.memory_space<vmem>> -> memref<1x1x16x128xf32, #tpu.memory_space<vmem>>
      %dma_wait3A_1631 = tpu.memref_squeeze %dma_wait3A_1630 : memref<1x1x16x128xf32, #tpu.memory_space<vmem>> -> memref<16x128xf32, #tpu.memory_space<vmem>>
      %dma_wait3A_1632 = arith.constant 0 : i32
      %dma_wait3A_1633 = arith.constant 0 : i32
      %dma_wait3A_1634 = tpu.memref_slice %arg4[%dma_wait3A_1632, %dma_wait3A_1633] : memref<16x1000000xf32, #tpu.memory_space<hbm>> -> memref<16x128xf32, #tpu.memory_space<hbm>>
      tpu.wait_dma2 semaphore(%arg13 : memref<!tpu.dma_semaphore, #tpu.memory_space<semaphore_mem>>) src(%dma_wait3A_1634 : memref<16x128xf32, #tpu.memory_space<hbm>>) dst(%dma_wait3A_1631 : memref<16x128xf32, #tpu.memory_space<vmem>>)
      %mul3A_1635 = arith.constant 16 : i32
      %mul3A_1636 = arith.muli %scan3A_1379, %mul3A_1635 : i32
      %get3A_1637 = arith.index_cast %mul3A_1636 : i32 to index
      %get3A_1638 = tpu.vector_load %arg7[%get3A_1637] {strides = array<i32>} : memref<512xi32, #tpu.memory_space<vmem>>, vector<16xi32>,
      %mul3A_1639 = arith.constant 16 : i32
      %mul3A_1640 = arith.muli %scan3A_1379, %mul3A_1639 : i32
      %get3A_1641 = arith.index_cast %mul3A_1640 : i32 to index
      %get3A_1642 = tpu.vector_load %arg8[%get3A_1641] {strides = array<i32>} : memref<512xi32, #tpu.memory_space<vmem>>, vector<16xi32>,
      %slice3A_1643 = vector.extract_strided_slice %get3A_1638 {offsets = [0], sizes = [1], strides = [1]} : vector<16xi32> to vector<1xi32>
      %squeeze3A_1644 = vector.extract %slice3A_1643[0] : i32 from vector<1xi32>
      %jit3A_1645 = arith.constant 128 : i32
      %eq3A = arith.constant 0 : i32
      %eq3A_1646 = arith.cmpi eq, %jit3A_1645, %eq3A : i32
      %jit3A_1647 = arith.constant 1 : i32
      %select_n3A_1648 = arith.select %eq3A_1646, %jit3A_1647, %jit3A_1645 : i32
      %rem3A_1649 = arith.remsi %squeeze3A_1644, %select_n3A_1648 : i32
      %ne3A_1650 = arith.constant 0 : i32
      %ne3A_1651 = arith.cmpi ne, %rem3A_1649, %ne3A_1650 : i32
      %lt3A = arith.constant 0 : i32
      %lt3A_1652 = arith.cmpi slt, %rem3A_1649, %lt3A : i32
      %lt3A_1653 = arith.constant 0 : i32
      %lt3A_1654 = arith.cmpi slt, %select_n3A_1648, %lt3A_1653 : i32
      %ne3A_1655 = arith.xori %lt3A_1652, %lt3A_1654 : i1
      %and3A_1656 = arith.andi %ne3A_1655, %ne3A_1651 : i1
      %add3A_1657 = arith.addi %rem3A_1649, %select_n3A_1648 : i32
      %select_n3A_1658 = arith.select %and3A_1656, %add3A_1657, %rem3A_1649 : i32
      %broadcast_in_dim3A = vector.broadcast %select_n3A_1658 : i32 to vector<16xi32>
      %slice3A_1659 = vector.extract_strided_slice %get3A_1642 {offsets = [0], sizes = [1], strides = [1]} : vector<16xi32> to vector<1xi32>
      %squeeze3A_1660 = vector.extract %slice3A_1659[0] : i32 from vector<1xi32>
      %jit3A_1661 = arith.constant 128 : i32
      %eq3A_1662 = arith.constant 0 : i32
      %eq3A_1663 = arith.cmpi eq, %jit3A_1661, %eq3A_1662 : i32
      %jit3A_1664 = arith.constant 1 : i32
      %select_n3A_1665 = arith.select %eq3A_1663, %jit3A_1664, %jit3A_1661 : i32
      %rem3A_1666 = arith.remsi %squeeze3A_1660, %select_n3A_1665 : i32
      %ne3A_1667 = arith.constant 0 : i32
      %ne3A_1668 = arith.cmpi ne, %rem3A_1666, %ne3A_1667 : i32
      %lt3A_1669 = arith.constant 0 : i32
      %lt3A_1670 = arith.cmpi slt, %rem3A_1666, %lt3A_1669 : i32
      %lt3A_1671 = arith.constant 0 : i32
      %lt3A_1672 = arith.cmpi slt, %select_n3A_1665, %lt3A_1671 : i32
      %ne3A_1673 = arith.xori %lt3A_1670, %lt3A_1672 : i1
      %and3A_1674 = arith.andi %ne3A_1673, %ne3A_1668 : i1
      %add3A_1675 = arith.addi %rem3A_1666, %select_n3A_1665 : i32
      %select_n3A_1676 = arith.select %and3A_1674, %add3A_1675, %rem3A_1666 : i32
      %broadcast_in_dim3A_1677 = vector.broadcast %select_n3A_1676 : i32 to vector<16xi32>
      %gather3A = arith.constant 0 : i32
      %gather3A_1678 = arith.constant 0 : i32
      %gather3A_1679 = arith.constant 0 : i32
      %gather3A_1680 = arith.constant 0 : i32
      %gather3A_1681 = tpu.memref_slice %arg9[%gather3A, %gather3A_1678, %gather3A_1679, %gather3A_1680] : memref<2x8x16x128xf32, #tpu.memory_space<vmem>> -> memref<1x1x16x128xf32, #tpu.memory_space<vmem>>
      %gather3A_1682 = tpu.memref_squeeze %gather3A_1681 : memref<1x1x16x128xf32, #tpu.memory_space<vmem>> -> memref<16x128xf32, #tpu.memory_space<vmem>>
      %gather3A_1683 = tpu.vector_load_idx %gather3A_1682[%iota3A, %broadcast_in_dim3A] : memref<16x128xf32, #tpu.memory_space<vmem>>[vector<16xi32>, vector<16xi32>], vector<16xf32>,
      %gather3A_1684 = arith.constant 0 : i32
      %gather3A_1685 = arith.constant 0 : i32
      %gather3A_1686 = arith.constant 0 : i32
      %gather3A_1687 = arith.constant 0 : i32
      %gather3A_1688 = tpu.memref_slice %arg10[%gather3A_1684, %gather3A_1685, %gather3A_1686, %gather3A_1687] : memref<2x8x16x128xf32, #tpu.memory_space<vmem>> -> memref<1x1x16x128xf32, #tpu.memory_space<vmem>>
      %gather3A_1689 = tpu.memref_squeeze %gather3A_1688 : memref<1x1x16x128xf32, #tpu.memory_space<vmem>> -> memref<16x128xf32, #tpu.memory_space<vmem>>
      %gather3A_1690 = tpu.vector_load_idx %gather3A_1689[%iota3A, %broadcast_in_dim3A_1677] : memref<16x128xf32, #tpu.memory_space<vmem>>[vector<16xi32>, vector<16xi32>], vector<16xf32>,
      %broadcast_in_dim3A_1691 = arith.constant 0 : i32
      %broadcast_in_dim3A_1692 = vector.broadcast %broadcast_in_dim3A_1691 : i32 to vector<16xi32>
      %mul3A_1693 = arith.mulf %gather3A_1683, %gather3A_1690 : vector<16xf32>
      tpu.vector_store_idx %arg11[%iota3A, %broadcast_in_dim3A_1692], %mul3A_1693 : memref<16x16xf32, #tpu.memory_space<vmem>>[vector<16xi32>, vector<16xi32>], vector<16xf32>,
      %slice3A_1694 = vector.extract_strided_slice %get3A_1638 {offsets = [1], sizes = [1], strides = [1]} : vector<16xi32> to vector<1xi32>
      %squeeze3A_1695 = vector.extract %slice3A_1694[0] : i32 from vector<1xi32>
      %jit3A_1696 = arith.constant 128 : i32
      %eq3A_1697 = arith.constant 0 : i32
      %eq3A_1698 = arith.cmpi eq, %jit3A_1696, %eq3A_1697 : i32
      %jit3A_1699 = arith.constant 1 : i32
      %select_n3A_1700 = arith.select %eq3A_1698, %jit3A_1699, %jit3A_1696 : i32
      %rem3A_1701 = arith.remsi %squeeze3A_1695, %select_n3A_1700 : i32
      %ne3A_1702 = arith.constant 0 : i32
      %ne3A_1703 = arith.cmpi ne, %rem3A_1701, %ne3A_1702 : i32
      %lt3A_1704 = arith.constant 0 : i32
      %lt3A_1705 = arith.cmpi slt, %rem3A_1701, %lt3A_1704 : i32
      %lt3A_1706 = arith.constant 0 : i32
      %lt3A_1707 = arith.cmpi slt, %select_n3A_1700, %lt3A_1706 : i32
      %ne3A_1708 = arith.xori %lt3A_1705, %lt3A_1707 : i1
      %and3A_1709 = arith.andi %ne3A_1708, %ne3A_1703 : i1
      %add3A_1710 = arith.addi %rem3A_1701, %select_n3A_1700 : i32
      %select_n3A_1711 = arith.select %and3A_1709, %add3A_1710, %rem3A_1701 : i32
      %broadcast_in_dim3A_1712 = vector.broadcast %select_n3A_1711 : i32 to vector<16xi32>
      %slice3A_1713 = vector.extract_strided_slice %get3A_1642 {offsets = [1], sizes = [1], strides = [1]} : vector<16xi32> to vector<1xi32>
      %squeeze3A_1714 = vector.extract %slice3A_1713[0] : i32 from vector<1xi32>
      %jit3A_1715 = arith.constant 128 : i32
      %eq3A_1716 = arith.constant 0 : i32
      %eq3A_1717 = arith.cmpi eq, %jit3A_1715, %eq3A_1716 : i32
      %jit3A_1718 = arith.constant 1 : i32
      %select_n3A_1719 = arith.select %eq3A_1717, %jit3A_1718, %jit3A_1715 : i32
      %rem3A_1720 = arith.remsi %squeeze3A_1714, %select_n3A_1719 : i32
      %ne3A_1721 = arith.constant 0 : i32
      %ne3A_1722 = arith.cmpi ne, %rem3A_1720, %ne3A_1721 : i32
      %lt3A_1723 = arith.constant 0 : i32
      %lt3A_1724 = arith.cmpi slt, %rem3A_1720, %lt3A_1723 : i32
      %lt3A_1725 = arith.constant 0 : i32
      %lt3A_1726 = arith.cmpi slt, %select_n3A_1719, %lt3A_1725 : i32
      %ne3A_1727 = arith.xori %lt3A_1724, %lt3A_1726 : i1
      %and3A_1728 = arith.andi %ne3A_1727, %ne3A_1722 : i1
      %add3A_1729 = arith.addi %rem3A_1720, %select_n3A_1719 : i32
      %select_n3A_1730 = arith.select %and3A_1728, %add3A_1729, %rem3A_1720 : i32
      %broadcast_in_dim3A_1731 = vector.broadcast %select_n3A_1730 : i32 to vector<16xi32>
      %gather3A_1732 = arith.constant 0 : i32
      %gather3A_1733 = arith.constant 1 : i32
      %gather3A_1734 = arith.constant 0 : i32
      %gather3A_1735 = arith.constant 0 : i32
      %gather3A_1736 = tpu.memref_slice %arg9[%gather3A_1732, %gather3A_1733, %gather3A_1734, %gather3A_1735] : memref<2x8x16x128xf32, #tpu.memory_space<vmem>> -> memref<1x1x16x128xf32, #tpu.memory_space<vmem>>
      %gather3A_1737 = tpu.memref_squeeze %gather3A_1736 : memref<1x1x16x128xf32, #tpu.memory_space<vmem>> -> memref<16x128xf32, #tpu.memory_space<vmem>>
      %gather3A_1738 = tpu.vector_load_idx %gather3A_1737[%iota3A, %broadcast_in_dim3A_1712] : memref<16x128xf32, #tpu.memory_space<vmem>>[vector<16xi32>, vector<16xi32>], vector<16xf32>,
      %gather3A_1739 = arith.constant 0 : i32
      %gather3A_1740 = arith.constant 1 : i32
      %gather3A_1741 = arith.constant 0 : i32
      %gather3A_1742 = arith.constant 0 : i32
      %gather3A_1743 = tpu.memref_slice %arg10[%gather3A_1739, %gather3A_1740, %gather3A_1741, %gather3A_1742] : memref<2x8x16x128xf32, #tpu.memory_space<vmem>> -> memref<1x1x16x128xf32, #tpu.memory_space<vmem>>
      %gather3A_1744 = tpu.memref_squeeze %gather3A_1743 : memref<1x1x16x128xf32, #tpu.memory_space<vmem>> -> memref<16x128xf32, #tpu.memory_space<vmem>>
      %gather3A_1745 = tpu.vector_load_idx %gather3A_1744[%iota3A, %broadcast_in_dim3A_1731] : memref<16x128xf32, #tpu.memory_space<vmem>>[vector<16xi32>, vector<16xi32>], vector<16xf32>,
      %broadcast_in_dim3A_1746 = arith.constant 1 : i32
      %broadcast_in_dim3A_1747 = vector.broadcast %broadcast_in_dim3A_1746 : i32 to vector<16xi32>
      %mul3A_1748 = arith.mulf %gather3A_1738, %gather3A_1745 : vector<16xf32>
      tpu.vector_store_idx %arg11[%iota3A, %broadcast_in_dim3A_1747], %mul3A_1748 : memref<16x16xf32, #tpu.memory_space<vmem>>[vector<16xi32>, vector<16xi32>], vector<16xf32>,
      %slice3A_1749 = vector.extract_strided_slice %get3A_1638 {offsets = [2], sizes = [1], strides = [1]} : vector<16xi32> to vector<1xi32>
      %squeeze3A_1750 = vector.extract %slice3A_1749[0] : i32 from vector<1xi32>
      %jit3A_1751 = arith.constant 128 : i32
      %eq3A_1752 = arith.constant 0 : i32
      %eq3A_1753 = arith.cmpi eq, %jit3A_1751, %eq3A_1752 : i32
      %jit3A_1754 = arith.constant 1 : i32
      %select_n3A_1755 = arith.select %eq3A_1753, %jit3A_1754, %jit3A_1751 : i32
      %rem3A_1756 = arith.remsi %squeeze3A_1750, %select_n3A_1755 : i32
      %ne3A_1757 = arith.constant 0 : i32
      %ne3A_1758 = arith.cmpi ne, %rem3A_1756, %ne3A_1757 : i32
      %lt3A_1759 = arith.constant 0 : i32
      %lt3A_1760 = arith.cmpi slt, %rem3A_1756, %lt3A_1759 : i32
      %lt3A_1761 = arith.constant 0 : i32
      %lt3A_1762 = arith.cmpi slt, %select_n3A_1755, %lt3A_1761 : i32
      %ne3A_1763 = arith.xori %lt3A_1760, %lt3A_1762 : i1
      %and3A_1764 = arith.andi %ne3A_1763, %ne3A_1758 : i1
      %add3A_1765 = arith.addi %rem3A_1756, %select_n3A_1755 : i32
      %select_n3A_1766 = arith.select %and3A_1764, %add3A_1765, %rem3A_1756 : i32
      %broadcast_in_dim3A_1767 = vector.broadcast %select_n3A_1766 : i32 to vector<16xi32>
      %slice3A_1768 = vector.extract_strided_slice %get3A_1642 {offsets = [2], sizes = [1], strides = [1]} : vector<16xi32> to vector<1xi32>
      %squeeze3A_1769 = vector.extract %slice3A_1768[0] : i32 from vector<1xi32>
      %jit3A_1770 = arith.constant 128 : i32
      %eq3A_1771 = arith.constant 0 : i32
      %eq3A_1772 = arith.cmpi eq, %jit3A_1770, %eq3A_1771 : i32
      %jit3A_1773 = arith.constant 1 : i32
      %select_n3A_1774 = arith.select %eq3A_1772, %jit3A_1773, %jit3A_1770 : i32
      %rem3A_1775 = arith.remsi %squeeze3A_1769, %select_n3A_1774 : i32
      %ne3A_1776 = arith.constant 0 : i32
      %ne3A_1777 = arith.cmpi ne, %rem3A_1775, %ne3A_1776 : i32
      %lt3A_1778 = arith.constant 0 : i32
      %lt3A_1779 = arith.cmpi slt, %rem3A_1775, %lt3A_1778 : i32
      %lt3A_1780 = arith.constant 0 : i32
      %lt3A_1781 = arith.cmpi slt, %select_n3A_1774, %lt3A_1780 : i32
      %ne3A_1782 = arith.xori %lt3A_1779, %lt3A_1781 : i1
      %and3A_1783 = arith.andi %ne3A_1782, %ne3A_1777 : i1
      %add3A_1784 = arith.addi %rem3A_1775, %select_n3A_1774 : i32
      %select_n3A_1785 = arith.select %and3A_1783, %add3A_1784, %rem3A_1775 : i32
      %broadcast_in_dim3A_1786 = vector.broadcast %select_n3A_1785 : i32 to vector<16xi32>
      %gather3A_1787 = arith.constant 0 : i32
      %gather3A_1788 = arith.constant 2 : i32
      %gather3A_1789 = arith.constant 0 : i32
      %gather3A_1790 = arith.constant 0 : i32
      %gather3A_1791 = tpu.memref_slice %arg9[%gather3A_1787, %gather3A_1788, %gather3A_1789, %gather3A_1790] : memref<2x8x16x128xf32, #tpu.memory_space<vmem>> -> memref<1x1x16x128xf32, #tpu.memory_space<vmem>>
      %gather3A_1792 = tpu.memref_squeeze %gather3A_1791 : memref<1x1x16x128xf32, #tpu.memory_space<vmem>> -> memref<16x128xf32, #tpu.memory_space<vmem>>
      %gather3A_1793 = tpu.vector_load_idx %gather3A_1792[%iota3A, %broadcast_in_dim3A_1767] : memref<16x128xf32, #tpu.memory_space<vmem>>[vector<16xi32>, vector<16xi32>], vector<16xf32>,
      %gather3A_1794 = arith.constant 0 : i32
      %gather3A_1795 = arith.constant 2 : i32
      %gather3A_1796 = arith.constant 0 : i32
      %gather3A_1797 = arith.constant 0 : i32
      %gather3A_1798 = tpu.memref_slice %arg10[%gather3A_1794, %gather3A_1795, %gather3A_1796, %gather3A_1797] : memref<2x8x16x128xf32, #tpu.memory_space<vmem>> -> memref<1x1x16x128xf32, #tpu.memory_space<vmem>>
      %gather3A_1799 = tpu.memref_squeeze %gather3A_1798 : memref<1x1x16x128xf32, #tpu.memory_space<vmem>> -> memref<16x128xf32, #tpu.memory_space<vmem>>
      %gather3A_1800 = tpu.vector_load_idx %gather3A_1799[%iota3A, %broadcast_in_dim3A_1786] : memref<16x128xf32, #tpu.memory_space<vmem>>[vector<16xi32>, vector<16xi32>], vector<16xf32>,
      %broadcast_in_dim3A_1801 = arith.constant 2 : i32
      %broadcast_in_dim3A_1802 = vector.broadcast %broadcast_in_dim3A_1801 : i32 to vector<16xi32>
      %mul3A_1803 = arith.mulf %gather3A_1793, %gather3A_1800 : vector<16xf32>
      tpu.vector_store_idx %arg11[%iota3A, %broadcast_in_dim3A_1802], %mul3A_1803 : memref<16x16xf32, #tpu.memory_space<vmem>>[vector<16xi32>, vector<16xi32>], vector<16xf32>,
      %slice3A_1804 = vector.extract_strided_slice %get3A_1638 {offsets = [3], sizes = [1], strides = [1]} : vector<16xi32> to vector<1xi32>
      %squeeze3A_1805 = vector.extract %slice3A_1804[0] : i32 from vector<1xi32>
      %jit3A_1806 = arith.constant 128 : i32
      %eq3A_1807 = arith.constant 0 : i32
      %eq3A_1808 = arith.cmpi eq, %jit3A_1806, %eq3A_1807 : i32
      %jit3A_1809 = arith.constant 1 : i32
      %select_n3A_1810 = arith.select %eq3A_1808, %jit3A_1809, %jit3A_1806 : i32
      %rem3A_1811 = arith.remsi %squeeze3A_1805, %select_n3A_1810 : i32
      %ne3A_1812 = arith.constant 0 : i32
      %ne3A_1813 = arith.cmpi ne, %rem3A_1811, %ne3A_1812 : i32
      %lt3A_1814 = arith.constant 0 : i32
      %lt3A_1815 = arith.cmpi slt, %rem3A_1811, %lt3A_1814 : i32
      %lt3A_1816 = arith.constant 0 : i32
      %lt3A_1817 = arith.cmpi slt, %select_n3A_1810, %lt3A_1816 : i32
      %ne3A_1818 = arith.xori %lt3A_1815, %lt3A_1817 : i1
      %and3A_1819 = arith.andi %ne3A_1818, %ne3A_1813 : i1
      %add3A_1820 = arith.addi %rem3A_1811, %select_n3A_1810 : i32
      %select_n3A_1821 = arith.select %and3A_1819, %add3A_1820, %rem3A_1811 : i32
      %broadcast_in_dim3A_1822 = vector.broadcast %select_n3A_1821 : i32 to vector<16xi32>
      %slice3A_1823 = vector.extract_strided_slice %get3A_1642 {offsets = [3], sizes = [1], strides = [1]} : vector<16xi32> to vector<1xi32>
      %squeeze3A_1824 = vector.extract %slice3A_1823[0] : i32 from vector<1xi32>
      %jit3A_1825 = arith.constant 128 : i32
      %eq3A_1826 = arith.constant 0 : i32
      %eq3A_1827 = arith.cmpi eq, %jit3A_1825, %eq3A_1826 : i32
      %jit3A_1828 = arith.constant 1 : i32
      %select_n3A_1829 = arith.select %eq3A_1827, %jit3A_1828, %jit3A_1825 : i32
      %rem3A_1830 = arith.remsi %squeeze3A_1824, %select_n3A_1829 : i32
      %ne3A_1831 = arith.constant 0 : i32
      %ne3A_1832 = arith.cmpi ne, %rem3A_1830, %ne3A_1831 : i32
      %lt3A_1833 = arith.constant 0 : i32
      %lt3A_1834 = arith.cmpi slt, %rem3A_1830, %lt3A_1833 : i32
      %lt3A_1835 = arith.constant 0 : i32
      %lt3A_1836 = arith.cmpi slt, %select_n3A_1829, %lt3A_1835 : i32
      %ne3A_1837 = arith.xori %lt3A_1834, %lt3A_1836 : i1
      %and3A_1838 = arith.andi %ne3A_1837, %ne3A_1832 : i1
      %add3A_1839 = arith.addi %rem3A_1830, %select_n3A_1829 : i32
      %select_n3A_1840 = arith.select %and3A_1838, %add3A_1839, %rem3A_1830 : i32
      %broadcast_in_dim3A_1841 = vector.broadcast %select_n3A_1840 : i32 to vector<16xi32>
      %gather3A_1842 = arith.constant 0 : i32
      %gather3A_1843 = arith.constant 3 : i32
      %gather3A_1844 = arith.constant 0 : i32
      %gather3A_1845 = arith.constant 0 : i32
      %gather3A_1846 = tpu.memref_slice %arg9[%gather3A_1842, %gather3A_1843, %gather3A_1844, %gather3A_1845] : memref<2x8x16x128xf32, #tpu.memory_space<vmem>> -> memref<1x1x16x128xf32, #tpu.memory_space<vmem>>
      %gather3A_1847 = tpu.memref_squeeze %gather3A_1846 : memref<1x1x16x128xf32, #tpu.memory_space<vmem>> -> memref<16x128xf32, #tpu.memory_space<vmem>>
      %gather3A_1848 = tpu.vector_load_idx %gather3A_1847[%iota3A, %broadcast_in_dim3A_1822] : memref<16x128xf32, #tpu.memory_space<vmem>>[vector<16xi32>, vector<16xi32>], vector<16xf32>,
      %gather3A_1849 = arith.constant 0 : i32
      %gather3A_1850 = arith.constant 3 : i32
      %gather3A_1851 = arith.constant 0 : i32
      %gather3A_1852 = arith.constant 0 : i32
      %gather3A_1853 = tpu.memref_slice %arg10[%gather3A_1849, %gather3A_1850, %gather3A_1851, %gather3A_1852] : memref<2x8x16x128xf32, #tpu.memory_space<vmem>> -> memref<1x1x16x128xf32, #tpu.memory_space<vmem>>
      %gather3A_1854 = tpu.memref_squeeze %gather3A_1853 : memref<1x1x16x128xf32, #tpu.memory_space<vmem>> -> memref<16x128xf32, #tpu.memory_space<vmem>>
      %gather3A_1855 = tpu.vector_load_idx %gather3A_1854[%iota3A, %broadcast_in_dim3A_1841] : memref<16x128xf32, #tpu.memory_space<vmem>>[vector<16xi32>, vector<16xi32>], vector<16xf32>,
      %broadcast_in_dim3A_1856 = arith.constant 3 : i32
      %broadcast_in_dim3A_1857 = vector.broadcast %broadcast_in_dim3A_1856 : i32 to vector<16xi32>
      %mul3A_1858 = arith.mulf %gather3A_1848, %gather3A_1855 : vector<16xf32>
      tpu.vector_store_idx %arg11[%iota3A, %broadcast_in_dim3A_1857], %mul3A_1858 : memref<16x16xf32, #tpu.memory_space<vmem>>[vector<16xi32>, vector<16xi32>], vector<16xf32>,
      %slice3A_1859 = vector.extract_strided_slice %get3A_1638 {offsets = [4], sizes = [1], strides = [1]} : vector<16xi32> to vector<1xi32>
      %squeeze3A_1860 = vector.extract %slice3A_1859[0] : i32 from vector<1xi32>
      %jit3A_1861 = arith.constant 128 : i32
      %eq3A_1862 = arith.constant 0 : i32
      %eq3A_1863 = arith.cmpi eq, %jit3A_1861, %eq3A_1862 : i32
      %jit3A_1864 = arith.constant 1 : i32
      %select_n3A_1865 = arith.select %eq3A_1863, %jit3A_1864, %jit3A_1861 : i32
      %rem3A_1866 = arith.remsi %squeeze3A_1860, %select_n3A_1865 : i32
      %ne3A_1867 = arith.constant 0 : i32
      %ne3A_1868 = arith.cmpi ne, %rem3A_1866, %ne3A_1867 : i32
      %lt3A_1869 = arith.constant 0 : i32
      %lt3A_1870 = arith.cmpi slt, %rem3A_1866, %lt3A_1869 : i32
      %lt3A_1871 = arith.constant 0 : i32
      %lt3A_1872 = arith.cmpi slt, %select_n3A_1865, %lt3A_1871 : i32
      %ne3A_1873 = arith.xori %lt3A_1870, %lt3A_1872 : i1
      %and3A_1874 = arith.andi %ne3A_1873, %ne3A_1868 : i1
      %add3A_1875 = arith.addi %rem3A_1866, %select_n3A_1865 : i32
      %select_n3A_1876 = arith.select %and3A_1874, %add3A_1875, %rem3A_1866 : i32
      %broadcast_in_dim3A_1877 = vector.broadcast %select_n3A_1876 : i32 to vector<16xi32>
      %slice3A_1878 = vector.extract_strided_slice %get3A_1642 {offsets = [4], sizes = [1], strides = [1]} : vector<16xi32> to vector<1xi32>
      %squeeze3A_1879 = vector.extract %slice3A_1878[0] : i32 from vector<1xi32>
      %jit3A_1880 = arith.constant 128 : i32
      %eq3A_1881 = arith.constant 0 : i32
      %eq3A_1882 = arith.cmpi eq, %jit3A_1880, %eq3A_1881 : i32
      %jit3A_1883 = arith.constant 1 : i32
      %select_n3A_1884 = arith.select %eq3A_1882, %jit3A_1883, %jit3A_1880 : i32
      %rem3A_1885 = arith.remsi %squeeze3A_1879, %select_n3A_1884 : i32
      %ne3A_1886 = arith.constant 0 : i32
      %ne3A_1887 = arith.cmpi ne, %rem3A_1885, %ne3A_1886 : i32
      %lt3A_1888 = arith.constant 0 : i32
      %lt3A_1889 = arith.cmpi slt, %rem3A_1885, %lt3A_1888 : i32
      %lt3A_1890 = arith.constant 0 : i32
      %lt3A_1891 = arith.cmpi slt, %select_n3A_1884, %lt3A_1890 : i32
      %ne3A_1892 = arith.xori %lt3A_1889, %lt3A_1891 : i1
      %and3A_1893 = arith.andi %ne3A_1892, %ne3A_1887 : i1
      %add3A_1894 = arith.addi %rem3A_1885, %select_n3A_1884 : i32
      %select_n3A_1895 = arith.select %and3A_1893, %add3A_1894, %rem3A_1885 : i32
      %broadcast_in_dim3A_1896 = vector.broadcast %select_n3A_1895 : i32 to vector<16xi32>
      %gather3A_1897 = arith.constant 0 : i32
      %gather3A_1898 = arith.constant 4 : i32
      %gather3A_1899 = arith.constant 0 : i32
      %gather3A_1900 = arith.constant 0 : i32
      %gather3A_1901 = tpu.memref_slice %arg9[%gather3A_1897, %gather3A_1898, %gather3A_1899, %gather3A_1900] : memref<2x8x16x128xf32, #tpu.memory_space<vmem>> -> memref<1x1x16x128xf32, #tpu.memory_space<vmem>>
      %gather3A_1902 = tpu.memref_squeeze %gather3A_1901 : memref<1x1x16x128xf32, #tpu.memory_space<vmem>> -> memref<16x128xf32, #tpu.memory_space<vmem>>
      %gather3A_1903 = tpu.vector_load_idx %gather3A_1902[%iota3A, %broadcast_in_dim3A_1877] : memref<16x128xf32, #tpu.memory_space<vmem>>[vector<16xi32>, vector<16xi32>], vector<16xf32>,
      %gather3A_1904 = arith.constant 0 : i32
      %gather3A_1905 = arith.constant 4 : i32
      %gather3A_1906 = arith.constant 0 : i32
      %gather3A_1907 = arith.constant 0 : i32
      %gather3A_1908 = tpu.memref_slice %arg10[%gather3A_1904, %gather3A_1905, %gather3A_1906, %gather3A_1907] : memref<2x8x16x128xf32, #tpu.memory_space<vmem>> -> memref<1x1x16x128xf32, #tpu.memory_space<vmem>>
      %gather3A_1909 = tpu.memref_squeeze %gather3A_1908 : memref<1x1x16x128xf32, #tpu.memory_space<vmem>> -> memref<16x128xf32, #tpu.memory_space<vmem>>
      %gather3A_1910 = tpu.vector_load_idx %gather3A_1909[%iota3A, %broadcast_in_dim3A_1896] : memref<16x128xf32, #tpu.memory_space<vmem>>[vector<16xi32>, vector<16xi32>], vector<16xf32>,
      %broadcast_in_dim3A_1911 = arith.constant 4 : i32
      %broadcast_in_dim3A_1912 = vector.broadcast %broadcast_in_dim3A_1911 : i32 to vector<16xi32>
      %mul3A_1913 = arith.mulf %gather3A_1903, %gather3A_1910 : vector<16xf32>
      tpu.vector_store_idx %arg11[%iota3A, %broadcast_in_dim3A_1912], %mul3A_1913 : memref<16x16xf32, #tpu.memory_space<vmem>>[vector<16xi32>, vector<16xi32>], vector<16xf32>,
      %slice3A_1914 = vector.extract_strided_slice %get3A_1638 {offsets = [5], sizes = [1], strides = [1]} : vector<16xi32> to vector<1xi32>
      %squeeze3A_1915 = vector.extract %slice3A_1914[0] : i32 from vector<1xi32>
      %jit3A_1916 = arith.constant 128 : i32
      %eq3A_1917 = arith.constant 0 : i32
      %eq3A_1918 = arith.cmpi eq, %jit3A_1916, %eq3A_1917 : i32
      %jit3A_1919 = arith.constant 1 : i32
      %select_n3A_1920 = arith.select %eq3A_1918, %jit3A_1919, %jit3A_1916 : i32
      %rem3A_1921 = arith.remsi %squeeze3A_1915, %select_n3A_1920 : i32
      %ne3A_1922 = arith.constant 0 : i32
      %ne3A_1923 = arith.cmpi ne, %rem3A_1921, %ne3A_1922 : i32
      %lt3A_1924 = arith.constant 0 : i32
      %lt3A_1925 = arith.cmpi slt, %rem3A_1921, %lt3A_1924 : i32
      %lt3A_1926 = arith.constant 0 : i32
      %lt3A_1927 = arith.cmpi slt, %select_n3A_1920, %lt3A_1926 : i32
      %ne3A_1928 = arith.xori %lt3A_1925, %lt3A_1927 : i1
      %and3A_1929 = arith.andi %ne3A_1928, %ne3A_1923 : i1
      %add3A_1930 = arith.addi %rem3A_1921, %select_n3A_1920 : i32
      %select_n3A_1931 = arith.select %and3A_1929, %add3A_1930, %rem3A_1921 : i32
      %broadcast_in_dim3A_1932 = vector.broadcast %select_n3A_1931 : i32 to vector<16xi32>
      %slice3A_1933 = vector.extract_strided_slice %get3A_1642 {offsets = [5], sizes = [1], strides = [1]} : vector<16xi32> to vector<1xi32>
      %squeeze3A_1934 = vector.extract %slice3A_1933[0] : i32 from vector<1xi32>
      %jit3A_1935 = arith.constant 128 : i32
      %eq3A_1936 = arith.constant 0 : i32
      %eq3A_1937 = arith.cmpi eq, %jit3A_1935, %eq3A_1936 : i32
      %jit3A_1938 = arith.constant 1 : i32
      %select_n3A_1939 = arith.select %eq3A_1937, %jit3A_1938, %jit3A_1935 : i32
      %rem3A_1940 = arith.remsi %squeeze3A_1934, %select_n3A_1939 : i32
      %ne3A_1941 = arith.constant 0 : i32
      %ne3A_1942 = arith.cmpi ne, %rem3A_1940, %ne3A_1941 : i32
      %lt3A_1943 = arith.constant 0 : i32
      %lt3A_1944 = arith.cmpi slt, %rem3A_1940, %lt3A_1943 : i32
      %lt3A_1945 = arith.constant 0 : i32
      %lt3A_1946 = arith.cmpi slt, %select_n3A_1939, %lt3A_1945 : i32
      %ne3A_1947 = arith.xori %lt3A_1944, %lt3A_1946 : i1
      %and3A_1948 = arith.andi %ne3A_1947, %ne3A_1942 : i1
      %add3A_1949 = arith.addi %rem3A_1940, %select_n3A_1939 : i32
      %select_n3A_1950 = arith.select %and3A_1948, %add3A_1949, %rem3A_1940 : i32
      %broadcast_in_dim3A_1951 = vector.broadcast %select_n3A_1950 : i32 to vector<16xi32>
      %gather3A_1952 = arith.constant 0 : i32
      %gather3A_1953 = arith.constant 5 : i32
      %gather3A_1954 = arith.constant 0 : i32
      %gather3A_1955 = arith.constant 0 : i32
      %gather3A_1956 = tpu.memref_slice %arg9[%gather3A_1952, %gather3A_1953, %gather3A_1954, %gather3A_1955] : memref<2x8x16x128xf32, #tpu.memory_space<vmem>> -> memref<1x1x16x128xf32, #tpu.memory_space<vmem>>
      %gather3A_1957 = tpu.memref_squeeze %gather3A_1956 : memref<1x1x16x128xf32, #tpu.memory_space<vmem>> -> memref<16x128xf32, #tpu.memory_space<vmem>>
      %gather3A_1958 = tpu.vector_load_idx %gather3A_1957[%iota3A, %broadcast_in_dim3A_1932] : memref<16x128xf32, #tpu.memory_space<vmem>>[vector<16xi32>, vector<16xi32>], vector<16xf32>,
      %gather3A_1959 = arith.constant 0 : i32
      %gather3A_1960 = arith.constant 5 : i32
      %gather3A_1961 = arith.constant 0 : i32
      %gather3A_1962 = arith.constant 0 : i32
      %gather3A_1963 = tpu.memref_slice %arg10[%gather3A_1959, %gather3A_1960, %gather3A_1961, %gather3A_1962] : memref<2x8x16x128xf32, #tpu.memory_space<vmem>> -> memref<1x1x16x128xf32, #tpu.memory_space<vmem>>
      %gather3A_1964 = tpu.memref_squeeze %gather3A_1963 : memref<1x1x16x128xf32, #tpu.memory_space<vmem>> -> memref<16x128xf32, #tpu.memory_space<vmem>>
      %gather3A_1965 = tpu.vector_load_idx %gather3A_1964[%iota3A, %broadcast_in_dim3A_1951] : memref<16x128xf32, #tpu.memory_space<vmem>>[vector<16xi32>, vector<16xi32>], vector<16xf32>,
      %broadcast_in_dim3A_1966 = arith.constant 5 : i32
      %broadcast_in_dim3A_1967 = vector.broadcast %broadcast_in_dim3A_1966 : i32 to vector<16xi32>
      %mul3A_1968 = arith.mulf %gather3A_1958, %gather3A_1965 : vector<16xf32>
      tpu.vector_store_idx %arg11[%iota3A, %broadcast_in_dim3A_1967], %mul3A_1968 : memref<16x16xf32, #tpu.memory_space<vmem>>[vector<16xi32>, vector<16xi32>], vector<16xf32>,
      %slice3A_1969 = vector.extract_strided_slice %get3A_1638 {offsets = [6], sizes = [1], strides = [1]} : vector<16xi32> to vector<1xi32>
      %squeeze3A_1970 = vector.extract %slice3A_1969[0] : i32 from vector<1xi32>
      %jit3A_1971 = arith.constant 128 : i32
      %eq3A_1972 = arith.constant 0 : i32
      %eq3A_1973 = arith.cmpi eq, %jit3A_1971, %eq3A_1972 : i32
      %jit3A_1974 = arith.constant 1 : i32
      %select_n3A_1975 = arith.select %eq3A_1973, %jit3A_1974, %jit3A_1971 : i32
      %rem3A_1976 = arith.remsi %squeeze3A_1970, %select_n3A_1975 : i32
      %ne3A_1977 = arith.constant 0 : i32
      %ne3A_1978 = arith.cmpi ne, %rem3A_1976, %ne3A_1977 : i32
      %lt3A_1979 = arith.constant 0 : i32
      %lt3A_1980 = arith.cmpi slt, %rem3A_1976, %lt3A_1979 : i32
      %lt3A_1981 = arith.constant 0 : i32
      %lt3A_1982 = arith.cmpi slt, %select_n3A_1975, %lt3A_1981 : i32
      %ne3A_1983 = arith.xori %lt3A_1980, %lt3A_1982 : i1
      %and3A_1984 = arith.andi %ne3A_1983, %ne3A_1978 : i1
      %add3A_1985 = arith.addi %rem3A_1976, %select_n3A_1975 : i32
      %select_n3A_1986 = arith.select %and3A_1984, %add3A_1985, %rem3A_1976 : i32
      %broadcast_in_dim3A_1987 = vector.broadcast %select_n3A_1986 : i32 to vector<16xi32>
      %slice3A_1988 = vector.extract_strided_slice %get3A_1642 {offsets = [6], sizes = [1], strides = [1]} : vector<16xi32> to vector<1xi32>
      %squeeze3A_1989 = vector.extract %slice3A_1988[0] : i32 from vector<1xi32>
      %jit3A_1990 = arith.constant 128 : i32
      %eq3A_1991 = arith.constant 0 : i32
      %eq3A_1992 = arith.cmpi eq, %jit3A_1990, %eq3A_1991 : i32
      %jit3A_1993 = arith.constant 1 : i32
      %select_n3A_1994 = arith.select %eq3A_1992, %jit3A_1993, %jit3A_1990 : i32
      %rem3A_1995 = arith.remsi %squeeze3A_1989, %select_n3A_1994 : i32
      %ne3A_1996 = arith.constant 0 : i32
      %ne3A_1997 = arith.cmpi ne, %rem3A_1995, %ne3A_1996 : i32
      %lt3A_1998 = arith.constant 0 : i32
      %lt3A_1999 = arith.cmpi slt, %rem3A_1995, %lt3A_1998 : i32
      %lt3A_2000 = arith.constant 0 : i32
      %lt3A_2001 = arith.cmpi slt, %select_n3A_1994, %lt3A_2000 : i32
      %ne3A_2002 = arith.xori %lt3A_1999, %lt3A_2001 : i1
      %and3A_2003 = arith.andi %ne3A_2002, %ne3A_1997 : i1
      %add3A_2004 = arith.addi %rem3A_1995, %select_n3A_1994 : i32
      %select_n3A_2005 = arith.select %and3A_2003, %add3A_2004, %rem3A_1995 : i32
      %broadcast_in_dim3A_2006 = vector.broadcast %select_n3A_2005 : i32 to vector<16xi32>
      %gather3A_2007 = arith.constant 0 : i32
      %gather3A_2008 = arith.constant 6 : i32
      %gather3A_2009 = arith.constant 0 : i32
      %gather3A_2010 = arith.constant 0 : i32
      %gather3A_2011 = tpu.memref_slice %arg9[%gather3A_2007, %gather3A_2008, %gather3A_2009, %gather3A_2010] : memref<2x8x16x128xf32, #tpu.memory_space<vmem>> -> memref<1x1x16x128xf32, #tpu.memory_space<vmem>>
      %gather3A_2012 = tpu.memref_squeeze %gather3A_2011 : memref<1x1x16x128xf32, #tpu.memory_space<vmem>> -> memref<16x128xf32, #tpu.memory_space<vmem>>
      %gather3A_2013 = tpu.vector_load_idx %gather3A_2012[%iota3A, %broadcast_in_dim3A_1987] : memref<16x128xf32, #tpu.memory_space<vmem>>[vector<16xi32>, vector<16xi32>], vector<16xf32>,
      %gather3A_2014 = arith.constant 0 : i32
      %gather3A_2015 = arith.constant 6 : i32
      %gather3A_2016 = arith.constant 0 : i32
      %gather3A_2017 = arith.constant 0 : i32
      %gather3A_2018 = tpu.memref_slice %arg10[%gather3A_2014, %gather3A_2015, %gather3A_2016, %gather3A_2017] : memref<2x8x16x128xf32, #tpu.memory_space<vmem>> -> memref<1x1x16x128xf32, #tpu.memory_space<vmem>>
      %gather3A_2019 = tpu.memref_squeeze %gather3A_2018 : memref<1x1x16x128xf32, #tpu.memory_space<vmem>> -> memref<16x128xf32, #tpu.memory_space<vmem>>
      %gather3A_2020 = tpu.vector_load_idx %gather3A_2019[%iota3A, %broadcast_in_dim3A_2006] : memref<16x128xf32, #tpu.memory_space<vmem>>[vector<16xi32>, vector<16xi32>], vector<16xf32>,
      %broadcast_in_dim3A_2021 = arith.constant 6 : i32
      %broadcast_in_dim3A_2022 = vector.broadcast %broadcast_in_dim3A_2021 : i32 to vector<16xi32>
      %mul3A_2023 = arith.mulf %gather3A_2013, %gather3A_2020 : vector<16xf32>
      tpu.vector_store_idx %arg11[%iota3A, %broadcast_in_dim3A_2022], %mul3A_2023 : memref<16x16xf32, #tpu.memory_space<vmem>>[vector<16xi32>, vector<16xi32>], vector<16xf32>,
      %slice3A_2024 = vector.extract_strided_slice %get3A_1638 {offsets = [7], sizes = [1], strides = [1]} : vector<16xi32> to vector<1xi32>
      %squeeze3A_2025 = vector.extract %slice3A_2024[0] : i32 from vector<1xi32>
      %jit3A_2026 = arith.constant 128 : i32
      %eq3A_2027 = arith.constant 0 : i32
      %eq3A_2028 = arith.cmpi eq, %jit3A_2026, %eq3A_2027 : i32
      %jit3A_2029 = arith.constant 1 : i32
      %select_n3A_2030 = arith.select %eq3A_2028, %jit3A_2029, %jit3A_2026 : i32
      %rem3A_2031 = arith.remsi %squeeze3A_2025, %select_n3A_2030 : i32
      %ne3A_2032 = arith.constant 0 : i32
      %ne3A_2033 = arith.cmpi ne, %rem3A_2031, %ne3A_2032 : i32
      %lt3A_2034 = arith.constant 0 : i32
      %lt3A_2035 = arith.cmpi slt, %rem3A_2031, %lt3A_2034 : i32
      %lt3A_2036 = arith.constant 0 : i32
      %lt3A_2037 = arith.cmpi slt, %select_n3A_2030, %lt3A_2036 : i32
      %ne3A_2038 = arith.xori %lt3A_2035, %lt3A_2037 : i1
      %and3A_2039 = arith.andi %ne3A_2038, %ne3A_2033 : i1
      %add3A_2040 = arith.addi %rem3A_2031, %select_n3A_2030 : i32
      %select_n3A_2041 = arith.select %and3A_2039, %add3A_2040, %rem3A_2031 : i32
      %broadcast_in_dim3A_2042 = vector.broadcast %select_n3A_2041 : i32 to vector<16xi32>
      %slice3A_2043 = vector.extract_strided_slice %get3A_1642 {offsets = [7], sizes = [1], strides = [1]} : vector<16xi32> to vector<1xi32>
      %squeeze3A_2044 = vector.extract %slice3A_2043[0] : i32 from vector<1xi32>
      %jit3A_2045 = arith.constant 128 : i32
      %eq3A_2046 = arith.constant 0 : i32
      %eq3A_2047 = arith.cmpi eq, %jit3A_2045, %eq3A_2046 : i32
      %jit3A_2048 = arith.constant 1 : i32
      %select_n3A_2049 = arith.select %eq3A_2047, %jit3A_2048, %jit3A_2045 : i32
      %rem3A_2050 = arith.remsi %squeeze3A_2044, %select_n3A_2049 : i32
      %ne3A_2051 = arith.constant 0 : i32
      %ne3A_2052 = arith.cmpi ne, %rem3A_2050, %ne3A_2051 : i32
      %lt3A_2053 = arith.constant 0 : i32
      %lt3A_2054 = arith.cmpi slt, %rem3A_2050, %lt3A_2053 : i32
      %lt3A_2055 = arith.constant 0 : i32
      %lt3A_2056 = arith.cmpi slt, %select_n3A_2049, %lt3A_2055 : i32
      %ne3A_2057 = arith.xori %lt3A_2054, %lt3A_2056 : i1
      %and3A_2058 = arith.andi %ne3A_2057, %ne3A_2052 : i1
      %add3A_2059 = arith.addi %rem3A_2050, %select_n3A_2049 : i32
      %select_n3A_2060 = arith.select %and3A_2058, %add3A_2059, %rem3A_2050 : i32
      %broadcast_in_dim3A_2061 = vector.broadcast %select_n3A_2060 : i32 to vector<16xi32>
      %gather3A_2062 = arith.constant 0 : i32
      %gather3A_2063 = arith.constant 7 : i32
      %gather3A_2064 = arith.constant 0 : i32
      %gather3A_2065 = arith.constant 0 : i32
      %gather3A_2066 = tpu.memref_slice %arg9[%gather3A_2062, %gather3A_2063, %gather3A_2064, %gather3A_2065] : memref<2x8x16x128xf32, #tpu.memory_space<vmem>> -> memref<1x1x16x128xf32, #tpu.memory_space<vmem>>
      %gather3A_2067 = tpu.memref_squeeze %gather3A_2066 : memref<1x1x16x128xf32, #tpu.memory_space<vmem>> -> memref<16x128xf32, #tpu.memory_space<vmem>>
      %gather3A_2068 = tpu.vector_load_idx %gather3A_2067[%iota3A, %broadcast_in_dim3A_2042] : memref<16x128xf32, #tpu.memory_space<vmem>>[vector<16xi32>, vector<16xi32>], vector<16xf32>,
      %gather3A_2069 = arith.constant 0 : i32
      %gather3A_2070 = arith.constant 7 : i32
      %gather3A_2071 = arith.constant 0 : i32
      %gather3A_2072 = arith.constant 0 : i32
      %gather3A_2073 = tpu.memref_slice %arg10[%gather3A_2069, %gather3A_2070, %gather3A_2071, %gather3A_2072] : memref<2x8x16x128xf32, #tpu.memory_space<vmem>> -> memref<1x1x16x128xf32, #tpu.memory_space<vmem>>
      %gather3A_2074 = tpu.memref_squeeze %gather3A_2073 : memref<1x1x16x128xf32, #tpu.memory_space<vmem>> -> memref<16x128xf32, #tpu.memory_space<vmem>>
      %gather3A_2075 = tpu.vector_load_idx %gather3A_2074[%iota3A, %broadcast_in_dim3A_2061] : memref<16x128xf32, #tpu.memory_space<vmem>>[vector<16xi32>, vector<16xi32>], vector<16xf32>,
      %broadcast_in_dim3A_2076 = arith.constant 7 : i32
      %broadcast_in_dim3A_2077 = vector.broadcast %broadcast_in_dim3A_2076 : i32 to vector<16xi32>
      %mul3A_2078 = arith.mulf %gather3A_2068, %gather3A_2075 : vector<16xf32>
      tpu.vector_store_idx %arg11[%iota3A, %broadcast_in_dim3A_2077], %mul3A_2078 : memref<16x16xf32, #tpu.memory_space<vmem>>[vector<16xi32>, vector<16xi32>], vector<16xf32>,
      %add3A_2079 = arith.constant 1 : i32
      %add3A_2080 = arith.addi %scan3A_1379, %add3A_2079 : i32
      %lt3A_2081 = arith.constant 32 : i32
      %lt3A_2082 = arith.cmpi slt, %add3A_2080, %lt3A_2081 : i32
      %convert_element_type3A = arith.extui %lt3A_2082 : i1 to i32
      %cond3A = arith.constant 0 : i32
      %cond3A_2083 = arith.cmpi ne, %convert_element_type3A, %cond3A : i32
      scf.if %cond3A_2083 {
        %add3A_2877 = arith.constant 1 : i32
        %add3A_2878 = arith.addi %scan3A_1379, %add3A_2877 : i32
        %mul3A_2879 = arith.constant 16 : i32
        %mul3A_2880 = arith.muli %add3A_2878, %mul3A_2879 : i32
        %get3A_2881 = arith.index_cast %mul3A_2880 : i32 to index
        %get3A_2882 = tpu.vector_load %arg7[%get3A_2881] {strides = array<i32>} : memref<512xi32, #tpu.memory_space<vmem>>, vector<16xi32>,
        %mul3A_2883 = arith.constant 16 : i32
        %mul3A_2884 = arith.muli %add3A_2878, %mul3A_2883 : i32
        %get3A_2885 = arith.index_cast %mul3A_2884 : i32 to index
        %get3A_2886 = tpu.vector_load %arg8[%get3A_2885] {strides = array<i32>} : memref<512xi32, #tpu.memory_space<vmem>>, vector<16xi32>,
        %slice3A_2887 = vector.extract_strided_slice %get3A_2882 {offsets = [0], sizes = [1], strides = [1]} : vector<16xi32> to vector<1xi32>
        %squeeze3A_2888 = vector.extract %slice3A_2887[0] : i32 from vector<1xi32>
        %jit3A_2889 = arith.constant 128 : i32
        %div3A_2890 = arith.divsi %squeeze3A_2888, %jit3A_2889 : i32
        %sign3A_2891 = arith.constant 0 : i32
        %sign3A_2892 = arith.cmpi sgt, %squeeze3A_2888, %sign3A_2891 : i32
        %sign3A_2893 = arith.extui %sign3A_2892 : i1 to i32
        %sign3A_2894 = arith.constant 0 : i32
        %sign3A_2895 = arith.cmpi slt, %squeeze3A_2888, %sign3A_2894 : i32
        %sign3A_2896 = arith.extui %sign3A_2895 : i1 to i32
        %sign3A_2897 = arith.subi %sign3A_2893, %sign3A_2896 : i32
        %sign3A_2898 = arith.constant 0 : i32
        %sign3A_2899 = arith.cmpi sgt, %jit3A_2889, %sign3A_2898 : i32
        %sign3A_2900 = arith.extui %sign3A_2899 : i1 to i32
        %sign3A_2901 = arith.constant 0 : i32
        %sign3A_2902 = arith.cmpi slt, %jit3A_2889, %sign3A_2901 : i32
        %sign3A_2903 = arith.extui %sign3A_2902 : i1 to i32
        %sign3A_2904 = arith.subi %sign3A_2900, %sign3A_2903 : i32
        %ne3A_2905 = arith.cmpi ne, %sign3A_2897, %sign3A_2904 : i32
        %rem3A_2906 = arith.remsi %squeeze3A_2888, %jit3A_2889 : i32
        %ne3A_2907 = arith.constant 0 : i32
        %ne3A_2908 = arith.cmpi ne, %rem3A_2906, %ne3A_2907 : i32
        %and3A_2909 = arith.andi %ne3A_2905, %ne3A_2908 : i1
        %sub3A_2910 = arith.constant 1 : i32
        %sub3A_2911 = arith.subi %div3A_2890, %sub3A_2910 : i32
        %select_n3A_2912 = arith.select %and3A_2909, %sub3A_2911, %div3A_2890 : i32
        %mul3A_2913 = arith.constant 128 : i32
        %mul3A_2914 = arith.muli %select_n3A_2912, %mul3A_2913 : i32
        %multiple_of3A_2915 = tpu.assume_multiple %mul3A_2914, 128 : i32
        %slice3A_2916 = vector.extract_strided_slice %get3A_2886 {offsets = [0], sizes = [1], strides = [1]} : vector<16xi32> to vector<1xi32>
        %squeeze3A_2917 = vector.extract %slice3A_2916[0] : i32 from vector<1xi32>
        %jit3A_2918 = arith.constant 128 : i32
        %div3A_2919 = arith.divsi %squeeze3A_2917, %jit3A_2918 : i32
        %sign3A_2920 = arith.constant 0 : i32
        %sign3A_2921 = arith.cmpi sgt, %squeeze3A_2917, %sign3A_2920 : i32
        %sign3A_2922 = arith.extui %sign3A_2921 : i1 to i32
        %sign3A_2923 = arith.constant 0 : i32
        %sign3A_2924 = arith.cmpi slt, %squeeze3A_2917, %sign3A_2923 : i32
        %sign3A_2925 = arith.extui %sign3A_2924 : i1 to i32
        %sign3A_2926 = arith.subi %sign3A_2922, %sign3A_2925 : i32
        %sign3A_2927 = arith.constant 0 : i32
        %sign3A_2928 = arith.cmpi sgt, %jit3A_2918, %sign3A_2927 : i32
        %sign3A_2929 = arith.extui %sign3A_2928 : i1 to i32
        %sign3A_2930 = arith.constant 0 : i32
        %sign3A_2931 = arith.cmpi slt, %jit3A_2918, %sign3A_2930 : i32
        %sign3A_2932 = arith.extui %sign3A_2931 : i1 to i32
        %sign3A_2933 = arith.subi %sign3A_2929, %sign3A_2932 : i32
        %ne3A_2934 = arith.cmpi ne, %sign3A_2926, %sign3A_2933 : i32
        %rem3A_2935 = arith.remsi %squeeze3A_2917, %jit3A_2918 : i32
        %ne3A_2936 = arith.constant 0 : i32
        %ne3A_2937 = arith.cmpi ne, %rem3A_2935, %ne3A_2936 : i32
        %and3A_2938 = arith.andi %ne3A_2934, %ne3A_2937 : i1
        %sub3A_2939 = arith.constant 1 : i32
        %sub3A_2940 = arith.subi %div3A_2919, %sub3A_2939 : i32
        %select_n3A_2941 = arith.select %and3A_2938, %sub3A_2940, %div3A_2919 : i32
        %mul3A_2942 = arith.constant 128 : i32
        %mul3A_2943 = arith.muli %select_n3A_2941, %mul3A_2942 : i32
        %multiple_of3A_2944 = tpu.assume_multiple %mul3A_2943, 128 : i32
        %dma_start3A_2945 = arith.constant 0 : i32
        %dma_start3A_2946 = arith.constant 0 : i32
        %dma_start3A_2947 = arith.constant 0 : i32
        %dma_start3A_2948 = arith.constant 0 : i32
        %dma_start3A_2949 = tpu.memref_slice %arg9[%dma_start3A_2945, %dma_start3A_2946, %dma_start3A_2947, %dma_start3A_2948] : memref<2x8x16x128xf32, #tpu.memory_space<vmem>> -> memref<1x1x16x128xf32, #tpu.memory_space<vmem>>
        %dma_start3A_2950 = tpu.memref_squeeze %dma_start3A_2949 : memref<1x1x16x128xf32, #tpu.memory_space<vmem>> -> memref<16x128xf32, #tpu.memory_space<vmem>>
        %dma_start3A_2951 = arith.constant 0 : i32
        %dma_start3A_2952 = tpu.memref_slice %arg4[%dma_start3A_2951, %multiple_of3A_2915] : memref<16x1000000xf32, #tpu.memory_space<hbm>> -> memref<16x128xf32, #tpu.memory_space<hbm>>
        %dma_start3A_2953 = arith.constant 0 : i32
        %dma_start3A_2954 = arith.constant 0 : i32
        %dma_start3A_2955 = tpu.memref_slice %arg9[%dma_start3A_2945, %dma_start3A_2946, %dma_start3A_2953, %dma_start3A_2954] : memref<2x8x16x128xf32, #tpu.memory_space<vmem>> -> memref<1x1x16x128xf32, #tpu.memory_space<vmem>>
        %dma_start3A_2956 = tpu.memref_squeeze %dma_start3A_2955 : memref<1x1x16x128xf32, #tpu.memory_space<vmem>> -> memref<16x128xf32, #tpu.memory_space<vmem>>
        %dma_start3A_2957 = arith.constant 0 : i32
        %dma_start3A_2958 = tpu.memref_slice %arg4[%dma_start3A_2957, %multiple_of3A_2915] : memref<16x1000000xf32, #tpu.memory_space<hbm>> -> memref<16x128xf32, #tpu.memory_space<hbm>>
        tpu.enqueue_dma source(%dma_start3A_2958 : memref<16x128xf32, #tpu.memory_space<hbm>>) target(%dma_start3A_2956 : memref<16x128xf32, #tpu.memory_space<vmem>>) target_semaphore(%arg13 : memref<!tpu.dma_semaphore, #tpu.memory_space<semaphore_mem>>)
        %dma_start3A_2959 = arith.constant 0 : i32
        %dma_start3A_2960 = arith.constant 0 : i32
        %dma_start3A_2961 = arith.constant 0 : i32
        %dma_start3A_2962 = arith.constant 0 : i32
        %dma_start3A_2963 = tpu.memref_slice %arg10[%dma_start3A_2959, %dma_start3A_2960, %dma_start3A_2961, %dma_start3A_2962] : memref<2x8x16x128xf32, #tpu.memory_space<vmem>> -> memref<1x1x16x128xf32, #tpu.memory_space<vmem>>
        %dma_start3A_2964 = tpu.memref_squeeze %dma_start3A_2963 : memref<1x1x16x128xf32, #tpu.memory_space<vmem>> -> memref<16x128xf32, #tpu.memory_space<vmem>>
        %dma_start3A_2965 = arith.constant 0 : i32
        %dma_start3A_2966 = tpu.memref_slice %arg5[%dma_start3A_2965, %multiple_of3A_2944] : memref<16x1000000xf32, #tpu.memory_space<hbm>> -> memref<16x128xf32, #tpu.memory_space<hbm>>
        %dma_start3A_2967 = arith.constant 0 : i32
        %dma_start3A_2968 = arith.constant 0 : i32
        %dma_start3A_2969 = tpu.memref_slice %arg10[%dma_start3A_2959, %dma_start3A_2960, %dma_start3A_2967, %dma_start3A_2968] : memref<2x8x16x128xf32, #tpu.memory_space<vmem>> -> memref<1x1x16x128xf32, #tpu.memory_space<vmem>>
        %dma_start3A_2970 = tpu.memref_squeeze %dma_start3A_2969 : memref<1x1x16x128xf32, #tpu.memory_space<vmem>> -> memref<16x128xf32, #tpu.memory_space<vmem>>
        %dma_start3A_2971 = arith.constant 0 : i32
        %dma_start3A_2972 = tpu.memref_slice %arg5[%dma_start3A_2971, %multiple_of3A_2944] : memref<16x1000000xf32, #tpu.memory_space<hbm>> -> memref<16x128xf32, #tpu.memory_space<hbm>>
        tpu.enqueue_dma source(%dma_start3A_2972 : memref<16x128xf32, #tpu.memory_space<hbm>>) target(%dma_start3A_2970 : memref<16x128xf32, #tpu.memory_space<vmem>>) target_semaphore(%arg13 : memref<!tpu.dma_semaphore, #tpu.memory_space<semaphore_mem>>)
        %slice3A_2973 = vector.extract_strided_slice %get3A_2882 {offsets = [1], sizes = [1], strides = [1]} : vector<16xi32> to vector<1xi32>
        %squeeze3A_2974 = vector.extract %slice3A_2973[0] : i32 from vector<1xi32>
        %jit3A_2975 = arith.constant 128 : i32
        %div3A_2976 = arith.divsi %squeeze3A_2974, %jit3A_2975 : i32
        %sign3A_2977 = arith.constant 0 : i32
        %sign3A_2978 = arith.cmpi sgt, %squeeze3A_2974, %sign3A_2977 : i32
        %sign3A_2979 = arith.extui %sign3A_2978 : i1 to i32
        %sign3A_2980 = arith.constant 0 : i32
        %sign3A_2981 = arith.cmpi slt, %squeeze3A_2974, %sign3A_2980 : i32
        %sign3A_2982 = arith.extui %sign3A_2981 : i1 to i32
        %sign3A_2983 = arith.subi %sign3A_2979, %sign3A_2982 : i32
        %sign3A_2984 = arith.constant 0 : i32
        %sign3A_2985 = arith.cmpi sgt, %jit3A_2975, %sign3A_2984 : i32
        %sign3A_2986 = arith.extui %sign3A_2985 : i1 to i32
        %sign3A_2987 = arith.constant 0 : i32
        %sign3A_2988 = arith.cmpi slt, %jit3A_2975, %sign3A_2987 : i32
        %sign3A_2989 = arith.extui %sign3A_2988 : i1 to i32
        %sign3A_2990 = arith.subi %sign3A_2986, %sign3A_2989 : i32
        %ne3A_2991 = arith.cmpi ne, %sign3A_2983, %sign3A_2990 : i32
        %rem3A_2992 = arith.remsi %squeeze3A_2974, %jit3A_2975 : i32
        %ne3A_2993 = arith.constant 0 : i32
        %ne3A_2994 = arith.cmpi ne, %rem3A_2992, %ne3A_2993 : i32
        %and3A_2995 = arith.andi %ne3A_2991, %ne3A_2994 : i1
        %sub3A_2996 = arith.constant 1 : i32
        %sub3A_2997 = arith.subi %div3A_2976, %sub3A_2996 : i32
        %select_n3A_2998 = arith.select %and3A_2995, %sub3A_2997, %div3A_2976 : i32
        %mul3A_2999 = arith.constant 128 : i32
        %mul3A_3000 = arith.muli %select_n3A_2998, %mul3A_2999 : i32
        %multiple_of3A_3001 = tpu.assume_multiple %mul3A_3000, 128 : i32
        %slice3A_3002 = vector.extract_strided_slice %get3A_2886 {offsets = [1], sizes = [1], strides = [1]} : vector<16xi32> to vector<1xi32>
        %squeeze3A_3003 = vector.extract %slice3A_3002[0] : i32 from vector<1xi32>
        %jit3A_3004 = arith.constant 128 : i32
        %div3A_3005 = arith.divsi %squeeze3A_3003, %jit3A_3004 : i32
        %sign3A_3006 = arith.constant 0 : i32
        %sign3A_3007 = arith.cmpi sgt, %squeeze3A_3003, %sign3A_3006 : i32
        %sign3A_3008 = arith.extui %sign3A_3007 : i1 to i32
        %sign3A_3009 = arith.constant 0 : i32
        %sign3A_3010 = arith.cmpi slt, %squeeze3A_3003, %sign3A_3009 : i32
        %sign3A_3011 = arith.extui %sign3A_3010 : i1 to i32
        %sign3A_3012 = arith.subi %sign3A_3008, %sign3A_3011 : i32
        %sign3A_3013 = arith.constant 0 : i32
        %sign3A_3014 = arith.cmpi sgt, %jit3A_3004, %sign3A_3013 : i32
        %sign3A_3015 = arith.extui %sign3A_3014 : i1 to i32
        %sign3A_3016 = arith.constant 0 : i32
        %sign3A_3017 = arith.cmpi slt, %jit3A_3004, %sign3A_3016 : i32
        %sign3A_3018 = arith.extui %sign3A_3017 : i1 to i32
        %sign3A_3019 = arith.subi %sign3A_3015, %sign3A_3018 : i32
        %ne3A_3020 = arith.cmpi ne, %sign3A_3012, %sign3A_3019 : i32
        %rem3A_3021 = arith.remsi %squeeze3A_3003, %jit3A_3004 : i32
        %ne3A_3022 = arith.constant 0 : i32
        %ne3A_3023 = arith.cmpi ne, %rem3A_3021, %ne3A_3022 : i32
        %and3A_3024 = arith.andi %ne3A_3020, %ne3A_3023 : i1
        %sub3A_3025 = arith.constant 1 : i32
        %sub3A_3026 = arith.subi %div3A_3005, %sub3A_3025 : i32
        %select_n3A_3027 = arith.select %and3A_3024, %sub3A_3026, %div3A_3005 : i32
        %mul3A_3028 = arith.constant 128 : i32
        %mul3A_3029 = arith.muli %select_n3A_3027, %mul3A_3028 : i32
        %multiple_of3A_3030 = tpu.assume_multiple %mul3A_3029, 128 : i32
        %dma_start3A_3031 = arith.constant 0 : i32
        %dma_start3A_3032 = arith.constant 1 : i32
        %dma_start3A_3033 = arith.constant 0 : i32
        %dma_start3A_3034 = arith.constant 0 : i32
        %dma_start3A_3035 = tpu.memref_slice %arg9[%dma_start3A_3031, %dma_start3A_3032, %dma_start3A_3033, %dma_start3A_3034] : memref<2x8x16x128xf32, #tpu.memory_space<vmem>> -> memref<1x1x16x128xf32, #tpu.memory_space<vmem>>
        %dma_start3A_3036 = tpu.memref_squeeze %dma_start3A_3035 : memref<1x1x16x128xf32, #tpu.memory_space<vmem>> -> memref<16x128xf32, #tpu.memory_space<vmem>>
        %dma_start3A_3037 = arith.constant 0 : i32
        %dma_start3A_3038 = tpu.memref_slice %arg4[%dma_start3A_3037, %multiple_of3A_3001] : memref<16x1000000xf32, #tpu.memory_space<hbm>> -> memref<16x128xf32, #tpu.memory_space<hbm>>
        %dma_start3A_3039 = arith.constant 0 : i32
        %dma_start3A_3040 = arith.constant 0 : i32
        %dma_start3A_3041 = tpu.memref_slice %arg9[%dma_start3A_3031, %dma_start3A_3032, %dma_start3A_3039, %dma_start3A_3040] : memref<2x8x16x128xf32, #tpu.memory_space<vmem>> -> memref<1x1x16x128xf32, #tpu.memory_space<vmem>>
        %dma_start3A_3042 = tpu.memref_squeeze %dma_start3A_3041 : memref<1x1x16x128xf32, #tpu.memory_space<vmem>> -> memref<16x128xf32, #tpu.memory_space<vmem>>
        %dma_start3A_3043 = arith.constant 0 : i32
        %dma_start3A_3044 = tpu.memref_slice %arg4[%dma_start3A_3043, %multiple_of3A_3001] : memref<16x1000000xf32, #tpu.memory_space<hbm>> -> memref<16x128xf32, #tpu.memory_space<hbm>>
        tpu.enqueue_dma source(%dma_start3A_3044 : memref<16x128xf32, #tpu.memory_space<hbm>>) target(%dma_start3A_3042 : memref<16x128xf32, #tpu.memory_space<vmem>>) target_semaphore(%arg13 : memref<!tpu.dma_semaphore, #tpu.memory_space<semaphore_mem>>)
        %dma_start3A_3045 = arith.constant 0 : i32
        %dma_start3A_3046 = arith.constant 1 : i32
        %dma_start3A_3047 = arith.constant 0 : i32
        %dma_start3A_3048 = arith.constant 0 : i32
        %dma_start3A_3049 = tpu.memref_slice %arg10[%dma_start3A_3045, %dma_start3A_3046, %dma_start3A_3047, %dma_start3A_3048] : memref<2x8x16x128xf32, #tpu.memory_space<vmem>> -> memref<1x1x16x128xf32, #tpu.memory_space<vmem>>
        %dma_start3A_3050 = tpu.memref_squeeze %dma_start3A_3049 : memref<1x1x16x128xf32, #tpu.memory_space<vmem>> -> memref<16x128xf32, #tpu.memory_space<vmem>>
        %dma_start3A_3051 = arith.constant 0 : i32
        %dma_start3A_3052 = tpu.memref_slice %arg5[%dma_start3A_3051, %multiple_of3A_3030] : memref<16x1000000xf32, #tpu.memory_space<hbm>> -> memref<16x128xf32, #tpu.memory_space<hbm>>
        %dma_start3A_3053 = arith.constant 0 : i32
        %dma_start3A_3054 = arith.constant 0 : i32
        %dma_start3A_3055 = tpu.memref_slice %arg10[%dma_start3A_3045, %dma_start3A_3046, %dma_start3A_3053, %dma_start3A_3054] : memref<2x8x16x128xf32, #tpu.memory_space<vmem>> -> memref<1x1x16x128xf32, #tpu.memory_space<vmem>>
        %dma_start3A_3056 = tpu.memref_squeeze %dma_start3A_3055 : memref<1x1x16x128xf32, #tpu.memory_space<vmem>> -> memref<16x128xf32, #tpu.memory_space<vmem>>
        %dma_start3A_3057 = arith.constant 0 : i32
        %dma_start3A_3058 = tpu.memref_slice %arg5[%dma_start3A_3057, %multiple_of3A_3030] : memref<16x1000000xf32, #tpu.memory_space<hbm>> -> memref<16x128xf32, #tpu.memory_space<hbm>>
        tpu.enqueue_dma source(%dma_start3A_3058 : memref<16x128xf32, #tpu.memory_space<hbm>>) target(%dma_start3A_3056 : memref<16x128xf32, #tpu.memory_space<vmem>>) target_semaphore(%arg13 : memref<!tpu.dma_semaphore, #tpu.memory_space<semaphore_mem>>)
        %slice3A_3059 = vector.extract_strided_slice %get3A_2882 {offsets = [2], sizes = [1], strides = [1]} : vector<16xi32> to vector<1xi32>
        %squeeze3A_3060 = vector.extract %slice3A_3059[0] : i32 from vector<1xi32>
        %jit3A_3061 = arith.constant 128 : i32
        %div3A_3062 = arith.divsi %squeeze3A_3060, %jit3A_3061 : i32
        %sign3A_3063 = arith.constant 0 : i32
        %sign3A_3064 = arith.cmpi sgt, %squeeze3A_3060, %sign3A_3063 : i32
        %sign3A_3065 = arith.extui %sign3A_3064 : i1 to i32
        %sign3A_3066 = arith.constant 0 : i32
        %sign3A_3067 = arith.cmpi slt, %squeeze3A_3060, %sign3A_3066 : i32
        %sign3A_3068 = arith.extui %sign3A_3067 : i1 to i32
        %sign3A_3069 = arith.subi %sign3A_3065, %sign3A_3068 : i32
        %sign3A_3070 = arith.constant 0 : i32
        %sign3A_3071 = arith.cmpi sgt, %jit3A_3061, %sign3A_3070 : i32
        %sign3A_3072 = arith.extui %sign3A_3071 : i1 to i32
        %sign3A_3073 = arith.constant 0 : i32
        %sign3A_3074 = arith.cmpi slt, %jit3A_3061, %sign3A_3073 : i32
        %sign3A_3075 = arith.extui %sign3A_3074 : i1 to i32
        %sign3A_3076 = arith.subi %sign3A_3072, %sign3A_3075 : i32
        %ne3A_3077 = arith.cmpi ne, %sign3A_3069, %sign3A_3076 : i32
        %rem3A_3078 = arith.remsi %squeeze3A_3060, %jit3A_3061 : i32
        %ne3A_3079 = arith.constant 0 : i32
        %ne3A_3080 = arith.cmpi ne, %rem3A_3078, %ne3A_3079 : i32
        %and3A_3081 = arith.andi %ne3A_3077, %ne3A_3080 : i1
        %sub3A_3082 = arith.constant 1 : i32
        %sub3A_3083 = arith.subi %div3A_3062, %sub3A_3082 : i32
        %select_n3A_3084 = arith.select %and3A_3081, %sub3A_3083, %div3A_3062 : i32
        %mul3A_3085 = arith.constant 128 : i32
        %mul3A_3086 = arith.muli %select_n3A_3084, %mul3A_3085 : i32
        %multiple_of3A_3087 = tpu.assume_multiple %mul3A_3086, 128 : i32
        %slice3A_3088 = vector.extract_strided_slice %get3A_2886 {offsets = [2], sizes = [1], strides = [1]} : vector<16xi32> to vector<1xi32>
        %squeeze3A_3089 = vector.extract %slice3A_3088[0] : i32 from vector<1xi32>
        %jit3A_3090 = arith.constant 128 : i32
        %div3A_3091 = arith.divsi %squeeze3A_3089, %jit3A_3090 : i32
        %sign3A_3092 = arith.constant 0 : i32
        %sign3A_3093 = arith.cmpi sgt, %squeeze3A_3089, %sign3A_3092 : i32
        %sign3A_3094 = arith.extui %sign3A_3093 : i1 to i32
        %sign3A_3095 = arith.constant 0 : i32
        %sign3A_3096 = arith.cmpi slt, %squeeze3A_3089, %sign3A_3095 : i32
        %sign3A_3097 = arith.extui %sign3A_3096 : i1 to i32
        %sign3A_3098 = arith.subi %sign3A_3094, %sign3A_3097 : i32
        %sign3A_3099 = arith.constant 0 : i32
        %sign3A_3100 = arith.cmpi sgt, %jit3A_3090, %sign3A_3099 : i32
        %sign3A_3101 = arith.extui %sign3A_3100 : i1 to i32
        %sign3A_3102 = arith.constant 0 : i32
        %sign3A_3103 = arith.cmpi slt, %jit3A_3090, %sign3A_3102 : i32
        %sign3A_3104 = arith.extui %sign3A_3103 : i1 to i32
        %sign3A_3105 = arith.subi %sign3A_3101, %sign3A_3104 : i32
        %ne3A_3106 = arith.cmpi ne, %sign3A_3098, %sign3A_3105 : i32
        %rem3A_3107 = arith.remsi %squeeze3A_3089, %jit3A_3090 : i32
        %ne3A_3108 = arith.constant 0 : i32
        %ne3A_3109 = arith.cmpi ne, %rem3A_3107, %ne3A_3108 : i32
        %and3A_3110 = arith.andi %ne3A_3106, %ne3A_3109 : i1
        %sub3A_3111 = arith.constant 1 : i32
        %sub3A_3112 = arith.subi %div3A_3091, %sub3A_3111 : i32
        %select_n3A_3113 = arith.select %and3A_3110, %sub3A_3112, %div3A_3091 : i32
        %mul3A_3114 = arith.constant 128 : i32
        %mul3A_3115 = arith.muli %select_n3A_3113, %mul3A_3114 : i32
        %multiple_of3A_3116 = tpu.assume_multiple %mul3A_3115, 128 : i32
        %dma_start3A_3117 = arith.constant 0 : i32
        %dma_start3A_3118 = arith.constant 2 : i32
        %dma_start3A_3119 = arith.constant 0 : i32
        %dma_start3A_3120 = arith.constant 0 : i32
        %dma_start3A_3121 = tpu.memref_slice %arg9[%dma_start3A_3117, %dma_start3A_3118, %dma_start3A_3119, %dma_start3A_3120] : memref<2x8x16x128xf32, #tpu.memory_space<vmem>> -> memref<1x1x16x128xf32, #tpu.memory_space<vmem>>
        %dma_start3A_3122 = tpu.memref_squeeze %dma_start3A_3121 : memref<1x1x16x128xf32, #tpu.memory_space<vmem>> -> memref<16x128xf32, #tpu.memory_space<vmem>>
        %dma_start3A_3123 = arith.constant 0 : i32
        %dma_start3A_3124 = tpu.memref_slice %arg4[%dma_start3A_3123, %multiple_of3A_3087] : memref<16x1000000xf32, #tpu.memory_space<hbm>> -> memref<16x128xf32, #tpu.memory_space<hbm>>
        %dma_start3A_3125 = arith.constant 0 : i32
        %dma_start3A_3126 = arith.constant 0 : i32
        %dma_start3A_3127 = tpu.memref_slice %arg9[%dma_start3A_3117, %dma_start3A_3118, %dma_start3A_3125, %dma_start3A_3126] : memref<2x8x16x128xf32, #tpu.memory_space<vmem>> -> memref<1x1x16x128xf32, #tpu.memory_space<vmem>>
        %dma_start3A_3128 = tpu.memref_squeeze %dma_start3A_3127 : memref<1x1x16x128xf32, #tpu.memory_space<vmem>> -> memref<16x128xf32, #tpu.memory_space<vmem>>
        %dma_start3A_3129 = arith.constant 0 : i32
        %dma_start3A_3130 = tpu.memref_slice %arg4[%dma_start3A_3129, %multiple_of3A_3087] : memref<16x1000000xf32, #tpu.memory_space<hbm>> -> memref<16x128xf32, #tpu.memory_space<hbm>>
        tpu.enqueue_dma source(%dma_start3A_3130 : memref<16x128xf32, #tpu.memory_space<hbm>>) target(%dma_start3A_3128 : memref<16x128xf32, #tpu.memory_space<vmem>>) target_semaphore(%arg13 : memref<!tpu.dma_semaphore, #tpu.memory_space<semaphore_mem>>)
        %dma_start3A_3131 = arith.constant 0 : i32
        %dma_start3A_3132 = arith.constant 2 : i32
        %dma_start3A_3133 = arith.constant 0 : i32
        %dma_start3A_3134 = arith.constant 0 : i32
        %dma_start3A_3135 = tpu.memref_slice %arg10[%dma_start3A_3131, %dma_start3A_3132, %dma_start3A_3133, %dma_start3A_3134] : memref<2x8x16x128xf32, #tpu.memory_space<vmem>> -> memref<1x1x16x128xf32, #tpu.memory_space<vmem>>
        %dma_start3A_3136 = tpu.memref_squeeze %dma_start3A_3135 : memref<1x1x16x128xf32, #tpu.memory_space<vmem>> -> memref<16x128xf32, #tpu.memory_space<vmem>>
        %dma_start3A_3137 = arith.constant 0 : i32
        %dma_start3A_3138 = tpu.memref_slice %arg5[%dma_start3A_3137, %multiple_of3A_3116] : memref<16x1000000xf32, #tpu.memory_space<hbm>> -> memref<16x128xf32, #tpu.memory_space<hbm>>
        %dma_start3A_3139 = arith.constant 0 : i32
        %dma_start3A_3140 = arith.constant 0 : i32
        %dma_start3A_3141 = tpu.memref_slice %arg10[%dma_start3A_3131, %dma_start3A_3132, %dma_start3A_3139, %dma_start3A_3140] : memref<2x8x16x128xf32, #tpu.memory_space<vmem>> -> memref<1x1x16x128xf32, #tpu.memory_space<vmem>>
        %dma_start3A_3142 = tpu.memref_squeeze %dma_start3A_3141 : memref<1x1x16x128xf32, #tpu.memory_space<vmem>> -> memref<16x128xf32, #tpu.memory_space<vmem>>
        %dma_start3A_3143 = arith.constant 0 : i32
        %dma_start3A_3144 = tpu.memref_slice %arg5[%dma_start3A_3143, %multiple_of3A_3116] : memref<16x1000000xf32, #tpu.memory_space<hbm>> -> memref<16x128xf32, #tpu.memory_space<hbm>>
        tpu.enqueue_dma source(%dma_start3A_3144 : memref<16x128xf32, #tpu.memory_space<hbm>>) target(%dma_start3A_3142 : memref<16x128xf32, #tpu.memory_space<vmem>>) target_semaphore(%arg13 : memref<!tpu.dma_semaphore, #tpu.memory_space<semaphore_mem>>)
        %slice3A_3145 = vector.extract_strided_slice %get3A_2882 {offsets = [3], sizes = [1], strides = [1]} : vector<16xi32> to vector<1xi32>
        %squeeze3A_3146 = vector.extract %slice3A_3145[0] : i32 from vector<1xi32>
        %jit3A_3147 = arith.constant 128 : i32
        %div3A_3148 = arith.divsi %squeeze3A_3146, %jit3A_3147 : i32
        %sign3A_3149 = arith.constant 0 : i32
        %sign3A_3150 = arith.cmpi sgt, %squeeze3A_3146, %sign3A_3149 : i32
        %sign3A_3151 = arith.extui %sign3A_3150 : i1 to i32
        %sign3A_3152 = arith.constant 0 : i32
        %sign3A_3153 = arith.cmpi slt, %squeeze3A_3146, %sign3A_3152 : i32
        %sign3A_3154 = arith.extui %sign3A_3153 : i1 to i32
        %sign3A_3155 = arith.subi %sign3A_3151, %sign3A_3154 : i32
        %sign3A_3156 = arith.constant 0 : i32
        %sign3A_3157 = arith.cmpi sgt, %jit3A_3147, %sign3A_3156 : i32
        %sign3A_3158 = arith.extui %sign3A_3157 : i1 to i32
        %sign3A_3159 = arith.constant 0 : i32
        %sign3A_3160 = arith.cmpi slt, %jit3A_3147, %sign3A_3159 : i32
        %sign3A_3161 = arith.extui %sign3A_3160 : i1 to i32
        %sign3A_3162 = arith.subi %sign3A_3158, %sign3A_3161 : i32
        %ne3A_3163 = arith.cmpi ne, %sign3A_3155, %sign3A_3162 : i32
        %rem3A_3164 = arith.remsi %squeeze3A_3146, %jit3A_3147 : i32
        %ne3A_3165 = arith.constant 0 : i32
        %ne3A_3166 = arith.cmpi ne, %rem3A_3164, %ne3A_3165 : i32
        %and3A_3167 = arith.andi %ne3A_3163, %ne3A_3166 : i1
        %sub3A_3168 = arith.constant 1 : i32
        %sub3A_3169 = arith.subi %div3A_3148, %sub3A_3168 : i32
        %select_n3A_3170 = arith.select %and3A_3167, %sub3A_3169, %div3A_3148 : i32
        %mul3A_3171 = arith.constant 128 : i32
        %mul3A_3172 = arith.muli %select_n3A_3170, %mul3A_3171 : i32
        %multiple_of3A_3173 = tpu.assume_multiple %mul3A_3172, 128 : i32
        %slice3A_3174 = vector.extract_strided_slice %get3A_2886 {offsets = [3], sizes = [1], strides = [1]} : vector<16xi32> to vector<1xi32>
        %squeeze3A_3175 = vector.extract %slice3A_3174[0] : i32 from vector<1xi32>
        %jit3A_3176 = arith.constant 128 : i32
        %div3A_3177 = arith.divsi %squeeze3A_3175, %jit3A_3176 : i32
        %sign3A_3178 = arith.constant 0 : i32
        %sign3A_3179 = arith.cmpi sgt, %squeeze3A_3175, %sign3A_3178 : i32
        %sign3A_3180 = arith.extui %sign3A_3179 : i1 to i32
        %sign3A_3181 = arith.constant 0 : i32
        %sign3A_3182 = arith.cmpi slt, %squeeze3A_3175, %sign3A_3181 : i32
        %sign3A_3183 = arith.extui %sign3A_3182 : i1 to i32
        %sign3A_3184 = arith.subi %sign3A_3180, %sign3A_3183 : i32
        %sign3A_3185 = arith.constant 0 : i32
        %sign3A_3186 = arith.cmpi sgt, %jit3A_3176, %sign3A_3185 : i32
        %sign3A_3187 = arith.extui %sign3A_3186 : i1 to i32
        %sign3A_3188 = arith.constant 0 : i32
        %sign3A_3189 = arith.cmpi slt, %jit3A_3176, %sign3A_3188 : i32
        %sign3A_3190 = arith.extui %sign3A_3189 : i1 to i32
        %sign3A_3191 = arith.subi %sign3A_3187, %sign3A_3190 : i32
        %ne3A_3192 = arith.cmpi ne, %sign3A_3184, %sign3A_3191 : i32
        %rem3A_3193 = arith.remsi %squeeze3A_3175, %jit3A_3176 : i32
        %ne3A_3194 = arith.constant 0 : i32
        %ne3A_3195 = arith.cmpi ne, %rem3A_3193, %ne3A_3194 : i32
        %and3A_3196 = arith.andi %ne3A_3192, %ne3A_3195 : i1
        %sub3A_3197 = arith.constant 1 : i32
        %sub3A_3198 = arith.subi %div3A_3177, %sub3A_3197 : i32
        %select_n3A_3199 = arith.select %and3A_3196, %sub3A_3198, %div3A_3177 : i32
        %mul3A_3200 = arith.constant 128 : i32
        %mul3A_3201 = arith.muli %select_n3A_3199, %mul3A_3200 : i32
        %multiple_of3A_3202 = tpu.assume_multiple %mul3A_3201, 128 : i32
        %dma_start3A_3203 = arith.constant 0 : i32
        %dma_start3A_3204 = arith.constant 3 : i32
        %dma_start3A_3205 = arith.constant 0 : i32
        %dma_start3A_3206 = arith.constant 0 : i32
        %dma_start3A_3207 = tpu.memref_slice %arg9[%dma_start3A_3203, %dma_start3A_3204, %dma_start3A_3205, %dma_start3A_3206] : memref<2x8x16x128xf32, #tpu.memory_space<vmem>> -> memref<1x1x16x128xf32, #tpu.memory_space<vmem>>
        %dma_start3A_3208 = tpu.memref_squeeze %dma_start3A_3207 : memref<1x1x16x128xf32, #tpu.memory_space<vmem>> -> memref<16x128xf32, #tpu.memory_space<vmem>>
        %dma_start3A_3209 = arith.constant 0 : i32
        %dma_start3A_3210 = tpu.memref_slice %arg4[%dma_start3A_3209, %multiple_of3A_3173] : memref<16x1000000xf32, #tpu.memory_space<hbm>> -> memref<16x128xf32, #tpu.memory_space<hbm>>
        %dma_start3A_3211 = arith.constant 0 : i32
        %dma_start3A_3212 = arith.constant 0 : i32
        %dma_start3A_3213 = tpu.memref_slice %arg9[%dma_start3A_3203, %dma_start3A_3204, %dma_start3A_3211, %dma_start3A_3212] : memref<2x8x16x128xf32, #tpu.memory_space<vmem>> -> memref<1x1x16x128xf32, #tpu.memory_space<vmem>>
        %dma_start3A_3214 = tpu.memref_squeeze %dma_start3A_3213 : memref<1x1x16x128xf32, #tpu.memory_space<vmem>> -> memref<16x128xf32, #tpu.memory_space<vmem>>
        %dma_start3A_3215 = arith.constant 0 : i32
        %dma_start3A_3216 = tpu.memref_slice %arg4[%dma_start3A_3215, %multiple_of3A_3173] : memref<16x1000000xf32, #tpu.memory_space<hbm>> -> memref<16x128xf32, #tpu.memory_space<hbm>>
        tpu.enqueue_dma source(%dma_start3A_3216 : memref<16x128xf32, #tpu.memory_space<hbm>>) target(%dma_start3A_3214 : memref<16x128xf32, #tpu.memory_space<vmem>>) target_semaphore(%arg13 : memref<!tpu.dma_semaphore, #tpu.memory_space<semaphore_mem>>)
        %dma_start3A_3217 = arith.constant 0 : i32
        %dma_start3A_3218 = arith.constant 3 : i32
        %dma_start3A_3219 = arith.constant 0 : i32
        %dma_start3A_3220 = arith.constant 0 : i32
        %dma_start3A_3221 = tpu.memref_slice %arg10[%dma_start3A_3217, %dma_start3A_3218, %dma_start3A_3219, %dma_start3A_3220] : memref<2x8x16x128xf32, #tpu.memory_space<vmem>> -> memref<1x1x16x128xf32, #tpu.memory_space<vmem>>
        %dma_start3A_3222 = tpu.memref_squeeze %dma_start3A_3221 : memref<1x1x16x128xf32, #tpu.memory_space<vmem>> -> memref<16x128xf32, #tpu.memory_space<vmem>>
        %dma_start3A_3223 = arith.constant 0 : i32
        %dma_start3A_3224 = tpu.memref_slice %arg5[%dma_start3A_3223, %multiple_of3A_3202] : memref<16x1000000xf32, #tpu.memory_space<hbm>> -> memref<16x128xf32, #tpu.memory_space<hbm>>
        %dma_start3A_3225 = arith.constant 0 : i32
        %dma_start3A_3226 = arith.constant 0 : i32
        %dma_start3A_3227 = tpu.memref_slice %arg10[%dma_start3A_3217, %dma_start3A_3218, %dma_start3A_3225, %dma_start3A_3226] : memref<2x8x16x128xf32, #tpu.memory_space<vmem>> -> memref<1x1x16x128xf32, #tpu.memory_space<vmem>>
        %dma_start3A_3228 = tpu.memref_squeeze %dma_start3A_3227 : memref<1x1x16x128xf32, #tpu.memory_space<vmem>> -> memref<16x128xf32, #tpu.memory_space<vmem>>
        %dma_start3A_3229 = arith.constant 0 : i32
        %dma_start3A_3230 = tpu.memref_slice %arg5[%dma_start3A_3229, %multiple_of3A_3202] : memref<16x1000000xf32, #tpu.memory_space<hbm>> -> memref<16x128xf32, #tpu.memory_space<hbm>>
        tpu.enqueue_dma source(%dma_start3A_3230 : memref<16x128xf32, #tpu.memory_space<hbm>>) target(%dma_start3A_3228 : memref<16x128xf32, #tpu.memory_space<vmem>>) target_semaphore(%arg13 : memref<!tpu.dma_semaphore, #tpu.memory_space<semaphore_mem>>)
        %slice3A_3231 = vector.extract_strided_slice %get3A_2882 {offsets = [4], sizes = [1], strides = [1]} : vector<16xi32> to vector<1xi32>
        %squeeze3A_3232 = vector.extract %slice3A_3231[0] : i32 from vector<1xi32>
        %jit3A_3233 = arith.constant 128 : i32
        %div3A_3234 = arith.divsi %squeeze3A_3232, %jit3A_3233 : i32
        %sign3A_3235 = arith.constant 0 : i32
        %sign3A_3236 = arith.cmpi sgt, %squeeze3A_3232, %sign3A_3235 : i32
        %sign3A_3237 = arith.extui %sign3A_3236 : i1 to i32
        %sign3A_3238 = arith.constant 0 : i32
        %sign3A_3239 = arith.cmpi slt, %squeeze3A_3232, %sign3A_3238 : i32
        %sign3A_3240 = arith.extui %sign3A_3239 : i1 to i32
        %sign3A_3241 = arith.subi %sign3A_3237, %sign3A_3240 : i32
        %sign3A_3242 = arith.constant 0 : i32
        %sign3A_3243 = arith.cmpi sgt, %jit3A_3233, %sign3A_3242 : i32
        %sign3A_3244 = arith.extui %sign3A_3243 : i1 to i32
        %sign3A_3245 = arith.constant 0 : i32
        %sign3A_3246 = arith.cmpi slt, %jit3A_3233, %sign3A_3245 : i32
        %sign3A_3247 = arith.extui %sign3A_3246 : i1 to i32
        %sign3A_3248 = arith.subi %sign3A_3244, %sign3A_3247 : i32
        %ne3A_3249 = arith.cmpi ne, %sign3A_3241, %sign3A_3248 : i32
        %rem3A_3250 = arith.remsi %squeeze3A_3232, %jit3A_3233 : i32
        %ne3A_3251 = arith.constant 0 : i32
        %ne3A_3252 = arith.cmpi ne, %rem3A_3250, %ne3A_3251 : i32
        %and3A_3253 = arith.andi %ne3A_3249, %ne3A_3252 : i1
        %sub3A_3254 = arith.constant 1 : i32
        %sub3A_3255 = arith.subi %div3A_3234, %sub3A_3254 : i32
        %select_n3A_3256 = arith.select %and3A_3253, %sub3A_3255, %div3A_3234 : i32
        %mul3A_3257 = arith.constant 128 : i32
        %mul3A_3258 = arith.muli %select_n3A_3256, %mul3A_3257 : i32
        %multiple_of3A_3259 = tpu.assume_multiple %mul3A_3258, 128 : i32
        %slice3A_3260 = vector.extract_strided_slice %get3A_2886 {offsets = [4], sizes = [1], strides = [1]} : vector<16xi32> to vector<1xi32>
        %squeeze3A_3261 = vector.extract %slice3A_3260[0] : i32 from vector<1xi32>
        %jit3A_3262 = arith.constant 128 : i32
        %div3A_3263 = arith.divsi %squeeze3A_3261, %jit3A_3262 : i32
        %sign3A_3264 = arith.constant 0 : i32
        %sign3A_3265 = arith.cmpi sgt, %squeeze3A_3261, %sign3A_3264 : i32
        %sign3A_3266 = arith.extui %sign3A_3265 : i1 to i32
        %sign3A_3267 = arith.constant 0 : i32
        %sign3A_3268 = arith.cmpi slt, %squeeze3A_3261, %sign3A_3267 : i32
        %sign3A_3269 = arith.extui %sign3A_3268 : i1 to i32
        %sign3A_3270 = arith.subi %sign3A_3266, %sign3A_3269 : i32
        %sign3A_3271 = arith.constant 0 : i32
        %sign3A_3272 = arith.cmpi sgt, %jit3A_3262, %sign3A_3271 : i32
        %sign3A_3273 = arith.extui %sign3A_3272 : i1 to i32
        %sign3A_3274 = arith.constant 0 : i32
        %sign3A_3275 = arith.cmpi slt, %jit3A_3262, %sign3A_3274 : i32
        %sign3A_3276 = arith.extui %sign3A_3275 : i1 to i32
        %sign3A_3277 = arith.subi %sign3A_3273, %sign3A_3276 : i32
        %ne3A_3278 = arith.cmpi ne, %sign3A_3270, %sign3A_3277 : i32
        %rem3A_3279 = arith.remsi %squeeze3A_3261, %jit3A_3262 : i32
        %ne3A_3280 = arith.constant 0 : i32
        %ne3A_3281 = arith.cmpi ne, %rem3A_3279, %ne3A_3280 : i32
        %and3A_3282 = arith.andi %ne3A_3278, %ne3A_3281 : i1
        %sub3A_3283 = arith.constant 1 : i32
        %sub3A_3284 = arith.subi %div3A_3263, %sub3A_3283 : i32
        %select_n3A_3285 = arith.select %and3A_3282, %sub3A_3284, %div3A_3263 : i32
        %mul3A_3286 = arith.constant 128 : i32
        %mul3A_3287 = arith.muli %select_n3A_3285, %mul3A_3286 : i32
        %multiple_of3A_3288 = tpu.assume_multiple %mul3A_3287, 128 : i32
        %dma_start3A_3289 = arith.constant 0 : i32
        %dma_start3A_3290 = arith.constant 4 : i32
        %dma_start3A_3291 = arith.constant 0 : i32
        %dma_start3A_3292 = arith.constant 0 : i32
        %dma_start3A_3293 = tpu.memref_slice %arg9[%dma_start3A_3289, %dma_start3A_3290, %dma_start3A_3291, %dma_start3A_3292] : memref<2x8x16x128xf32, #tpu.memory_space<vmem>> -> memref<1x1x16x128xf32, #tpu.memory_space<vmem>>
        %dma_start3A_3294 = tpu.memref_squeeze %dma_start3A_3293 : memref<1x1x16x128xf32, #tpu.memory_space<vmem>> -> memref<16x128xf32, #tpu.memory_space<vmem>>
        %dma_start3A_3295 = arith.constant 0 : i32
        %dma_start3A_3296 = tpu.memref_slice %arg4[%dma_start3A_3295, %multiple_of3A_3259] : memref<16x1000000xf32, #tpu.memory_space<hbm>> -> memref<16x128xf32, #tpu.memory_space<hbm>>
        %dma_start3A_3297 = arith.constant 0 : i32
        %dma_start3A_3298 = arith.constant 0 : i32
        %dma_start3A_3299 = tpu.memref_slice %arg9[%dma_start3A_3289, %dma_start3A_3290, %dma_start3A_3297, %dma_start3A_3298] : memref<2x8x16x128xf32, #tpu.memory_space<vmem>> -> memref<1x1x16x128xf32, #tpu.memory_space<vmem>>
        %dma_start3A_3300 = tpu.memref_squeeze %dma_start3A_3299 : memref<1x1x16x128xf32, #tpu.memory_space<vmem>> -> memref<16x128xf32, #tpu.memory_space<vmem>>
        %dma_start3A_3301 = arith.constant 0 : i32
        %dma_start3A_3302 = tpu.memref_slice %arg4[%dma_start3A_3301, %multiple_of3A_3259] : memref<16x1000000xf32, #tpu.memory_space<hbm>> -> memref<16x128xf32, #tpu.memory_space<hbm>>
        tpu.enqueue_dma source(%dma_start3A_3302 : memref<16x128xf32, #tpu.memory_space<hbm>>) target(%dma_start3A_3300 : memref<16x128xf32, #tpu.memory_space<vmem>>) target_semaphore(%arg13 : memref<!tpu.dma_semaphore, #tpu.memory_space<semaphore_mem>>)
        %dma_start3A_3303 = arith.constant 0 : i32
        %dma_start3A_3304 = arith.constant 4 : i32
        %dma_start3A_3305 = arith.constant 0 : i32
        %dma_start3A_3306 = arith.constant 0 : i32
        %dma_start3A_3307 = tpu.memref_slice %arg10[%dma_start3A_3303, %dma_start3A_3304, %dma_start3A_3305, %dma_start3A_3306] : memref<2x8x16x128xf32, #tpu.memory_space<vmem>> -> memref<1x1x16x128xf32, #tpu.memory_space<vmem>>
        %dma_start3A_3308 = tpu.memref_squeeze %dma_start3A_3307 : memref<1x1x16x128xf32, #tpu.memory_space<vmem>> -> memref<16x128xf32, #tpu.memory_space<vmem>>
        %dma_start3A_3309 = arith.constant 0 : i32
        %dma_start3A_3310 = tpu.memref_slice %arg5[%dma_start3A_3309, %multiple_of3A_3288] : memref<16x1000000xf32, #tpu.memory_space<hbm>> -> memref<16x128xf32, #tpu.memory_space<hbm>>
        %dma_start3A_3311 = arith.constant 0 : i32
        %dma_start3A_3312 = arith.constant 0 : i32
        %dma_start3A_3313 = tpu.memref_slice %arg10[%dma_start3A_3303, %dma_start3A_3304, %dma_start3A_3311, %dma_start3A_3312] : memref<2x8x16x128xf32, #tpu.memory_space<vmem>> -> memref<1x1x16x128xf32, #tpu.memory_space<vmem>>
        %dma_start3A_3314 = tpu.memref_squeeze %dma_start3A_3313 : memref<1x1x16x128xf32, #tpu.memory_space<vmem>> -> memref<16x128xf32, #tpu.memory_space<vmem>>
        %dma_start3A_3315 = arith.constant 0 : i32
        %dma_start3A_3316 = tpu.memref_slice %arg5[%dma_start3A_3315, %multiple_of3A_3288] : memref<16x1000000xf32, #tpu.memory_space<hbm>> -> memref<16x128xf32, #tpu.memory_space<hbm>>
        tpu.enqueue_dma source(%dma_start3A_3316 : memref<16x128xf32, #tpu.memory_space<hbm>>) target(%dma_start3A_3314 : memref<16x128xf32, #tpu.memory_space<vmem>>) target_semaphore(%arg13 : memref<!tpu.dma_semaphore, #tpu.memory_space<semaphore_mem>>)
        %slice3A_3317 = vector.extract_strided_slice %get3A_2882 {offsets = [5], sizes = [1], strides = [1]} : vector<16xi32> to vector<1xi32>
        %squeeze3A_3318 = vector.extract %slice3A_3317[0] : i32 from vector<1xi32>
        %jit3A_3319 = arith.constant 128 : i32
        %div3A_3320 = arith.divsi %squeeze3A_3318, %jit3A_3319 : i32
        %sign3A_3321 = arith.constant 0 : i32
        %sign3A_3322 = arith.cmpi sgt, %squeeze3A_3318, %sign3A_3321 : i32
        %sign3A_3323 = arith.extui %sign3A_3322 : i1 to i32
        %sign3A_3324 = arith.constant 0 : i32
        %sign3A_3325 = arith.cmpi slt, %squeeze3A_3318, %sign3A_3324 : i32
        %sign3A_3326 = arith.extui %sign3A_3325 : i1 to i32
        %sign3A_3327 = arith.subi %sign3A_3323, %sign3A_3326 : i32
        %sign3A_3328 = arith.constant 0 : i32
        %sign3A_3329 = arith.cmpi sgt, %jit3A_3319, %sign3A_3328 : i32
        %sign3A_3330 = arith.extui %sign3A_3329 : i1 to i32
        %sign3A_3331 = arith.constant 0 : i32
        %sign3A_3332 = arith.cmpi slt, %jit3A_3319, %sign3A_3331 : i32
        %sign3A_3333 = arith.extui %sign3A_3332 : i1 to i32
        %sign3A_3334 = arith.subi %sign3A_3330, %sign3A_3333 : i32
        %ne3A_3335 = arith.cmpi ne, %sign3A_3327, %sign3A_3334 : i32
        %rem3A_3336 = arith.remsi %squeeze3A_3318, %jit3A_3319 : i32
        %ne3A_3337 = arith.constant 0 : i32
        %ne3A_3338 = arith.cmpi ne, %rem3A_3336, %ne3A_3337 : i32
        %and3A_3339 = arith.andi %ne3A_3335, %ne3A_3338 : i1
        %sub3A_3340 = arith.constant 1 : i32
        %sub3A_3341 = arith.subi %div3A_3320, %sub3A_3340 : i32
        %select_n3A_3342 = arith.select %and3A_3339, %sub3A_3341, %div3A_3320 : i32
        %mul3A_3343 = arith.constant 128 : i32
        %mul3A_3344 = arith.muli %select_n3A_3342, %mul3A_3343 : i32
        %multiple_of3A_3345 = tpu.assume_multiple %mul3A_3344, 128 : i32
        %slice3A_3346 = vector.extract_strided_slice %get3A_2886 {offsets = [5], sizes = [1], strides = [1]} : vector<16xi32> to vector<1xi32>
        %squeeze3A_3347 = vector.extract %slice3A_3346[0] : i32 from vector<1xi32>
        %jit3A_3348 = arith.constant 128 : i32
        %div3A_3349 = arith.divsi %squeeze3A_3347, %jit3A_3348 : i32
        %sign3A_3350 = arith.constant 0 : i32
        %sign3A_3351 = arith.cmpi sgt, %squeeze3A_3347, %sign3A_3350 : i32
        %sign3A_3352 = arith.extui %sign3A_3351 : i1 to i32
        %sign3A_3353 = arith.constant 0 : i32
        %sign3A_3354 = arith.cmpi slt, %squeeze3A_3347, %sign3A_3353 : i32
        %sign3A_3355 = arith.extui %sign3A_3354 : i1 to i32
        %sign3A_3356 = arith.subi %sign3A_3352, %sign3A_3355 : i32
        %sign3A_3357 = arith.constant 0 : i32
        %sign3A_3358 = arith.cmpi sgt, %jit3A_3348, %sign3A_3357 : i32
        %sign3A_3359 = arith.extui %sign3A_3358 : i1 to i32
        %sign3A_3360 = arith.constant 0 : i32
        %sign3A_3361 = arith.cmpi slt, %jit3A_3348, %sign3A_3360 : i32
        %sign3A_3362 = arith.extui %sign3A_3361 : i1 to i32
        %sign3A_3363 = arith.subi %sign3A_3359, %sign3A_3362 : i32
        %ne3A_3364 = arith.cmpi ne, %sign3A_3356, %sign3A_3363 : i32
        %rem3A_3365 = arith.remsi %squeeze3A_3347, %jit3A_3348 : i32
        %ne3A_3366 = arith.constant 0 : i32
        %ne3A_3367 = arith.cmpi ne, %rem3A_3365, %ne3A_3366 : i32
        %and3A_3368 = arith.andi %ne3A_3364, %ne3A_3367 : i1
        %sub3A_3369 = arith.constant 1 : i32
        %sub3A_3370 = arith.subi %div3A_3349, %sub3A_3369 : i32
        %select_n3A_3371 = arith.select %and3A_3368, %sub3A_3370, %div3A_3349 : i32
        %mul3A_3372 = arith.constant 128 : i32
        %mul3A_3373 = arith.muli %select_n3A_3371, %mul3A_3372 : i32
        %multiple_of3A_3374 = tpu.assume_multiple %mul3A_3373, 128 : i32
        %dma_start3A_3375 = arith.constant 0 : i32
        %dma_start3A_3376 = arith.constant 5 : i32
        %dma_start3A_3377 = arith.constant 0 : i32
        %dma_start3A_3378 = arith.constant 0 : i32
        %dma_start3A_3379 = tpu.memref_slice %arg9[%dma_start3A_3375, %dma_start3A_3376, %dma_start3A_3377, %dma_start3A_3378] : memref<2x8x16x128xf32, #tpu.memory_space<vmem>> -> memref<1x1x16x128xf32, #tpu.memory_space<vmem>>
        %dma_start3A_3380 = tpu.memref_squeeze %dma_start3A_3379 : memref<1x1x16x128xf32, #tpu.memory_space<vmem>> -> memref<16x128xf32, #tpu.memory_space<vmem>>
        %dma_start3A_3381 = arith.constant 0 : i32
        %dma_start3A_3382 = tpu.memref_slice %arg4[%dma_start3A_3381, %multiple_of3A_3345] : memref<16x1000000xf32, #tpu.memory_space<hbm>> -> memref<16x128xf32, #tpu.memory_space<hbm>>
        %dma_start3A_3383 = arith.constant 0 : i32
        %dma_start3A_3384 = arith.constant 0 : i32
        %dma_start3A_3385 = tpu.memref_slice %arg9[%dma_start3A_3375, %dma_start3A_3376, %dma_start3A_3383, %dma_start3A_3384] : memref<2x8x16x128xf32, #tpu.memory_space<vmem>> -> memref<1x1x16x128xf32, #tpu.memory_space<vmem>>
        %dma_start3A_3386 = tpu.memref_squeeze %dma_start3A_3385 : memref<1x1x16x128xf32, #tpu.memory_space<vmem>> -> memref<16x128xf32, #tpu.memory_space<vmem>>
        %dma_start3A_3387 = arith.constant 0 : i32
        %dma_start3A_3388 = tpu.memref_slice %arg4[%dma_start3A_3387, %multiple_of3A_3345] : memref<16x1000000xf32, #tpu.memory_space<hbm>> -> memref<16x128xf32, #tpu.memory_space<hbm>>
        tpu.enqueue_dma source(%dma_start3A_3388 : memref<16x128xf32, #tpu.memory_space<hbm>>) target(%dma_start3A_3386 : memref<16x128xf32, #tpu.memory_space<vmem>>) target_semaphore(%arg13 : memref<!tpu.dma_semaphore, #tpu.memory_space<semaphore_mem>>)
        %dma_start3A_3389 = arith.constant 0 : i32
        %dma_start3A_3390 = arith.constant 5 : i32
        %dma_start3A_3391 = arith.constant 0 : i32
        %dma_start3A_3392 = arith.constant 0 : i32
        %dma_start3A_3393 = tpu.memref_slice %arg10[%dma_start3A_3389, %dma_start3A_3390, %dma_start3A_3391, %dma_start3A_3392] : memref<2x8x16x128xf32, #tpu.memory_space<vmem>> -> memref<1x1x16x128xf32, #tpu.memory_space<vmem>>
        %dma_start3A_3394 = tpu.memref_squeeze %dma_start3A_3393 : memref<1x1x16x128xf32, #tpu.memory_space<vmem>> -> memref<16x128xf32, #tpu.memory_space<vmem>>
        %dma_start3A_3395 = arith.constant 0 : i32
        %dma_start3A_3396 = tpu.memref_slice %arg5[%dma_start3A_3395, %multiple_of3A_3374] : memref<16x1000000xf32, #tpu.memory_space<hbm>> -> memref<16x128xf32, #tpu.memory_space<hbm>>
        %dma_start3A_3397 = arith.constant 0 : i32
        %dma_start3A_3398 = arith.constant 0 : i32
        %dma_start3A_3399 = tpu.memref_slice %arg10[%dma_start3A_3389, %dma_start3A_3390, %dma_start3A_3397, %dma_start3A_3398] : memref<2x8x16x128xf32, #tpu.memory_space<vmem>> -> memref<1x1x16x128xf32, #tpu.memory_space<vmem>>
        %dma_start3A_3400 = tpu.memref_squeeze %dma_start3A_3399 : memref<1x1x16x128xf32, #tpu.memory_space<vmem>> -> memref<16x128xf32, #tpu.memory_space<vmem>>
        %dma_start3A_3401 = arith.constant 0 : i32
        %dma_start3A_3402 = tpu.memref_slice %arg5[%dma_start3A_3401, %multiple_of3A_3374] : memref<16x1000000xf32, #tpu.memory_space<hbm>> -> memref<16x128xf32, #tpu.memory_space<hbm>>
        tpu.enqueue_dma source(%dma_start3A_3402 : memref<16x128xf32, #tpu.memory_space<hbm>>) target(%dma_start3A_3400 : memref<16x128xf32, #tpu.memory_space<vmem>>) target_semaphore(%arg13 : memref<!tpu.dma_semaphore, #tpu.memory_space<semaphore_mem>>)
        %slice3A_3403 = vector.extract_strided_slice %get3A_2882 {offsets = [6], sizes = [1], strides = [1]} : vector<16xi32> to vector<1xi32>
        %squeeze3A_3404 = vector.extract %slice3A_3403[0] : i32 from vector<1xi32>
        %jit3A_3405 = arith.constant 128 : i32
        %div3A_3406 = arith.divsi %squeeze3A_3404, %jit3A_3405 : i32
        %sign3A_3407 = arith.constant 0 : i32
        %sign3A_3408 = arith.cmpi sgt, %squeeze3A_3404, %sign3A_3407 : i32
        %sign3A_3409 = arith.extui %sign3A_3408 : i1 to i32
        %sign3A_3410 = arith.constant 0 : i32
        %sign3A_3411 = arith.cmpi slt, %squeeze3A_3404, %sign3A_3410 : i32
        %sign3A_3412 = arith.extui %sign3A_3411 : i1 to i32
        %sign3A_3413 = arith.subi %sign3A_3409, %sign3A_3412 : i32
        %sign3A_3414 = arith.constant 0 : i32
        %sign3A_3415 = arith.cmpi sgt, %jit3A_3405, %sign3A_3414 : i32
        %sign3A_3416 = arith.extui %sign3A_3415 : i1 to i32
        %sign3A_3417 = arith.constant 0 : i32
        %sign3A_3418 = arith.cmpi slt, %jit3A_3405, %sign3A_3417 : i32
        %sign3A_3419 = arith.extui %sign3A_3418 : i1 to i32
        %sign3A_3420 = arith.subi %sign3A_3416, %sign3A_3419 : i32
        %ne3A_3421 = arith.cmpi ne, %sign3A_3413, %sign3A_3420 : i32
        %rem3A_3422 = arith.remsi %squeeze3A_3404, %jit3A_3405 : i32
        %ne3A_3423 = arith.constant 0 : i32
        %ne3A_3424 = arith.cmpi ne, %rem3A_3422, %ne3A_3423 : i32
        %and3A_3425 = arith.andi %ne3A_3421, %ne3A_3424 : i1
        %sub3A_3426 = arith.constant 1 : i32
        %sub3A_3427 = arith.subi %div3A_3406, %sub3A_3426 : i32
        %select_n3A_3428 = arith.select %and3A_3425, %sub3A_3427, %div3A_3406 : i32
        %mul3A_3429 = arith.constant 128 : i32
        %mul3A_3430 = arith.muli %select_n3A_3428, %mul3A_3429 : i32
        %multiple_of3A_3431 = tpu.assume_multiple %mul3A_3430, 128 : i32
        %slice3A_3432 = vector.extract_strided_slice %get3A_2886 {offsets = [6], sizes = [1], strides = [1]} : vector<16xi32> to vector<1xi32>
        %squeeze3A_3433 = vector.extract %slice3A_3432[0] : i32 from vector<1xi32>
        %jit3A_3434 = arith.constant 128 : i32
        %div3A_3435 = arith.divsi %squeeze3A_3433, %jit3A_3434 : i32
        %sign3A_3436 = arith.constant 0 : i32
        %sign3A_3437 = arith.cmpi sgt, %squeeze3A_3433, %sign3A_3436 : i32
        %sign3A_3438 = arith.extui %sign3A_3437 : i1 to i32
        %sign3A_3439 = arith.constant 0 : i32
        %sign3A_3440 = arith.cmpi slt, %squeeze3A_3433, %sign3A_3439 : i32
        %sign3A_3441 = arith.extui %sign3A_3440 : i1 to i32
        %sign3A_3442 = arith.subi %sign3A_3438, %sign3A_3441 : i32
        %sign3A_3443 = arith.constant 0 : i32
        %sign3A_3444 = arith.cmpi sgt, %jit3A_3434, %sign3A_3443 : i32
        %sign3A_3445 = arith.extui %sign3A_3444 : i1 to i32
        %sign3A_3446 = arith.constant 0 : i32
        %sign3A_3447 = arith.cmpi slt, %jit3A_3434, %sign3A_3446 : i32
        %sign3A_3448 = arith.extui %sign3A_3447 : i1 to i32
        %sign3A_3449 = arith.subi %sign3A_3445, %sign3A_3448 : i32
        %ne3A_3450 = arith.cmpi ne, %sign3A_3442, %sign3A_3449 : i32
        %rem3A_3451 = arith.remsi %squeeze3A_3433, %jit3A_3434 : i32
        %ne3A_3452 = arith.constant 0 : i32
        %ne3A_3453 = arith.cmpi ne, %rem3A_3451, %ne3A_3452 : i32
        %and3A_3454 = arith.andi %ne3A_3450, %ne3A_3453 : i1
        %sub3A_3455 = arith.constant 1 : i32
        %sub3A_3456 = arith.subi %div3A_3435, %sub3A_3455 : i32
        %select_n3A_3457 = arith.select %and3A_3454, %sub3A_3456, %div3A_3435 : i32
        %mul3A_3458 = arith.constant 128 : i32
        %mul3A_3459 = arith.muli %select_n3A_3457, %mul3A_3458 : i32
        %multiple_of3A_3460 = tpu.assume_multiple %mul3A_3459, 128 : i32
        %dma_start3A_3461 = arith.constant 0 : i32
        %dma_start3A_3462 = arith.constant 6 : i32
        %dma_start3A_3463 = arith.constant 0 : i32
        %dma_start3A_3464 = arith.constant 0 : i32
        %dma_start3A_3465 = tpu.memref_slice %arg9[%dma_start3A_3461, %dma_start3A_3462, %dma_start3A_3463, %dma_start3A_3464] : memref<2x8x16x128xf32, #tpu.memory_space<vmem>> -> memref<1x1x16x128xf32, #tpu.memory_space<vmem>>
        %dma_start3A_3466 = tpu.memref_squeeze %dma_start3A_3465 : memref<1x1x16x128xf32, #tpu.memory_space<vmem>> -> memref<16x128xf32, #tpu.memory_space<vmem>>
        %dma_start3A_3467 = arith.constant 0 : i32
        %dma_start3A_3468 = tpu.memref_slice %arg4[%dma_start3A_3467, %multiple_of3A_3431] : memref<16x1000000xf32, #tpu.memory_space<hbm>> -> memref<16x128xf32, #tpu.memory_space<hbm>>
        %dma_start3A_3469 = arith.constant 0 : i32
        %dma_start3A_3470 = arith.constant 0 : i32
        %dma_start3A_3471 = tpu.memref_slice %arg9[%dma_start3A_3461, %dma_start3A_3462, %dma_start3A_3469, %dma_start3A_3470] : memref<2x8x16x128xf32, #tpu.memory_space<vmem>> -> memref<1x1x16x128xf32, #tpu.memory_space<vmem>>
        %dma_start3A_3472 = tpu.memref_squeeze %dma_start3A_3471 : memref<1x1x16x128xf32, #tpu.memory_space<vmem>> -> memref<16x128xf32, #tpu.memory_space<vmem>>
        %dma_start3A_3473 = arith.constant 0 : i32
        %dma_start3A_3474 = tpu.memref_slice %arg4[%dma_start3A_3473, %multiple_of3A_3431] : memref<16x1000000xf32, #tpu.memory_space<hbm>> -> memref<16x128xf32, #tpu.memory_space<hbm>>
        tpu.enqueue_dma source(%dma_start3A_3474 : memref<16x128xf32, #tpu.memory_space<hbm>>) target(%dma_start3A_3472 : memref<16x128xf32, #tpu.memory_space<vmem>>) target_semaphore(%arg13 : memref<!tpu.dma_semaphore, #tpu.memory_space<semaphore_mem>>)
        %dma_start3A_3475 = arith.constant 0 : i32
        %dma_start3A_3476 = arith.constant 6 : i32
        %dma_start3A_3477 = arith.constant 0 : i32
        %dma_start3A_3478 = arith.constant 0 : i32
        %dma_start3A_3479 = tpu.memref_slice %arg10[%dma_start3A_3475, %dma_start3A_3476, %dma_start3A_3477, %dma_start3A_3478] : memref<2x8x16x128xf32, #tpu.memory_space<vmem>> -> memref<1x1x16x128xf32, #tpu.memory_space<vmem>>
        %dma_start3A_3480 = tpu.memref_squeeze %dma_start3A_3479 : memref<1x1x16x128xf32, #tpu.memory_space<vmem>> -> memref<16x128xf32, #tpu.memory_space<vmem>>
        %dma_start3A_3481 = arith.constant 0 : i32
        %dma_start3A_3482 = tpu.memref_slice %arg5[%dma_start3A_3481, %multiple_of3A_3460] : memref<16x1000000xf32, #tpu.memory_space<hbm>> -> memref<16x128xf32, #tpu.memory_space<hbm>>
        %dma_start3A_3483 = arith.constant 0 : i32
        %dma_start3A_3484 = arith.constant 0 : i32
        %dma_start3A_3485 = tpu.memref_slice %arg10[%dma_start3A_3475, %dma_start3A_3476, %dma_start3A_3483, %dma_start3A_3484] : memref<2x8x16x128xf32, #tpu.memory_space<vmem>> -> memref<1x1x16x128xf32, #tpu.memory_space<vmem>>
        %dma_start3A_3486 = tpu.memref_squeeze %dma_start3A_3485 : memref<1x1x16x128xf32, #tpu.memory_space<vmem>> -> memref<16x128xf32, #tpu.memory_space<vmem>>
        %dma_start3A_3487 = arith.constant 0 : i32
        %dma_start3A_3488 = tpu.memref_slice %arg5[%dma_start3A_3487, %multiple_of3A_3460] : memref<16x1000000xf32, #tpu.memory_space<hbm>> -> memref<16x128xf32, #tpu.memory_space<hbm>>
        tpu.enqueue_dma source(%dma_start3A_3488 : memref<16x128xf32, #tpu.memory_space<hbm>>) target(%dma_start3A_3486 : memref<16x128xf32, #tpu.memory_space<vmem>>) target_semaphore(%arg13 : memref<!tpu.dma_semaphore, #tpu.memory_space<semaphore_mem>>)
        %slice3A_3489 = vector.extract_strided_slice %get3A_2882 {offsets = [7], sizes = [1], strides = [1]} : vector<16xi32> to vector<1xi32>
        %squeeze3A_3490 = vector.extract %slice3A_3489[0] : i32 from vector<1xi32>
        %jit3A_3491 = arith.constant 128 : i32
        %div3A_3492 = arith.divsi %squeeze3A_3490, %jit3A_3491 : i32
        %sign3A_3493 = arith.constant 0 : i32
        %sign3A_3494 = arith.cmpi sgt, %squeeze3A_3490, %sign3A_3493 : i32
        %sign3A_3495 = arith.extui %sign3A_3494 : i1 to i32
        %sign3A_3496 = arith.constant 0 : i32
        %sign3A_3497 = arith.cmpi slt, %squeeze3A_3490, %sign3A_3496 : i32
        %sign3A_3498 = arith.extui %sign3A_3497 : i1 to i32
        %sign3A_3499 = arith.subi %sign3A_3495, %sign3A_3498 : i32
        %sign3A_3500 = arith.constant 0 : i32
        %sign3A_3501 = arith.cmpi sgt, %jit3A_3491, %sign3A_3500 : i32
        %sign3A_3502 = arith.extui %sign3A_3501 : i1 to i32
        %sign3A_3503 = arith.constant 0 : i32
        %sign3A_3504 = arith.cmpi slt, %jit3A_3491, %sign3A_3503 : i32
        %sign3A_3505 = arith.extui %sign3A_3504 : i1 to i32
        %sign3A_3506 = arith.subi %sign3A_3502, %sign3A_3505 : i32
        %ne3A_3507 = arith.cmpi ne, %sign3A_3499, %sign3A_3506 : i32
        %rem3A_3508 = arith.remsi %squeeze3A_3490, %jit3A_3491 : i32
        %ne3A_3509 = arith.constant 0 : i32
        %ne3A_3510 = arith.cmpi ne, %rem3A_3508, %ne3A_3509 : i32
        %and3A_3511 = arith.andi %ne3A_3507, %ne3A_3510 : i1
        %sub3A_3512 = arith.constant 1 : i32
        %sub3A_3513 = arith.subi %div3A_3492, %sub3A_3512 : i32
        %select_n3A_3514 = arith.select %and3A_3511, %sub3A_3513, %div3A_3492 : i32
        %mul3A_3515 = arith.constant 128 : i32
        %mul3A_3516 = arith.muli %select_n3A_3514, %mul3A_3515 : i32
        %multiple_of3A_3517 = tpu.assume_multiple %mul3A_3516, 128 : i32
        %slice3A_3518 = vector.extract_strided_slice %get3A_2886 {offsets = [7], sizes = [1], strides = [1]} : vector<16xi32> to vector<1xi32>
        %squeeze3A_3519 = vector.extract %slice3A_3518[0] : i32 from vector<1xi32>
        %jit3A_3520 = arith.constant 128 : i32
        %div3A_3521 = arith.divsi %squeeze3A_3519, %jit3A_3520 : i32
        %sign3A_3522 = arith.constant 0 : i32
        %sign3A_3523 = arith.cmpi sgt, %squeeze3A_3519, %sign3A_3522 : i32
        %sign3A_3524 = arith.extui %sign3A_3523 : i1 to i32
        %sign3A_3525 = arith.constant 0 : i32
        %sign3A_3526 = arith.cmpi slt, %squeeze3A_3519, %sign3A_3525 : i32
        %sign3A_3527 = arith.extui %sign3A_3526 : i1 to i32
        %sign3A_3528 = arith.subi %sign3A_3524, %sign3A_3527 : i32
        %sign3A_3529 = arith.constant 0 : i32
        %sign3A_3530 = arith.cmpi sgt, %jit3A_3520, %sign3A_3529 : i32
        %sign3A_3531 = arith.extui %sign3A_3530 : i1 to i32
        %sign3A_3532 = arith.constant 0 : i32
        %sign3A_3533 = arith.cmpi slt, %jit3A_3520, %sign3A_3532 : i32
        %sign3A_3534 = arith.extui %sign3A_3533 : i1 to i32
        %sign3A_3535 = arith.subi %sign3A_3531, %sign3A_3534 : i32
        %ne3A_3536 = arith.cmpi ne, %sign3A_3528, %sign3A_3535 : i32
        %rem3A_3537 = arith.remsi %squeeze3A_3519, %jit3A_3520 : i32
        %ne3A_3538 = arith.constant 0 : i32
        %ne3A_3539 = arith.cmpi ne, %rem3A_3537, %ne3A_3538 : i32
        %and3A_3540 = arith.andi %ne3A_3536, %ne3A_3539 : i1
        %sub3A_3541 = arith.constant 1 : i32
        %sub3A_3542 = arith.subi %div3A_3521, %sub3A_3541 : i32
        %select_n3A_3543 = arith.select %and3A_3540, %sub3A_3542, %div3A_3521 : i32
        %mul3A_3544 = arith.constant 128 : i32
        %mul3A_3545 = arith.muli %select_n3A_3543, %mul3A_3544 : i32
        %multiple_of3A_3546 = tpu.assume_multiple %mul3A_3545, 128 : i32
        %dma_start3A_3547 = arith.constant 0 : i32
        %dma_start3A_3548 = arith.constant 7 : i32
        %dma_start3A_3549 = arith.constant 0 : i32
        %dma_start3A_3550 = arith.constant 0 : i32
        %dma_start3A_3551 = tpu.memref_slice %arg9[%dma_start3A_3547, %dma_start3A_3548, %dma_start3A_3549, %dma_start3A_3550] : memref<2x8x16x128xf32, #tpu.memory_space<vmem>> -> memref<1x1x16x128xf32, #tpu.memory_space<vmem>>
        %dma_start3A_3552 = tpu.memref_squeeze %dma_start3A_3551 : memref<1x1x16x128xf32, #tpu.memory_space<vmem>> -> memref<16x128xf32, #tpu.memory_space<vmem>>
        %dma_start3A_3553 = arith.constant 0 : i32
        %dma_start3A_3554 = tpu.memref_slice %arg4[%dma_start3A_3553, %multiple_of3A_3517] : memref<16x1000000xf32, #tpu.memory_space<hbm>> -> memref<16x128xf32, #tpu.memory_space<hbm>>
        %dma_start3A_3555 = arith.constant 0 : i32
        %dma_start3A_3556 = arith.constant 0 : i32
        %dma_start3A_3557 = tpu.memref_slice %arg9[%dma_start3A_3547, %dma_start3A_3548, %dma_start3A_3555, %dma_start3A_3556] : memref<2x8x16x128xf32, #tpu.memory_space<vmem>> -> memref<1x1x16x128xf32, #tpu.memory_space<vmem>>
        %dma_start3A_3558 = tpu.memref_squeeze %dma_start3A_3557 : memref<1x1x16x128xf32, #tpu.memory_space<vmem>> -> memref<16x128xf32, #tpu.memory_space<vmem>>
        %dma_start3A_3559 = arith.constant 0 : i32
        %dma_start3A_3560 = tpu.memref_slice %arg4[%dma_start3A_3559, %multiple_of3A_3517] : memref<16x1000000xf32, #tpu.memory_space<hbm>> -> memref<16x128xf32, #tpu.memory_space<hbm>>
        tpu.enqueue_dma source(%dma_start3A_3560 : memref<16x128xf32, #tpu.memory_space<hbm>>) target(%dma_start3A_3558 : memref<16x128xf32, #tpu.memory_space<vmem>>) target_semaphore(%arg13 : memref<!tpu.dma_semaphore, #tpu.memory_space<semaphore_mem>>)
        %dma_start3A_3561 = arith.constant 0 : i32
        %dma_start3A_3562 = arith.constant 7 : i32
        %dma_start3A_3563 = arith.constant 0 : i32
        %dma_start3A_3564 = arith.constant 0 : i32
        %dma_start3A_3565 = tpu.memref_slice %arg10[%dma_start3A_3561, %dma_start3A_3562, %dma_start3A_3563, %dma_start3A_3564] : memref<2x8x16x128xf32, #tpu.memory_space<vmem>> -> memref<1x1x16x128xf32, #tpu.memory_space<vmem>>
        %dma_start3A_3566 = tpu.memref_squeeze %dma_start3A_3565 : memref<1x1x16x128xf32, #tpu.memory_space<vmem>> -> memref<16x128xf32, #tpu.memory_space<vmem>>
        %dma_start3A_3567 = arith.constant 0 : i32
        %dma_start3A_3568 = tpu.memref_slice %arg5[%dma_start3A_3567, %multiple_of3A_3546] : memref<16x1000000xf32, #tpu.memory_space<hbm>> -> memref<16x128xf32, #tpu.memory_space<hbm>>
        %dma_start3A_3569 = arith.constant 0 : i32
        %dma_start3A_3570 = arith.constant 0 : i32
        %dma_start3A_3571 = tpu.memref_slice %arg10[%dma_start3A_3561, %dma_start3A_3562, %dma_start3A_3569, %dma_start3A_3570] : memref<2x8x16x128xf32, #tpu.memory_space<vmem>> -> memref<1x1x16x128xf32, #tpu.memory_space<vmem>>
        %dma_start3A_3572 = tpu.memref_squeeze %dma_start3A_3571 : memref<1x1x16x128xf32, #tpu.memory_space<vmem>> -> memref<16x128xf32, #tpu.memory_space<vmem>>
        %dma_start3A_3573 = arith.constant 0 : i32
        %dma_start3A_3574 = tpu.memref_slice %arg5[%dma_start3A_3573, %multiple_of3A_3546] : memref<16x1000000xf32, #tpu.memory_space<hbm>> -> memref<16x128xf32, #tpu.memory_space<hbm>>
        tpu.enqueue_dma source(%dma_start3A_3574 : memref<16x128xf32, #tpu.memory_space<hbm>>) target(%dma_start3A_3572 : memref<16x128xf32, #tpu.memory_space<vmem>>) target_semaphore(%arg13 : memref<!tpu.dma_semaphore, #tpu.memory_space<semaphore_mem>>)
      } else {
      }
      %dma_wait3A_2084 = arith.constant 0 : i32
      %dma_wait3A_2085 = arith.constant 0 : i32
      %dma_wait3A_2086 = arith.constant 0 : i32
      %dma_wait3A_2087 = arith.constant 0 : i32
      %dma_wait3A_2088 = tpu.memref_slice %arg9[%dma_wait3A_2084, %dma_wait3A_2085, %dma_wait3A_2086, %dma_wait3A_2087] : memref<2x8x16x128xf32, #tpu.memory_space<vmem>> -> memref<1x1x16x128xf32, #tpu.memory_space<vmem>>
      %dma_wait3A_2089 = tpu.memref_squeeze %dma_wait3A_2088 : memref<1x1x16x128xf32, #tpu.memory_space<vmem>> -> memref<16x128xf32, #tpu.memory_space<vmem>>
      %dma_wait3A_2090 = arith.constant 0 : i32
      %dma_wait3A_2091 = arith.constant 0 : i32
      %dma_wait3A_2092 = tpu.memref_slice %arg4[%dma_wait3A_2090, %dma_wait3A_2091] : memref<16x1000000xf32, #tpu.memory_space<hbm>> -> memref<16x128xf32, #tpu.memory_space<hbm>>
      %dma_wait3A_2093 = arith.constant 0 : i32
      %dma_wait3A_2094 = arith.constant 0 : i32
      %dma_wait3A_2095 = tpu.memref_slice %arg9[%dma_wait3A_2084, %dma_wait3A_2085, %dma_wait3A_2093, %dma_wait3A_2094] : memref<2x8x16x128xf32, #tpu.memory_space<vmem>> -> memref<1x1x16x128xf32, #tpu.memory_space<vmem>>
      %dma_wait3A_2096 = tpu.memref_squeeze %dma_wait3A_2095 : memref<1x1x16x128xf32, #tpu.memory_space<vmem>> -> memref<16x128xf32, #tpu.memory_space<vmem>>
      %dma_wait3A_2097 = arith.constant 0 : i32
      %dma_wait3A_2098 = arith.constant 0 : i32
      %dma_wait3A_2099 = tpu.memref_slice %arg4[%dma_wait3A_2097, %dma_wait3A_2098] : memref<16x1000000xf32, #tpu.memory_space<hbm>> -> memref<16x128xf32, #tpu.memory_space<hbm>>
      tpu.wait_dma2 semaphore(%arg14 : memref<!tpu.dma_semaphore, #tpu.memory_space<semaphore_mem>>) src(%dma_wait3A_2099 : memref<16x128xf32, #tpu.memory_space<hbm>>) dst(%dma_wait3A_2096 : memref<16x128xf32, #tpu.memory_space<vmem>>)
      %dma_wait3A_2100 = arith.constant 0 : i32
      %dma_wait3A_2101 = arith.constant 0 : i32
      %dma_wait3A_2102 = arith.constant 0 : i32
      %dma_wait3A_2103 = arith.constant 0 : i32
      %dma_wait3A_2104 = tpu.memref_slice %arg9[%dma_wait3A_2100, %dma_wait3A_2101, %dma_wait3A_2102, %dma_wait3A_2103] : memref<2x8x16x128xf32, #tpu.memory_space<vmem>> -> memref<1x1x16x128xf32, #tpu.memory_space<vmem>>
      %dma_wait3A_2105 = tpu.memref_squeeze %dma_wait3A_2104 : memref<1x1x16x128xf32, #tpu.memory_space<vmem>> -> memref<16x128xf32, #tpu.memory_space<vmem>>
      %dma_wait3A_2106 = arith.constant 0 : i32
      %dma_wait3A_2107 = arith.constant 0 : i32
      %dma_wait3A_2108 = tpu.memref_slice %arg4[%dma_wait3A_2106, %dma_wait3A_2107] : memref<16x1000000xf32, #tpu.memory_space<hbm>> -> memref<16x128xf32, #tpu.memory_space<hbm>>
      %dma_wait3A_2109 = arith.constant 0 : i32
      %dma_wait3A_2110 = arith.constant 0 : i32
      %dma_wait3A_2111 = tpu.memref_slice %arg9[%dma_wait3A_2100, %dma_wait3A_2101, %dma_wait3A_2109, %dma_wait3A_2110] : memref<2x8x16x128xf32, #tpu.memory_space<vmem>> -> memref<1x1x16x128xf32, #tpu.memory_space<vmem>>
      %dma_wait3A_2112 = tpu.memref_squeeze %dma_wait3A_2111 : memref<1x1x16x128xf32, #tpu.memory_space<vmem>> -> memref<16x128xf32, #tpu.memory_space<vmem>>
      %dma_wait3A_2113 = arith.constant 0 : i32
      %dma_wait3A_2114 = arith.constant 0 : i32
      %dma_wait3A_2115 = tpu.memref_slice %arg4[%dma_wait3A_2113, %dma_wait3A_2114] : memref<16x1000000xf32, #tpu.memory_space<hbm>> -> memref<16x128xf32, #tpu.memory_space<hbm>>
      tpu.wait_dma2 semaphore(%arg14 : memref<!tpu.dma_semaphore, #tpu.memory_space<semaphore_mem>>) src(%dma_wait3A_2115 : memref<16x128xf32, #tpu.memory_space<hbm>>) dst(%dma_wait3A_2112 : memref<16x128xf32, #tpu.memory_space<vmem>>)
      %dma_wait3A_2116 = arith.constant 0 : i32
      %dma_wait3A_2117 = arith.constant 0 : i32
      %dma_wait3A_2118 = arith.constant 0 : i32
      %dma_wait3A_2119 = arith.constant 0 : i32
      %dma_wait3A_2120 = tpu.memref_slice %arg9[%dma_wait3A_2116, %dma_wait3A_2117, %dma_wait3A_2118, %dma_wait3A_2119] : memref<2x8x16x128xf32, #tpu.memory_space<vmem>> -> memref<1x1x16x128xf32, #tpu.memory_space<vmem>>
      %dma_wait3A_2121 = tpu.memref_squeeze %dma_wait3A_2120 : memref<1x1x16x128xf32, #tpu.memory_space<vmem>> -> memref<16x128xf32, #tpu.memory_space<vmem>>
      %dma_wait3A_2122 = arith.constant 0 : i32
      %dma_wait3A_2123 = arith.constant 0 : i32
      %dma_wait3A_2124 = tpu.memref_slice %arg4[%dma_wait3A_2122, %dma_wait3A_2123] : memref<16x1000000xf32, #tpu.memory_space<hbm>> -> memref<16x128xf32, #tpu.memory_space<hbm>>
      %dma_wait3A_2125 = arith.constant 0 : i32
      %dma_wait3A_2126 = arith.constant 0 : i32
      %dma_wait3A_2127 = tpu.memref_slice %arg9[%dma_wait3A_2116, %dma_wait3A_2117, %dma_wait3A_2125, %dma_wait3A_2126] : memref<2x8x16x128xf32, #tpu.memory_space<vmem>> -> memref<1x1x16x128xf32, #tpu.memory_space<vmem>>
      %dma_wait3A_2128 = tpu.memref_squeeze %dma_wait3A_2127 : memref<1x1x16x128xf32, #tpu.memory_space<vmem>> -> memref<16x128xf32, #tpu.memory_space<vmem>>
      %dma_wait3A_2129 = arith.constant 0 : i32
      %dma_wait3A_2130 = arith.constant 0 : i32
      %dma_wait3A_2131 = tpu.memref_slice %arg4[%dma_wait3A_2129, %dma_wait3A_2130] : memref<16x1000000xf32, #tpu.memory_space<hbm>> -> memref<16x128xf32, #tpu.memory_space<hbm>>
      tpu.wait_dma2 semaphore(%arg14 : memref<!tpu.dma_semaphore, #tpu.memory_space<semaphore_mem>>) src(%dma_wait3A_2131 : memref<16x128xf32, #tpu.memory_space<hbm>>) dst(%dma_wait3A_2128 : memref<16x128xf32, #tpu.memory_space<vmem>>)
      %dma_wait3A_2132 = arith.constant 0 : i32
      %dma_wait3A_2133 = arith.constant 0 : i32
      %dma_wait3A_2134 = arith.constant 0 : i32
      %dma_wait3A_2135 = arith.constant 0 : i32
      %dma_wait3A_2136 = tpu.memref_slice %arg9[%dma_wait3A_2132, %dma_wait3A_2133, %dma_wait3A_2134, %dma_wait3A_2135] : memref<2x8x16x128xf32, #tpu.memory_space<vmem>> -> memref<1x1x16x128xf32, #tpu.memory_space<vmem>>
      %dma_wait3A_2137 = tpu.memref_squeeze %dma_wait3A_2136 : memref<1x1x16x128xf32, #tpu.memory_space<vmem>> -> memref<16x128xf32, #tpu.memory_space<vmem>>
      %dma_wait3A_2138 = arith.constant 0 : i32
      %dma_wait3A_2139 = arith.constant 0 : i32
      %dma_wait3A_2140 = tpu.memref_slice %arg4[%dma_wait3A_2138, %dma_wait3A_2139] : memref<16x1000000xf32, #tpu.memory_space<hbm>> -> memref<16x128xf32, #tpu.memory_space<hbm>>
      %dma_wait3A_2141 = arith.constant 0 : i32
      %dma_wait3A_2142 = arith.constant 0 : i32
      %dma_wait3A_2143 = tpu.memref_slice %arg9[%dma_wait3A_2132, %dma_wait3A_2133, %dma_wait3A_2141, %dma_wait3A_2142] : memref<2x8x16x128xf32, #tpu.memory_space<vmem>> -> memref<1x1x16x128xf32, #tpu.memory_space<vmem>>
      %dma_wait3A_2144 = tpu.memref_squeeze %dma_wait3A_2143 : memref<1x1x16x128xf32, #tpu.memory_space<vmem>> -> memref<16x128xf32, #tpu.memory_space<vmem>>
      %dma_wait3A_2145 = arith.constant 0 : i32
      %dma_wait3A_2146 = arith.constant 0 : i32
      %dma_wait3A_2147 = tpu.memref_slice %arg4[%dma_wait3A_2145, %dma_wait3A_2146] : memref<16x1000000xf32, #tpu.memory_space<hbm>> -> memref<16x128xf32, #tpu.memory_space<hbm>>
      tpu.wait_dma2 semaphore(%arg14 : memref<!tpu.dma_semaphore, #tpu.memory_space<semaphore_mem>>) src(%dma_wait3A_2147 : memref<16x128xf32, #tpu.memory_space<hbm>>) dst(%dma_wait3A_2144 : memref<16x128xf32, #tpu.memory_space<vmem>>)
      %dma_wait3A_2148 = arith.constant 0 : i32
      %dma_wait3A_2149 = arith.constant 0 : i32
      %dma_wait3A_2150 = arith.constant 0 : i32
      %dma_wait3A_2151 = arith.constant 0 : i32
      %dma_wait3A_2152 = tpu.memref_slice %arg9[%dma_wait3A_2148, %dma_wait3A_2149, %dma_wait3A_2150, %dma_wait3A_2151] : memref<2x8x16x128xf32, #tpu.memory_space<vmem>> -> memref<1x1x16x128xf32, #tpu.memory_space<vmem>>
      %dma_wait3A_2153 = tpu.memref_squeeze %dma_wait3A_2152 : memref<1x1x16x128xf32, #tpu.memory_space<vmem>> -> memref<16x128xf32, #tpu.memory_space<vmem>>
      %dma_wait3A_2154 = arith.constant 0 : i32
      %dma_wait3A_2155 = arith.constant 0 : i32
      %dma_wait3A_2156 = tpu.memref_slice %arg4[%dma_wait3A_2154, %dma_wait3A_2155] : memref<16x1000000xf32, #tpu.memory_space<hbm>> -> memref<16x128xf32, #tpu.memory_space<hbm>>
      %dma_wait3A_2157 = arith.constant 0 : i32
      %dma_wait3A_2158 = arith.constant 0 : i32
      %dma_wait3A_2159 = tpu.memref_slice %arg9[%dma_wait3A_2148, %dma_wait3A_2149, %dma_wait3A_2157, %dma_wait3A_2158] : memref<2x8x16x128xf32, #tpu.memory_space<vmem>> -> memref<1x1x16x128xf32, #tpu.memory_space<vmem>>
      %dma_wait3A_2160 = tpu.memref_squeeze %dma_wait3A_2159 : memref<1x1x16x128xf32, #tpu.memory_space<vmem>> -> memref<16x128xf32, #tpu.memory_space<vmem>>
      %dma_wait3A_2161 = arith.constant 0 : i32
      %dma_wait3A_2162 = arith.constant 0 : i32
      %dma_wait3A_2163 = tpu.memref_slice %arg4[%dma_wait3A_2161, %dma_wait3A_2162] : memref<16x1000000xf32, #tpu.memory_space<hbm>> -> memref<16x128xf32, #tpu.memory_space<hbm>>
      tpu.wait_dma2 semaphore(%arg14 : memref<!tpu.dma_semaphore, #tpu.memory_space<semaphore_mem>>) src(%dma_wait3A_2163 : memref<16x128xf32, #tpu.memory_space<hbm>>) dst(%dma_wait3A_2160 : memref<16x128xf32, #tpu.memory_space<vmem>>)
      %dma_wait3A_2164 = arith.constant 0 : i32
      %dma_wait3A_2165 = arith.constant 0 : i32
      %dma_wait3A_2166 = arith.constant 0 : i32
      %dma_wait3A_2167 = arith.constant 0 : i32
      %dma_wait3A_2168 = tpu.memref_slice %arg9[%dma_wait3A_2164, %dma_wait3A_2165, %dma_wait3A_2166, %dma_wait3A_2167] : memref<2x8x16x128xf32, #tpu.memory_space<vmem>> -> memref<1x1x16x128xf32, #tpu.memory_space<vmem>>
      %dma_wait3A_2169 = tpu.memref_squeeze %dma_wait3A_2168 : memref<1x1x16x128xf32, #tpu.memory_space<vmem>> -> memref<16x128xf32, #tpu.memory_space<vmem>>
      %dma_wait3A_2170 = arith.constant 0 : i32
      %dma_wait3A_2171 = arith.constant 0 : i32
      %dma_wait3A_2172 = tpu.memref_slice %arg4[%dma_wait3A_2170, %dma_wait3A_2171] : memref<16x1000000xf32, #tpu.memory_space<hbm>> -> memref<16x128xf32, #tpu.memory_space<hbm>>
      %dma_wait3A_2173 = arith.constant 0 : i32
      %dma_wait3A_2174 = arith.constant 0 : i32
      %dma_wait3A_2175 = tpu.memref_slice %arg9[%dma_wait3A_2164, %dma_wait3A_2165, %dma_wait3A_2173, %dma_wait3A_2174] : memref<2x8x16x128xf32, #tpu.memory_space<vmem>> -> memref<1x1x16x128xf32, #tpu.memory_space<vmem>>
      %dma_wait3A_2176 = tpu.memref_squeeze %dma_wait3A_2175 : memref<1x1x16x128xf32, #tpu.memory_space<vmem>> -> memref<16x128xf32, #tpu.memory_space<vmem>>
      %dma_wait3A_2177 = arith.constant 0 : i32
      %dma_wait3A_2178 = arith.constant 0 : i32
      %dma_wait3A_2179 = tpu.memref_slice %arg4[%dma_wait3A_2177, %dma_wait3A_2178] : memref<16x1000000xf32, #tpu.memory_space<hbm>> -> memref<16x128xf32, #tpu.memory_space<hbm>>
      tpu.wait_dma2 semaphore(%arg14 : memref<!tpu.dma_semaphore, #tpu.memory_space<semaphore_mem>>) src(%dma_wait3A_2179 : memref<16x128xf32, #tpu.memory_space<hbm>>) dst(%dma_wait3A_2176 : memref<16x128xf32, #tpu.memory_space<vmem>>)
      %dma_wait3A_2180 = arith.constant 0 : i32
      %dma_wait3A_2181 = arith.constant 0 : i32
      %dma_wait3A_2182 = arith.constant 0 : i32
      %dma_wait3A_2183 = arith.constant 0 : i32
      %dma_wait3A_2184 = tpu.memref_slice %arg9[%dma_wait3A_2180, %dma_wait3A_2181, %dma_wait3A_2182, %dma_wait3A_2183] : memref<2x8x16x128xf32, #tpu.memory_space<vmem>> -> memref<1x1x16x128xf32, #tpu.memory_space<vmem>>
      %dma_wait3A_2185 = tpu.memref_squeeze %dma_wait3A_2184 : memref<1x1x16x128xf32, #tpu.memory_space<vmem>> -> memref<16x128xf32, #tpu.memory_space<vmem>>
      %dma_wait3A_2186 = arith.constant 0 : i32
      %dma_wait3A_2187 = arith.constant 0 : i32
      %dma_wait3A_2188 = tpu.memref_slice %arg4[%dma_wait3A_2186, %dma_wait3A_2187] : memref<16x1000000xf32, #tpu.memory_space<hbm>> -> memref<16x128xf32, #tpu.memory_space<hbm>>
      %dma_wait3A_2189 = arith.constant 0 : i32
      %dma_wait3A_2190 = arith.constant 0 : i32
      %dma_wait3A_2191 = tpu.memref_slice %arg9[%dma_wait3A_2180, %dma_wait3A_2181, %dma_wait3A_2189, %dma_wait3A_2190] : memref<2x8x16x128xf32, #tpu.memory_space<vmem>> -> memref<1x1x16x128xf32, #tpu.memory_space<vmem>>
      %dma_wait3A_2192 = tpu.memref_squeeze %dma_wait3A_2191 : memref<1x1x16x128xf32, #tpu.memory_space<vmem>> -> memref<16x128xf32, #tpu.memory_space<vmem>>
      %dma_wait3A_2193 = arith.constant 0 : i32
      %dma_wait3A_2194 = arith.constant 0 : i32
      %dma_wait3A_2195 = tpu.memref_slice %arg4[%dma_wait3A_2193, %dma_wait3A_2194] : memref<16x1000000xf32, #tpu.memory_space<hbm>> -> memref<16x128xf32, #tpu.memory_space<hbm>>
      tpu.wait_dma2 semaphore(%arg14 : memref<!tpu.dma_semaphore, #tpu.memory_space<semaphore_mem>>) src(%dma_wait3A_2195 : memref<16x128xf32, #tpu.memory_space<hbm>>) dst(%dma_wait3A_2192 : memref<16x128xf32, #tpu.memory_space<vmem>>)
      %dma_wait3A_2196 = arith.constant 0 : i32
      %dma_wait3A_2197 = arith.constant 0 : i32
      %dma_wait3A_2198 = arith.constant 0 : i32
      %dma_wait3A_2199 = arith.constant 0 : i32
      %dma_wait3A_2200 = tpu.memref_slice %arg9[%dma_wait3A_2196, %dma_wait3A_2197, %dma_wait3A_2198, %dma_wait3A_2199] : memref<2x8x16x128xf32, #tpu.memory_space<vmem>> -> memref<1x1x16x128xf32, #tpu.memory_space<vmem>>
      %dma_wait3A_2201 = tpu.memref_squeeze %dma_wait3A_2200 : memref<1x1x16x128xf32, #tpu.memory_space<vmem>> -> memref<16x128xf32, #tpu.memory_space<vmem>>
      %dma_wait3A_2202 = arith.constant 0 : i32
      %dma_wait3A_2203 = arith.constant 0 : i32
      %dma_wait3A_2204 = tpu.memref_slice %arg4[%dma_wait3A_2202, %dma_wait3A_2203] : memref<16x1000000xf32, #tpu.memory_space<hbm>> -> memref<16x128xf32, #tpu.memory_space<hbm>>
      %dma_wait3A_2205 = arith.constant 0 : i32
      %dma_wait3A_2206 = arith.constant 0 : i32
      %dma_wait3A_2207 = tpu.memref_slice %arg9[%dma_wait3A_2196, %dma_wait3A_2197, %dma_wait3A_2205, %dma_wait3A_2206] : memref<2x8x16x128xf32, #tpu.memory_space<vmem>> -> memref<1x1x16x128xf32, #tpu.memory_space<vmem>>
      %dma_wait3A_2208 = tpu.memref_squeeze %dma_wait3A_2207 : memref<1x1x16x128xf32, #tpu.memory_space<vmem>> -> memref<16x128xf32, #tpu.memory_space<vmem>>
      %dma_wait3A_2209 = arith.constant 0 : i32
      %dma_wait3A_2210 = arith.constant 0 : i32
      %dma_wait3A_2211 = tpu.memref_slice %arg4[%dma_wait3A_2209, %dma_wait3A_2210] : memref<16x1000000xf32, #tpu.memory_space<hbm>> -> memref<16x128xf32, #tpu.memory_space<hbm>>
      tpu.wait_dma2 semaphore(%arg14 : memref<!tpu.dma_semaphore, #tpu.memory_space<semaphore_mem>>) src(%dma_wait3A_2211 : memref<16x128xf32, #tpu.memory_space<hbm>>) dst(%dma_wait3A_2208 : memref<16x128xf32, #tpu.memory_space<vmem>>)
      %dma_wait3A_2212 = arith.constant 0 : i32
      %dma_wait3A_2213 = arith.constant 0 : i32
      %dma_wait3A_2214 = arith.constant 0 : i32
      %dma_wait3A_2215 = arith.constant 0 : i32
      %dma_wait3A_2216 = tpu.memref_slice %arg9[%dma_wait3A_2212, %dma_wait3A_2213, %dma_wait3A_2214, %dma_wait3A_2215] : memref<2x8x16x128xf32, #tpu.memory_space<vmem>> -> memref<1x1x16x128xf32, #tpu.memory_space<vmem>>
      %dma_wait3A_2217 = tpu.memref_squeeze %dma_wait3A_2216 : memref<1x1x16x128xf32, #tpu.memory_space<vmem>> -> memref<16x128xf32, #tpu.memory_space<vmem>>
      %dma_wait3A_2218 = arith.constant 0 : i32
      %dma_wait3A_2219 = arith.constant 0 : i32
      %dma_wait3A_2220 = tpu.memref_slice %arg4[%dma_wait3A_2218, %dma_wait3A_2219] : memref<16x1000000xf32, #tpu.memory_space<hbm>> -> memref<16x128xf32, #tpu.memory_space<hbm>>
      %dma_wait3A_2221 = arith.constant 0 : i32
      %dma_wait3A_2222 = arith.constant 0 : i32
      %dma_wait3A_2223 = tpu.memref_slice %arg9[%dma_wait3A_2212, %dma_wait3A_2213, %dma_wait3A_2221, %dma_wait3A_2222] : memref<2x8x16x128xf32, #tpu.memory_space<vmem>> -> memref<1x1x16x128xf32, #tpu.memory_space<vmem>>
      %dma_wait3A_2224 = tpu.memref_squeeze %dma_wait3A_2223 : memref<1x1x16x128xf32, #tpu.memory_space<vmem>> -> memref<16x128xf32, #tpu.memory_space<vmem>>
      %dma_wait3A_2225 = arith.constant 0 : i32
      %dma_wait3A_2226 = arith.constant 0 : i32
      %dma_wait3A_2227 = tpu.memref_slice %arg4[%dma_wait3A_2225, %dma_wait3A_2226] : memref<16x1000000xf32, #tpu.memory_space<hbm>> -> memref<16x128xf32, #tpu.memory_space<hbm>>
      tpu.wait_dma2 semaphore(%arg14 : memref<!tpu.dma_semaphore, #tpu.memory_space<semaphore_mem>>) src(%dma_wait3A_2227 : memref<16x128xf32, #tpu.memory_space<hbm>>) dst(%dma_wait3A_2224 : memref<16x128xf32, #tpu.memory_space<vmem>>)
      %dma_wait3A_2228 = arith.constant 0 : i32
      %dma_wait3A_2229 = arith.constant 0 : i32
      %dma_wait3A_2230 = arith.constant 0 : i32
      %dma_wait3A_2231 = arith.constant 0 : i32
      %dma_wait3A_2232 = tpu.memref_slice %arg9[%dma_wait3A_2228, %dma_wait3A_2229, %dma_wait3A_2230, %dma_wait3A_2231] : memref<2x8x16x128xf32, #tpu.memory_space<vmem>> -> memref<1x1x16x128xf32, #tpu.memory_space<vmem>>
      %dma_wait3A_2233 = tpu.memref_squeeze %dma_wait3A_2232 : memref<1x1x16x128xf32, #tpu.memory_space<vmem>> -> memref<16x128xf32, #tpu.memory_space<vmem>>
      %dma_wait3A_2234 = arith.constant 0 : i32
      %dma_wait3A_2235 = arith.constant 0 : i32
      %dma_wait3A_2236 = tpu.memref_slice %arg4[%dma_wait3A_2234, %dma_wait3A_2235] : memref<16x1000000xf32, #tpu.memory_space<hbm>> -> memref<16x128xf32, #tpu.memory_space<hbm>>
      %dma_wait3A_2237 = arith.constant 0 : i32
      %dma_wait3A_2238 = arith.constant 0 : i32
      %dma_wait3A_2239 = tpu.memref_slice %arg9[%dma_wait3A_2228, %dma_wait3A_2229, %dma_wait3A_2237, %dma_wait3A_2238] : memref<2x8x16x128xf32, #tpu.memory_space<vmem>> -> memref<1x1x16x128xf32, #tpu.memory_space<vmem>>
      %dma_wait3A_2240 = tpu.memref_squeeze %dma_wait3A_2239 : memref<1x1x16x128xf32, #tpu.memory_space<vmem>> -> memref<16x128xf32, #tpu.memory_space<vmem>>
      %dma_wait3A_2241 = arith.constant 0 : i32
      %dma_wait3A_2242 = arith.constant 0 : i32
      %dma_wait3A_2243 = tpu.memref_slice %arg4[%dma_wait3A_2241, %dma_wait3A_2242] : memref<16x1000000xf32, #tpu.memory_space<hbm>> -> memref<16x128xf32, #tpu.memory_space<hbm>>
      tpu.wait_dma2 semaphore(%arg14 : memref<!tpu.dma_semaphore, #tpu.memory_space<semaphore_mem>>) src(%dma_wait3A_2243 : memref<16x128xf32, #tpu.memory_space<hbm>>) dst(%dma_wait3A_2240 : memref<16x128xf32, #tpu.memory_space<vmem>>)
      %dma_wait3A_2244 = arith.constant 0 : i32
      %dma_wait3A_2245 = arith.constant 0 : i32
      %dma_wait3A_2246 = arith.constant 0 : i32
      %dma_wait3A_2247 = arith.constant 0 : i32
      %dma_wait3A_2248 = tpu.memref_slice %arg9[%dma_wait3A_2244, %dma_wait3A_2245, %dma_wait3A_2246, %dma_wait3A_2247] : memref<2x8x16x128xf32, #tpu.memory_space<vmem>> -> memref<1x1x16x128xf32, #tpu.memory_space<vmem>>
      %dma_wait3A_2249 = tpu.memref_squeeze %dma_wait3A_2248 : memref<1x1x16x128xf32, #tpu.memory_space<vmem>> -> memref<16x128xf32, #tpu.memory_space<vmem>>
      %dma_wait3A_2250 = arith.constant 0 : i32
      %dma_wait3A_2251 = arith.constant 0 : i32
      %dma_wait3A_2252 = tpu.memref_slice %arg4[%dma_wait3A_2250, %dma_wait3A_2251] : memref<16x1000000xf32, #tpu.memory_space<hbm>> -> memref<16x128xf32, #tpu.memory_space<hbm>>
      %dma_wait3A_2253 = arith.constant 0 : i32
      %dma_wait3A_2254 = arith.constant 0 : i32
      %dma_wait3A_2255 = tpu.memref_slice %arg9[%dma_wait3A_2244, %dma_wait3A_2245, %dma_wait3A_2253, %dma_wait3A_2254] : memref<2x8x16x128xf32, #tpu.memory_space<vmem>> -> memref<1x1x16x128xf32, #tpu.memory_space<vmem>>
      %dma_wait3A_2256 = tpu.memref_squeeze %dma_wait3A_2255 : memref<1x1x16x128xf32, #tpu.memory_space<vmem>> -> memref<16x128xf32, #tpu.memory_space<vmem>>
      %dma_wait3A_2257 = arith.constant 0 : i32
      %dma_wait3A_2258 = arith.constant 0 : i32
      %dma_wait3A_2259 = tpu.memref_slice %arg4[%dma_wait3A_2257, %dma_wait3A_2258] : memref<16x1000000xf32, #tpu.memory_space<hbm>> -> memref<16x128xf32, #tpu.memory_space<hbm>>
      tpu.wait_dma2 semaphore(%arg14 : memref<!tpu.dma_semaphore, #tpu.memory_space<semaphore_mem>>) src(%dma_wait3A_2259 : memref<16x128xf32, #tpu.memory_space<hbm>>) dst(%dma_wait3A_2256 : memref<16x128xf32, #tpu.memory_space<vmem>>)
      %dma_wait3A_2260 = arith.constant 0 : i32
      %dma_wait3A_2261 = arith.constant 0 : i32
      %dma_wait3A_2262 = arith.constant 0 : i32
      %dma_wait3A_2263 = arith.constant 0 : i32
      %dma_wait3A_2264 = tpu.memref_slice %arg9[%dma_wait3A_2260, %dma_wait3A_2261, %dma_wait3A_2262, %dma_wait3A_2263] : memref<2x8x16x128xf32, #tpu.memory_space<vmem>> -> memref<1x1x16x128xf32, #tpu.memory_space<vmem>>
      %dma_wait3A_2265 = tpu.memref_squeeze %dma_wait3A_2264 : memref<1x1x16x128xf32, #tpu.memory_space<vmem>> -> memref<16x128xf32, #tpu.memory_space<vmem>>
      %dma_wait3A_2266 = arith.constant 0 : i32
      %dma_wait3A_2267 = arith.constant 0 : i32
      %dma_wait3A_2268 = tpu.memref_slice %arg4[%dma_wait3A_2266, %dma_wait3A_2267] : memref<16x1000000xf32, #tpu.memory_space<hbm>> -> memref<16x128xf32, #tpu.memory_space<hbm>>
      %dma_wait3A_2269 = arith.constant 0 : i32
      %dma_wait3A_2270 = arith.constant 0 : i32
      %dma_wait3A_2271 = tpu.memref_slice %arg9[%dma_wait3A_2260, %dma_wait3A_2261, %dma_wait3A_2269, %dma_wait3A_2270] : memref<2x8x16x128xf32, #tpu.memory_space<vmem>> -> memref<1x1x16x128xf32, #tpu.memory_space<vmem>>
      %dma_wait3A_2272 = tpu.memref_squeeze %dma_wait3A_2271 : memref<1x1x16x128xf32, #tpu.memory_space<vmem>> -> memref<16x128xf32, #tpu.memory_space<vmem>>
      %dma_wait3A_2273 = arith.constant 0 : i32
      %dma_wait3A_2274 = arith.constant 0 : i32
      %dma_wait3A_2275 = tpu.memref_slice %arg4[%dma_wait3A_2273, %dma_wait3A_2274] : memref<16x1000000xf32, #tpu.memory_space<hbm>> -> memref<16x128xf32, #tpu.memory_space<hbm>>
      tpu.wait_dma2 semaphore(%arg14 : memref<!tpu.dma_semaphore, #tpu.memory_space<semaphore_mem>>) src(%dma_wait3A_2275 : memref<16x128xf32, #tpu.memory_space<hbm>>) dst(%dma_wait3A_2272 : memref<16x128xf32, #tpu.memory_space<vmem>>)
      %dma_wait3A_2276 = arith.constant 0 : i32
      %dma_wait3A_2277 = arith.constant 0 : i32
      %dma_wait3A_2278 = arith.constant 0 : i32
      %dma_wait3A_2279 = arith.constant 0 : i32
      %dma_wait3A_2280 = tpu.memref_slice %arg9[%dma_wait3A_2276, %dma_wait3A_2277, %dma_wait3A_2278, %dma_wait3A_2279] : memref<2x8x16x128xf32, #tpu.memory_space<vmem>> -> memref<1x1x16x128xf32, #tpu.memory_space<vmem>>
      %dma_wait3A_2281 = tpu.memref_squeeze %dma_wait3A_2280 : memref<1x1x16x128xf32, #tpu.memory_space<vmem>> -> memref<16x128xf32, #tpu.memory_space<vmem>>
      %dma_wait3A_2282 = arith.constant 0 : i32
      %dma_wait3A_2283 = arith.constant 0 : i32
      %dma_wait3A_2284 = tpu.memref_slice %arg4[%dma_wait3A_2282, %dma_wait3A_2283] : memref<16x1000000xf32, #tpu.memory_space<hbm>> -> memref<16x128xf32, #tpu.memory_space<hbm>>
      %dma_wait3A_2285 = arith.constant 0 : i32
      %dma_wait3A_2286 = arith.constant 0 : i32
      %dma_wait3A_2287 = tpu.memref_slice %arg9[%dma_wait3A_2276, %dma_wait3A_2277, %dma_wait3A_2285, %dma_wait3A_2286] : memref<2x8x16x128xf32, #tpu.memory_space<vmem>> -> memref<1x1x16x128xf32, #tpu.memory_space<vmem>>
      %dma_wait3A_2288 = tpu.memref_squeeze %dma_wait3A_2287 : memref<1x1x16x128xf32, #tpu.memory_space<vmem>> -> memref<16x128xf32, #tpu.memory_space<vmem>>
      %dma_wait3A_2289 = arith.constant 0 : i32
      %dma_wait3A_2290 = arith.constant 0 : i32
      %dma_wait3A_2291 = tpu.memref_slice %arg4[%dma_wait3A_2289, %dma_wait3A_2290] : memref<16x1000000xf32, #tpu.memory_space<hbm>> -> memref<16x128xf32, #tpu.memory_space<hbm>>
      tpu.wait_dma2 semaphore(%arg14 : memref<!tpu.dma_semaphore, #tpu.memory_space<semaphore_mem>>) src(%dma_wait3A_2291 : memref<16x128xf32, #tpu.memory_space<hbm>>) dst(%dma_wait3A_2288 : memref<16x128xf32, #tpu.memory_space<vmem>>)
      %dma_wait3A_2292 = arith.constant 0 : i32
      %dma_wait3A_2293 = arith.constant 0 : i32
      %dma_wait3A_2294 = arith.constant 0 : i32
      %dma_wait3A_2295 = arith.constant 0 : i32
      %dma_wait3A_2296 = tpu.memref_slice %arg9[%dma_wait3A_2292, %dma_wait3A_2293, %dma_wait3A_2294, %dma_wait3A_2295] : memref<2x8x16x128xf32, #tpu.memory_space<vmem>> -> memref<1x1x16x128xf32, #tpu.memory_space<vmem>>
      %dma_wait3A_2297 = tpu.memref_squeeze %dma_wait3A_2296 : memref<1x1x16x128xf32, #tpu.memory_space<vmem>> -> memref<16x128xf32, #tpu.memory_space<vmem>>
      %dma_wait3A_2298 = arith.constant 0 : i32
      %dma_wait3A_2299 = arith.constant 0 : i32
      %dma_wait3A_2300 = tpu.memref_slice %arg4[%dma_wait3A_2298, %dma_wait3A_2299] : memref<16x1000000xf32, #tpu.memory_space<hbm>> -> memref<16x128xf32, #tpu.memory_space<hbm>>
      %dma_wait3A_2301 = arith.constant 0 : i32
      %dma_wait3A_2302 = arith.constant 0 : i32
      %dma_wait3A_2303 = tpu.memref_slice %arg9[%dma_wait3A_2292, %dma_wait3A_2293, %dma_wait3A_2301, %dma_wait3A_2302] : memref<2x8x16x128xf32, #tpu.memory_space<vmem>> -> memref<1x1x16x128xf32, #tpu.memory_space<vmem>>
      %dma_wait3A_2304 = tpu.memref_squeeze %dma_wait3A_2303 : memref<1x1x16x128xf32, #tpu.memory_space<vmem>> -> memref<16x128xf32, #tpu.memory_space<vmem>>
      %dma_wait3A_2305 = arith.constant 0 : i32
      %dma_wait3A_2306 = arith.constant 0 : i32
      %dma_wait3A_2307 = tpu.memref_slice %arg4[%dma_wait3A_2305, %dma_wait3A_2306] : memref<16x1000000xf32, #tpu.memory_space<hbm>> -> memref<16x128xf32, #tpu.memory_space<hbm>>
      tpu.wait_dma2 semaphore(%arg14 : memref<!tpu.dma_semaphore, #tpu.memory_space<semaphore_mem>>) src(%dma_wait3A_2307 : memref<16x128xf32, #tpu.memory_space<hbm>>) dst(%dma_wait3A_2304 : memref<16x128xf32, #tpu.memory_space<vmem>>)
      %dma_wait3A_2308 = arith.constant 0 : i32
      %dma_wait3A_2309 = arith.constant 0 : i32
      %dma_wait3A_2310 = arith.constant 0 : i32
      %dma_wait3A_2311 = arith.constant 0 : i32
      %dma_wait3A_2312 = tpu.memref_slice %arg9[%dma_wait3A_2308, %dma_wait3A_2309, %dma_wait3A_2310, %dma_wait3A_2311] : memref<2x8x16x128xf32, #tpu.memory_space<vmem>> -> memref<1x1x16x128xf32, #tpu.memory_space<vmem>>
      %dma_wait3A_2313 = tpu.memref_squeeze %dma_wait3A_2312 : memref<1x1x16x128xf32, #tpu.memory_space<vmem>> -> memref<16x128xf32, #tpu.memory_space<vmem>>
      %dma_wait3A_2314 = arith.constant 0 : i32
      %dma_wait3A_2315 = arith.constant 0 : i32
      %dma_wait3A_2316 = tpu.memref_slice %arg4[%dma_wait3A_2314, %dma_wait3A_2315] : memref<16x1000000xf32, #tpu.memory_space<hbm>> -> memref<16x128xf32, #tpu.memory_space<hbm>>
      %dma_wait3A_2317 = arith.constant 0 : i32
      %dma_wait3A_2318 = arith.constant 0 : i32
      %dma_wait3A_2319 = tpu.memref_slice %arg9[%dma_wait3A_2308, %dma_wait3A_2309, %dma_wait3A_2317, %dma_wait3A_2318] : memref<2x8x16x128xf32, #tpu.memory_space<vmem>> -> memref<1x1x16x128xf32, #tpu.memory_space<vmem>>
      %dma_wait3A_2320 = tpu.memref_squeeze %dma_wait3A_2319 : memref<1x1x16x128xf32, #tpu.memory_space<vmem>> -> memref<16x128xf32, #tpu.memory_space<vmem>>
      %dma_wait3A_2321 = arith.constant 0 : i32
      %dma_wait3A_2322 = arith.constant 0 : i32
      %dma_wait3A_2323 = tpu.memref_slice %arg4[%dma_wait3A_2321, %dma_wait3A_2322] : memref<16x1000000xf32, #tpu.memory_space<hbm>> -> memref<16x128xf32, #tpu.memory_space<hbm>>
      tpu.wait_dma2 semaphore(%arg14 : memref<!tpu.dma_semaphore, #tpu.memory_space<semaphore_mem>>) src(%dma_wait3A_2323 : memref<16x128xf32, #tpu.memory_space<hbm>>) dst(%dma_wait3A_2320 : memref<16x128xf32, #tpu.memory_space<vmem>>)
      %dma_wait3A_2324 = arith.constant 0 : i32
      %dma_wait3A_2325 = arith.constant 0 : i32
      %dma_wait3A_2326 = arith.constant 0 : i32
      %dma_wait3A_2327 = arith.constant 0 : i32
      %dma_wait3A_2328 = tpu.memref_slice %arg9[%dma_wait3A_2324, %dma_wait3A_2325, %dma_wait3A_2326, %dma_wait3A_2327] : memref<2x8x16x128xf32, #tpu.memory_space<vmem>> -> memref<1x1x16x128xf32, #tpu.memory_space<vmem>>
      %dma_wait3A_2329 = tpu.memref_squeeze %dma_wait3A_2328 : memref<1x1x16x128xf32, #tpu.memory_space<vmem>> -> memref<16x128xf32, #tpu.memory_space<vmem>>
      %dma_wait3A_2330 = arith.constant 0 : i32
      %dma_wait3A_2331 = arith.constant 0 : i32
      %dma_wait3A_2332 = tpu.memref_slice %arg4[%dma_wait3A_2330, %dma_wait3A_2331] : memref<16x1000000xf32, #tpu.memory_space<hbm>> -> memref<16x128xf32, #tpu.memory_space<hbm>>
      %dma_wait3A_2333 = arith.constant 0 : i32
      %dma_wait3A_2334 = arith.constant 0 : i32
      %dma_wait3A_2335 = tpu.memref_slice %arg9[%dma_wait3A_2324, %dma_wait3A_2325, %dma_wait3A_2333, %dma_wait3A_2334] : memref<2x8x16x128xf32, #tpu.memory_space<vmem>> -> memref<1x1x16x128xf32, #tpu.memory_space<vmem>>
      %dma_wait3A_2336 = tpu.memref_squeeze %dma_wait3A_2335 : memref<1x1x16x128xf32, #tpu.memory_space<vmem>> -> memref<16x128xf32, #tpu.memory_space<vmem>>
      %dma_wait3A_2337 = arith.constant 0 : i32
      %dma_wait3A_2338 = arith.constant 0 : i32
      %dma_wait3A_2339 = tpu.memref_slice %arg4[%dma_wait3A_2337, %dma_wait3A_2338] : memref<16x1000000xf32, #tpu.memory_space<hbm>> -> memref<16x128xf32, #tpu.memory_space<hbm>>
      tpu.wait_dma2 semaphore(%arg14 : memref<!tpu.dma_semaphore, #tpu.memory_space<semaphore_mem>>) src(%dma_wait3A_2339 : memref<16x128xf32, #tpu.memory_space<hbm>>) dst(%dma_wait3A_2336 : memref<16x128xf32, #tpu.memory_space<vmem>>)
      %mul3A_2340 = arith.constant 16 : i32
      %mul3A_2341 = arith.muli %scan3A_1379, %mul3A_2340 : i32
      %get3A_2342 = arith.index_cast %mul3A_2341 : i32 to index
      %get3A_2343 = tpu.vector_load %arg7[%get3A_2342] {strides = array<i32>} : memref<512xi32, #tpu.memory_space<vmem>>, vector<16xi32>,
      %mul3A_2344 = arith.constant 16 : i32
      %mul3A_2345 = arith.muli %scan3A_1379, %mul3A_2344 : i32
      %get3A_2346 = arith.index_cast %mul3A_2345 : i32 to index
      %get3A_2347 = tpu.vector_load %arg8[%get3A_2346] {strides = array<i32>} : memref<512xi32, #tpu.memory_space<vmem>>, vector<16xi32>,
      %slice3A_2348 = vector.extract_strided_slice %get3A_2343 {offsets = [8], sizes = [1], strides = [1]} : vector<16xi32> to vector<1xi32>
      %squeeze3A_2349 = vector.extract %slice3A_2348[0] : i32 from vector<1xi32>
      %jit3A_2350 = arith.constant 128 : i32
      %eq3A_2351 = arith.constant 0 : i32
      %eq3A_2352 = arith.cmpi eq, %jit3A_2350, %eq3A_2351 : i32
      %jit3A_2353 = arith.constant 1 : i32
      %select_n3A_2354 = arith.select %eq3A_2352, %jit3A_2353, %jit3A_2350 : i32
      %rem3A_2355 = arith.remsi %squeeze3A_2349, %select_n3A_2354 : i32
      %ne3A_2356 = arith.constant 0 : i32
      %ne3A_2357 = arith.cmpi ne, %rem3A_2355, %ne3A_2356 : i32
      %lt3A_2358 = arith.constant 0 : i32
      %lt3A_2359 = arith.cmpi slt, %rem3A_2355, %lt3A_2358 : i32
      %lt3A_2360 = arith.constant 0 : i32
      %lt3A_2361 = arith.cmpi slt, %select_n3A_2354, %lt3A_2360 : i32
      %ne3A_2362 = arith.xori %lt3A_2359, %lt3A_2361 : i1
      %and3A_2363 = arith.andi %ne3A_2362, %ne3A_2357 : i1
      %add3A_2364 = arith.addi %rem3A_2355, %select_n3A_2354 : i32
      %select_n3A_2365 = arith.select %and3A_2363, %add3A_2364, %rem3A_2355 : i32
      %broadcast_in_dim3A_2366 = vector.broadcast %select_n3A_2365 : i32 to vector<16xi32>
      %slice3A_2367 = vector.extract_strided_slice %get3A_2347 {offsets = [8], sizes = [1], strides = [1]} : vector<16xi32> to vector<1xi32>
      %squeeze3A_2368 = vector.extract %slice3A_2367[0] : i32 from vector<1xi32>
      %jit3A_2369 = arith.constant 128 : i32
      %eq3A_2370 = arith.constant 0 : i32
      %eq3A_2371 = arith.cmpi eq, %jit3A_2369, %eq3A_2370 : i32
      %jit3A_2372 = arith.constant 1 : i32
      %select_n3A_2373 = arith.select %eq3A_2371, %jit3A_2372, %jit3A_2369 : i32
      %rem3A_2374 = arith.remsi %squeeze3A_2368, %select_n3A_2373 : i32
      %ne3A_2375 = arith.constant 0 : i32
      %ne3A_2376 = arith.cmpi ne, %rem3A_2374, %ne3A_2375 : i32
      %lt3A_2377 = arith.constant 0 : i32
      %lt3A_2378 = arith.cmpi slt, %rem3A_2374, %lt3A_2377 : i32
      %lt3A_2379 = arith.constant 0 : i32
      %lt3A_2380 = arith.cmpi slt, %select_n3A_2373, %lt3A_2379 : i32
      %ne3A_2381 = arith.xori %lt3A_2378, %lt3A_2380 : i1
      %and3A_2382 = arith.andi %ne3A_2381, %ne3A_2376 : i1
      %add3A_2383 = arith.addi %rem3A_2374, %select_n3A_2373 : i32
      %select_n3A_2384 = arith.select %and3A_2382, %add3A_2383, %rem3A_2374 : i32
      %broadcast_in_dim3A_2385 = vector.broadcast %select_n3A_2384 : i32 to vector<16xi32>
      %gather3A_2386 = arith.constant 1 : i32
      %gather3A_2387 = arith.constant 0 : i32
      %gather3A_2388 = arith.constant 0 : i32
      %gather3A_2389 = arith.constant 0 : i32
      %gather3A_2390 = tpu.memref_slice %arg9[%gather3A_2386, %gather3A_2387, %gather3A_2388, %gather3A_2389] : memref<2x8x16x128xf32, #tpu.memory_space<vmem>> -> memref<1x1x16x128xf32, #tpu.memory_space<vmem>>
      %gather3A_2391 = tpu.memref_squeeze %gather3A_2390 : memref<1x1x16x128xf32, #tpu.memory_space<vmem>> -> memref<16x128xf32, #tpu.memory_space<vmem>>
      %gather3A_2392 = tpu.vector_load_idx %gather3A_2391[%iota3A, %broadcast_in_dim3A_2366] : memref<16x128xf32, #tpu.memory_space<vmem>>[vector<16xi32>, vector<16xi32>], vector<16xf32>,
      %gather3A_2393 = arith.constant 1 : i32
      %gather3A_2394 = arith.constant 0 : i32
      %gather3A_2395 = arith.constant 0 : i32
      %gather3A_2396 = arith.constant 0 : i32
      %gather3A_2397 = tpu.memref_slice %arg10[%gather3A_2393, %gather3A_2394, %gather3A_2395, %gather3A_2396] : memref<2x8x16x128xf32, #tpu.memory_space<vmem>> -> memref<1x1x16x128xf32, #tpu.memory_space<vmem>>
      %gather3A_2398 = tpu.memref_squeeze %gather3A_2397 : memref<1x1x16x128xf32, #tpu.memory_space<vmem>> -> memref<16x128xf32, #tpu.memory_space<vmem>>
      %gather3A_2399 = tpu.vector_load_idx %gather3A_2398[%iota3A, %broadcast_in_dim3A_2385] : memref<16x128xf32, #tpu.memory_space<vmem>>[vector<16xi32>, vector<16xi32>], vector<16xf32>,
      %broadcast_in_dim3A_2400 = arith.constant 8 : i32
      %broadcast_in_dim3A_2401 = vector.broadcast %broadcast_in_dim3A_2400 : i32 to vector<16xi32>
      %mul3A_2402 = arith.mulf %gather3A_2392, %gather3A_2399 : vector<16xf32>
      tpu.vector_store_idx %arg11[%iota3A, %broadcast_in_dim3A_2401], %mul3A_2402 : memref<16x16xf32, #tpu.memory_space<vmem>>[vector<16xi32>, vector<16xi32>], vector<16xf32>,
      %slice3A_2403 = vector.extract_strided_slice %get3A_2343 {offsets = [9], sizes = [1], strides = [1]} : vector<16xi32> to vector<1xi32>
      %squeeze3A_2404 = vector.extract %slice3A_2403[0] : i32 from vector<1xi32>
      %jit3A_2405 = arith.constant 128 : i32
      %eq3A_2406 = arith.constant 0 : i32
      %eq3A_2407 = arith.cmpi eq, %jit3A_2405, %eq3A_2406 : i32
      %jit3A_2408 = arith.constant 1 : i32
      %select_n3A_2409 = arith.select %eq3A_2407, %jit3A_2408, %jit3A_2405 : i32
      %rem3A_2410 = arith.remsi %squeeze3A_2404, %select_n3A_2409 : i32
      %ne3A_2411 = arith.constant 0 : i32
      %ne3A_2412 = arith.cmpi ne, %rem3A_2410, %ne3A_2411 : i32
      %lt3A_2413 = arith.constant 0 : i32
      %lt3A_2414 = arith.cmpi slt, %rem3A_2410, %lt3A_2413 : i32
      %lt3A_2415 = arith.constant 0 : i32
      %lt3A_2416 = arith.cmpi slt, %select_n3A_2409, %lt3A_2415 : i32
      %ne3A_2417 = arith.xori %lt3A_2414, %lt3A_2416 : i1
      %and3A_2418 = arith.andi %ne3A_2417, %ne3A_2412 : i1
      %add3A_2419 = arith.addi %rem3A_2410, %select_n3A_2409 : i32
      %select_n3A_2420 = arith.select %and3A_2418, %add3A_2419, %rem3A_2410 : i32
      %broadcast_in_dim3A_2421 = vector.broadcast %select_n3A_2420 : i32 to vector<16xi32>
      %slice3A_2422 = vector.extract_strided_slice %get3A_2347 {offsets = [9], sizes = [1], strides = [1]} : vector<16xi32> to vector<1xi32>
      %squeeze3A_2423 = vector.extract %slice3A_2422[0] : i32 from vector<1xi32>
      %jit3A_2424 = arith.constant 128 : i32
      %eq3A_2425 = arith.constant 0 : i32
      %eq3A_2426 = arith.cmpi eq, %jit3A_2424, %eq3A_2425 : i32
      %jit3A_2427 = arith.constant 1 : i32
      %select_n3A_2428 = arith.select %eq3A_2426, %jit3A_2427, %jit3A_2424 : i32
      %rem3A_2429 = arith.remsi %squeeze3A_2423, %select_n3A_2428 : i32
      %ne3A_2430 = arith.constant 0 : i32
      %ne3A_2431 = arith.cmpi ne, %rem3A_2429, %ne3A_2430 : i32
      %lt3A_2432 = arith.constant 0 : i32
      %lt3A_2433 = arith.cmpi slt, %rem3A_2429, %lt3A_2432 : i32
      %lt3A_2434 = arith.constant 0 : i32
      %lt3A_2435 = arith.cmpi slt, %select_n3A_2428, %lt3A_2434 : i32
      %ne3A_2436 = arith.xori %lt3A_2433, %lt3A_2435 : i1
      %and3A_2437 = arith.andi %ne3A_2436, %ne3A_2431 : i1
      %add3A_2438 = arith.addi %rem3A_2429, %select_n3A_2428 : i32
      %select_n3A_2439 = arith.select %and3A_2437, %add3A_2438, %rem3A_2429 : i32
      %broadcast_in_dim3A_2440 = vector.broadcast %select_n3A_2439 : i32 to vector<16xi32>
      %gather3A_2441 = arith.constant 1 : i32
      %gather3A_2442 = arith.constant 1 : i32
      %gather3A_2443 = arith.constant 0 : i32
      %gather3A_2444 = arith.constant 0 : i32
      %gather3A_2445 = tpu.memref_slice %arg9[%gather3A_2441, %gather3A_2442, %gather3A_2443, %gather3A_2444] : memref<2x8x16x128xf32, #tpu.memory_space<vmem>> -> memref<1x1x16x128xf32, #tpu.memory_space<vmem>>
      %gather3A_2446 = tpu.memref_squeeze %gather3A_2445 : memref<1x1x16x128xf32, #tpu.memory_space<vmem>> -> memref<16x128xf32, #tpu.memory_space<vmem>>
      %gather3A_2447 = tpu.vector_load_idx %gather3A_2446[%iota3A, %broadcast_in_dim3A_2421] : memref<16x128xf32, #tpu.memory_space<vmem>>[vector<16xi32>, vector<16xi32>], vector<16xf32>,
      %gather3A_2448 = arith.constant 1 : i32
      %gather3A_2449 = arith.constant 1 : i32
      %gather3A_2450 = arith.constant 0 : i32
      %gather3A_2451 = arith.constant 0 : i32
      %gather3A_2452 = tpu.memref_slice %arg10[%gather3A_2448, %gather3A_2449, %gather3A_2450, %gather3A_2451] : memref<2x8x16x128xf32, #tpu.memory_space<vmem>> -> memref<1x1x16x128xf32, #tpu.memory_space<vmem>>
      %gather3A_2453 = tpu.memref_squeeze %gather3A_2452 : memref<1x1x16x128xf32, #tpu.memory_space<vmem>> -> memref<16x128xf32, #tpu.memory_space<vmem>>
      %gather3A_2454 = tpu.vector_load_idx %gather3A_2453[%iota3A, %broadcast_in_dim3A_2440] : memref<16x128xf32, #tpu.memory_space<vmem>>[vector<16xi32>, vector<16xi32>], vector<16xf32>,
      %broadcast_in_dim3A_2455 = arith.constant 9 : i32
      %broadcast_in_dim3A_2456 = vector.broadcast %broadcast_in_dim3A_2455 : i32 to vector<16xi32>
      %mul3A_2457 = arith.mulf %gather3A_2447, %gather3A_2454 : vector<16xf32>
      tpu.vector_store_idx %arg11[%iota3A, %broadcast_in_dim3A_2456], %mul3A_2457 : memref<16x16xf32, #tpu.memory_space<vmem>>[vector<16xi32>, vector<16xi32>], vector<16xf32>,
      %slice3A_2458 = vector.extract_strided_slice %get3A_2343 {offsets = [10], sizes = [1], strides = [1]} : vector<16xi32> to vector<1xi32>
      %squeeze3A_2459 = vector.extract %slice3A_2458[0] : i32 from vector<1xi32>
      %jit3A_2460 = arith.constant 128 : i32
      %eq3A_2461 = arith.constant 0 : i32
      %eq3A_2462 = arith.cmpi eq, %jit3A_2460, %eq3A_2461 : i32
      %jit3A_2463 = arith.constant 1 : i32
      %select_n3A_2464 = arith.select %eq3A_2462, %jit3A_2463, %jit3A_2460 : i32
      %rem3A_2465 = arith.remsi %squeeze3A_2459, %select_n3A_2464 : i32
      %ne3A_2466 = arith.constant 0 : i32
      %ne3A_2467 = arith.cmpi ne, %rem3A_2465, %ne3A_2466 : i32
      %lt3A_2468 = arith.constant 0 : i32
      %lt3A_2469 = arith.cmpi slt, %rem3A_2465, %lt3A_2468 : i32
      %lt3A_2470 = arith.constant 0 : i32
      %lt3A_2471 = arith.cmpi slt, %select_n3A_2464, %lt3A_2470 : i32
      %ne3A_2472 = arith.xori %lt3A_2469, %lt3A_2471 : i1
      %and3A_2473 = arith.andi %ne3A_2472, %ne3A_2467 : i1
      %add3A_2474 = arith.addi %rem3A_2465, %select_n3A_2464 : i32
      %select_n3A_2475 = arith.select %and3A_2473, %add3A_2474, %rem3A_2465 : i32
      %broadcast_in_dim3A_2476 = vector.broadcast %select_n3A_2475 : i32 to vector<16xi32>
      %slice3A_2477 = vector.extract_strided_slice %get3A_2347 {offsets = [10], sizes = [1], strides = [1]} : vector<16xi32> to vector<1xi32>
      %squeeze3A_2478 = vector.extract %slice3A_2477[0] : i32 from vector<1xi32>
      %jit3A_2479 = arith.constant 128 : i32
      %eq3A_2480 = arith.constant 0 : i32
      %eq3A_2481 = arith.cmpi eq, %jit3A_2479, %eq3A_2480 : i32
      %jit3A_2482 = arith.constant 1 : i32
      %select_n3A_2483 = arith.select %eq3A_2481, %jit3A_2482, %jit3A_2479 : i32
      %rem3A_2484 = arith.remsi %squeeze3A_2478, %select_n3A_2483 : i32
      %ne3A_2485 = arith.constant 0 : i32
      %ne3A_2486 = arith.cmpi ne, %rem3A_2484, %ne3A_2485 : i32
      %lt3A_2487 = arith.constant 0 : i32
      %lt3A_2488 = arith.cmpi slt, %rem3A_2484, %lt3A_2487 : i32
      %lt3A_2489 = arith.constant 0 : i32
      %lt3A_2490 = arith.cmpi slt, %select_n3A_2483, %lt3A_2489 : i32
      %ne3A_2491 = arith.xori %lt3A_2488, %lt3A_2490 : i1
      %and3A_2492 = arith.andi %ne3A_2491, %ne3A_2486 : i1
      %add3A_2493 = arith.addi %rem3A_2484, %select_n3A_2483 : i32
      %select_n3A_2494 = arith.select %and3A_2492, %add3A_2493, %rem3A_2484 : i32
      %broadcast_in_dim3A_2495 = vector.broadcast %select_n3A_2494 : i32 to vector<16xi32>
      %gather3A_2496 = arith.constant 1 : i32
      %gather3A_2497 = arith.constant 2 : i32
      %gather3A_2498 = arith.constant 0 : i32
      %gather3A_2499 = arith.constant 0 : i32
      %gather3A_2500 = tpu.memref_slice %arg9[%gather3A_2496, %gather3A_2497, %gather3A_2498, %gather3A_2499] : memref<2x8x16x128xf32, #tpu.memory_space<vmem>> -> memref<1x1x16x128xf32, #tpu.memory_space<vmem>>
      %gather3A_2501 = tpu.memref_squeeze %gather3A_2500 : memref<1x1x16x128xf32, #tpu.memory_space<vmem>> -> memref<16x128xf32, #tpu.memory_space<vmem>>
      %gather3A_2502 = tpu.vector_load_idx %gather3A_2501[%iota3A, %broadcast_in_dim3A_2476] : memref<16x128xf32, #tpu.memory_space<vmem>>[vector<16xi32>, vector<16xi32>], vector<16xf32>,
      %gather3A_2503 = arith.constant 1 : i32
      %gather3A_2504 = arith.constant 2 : i32
      %gather3A_2505 = arith.constant 0 : i32
      %gather3A_2506 = arith.constant 0 : i32
      %gather3A_2507 = tpu.memref_slice %arg10[%gather3A_2503, %gather3A_2504, %gather3A_2505, %gather3A_2506] : memref<2x8x16x128xf32, #tpu.memory_space<vmem>> -> memref<1x1x16x128xf32, #tpu.memory_space<vmem>>
      %gather3A_2508 = tpu.memref_squeeze %gather3A_2507 : memref<1x1x16x128xf32, #tpu.memory_space<vmem>> -> memref<16x128xf32, #tpu.memory_space<vmem>>
      %gather3A_2509 = tpu.vector_load_idx %gather3A_2508[%iota3A, %broadcast_in_dim3A_2495] : memref<16x128xf32, #tpu.memory_space<vmem>>[vector<16xi32>, vector<16xi32>], vector<16xf32>,
      %broadcast_in_dim3A_2510 = arith.constant 10 : i32
      %broadcast_in_dim3A_2511 = vector.broadcast %broadcast_in_dim3A_2510 : i32 to vector<16xi32>
      %mul3A_2512 = arith.mulf %gather3A_2502, %gather3A_2509 : vector<16xf32>
      tpu.vector_store_idx %arg11[%iota3A, %broadcast_in_dim3A_2511], %mul3A_2512 : memref<16x16xf32, #tpu.memory_space<vmem>>[vector<16xi32>, vector<16xi32>], vector<16xf32>,
      %slice3A_2513 = vector.extract_strided_slice %get3A_2343 {offsets = [11], sizes = [1], strides = [1]} : vector<16xi32> to vector<1xi32>
      %squeeze3A_2514 = vector.extract %slice3A_2513[0] : i32 from vector<1xi32>
      %jit3A_2515 = arith.constant 128 : i32
      %eq3A_2516 = arith.constant 0 : i32
      %eq3A_2517 = arith.cmpi eq, %jit3A_2515, %eq3A_2516 : i32
      %jit3A_2518 = arith.constant 1 : i32
      %select_n3A_2519 = arith.select %eq3A_2517, %jit3A_2518, %jit3A_2515 : i32
      %rem3A_2520 = arith.remsi %squeeze3A_2514, %select_n3A_2519 : i32
      %ne3A_2521 = arith.constant 0 : i32
      %ne3A_2522 = arith.cmpi ne, %rem3A_2520, %ne3A_2521 : i32
      %lt3A_2523 = arith.constant 0 : i32
      %lt3A_2524 = arith.cmpi slt, %rem3A_2520, %lt3A_2523 : i32
      %lt3A_2525 = arith.constant 0 : i32
      %lt3A_2526 = arith.cmpi slt, %select_n3A_2519, %lt3A_2525 : i32
      %ne3A_2527 = arith.xori %lt3A_2524, %lt3A_2526 : i1
      %and3A_2528 = arith.andi %ne3A_2527, %ne3A_2522 : i1
      %add3A_2529 = arith.addi %rem3A_2520, %select_n3A_2519 : i32
      %select_n3A_2530 = arith.select %and3A_2528, %add3A_2529, %rem3A_2520 : i32
      %broadcast_in_dim3A_2531 = vector.broadcast %select_n3A_2530 : i32 to vector<16xi32>
      %slice3A_2532 = vector.extract_strided_slice %get3A_2347 {offsets = [11], sizes = [1], strides = [1]} : vector<16xi32> to vector<1xi32>
      %squeeze3A_2533 = vector.extract %slice3A_2532[0] : i32 from vector<1xi32>
      %jit3A_2534 = arith.constant 128 : i32
      %eq3A_2535 = arith.constant 0 : i32
      %eq3A_2536 = arith.cmpi eq, %jit3A_2534, %eq3A_2535 : i32
      %jit3A_2537 = arith.constant 1 : i32
      %select_n3A_2538 = arith.select %eq3A_2536, %jit3A_2537, %jit3A_2534 : i32
      %rem3A_2539 = arith.remsi %squeeze3A_2533, %select_n3A_2538 : i32
      %ne3A_2540 = arith.constant 0 : i32
      %ne3A_2541 = arith.cmpi ne, %rem3A_2539, %ne3A_2540 : i32
      %lt3A_2542 = arith.constant 0 : i32
      %lt3A_2543 = arith.cmpi slt, %rem3A_2539, %lt3A_2542 : i32
      %lt3A_2544 = arith.constant 0 : i32
      %lt3A_2545 = arith.cmpi slt, %select_n3A_2538, %lt3A_2544 : i32
      %ne3A_2546 = arith.xori %lt3A_2543, %lt3A_2545 : i1
      %and3A_2547 = arith.andi %ne3A_2546, %ne3A_2541 : i1
      %add3A_2548 = arith.addi %rem3A_2539, %select_n3A_2538 : i32
      %select_n3A_2549 = arith.select %and3A_2547, %add3A_2548, %rem3A_2539 : i32
      %broadcast_in_dim3A_2550 = vector.broadcast %select_n3A_2549 : i32 to vector<16xi32>
      %gather3A_2551 = arith.constant 1 : i32
      %gather3A_2552 = arith.constant 3 : i32
      %gather3A_2553 = arith.constant 0 : i32
      %gather3A_2554 = arith.constant 0 : i32
      %gather3A_2555 = tpu.memref_slice %arg9[%gather3A_2551, %gather3A_2552, %gather3A_2553, %gather3A_2554] : memref<2x8x16x128xf32, #tpu.memory_space<vmem>> -> memref<1x1x16x128xf32, #tpu.memory_space<vmem>>
      %gather3A_2556 = tpu.memref_squeeze %gather3A_2555 : memref<1x1x16x128xf32, #tpu.memory_space<vmem>> -> memref<16x128xf32, #tpu.memory_space<vmem>>
      %gather3A_2557 = tpu.vector_load_idx %gather3A_2556[%iota3A, %broadcast_in_dim3A_2531] : memref<16x128xf32, #tpu.memory_space<vmem>>[vector<16xi32>, vector<16xi32>], vector<16xf32>,
      %gather3A_2558 = arith.constant 1 : i32
      %gather3A_2559 = arith.constant 3 : i32
      %gather3A_2560 = arith.constant 0 : i32
      %gather3A_2561 = arith.constant 0 : i32
      %gather3A_2562 = tpu.memref_slice %arg10[%gather3A_2558, %gather3A_2559, %gather3A_2560, %gather3A_2561] : memref<2x8x16x128xf32, #tpu.memory_space<vmem>> -> memref<1x1x16x128xf32, #tpu.memory_space<vmem>>
      %gather3A_2563 = tpu.memref_squeeze %gather3A_2562 : memref<1x1x16x128xf32, #tpu.memory_space<vmem>> -> memref<16x128xf32, #tpu.memory_space<vmem>>
      %gather3A_2564 = tpu.vector_load_idx %gather3A_2563[%iota3A, %broadcast_in_dim3A_2550] : memref<16x128xf32, #tpu.memory_space<vmem>>[vector<16xi32>, vector<16xi32>], vector<16xf32>,
      %broadcast_in_dim3A_2565 = arith.constant 11 : i32
      %broadcast_in_dim3A_2566 = vector.broadcast %broadcast_in_dim3A_2565 : i32 to vector<16xi32>
      %mul3A_2567 = arith.mulf %gather3A_2557, %gather3A_2564 : vector<16xf32>
      tpu.vector_store_idx %arg11[%iota3A, %broadcast_in_dim3A_2566], %mul3A_2567 : memref<16x16xf32, #tpu.memory_space<vmem>>[vector<16xi32>, vector<16xi32>], vector<16xf32>,
      %slice3A_2568 = vector.extract_strided_slice %get3A_2343 {offsets = [12], sizes = [1], strides = [1]} : vector<16xi32> to vector<1xi32>
      %squeeze3A_2569 = vector.extract %slice3A_2568[0] : i32 from vector<1xi32>
      %jit3A_2570 = arith.constant 128 : i32
      %eq3A_2571 = arith.constant 0 : i32
      %eq3A_2572 = arith.cmpi eq, %jit3A_2570, %eq3A_2571 : i32
      %jit3A_2573 = arith.constant 1 : i32
      %select_n3A_2574 = arith.select %eq3A_2572, %jit3A_2573, %jit3A_2570 : i32
      %rem3A_2575 = arith.remsi %squeeze3A_2569, %select_n3A_2574 : i32
      %ne3A_2576 = arith.constant 0 : i32
      %ne3A_2577 = arith.cmpi ne, %rem3A_2575, %ne3A_2576 : i32
      %lt3A_2578 = arith.constant 0 : i32
      %lt3A_2579 = arith.cmpi slt, %rem3A_2575, %lt3A_2578 : i32
      %lt3A_2580 = arith.constant 0 : i32
      %lt3A_2581 = arith.cmpi slt, %select_n3A_2574, %lt3A_2580 : i32
      %ne3A_2582 = arith.xori %lt3A_2579, %lt3A_2581 : i1
      %and3A_2583 = arith.andi %ne3A_2582, %ne3A_2577 : i1
      %add3A_2584 = arith.addi %rem3A_2575, %select_n3A_2574 : i32
      %select_n3A_2585 = arith.select %and3A_2583, %add3A_2584, %rem3A_2575 : i32
      %broadcast_in_dim3A_2586 = vector.broadcast %select_n3A_2585 : i32 to vector<16xi32>
      %slice3A_2587 = vector.extract_strided_slice %get3A_2347 {offsets = [12], sizes = [1], strides = [1]} : vector<16xi32> to vector<1xi32>
      %squeeze3A_2588 = vector.extract %slice3A_2587[0] : i32 from vector<1xi32>
      %jit3A_2589 = arith.constant 128 : i32
      %eq3A_2590 = arith.constant 0 : i32
      %eq3A_2591 = arith.cmpi eq, %jit3A_2589, %eq3A_2590 : i32
      %jit3A_2592 = arith.constant 1 : i32
      %select_n3A_2593 = arith.select %eq3A_2591, %jit3A_2592, %jit3A_2589 : i32
      %rem3A_2594 = arith.remsi %squeeze3A_2588, %select_n3A_2593 : i32
      %ne3A_2595 = arith.constant 0 : i32
      %ne3A_2596 = arith.cmpi ne, %rem3A_2594, %ne3A_2595 : i32
      %lt3A_2597 = arith.constant 0 : i32
      %lt3A_2598 = arith.cmpi slt, %rem3A_2594, %lt3A_2597 : i32
      %lt3A_2599 = arith.constant 0 : i32
      %lt3A_2600 = arith.cmpi slt, %select_n3A_2593, %lt3A_2599 : i32
      %ne3A_2601 = arith.xori %lt3A_2598, %lt3A_2600 : i1
      %and3A_2602 = arith.andi %ne3A_2601, %ne3A_2596 : i1
      %add3A_2603 = arith.addi %rem3A_2594, %select_n3A_2593 : i32
      %select_n3A_2604 = arith.select %and3A_2602, %add3A_2603, %rem3A_2594 : i32
      %broadcast_in_dim3A_2605 = vector.broadcast %select_n3A_2604 : i32 to vector<16xi32>
      %gather3A_2606 = arith.constant 1 : i32
      %gather3A_2607 = arith.constant 4 : i32
      %gather3A_2608 = arith.constant 0 : i32
      %gather3A_2609 = arith.constant 0 : i32
      %gather3A_2610 = tpu.memref_slice %arg9[%gather3A_2606, %gather3A_2607, %gather3A_2608, %gather3A_2609] : memref<2x8x16x128xf32, #tpu.memory_space<vmem>> -> memref<1x1x16x128xf32, #tpu.memory_space<vmem>>
      %gather3A_2611 = tpu.memref_squeeze %gather3A_2610 : memref<1x1x16x128xf32, #tpu.memory_space<vmem>> -> memref<16x128xf32, #tpu.memory_space<vmem>>
      %gather3A_2612 = tpu.vector_load_idx %gather3A_2611[%iota3A, %broadcast_in_dim3A_2586] : memref<16x128xf32, #tpu.memory_space<vmem>>[vector<16xi32>, vector<16xi32>], vector<16xf32>,
      %gather3A_2613 = arith.constant 1 : i32
      %gather3A_2614 = arith.constant 4 : i32
      %gather3A_2615 = arith.constant 0 : i32
      %gather3A_2616 = arith.constant 0 : i32
      %gather3A_2617 = tpu.memref_slice %arg10[%gather3A_2613, %gather3A_2614, %gather3A_2615, %gather3A_2616] : memref<2x8x16x128xf32, #tpu.memory_space<vmem>> -> memref<1x1x16x128xf32, #tpu.memory_space<vmem>>
      %gather3A_2618 = tpu.memref_squeeze %gather3A_2617 : memref<1x1x16x128xf32, #tpu.memory_space<vmem>> -> memref<16x128xf32, #tpu.memory_space<vmem>>
      %gather3A_2619 = tpu.vector_load_idx %gather3A_2618[%iota3A, %broadcast_in_dim3A_2605] : memref<16x128xf32, #tpu.memory_space<vmem>>[vector<16xi32>, vector<16xi32>], vector<16xf32>,
      %broadcast_in_dim3A_2620 = arith.constant 12 : i32
      %broadcast_in_dim3A_2621 = vector.broadcast %broadcast_in_dim3A_2620 : i32 to vector<16xi32>
      %mul3A_2622 = arith.mulf %gather3A_2612, %gather3A_2619 : vector<16xf32>
      tpu.vector_store_idx %arg11[%iota3A, %broadcast_in_dim3A_2621], %mul3A_2622 : memref<16x16xf32, #tpu.memory_space<vmem>>[vector<16xi32>, vector<16xi32>], vector<16xf32>,
      %slice3A_2623 = vector.extract_strided_slice %get3A_2343 {offsets = [13], sizes = [1], strides = [1]} : vector<16xi32> to vector<1xi32>
      %squeeze3A_2624 = vector.extract %slice3A_2623[0] : i32 from vector<1xi32>
      %jit3A_2625 = arith.constant 128 : i32
      %eq3A_2626 = arith.constant 0 : i32
      %eq3A_2627 = arith.cmpi eq, %jit3A_2625, %eq3A_2626 : i32
      %jit3A_2628 = arith.constant 1 : i32
      %select_n3A_2629 = arith.select %eq3A_2627, %jit3A_2628, %jit3A_2625 : i32
      %rem3A_2630 = arith.remsi %squeeze3A_2624, %select_n3A_2629 : i32
      %ne3A_2631 = arith.constant 0 : i32
      %ne3A_2632 = arith.cmpi ne, %rem3A_2630, %ne3A_2631 : i32
      %lt3A_2633 = arith.constant 0 : i32
      %lt3A_2634 = arith.cmpi slt, %rem3A_2630, %lt3A_2633 : i32
      %lt3A_2635 = arith.constant 0 : i32
      %lt3A_2636 = arith.cmpi slt, %select_n3A_2629, %lt3A_2635 : i32
      %ne3A_2637 = arith.xori %lt3A_2634, %lt3A_2636 : i1
      %and3A_2638 = arith.andi %ne3A_2637, %ne3A_2632 : i1
      %add3A_2639 = arith.addi %rem3A_2630, %select_n3A_2629 : i32
      %select_n3A_2640 = arith.select %and3A_2638, %add3A_2639, %rem3A_2630 : i32
      %broadcast_in_dim3A_2641 = vector.broadcast %select_n3A_2640 : i32 to vector<16xi32>
      %slice3A_2642 = vector.extract_strided_slice %get3A_2347 {offsets = [13], sizes = [1], strides = [1]} : vector<16xi32> to vector<1xi32>
      %squeeze3A_2643 = vector.extract %slice3A_2642[0] : i32 from vector<1xi32>
      %jit3A_2644 = arith.constant 128 : i32
      %eq3A_2645 = arith.constant 0 : i32
      %eq3A_2646 = arith.cmpi eq, %jit3A_2644, %eq3A_2645 : i32
      %jit3A_2647 = arith.constant 1 : i32
      %select_n3A_2648 = arith.select %eq3A_2646, %jit3A_2647, %jit3A_2644 : i32
      %rem3A_2649 = arith.remsi %squeeze3A_2643, %select_n3A_2648 : i32
      %ne3A_2650 = arith.constant 0 : i32
      %ne3A_2651 = arith.cmpi ne, %rem3A_2649, %ne3A_2650 : i32
      %lt3A_2652 = arith.constant 0 : i32
      %lt3A_2653 = arith.cmpi slt, %rem3A_2649, %lt3A_2652 : i32
      %lt3A_2654 = arith.constant 0 : i32
      %lt3A_2655 = arith.cmpi slt, %select_n3A_2648, %lt3A_2654 : i32
      %ne3A_2656 = arith.xori %lt3A_2653, %lt3A_2655 : i1
      %and3A_2657 = arith.andi %ne3A_2656, %ne3A_2651 : i1
      %add3A_2658 = arith.addi %rem3A_2649, %select_n3A_2648 : i32
      %select_n3A_2659 = arith.select %and3A_2657, %add3A_2658, %rem3A_2649 : i32
      %broadcast_in_dim3A_2660 = vector.broadcast %select_n3A_2659 : i32 to vector<16xi32>
      %gather3A_2661 = arith.constant 1 : i32
      %gather3A_2662 = arith.constant 5 : i32
      %gather3A_2663 = arith.constant 0 : i32
      %gather3A_2664 = arith.constant 0 : i32
      %gather3A_2665 = tpu.memref_slice %arg9[%gather3A_2661, %gather3A_2662, %gather3A_2663, %gather3A_2664] : memref<2x8x16x128xf32, #tpu.memory_space<vmem>> -> memref<1x1x16x128xf32, #tpu.memory_space<vmem>>
      %gather3A_2666 = tpu.memref_squeeze %gather3A_2665 : memref<1x1x16x128xf32, #tpu.memory_space<vmem>> -> memref<16x128xf32, #tpu.memory_space<vmem>>
      %gather3A_2667 = tpu.vector_load_idx %gather3A_2666[%iota3A, %broadcast_in_dim3A_2641] : memref<16x128xf32, #tpu.memory_space<vmem>>[vector<16xi32>, vector<16xi32>], vector<16xf32>,
      %gather3A_2668 = arith.constant 1 : i32
      %gather3A_2669 = arith.constant 5 : i32
      %gather3A_2670 = arith.constant 0 : i32
      %gather3A_2671 = arith.constant 0 : i32
      %gather3A_2672 = tpu.memref_slice %arg10[%gather3A_2668, %gather3A_2669, %gather3A_2670, %gather3A_2671] : memref<2x8x16x128xf32, #tpu.memory_space<vmem>> -> memref<1x1x16x128xf32, #tpu.memory_space<vmem>>
      %gather3A_2673 = tpu.memref_squeeze %gather3A_2672 : memref<1x1x16x128xf32, #tpu.memory_space<vmem>> -> memref<16x128xf32, #tpu.memory_space<vmem>>
      %gather3A_2674 = tpu.vector_load_idx %gather3A_2673[%iota3A, %broadcast_in_dim3A_2660] : memref<16x128xf32, #tpu.memory_space<vmem>>[vector<16xi32>, vector<16xi32>], vector<16xf32>,
      %broadcast_in_dim3A_2675 = arith.constant 13 : i32
      %broadcast_in_dim3A_2676 = vector.broadcast %broadcast_in_dim3A_2675 : i32 to vector<16xi32>
      %mul3A_2677 = arith.mulf %gather3A_2667, %gather3A_2674 : vector<16xf32>
      tpu.vector_store_idx %arg11[%iota3A, %broadcast_in_dim3A_2676], %mul3A_2677 : memref<16x16xf32, #tpu.memory_space<vmem>>[vector<16xi32>, vector<16xi32>], vector<16xf32>,
      %slice3A_2678 = vector.extract_strided_slice %get3A_2343 {offsets = [14], sizes = [1], strides = [1]} : vector<16xi32> to vector<1xi32>
      %squeeze3A_2679 = vector.extract %slice3A_2678[0] : i32 from vector<1xi32>
      %jit3A_2680 = arith.constant 128 : i32
      %eq3A_2681 = arith.constant 0 : i32
      %eq3A_2682 = arith.cmpi eq, %jit3A_2680, %eq3A_2681 : i32
      %jit3A_2683 = arith.constant 1 : i32
      %select_n3A_2684 = arith.select %eq3A_2682, %jit3A_2683, %jit3A_2680 : i32
      %rem3A_2685 = arith.remsi %squeeze3A_2679, %select_n3A_2684 : i32
      %ne3A_2686 = arith.constant 0 : i32
      %ne3A_2687 = arith.cmpi ne, %rem3A_2685, %ne3A_2686 : i32
      %lt3A_2688 = arith.constant 0 : i32
      %lt3A_2689 = arith.cmpi slt, %rem3A_2685, %lt3A_2688 : i32
      %lt3A_2690 = arith.constant 0 : i32
      %lt3A_2691 = arith.cmpi slt, %select_n3A_2684, %lt3A_2690 : i32
      %ne3A_2692 = arith.xori %lt3A_2689, %lt3A_2691 : i1
      %and3A_2693 = arith.andi %ne3A_2692, %ne3A_2687 : i1
      %add3A_2694 = arith.addi %rem3A_2685, %select_n3A_2684 : i32
      %select_n3A_2695 = arith.select %and3A_2693, %add3A_2694, %rem3A_2685 : i32
      %broadcast_in_dim3A_2696 = vector.broadcast %select_n3A_2695 : i32 to vector<16xi32>
      %slice3A_2697 = vector.extract_strided_slice %get3A_2347 {offsets = [14], sizes = [1], strides = [1]} : vector<16xi32> to vector<1xi32>
      %squeeze3A_2698 = vector.extract %slice3A_2697[0] : i32 from vector<1xi32>
      %jit3A_2699 = arith.constant 128 : i32
      %eq3A_2700 = arith.constant 0 : i32
      %eq3A_2701 = arith.cmpi eq, %jit3A_2699, %eq3A_2700 : i32
      %jit3A_2702 = arith.constant 1 : i32
      %select_n3A_2703 = arith.select %eq3A_2701, %jit3A_2702, %jit3A_2699 : i32
      %rem3A_2704 = arith.remsi %squeeze3A_2698, %select_n3A_2703 : i32
      %ne3A_2705 = arith.constant 0 : i32
      %ne3A_2706 = arith.cmpi ne, %rem3A_2704, %ne3A_2705 : i32
      %lt3A_2707 = arith.constant 0 : i32
      %lt3A_2708 = arith.cmpi slt, %rem3A_2704, %lt3A_2707 : i32
      %lt3A_2709 = arith.constant 0 : i32
      %lt3A_2710 = arith.cmpi slt, %select_n3A_2703, %lt3A_2709 : i32
      %ne3A_2711 = arith.xori %lt3A_2708, %lt3A_2710 : i1
      %and3A_2712 = arith.andi %ne3A_2711, %ne3A_2706 : i1
      %add3A_2713 = arith.addi %rem3A_2704, %select_n3A_2703 : i32
      %select_n3A_2714 = arith.select %and3A_2712, %add3A_2713, %rem3A_2704 : i32
      %broadcast_in_dim3A_2715 = vector.broadcast %select_n3A_2714 : i32 to vector<16xi32>
      %gather3A_2716 = arith.constant 1 : i32
      %gather3A_2717 = arith.constant 6 : i32
      %gather3A_2718 = arith.constant 0 : i32
      %gather3A_2719 = arith.constant 0 : i32
      %gather3A_2720 = tpu.memref_slice %arg9[%gather3A_2716, %gather3A_2717, %gather3A_2718, %gather3A_2719] : memref<2x8x16x128xf32, #tpu.memory_space<vmem>> -> memref<1x1x16x128xf32, #tpu.memory_space<vmem>>
      %gather3A_2721 = tpu.memref_squeeze %gather3A_2720 : memref<1x1x16x128xf32, #tpu.memory_space<vmem>> -> memref<16x128xf32, #tpu.memory_space<vmem>>
      %gather3A_2722 = tpu.vector_load_idx %gather3A_2721[%iota3A, %broadcast_in_dim3A_2696] : memref<16x128xf32, #tpu.memory_space<vmem>>[vector<16xi32>, vector<16xi32>], vector<16xf32>,
      %gather3A_2723 = arith.constant 1 : i32
      %gather3A_2724 = arith.constant 6 : i32
      %gather3A_2725 = arith.constant 0 : i32
      %gather3A_2726 = arith.constant 0 : i32
      %gather3A_2727 = tpu.memref_slice %arg10[%gather3A_2723, %gather3A_2724, %gather3A_2725, %gather3A_2726] : memref<2x8x16x128xf32, #tpu.memory_space<vmem>> -> memref<1x1x16x128xf32, #tpu.memory_space<vmem>>
      %gather3A_2728 = tpu.memref_squeeze %gather3A_2727 : memref<1x1x16x128xf32, #tpu.memory_space<vmem>> -> memref<16x128xf32, #tpu.memory_space<vmem>>
      %gather3A_2729 = tpu.vector_load_idx %gather3A_2728[%iota3A, %broadcast_in_dim3A_2715] : memref<16x128xf32, #tpu.memory_space<vmem>>[vector<16xi32>, vector<16xi32>], vector<16xf32>,
      %broadcast_in_dim3A_2730 = arith.constant 14 : i32
      %broadcast_in_dim3A_2731 = vector.broadcast %broadcast_in_dim3A_2730 : i32 to vector<16xi32>
      %mul3A_2732 = arith.mulf %gather3A_2722, %gather3A_2729 : vector<16xf32>
      tpu.vector_store_idx %arg11[%iota3A, %broadcast_in_dim3A_2731], %mul3A_2732 : memref<16x16xf32, #tpu.memory_space<vmem>>[vector<16xi32>, vector<16xi32>], vector<16xf32>,
      %slice3A_2733 = vector.extract_strided_slice %get3A_2343 {offsets = [15], sizes = [1], strides = [1]} : vector<16xi32> to vector<1xi32>
      %squeeze3A_2734 = vector.extract %slice3A_2733[0] : i32 from vector<1xi32>
      %jit3A_2735 = arith.constant 128 : i32
      %eq3A_2736 = arith.constant 0 : i32
      %eq3A_2737 = arith.cmpi eq, %jit3A_2735, %eq3A_2736 : i32
      %jit3A_2738 = arith.constant 1 : i32
      %select_n3A_2739 = arith.select %eq3A_2737, %jit3A_2738, %jit3A_2735 : i32
      %rem3A_2740 = arith.remsi %squeeze3A_2734, %select_n3A_2739 : i32
      %ne3A_2741 = arith.constant 0 : i32
      %ne3A_2742 = arith.cmpi ne, %rem3A_2740, %ne3A_2741 : i32
      %lt3A_2743 = arith.constant 0 : i32
      %lt3A_2744 = arith.cmpi slt, %rem3A_2740, %lt3A_2743 : i32
      %lt3A_2745 = arith.constant 0 : i32
      %lt3A_2746 = arith.cmpi slt, %select_n3A_2739, %lt3A_2745 : i32
      %ne3A_2747 = arith.xori %lt3A_2744, %lt3A_2746 : i1
      %and3A_2748 = arith.andi %ne3A_2747, %ne3A_2742 : i1
      %add3A_2749 = arith.addi %rem3A_2740, %select_n3A_2739 : i32
      %select_n3A_2750 = arith.select %and3A_2748, %add3A_2749, %rem3A_2740 : i32
      %broadcast_in_dim3A_2751 = vector.broadcast %select_n3A_2750 : i32 to vector<16xi32>
      %slice3A_2752 = vector.extract_strided_slice %get3A_2347 {offsets = [15], sizes = [1], strides = [1]} : vector<16xi32> to vector<1xi32>
      %squeeze3A_2753 = vector.extract %slice3A_2752[0] : i32 from vector<1xi32>
      %jit3A_2754 = arith.constant 128 : i32
      %eq3A_2755 = arith.constant 0 : i32
      %eq3A_2756 = arith.cmpi eq, %jit3A_2754, %eq3A_2755 : i32
      %jit3A_2757 = arith.constant 1 : i32
      %select_n3A_2758 = arith.select %eq3A_2756, %jit3A_2757, %jit3A_2754 : i32
      %rem3A_2759 = arith.remsi %squeeze3A_2753, %select_n3A_2758 : i32
      %ne3A_2760 = arith.constant 0 : i32
      %ne3A_2761 = arith.cmpi ne, %rem3A_2759, %ne3A_2760 : i32
      %lt3A_2762 = arith.constant 0 : i32
      %lt3A_2763 = arith.cmpi slt, %rem3A_2759, %lt3A_2762 : i32
      %lt3A_2764 = arith.constant 0 : i32
      %lt3A_2765 = arith.cmpi slt, %select_n3A_2758, %lt3A_2764 : i32
      %ne3A_2766 = arith.xori %lt3A_2763, %lt3A_2765 : i1
      %and3A_2767 = arith.andi %ne3A_2766, %ne3A_2761 : i1
      %add3A_2768 = arith.addi %rem3A_2759, %select_n3A_2758 : i32
      %select_n3A_2769 = arith.select %and3A_2767, %add3A_2768, %rem3A_2759 : i32
      %broadcast_in_dim3A_2770 = vector.broadcast %select_n3A_2769 : i32 to vector<16xi32>
      %gather3A_2771 = arith.constant 1 : i32
      %gather3A_2772 = arith.constant 7 : i32
      %gather3A_2773 = arith.constant 0 : i32
      %gather3A_2774 = arith.constant 0 : i32
      %gather3A_2775 = tpu.memref_slice %arg9[%gather3A_2771, %gather3A_2772, %gather3A_2773, %gather3A_2774] : memref<2x8x16x128xf32, #tpu.memory_space<vmem>> -> memref<1x1x16x128xf32, #tpu.memory_space<vmem>>
      %gather3A_2776 = tpu.memref_squeeze %gather3A_2775 : memref<1x1x16x128xf32, #tpu.memory_space<vmem>> -> memref<16x128xf32, #tpu.memory_space<vmem>>
      %gather3A_2777 = tpu.vector_load_idx %gather3A_2776[%iota3A, %broadcast_in_dim3A_2751] : memref<16x128xf32, #tpu.memory_space<vmem>>[vector<16xi32>, vector<16xi32>], vector<16xf32>,
      %gather3A_2778 = arith.constant 1 : i32
      %gather3A_2779 = arith.constant 7 : i32
      %gather3A_2780 = arith.constant 0 : i32
      %gather3A_2781 = arith.constant 0 : i32
      %gather3A_2782 = tpu.memref_slice %arg10[%gather3A_2778, %gather3A_2779, %gather3A_2780, %gather3A_2781] : memref<2x8x16x128xf32, #tpu.memory_space<vmem>> -> memref<1x1x16x128xf32, #tpu.memory_space<vmem>>
      %gather3A_2783 = tpu.memref_squeeze %gather3A_2782 : memref<1x1x16x128xf32, #tpu.memory_space<vmem>> -> memref<16x128xf32, #tpu.memory_space<vmem>>
      %gather3A_2784 = tpu.vector_load_idx %gather3A_2783[%iota3A, %broadcast_in_dim3A_2770] : memref<16x128xf32, #tpu.memory_space<vmem>>[vector<16xi32>, vector<16xi32>], vector<16xf32>,
      %broadcast_in_dim3A_2785 = arith.constant 15 : i32
      %broadcast_in_dim3A_2786 = vector.broadcast %broadcast_in_dim3A_2785 : i32 to vector<16xi32>
      %mul3A_2787 = arith.mulf %gather3A_2777, %gather3A_2784 : vector<16xf32>
      tpu.vector_store_idx %arg11[%iota3A, %broadcast_in_dim3A_2786], %mul3A_2787 : memref<16x16xf32, #tpu.memory_space<vmem>>[vector<16xi32>, vector<16xi32>], vector<16xf32>,
      %add3A_2788 = arith.constant 1 : i32
      %add3A_2789 = arith.addi %scan3A_1379, %add3A_2788 : i32
      %lt3A_2790 = arith.constant 32 : i32
      %lt3A_2791 = arith.cmpi slt, %add3A_2789, %lt3A_2790 : i32
      %convert_element_type3A_2792 = arith.extui %lt3A_2791 : i1 to i32
      %cond3A_2793 = arith.constant 0 : i32
      %cond3A_2794 = arith.cmpi ne, %convert_element_type3A_2792, %cond3A_2793 : i32
      scf.if %cond3A_2794 {
        %add3A_2877 = arith.constant 1 : i32
        %add3A_2878 = arith.addi %scan3A_1379, %add3A_2877 : i32
        %mul3A_2879 = arith.constant 16 : i32
        %mul3A_2880 = arith.muli %add3A_2878, %mul3A_2879 : i32
        %get3A_2881 = arith.index_cast %mul3A_2880 : i32 to index
        %get3A_2882 = tpu.vector_load %arg7[%get3A_2881] {strides = array<i32>} : memref<512xi32, #tpu.memory_space<vmem>>, vector<16xi32>,
        %mul3A_2883 = arith.constant 16 : i32
        %mul3A_2884 = arith.muli %add3A_2878, %mul3A_2883 : i32
        %get3A_2885 = arith.index_cast %mul3A_2884 : i32 to index
        %get3A_2886 = tpu.vector_load %arg8[%get3A_2885] {strides = array<i32>} : memref<512xi32, #tpu.memory_space<vmem>>, vector<16xi32>,
        %slice3A_2887 = vector.extract_strided_slice %get3A_2882 {offsets = [8], sizes = [1], strides = [1]} : vector<16xi32> to vector<1xi32>
        %squeeze3A_2888 = vector.extract %slice3A_2887[0] : i32 from vector<1xi32>
        %jit3A_2889 = arith.constant 128 : i32
        %div3A_2890 = arith.divsi %squeeze3A_2888, %jit3A_2889 : i32
        %sign3A_2891 = arith.constant 0 : i32
        %sign3A_2892 = arith.cmpi sgt, %squeeze3A_2888, %sign3A_2891 : i32
        %sign3A_2893 = arith.extui %sign3A_2892 : i1 to i32
        %sign3A_2894 = arith.constant 0 : i32
        %sign3A_2895 = arith.cmpi slt, %squeeze3A_2888, %sign3A_2894 : i32
        %sign3A_2896 = arith.extui %sign3A_2895 : i1 to i32
        %sign3A_2897 = arith.subi %sign3A_2893, %sign3A_2896 : i32
        %sign3A_2898 = arith.constant 0 : i32
        %sign3A_2899 = arith.cmpi sgt, %jit3A_2889, %sign3A_2898 : i32
        %sign3A_2900 = arith.extui %sign3A_2899 : i1 to i32
        %sign3A_2901 = arith.constant 0 : i32
        %sign3A_2902 = arith.cmpi slt, %jit3A_2889, %sign3A_2901 : i32
        %sign3A_2903 = arith.extui %sign3A_2902 : i1 to i32
        %sign3A_2904 = arith.subi %sign3A_2900, %sign3A_2903 : i32
        %ne3A_2905 = arith.cmpi ne, %sign3A_2897, %sign3A_2904 : i32
        %rem3A_2906 = arith.remsi %squeeze3A_2888, %jit3A_2889 : i32
        %ne3A_2907 = arith.constant 0 : i32
        %ne3A_2908 = arith.cmpi ne, %rem3A_2906, %ne3A_2907 : i32
        %and3A_2909 = arith.andi %ne3A_2905, %ne3A_2908 : i1
        %sub3A_2910 = arith.constant 1 : i32
        %sub3A_2911 = arith.subi %div3A_2890, %sub3A_2910 : i32
        %select_n3A_2912 = arith.select %and3A_2909, %sub3A_2911, %div3A_2890 : i32
        %mul3A_2913 = arith.constant 128 : i32
        %mul3A_2914 = arith.muli %select_n3A_2912, %mul3A_2913 : i32
        %multiple_of3A_2915 = tpu.assume_multiple %mul3A_2914, 128 : i32
        %slice3A_2916 = vector.extract_strided_slice %get3A_2886 {offsets = [8], sizes = [1], strides = [1]} : vector<16xi32> to vector<1xi32>
        %squeeze3A_2917 = vector.extract %slice3A_2916[0] : i32 from vector<1xi32>
        %jit3A_2918 = arith.constant 128 : i32
        %div3A_2919 = arith.divsi %squeeze3A_2917, %jit3A_2918 : i32
        %sign3A_2920 = arith.constant 0 : i32
        %sign3A_2921 = arith.cmpi sgt, %squeeze3A_2917, %sign3A_2920 : i32
        %sign3A_2922 = arith.extui %sign3A_2921 : i1 to i32
        %sign3A_2923 = arith.constant 0 : i32
        %sign3A_2924 = arith.cmpi slt, %squeeze3A_2917, %sign3A_2923 : i32
        %sign3A_2925 = arith.extui %sign3A_2924 : i1 to i32
        %sign3A_2926 = arith.subi %sign3A_2922, %sign3A_2925 : i32
        %sign3A_2927 = arith.constant 0 : i32
        %sign3A_2928 = arith.cmpi sgt, %jit3A_2918, %sign3A_2927 : i32
        %sign3A_2929 = arith.extui %sign3A_2928 : i1 to i32
        %sign3A_2930 = arith.constant 0 : i32
        %sign3A_2931 = arith.cmpi slt, %jit3A_2918, %sign3A_2930 : i32
        %sign3A_2932 = arith.extui %sign3A_2931 : i1 to i32
        %sign3A_2933 = arith.subi %sign3A_2929, %sign3A_2932 : i32
        %ne3A_2934 = arith.cmpi ne, %sign3A_2926, %sign3A_2933 : i32
        %rem3A_2935 = arith.remsi %squeeze3A_2917, %jit3A_2918 : i32
        %ne3A_2936 = arith.constant 0 : i32
        %ne3A_2937 = arith.cmpi ne, %rem3A_2935, %ne3A_2936 : i32
        %and3A_2938 = arith.andi %ne3A_2934, %ne3A_2937 : i1
        %sub3A_2939 = arith.constant 1 : i32
        %sub3A_2940 = arith.subi %div3A_2919, %sub3A_2939 : i32
        %select_n3A_2941 = arith.select %and3A_2938, %sub3A_2940, %div3A_2919 : i32
        %mul3A_2942 = arith.constant 128 : i32
        %mul3A_2943 = arith.muli %select_n3A_2941, %mul3A_2942 : i32
        %multiple_of3A_2944 = tpu.assume_multiple %mul3A_2943, 128 : i32
        %dma_start3A_2945 = arith.constant 1 : i32
        %dma_start3A_2946 = arith.constant 0 : i32
        %dma_start3A_2947 = arith.constant 0 : i32
        %dma_start3A_2948 = arith.constant 0 : i32
        %dma_start3A_2949 = tpu.memref_slice %arg9[%dma_start3A_2945, %dma_start3A_2946, %dma_start3A_2947, %dma_start3A_2948] : memref<2x8x16x128xf32, #tpu.memory_space<vmem>> -> memref<1x1x16x128xf32, #tpu.memory_space<vmem>>
        %dma_start3A_2950 = tpu.memref_squeeze %dma_start3A_2949 : memref<1x1x16x128xf32, #tpu.memory_space<vmem>> -> memref<16x128xf32, #tpu.memory_space<vmem>>
        %dma_start3A_2951 = arith.constant 0 : i32
        %dma_start3A_2952 = tpu.memref_slice %arg4[%dma_start3A_2951, %multiple_of3A_2915] : memref<16x1000000xf32, #tpu.memory_space<hbm>> -> memref<16x128xf32, #tpu.memory_space<hbm>>
        %dma_start3A_2953 = arith.constant 0 : i32
        %dma_start3A_2954 = arith.constant 0 : i32
        %dma_start3A_2955 = tpu.memref_slice %arg9[%dma_start3A_2945, %dma_start3A_2946, %dma_start3A_2953, %dma_start3A_2954] : memref<2x8x16x128xf32, #tpu.memory_space<vmem>> -> memref<1x1x16x128xf32, #tpu.memory_space<vmem>>
        %dma_start3A_2956 = tpu.memref_squeeze %dma_start3A_2955 : memref<1x1x16x128xf32, #tpu.memory_space<vmem>> -> memref<16x128xf32, #tpu.memory_space<vmem>>
        %dma_start3A_2957 = arith.constant 0 : i32
        %dma_start3A_2958 = tpu.memref_slice %arg4[%dma_start3A_2957, %multiple_of3A_2915] : memref<16x1000000xf32, #tpu.memory_space<hbm>> -> memref<16x128xf32, #tpu.memory_space<hbm>>
        tpu.enqueue_dma source(%dma_start3A_2958 : memref<16x128xf32, #tpu.memory_space<hbm>>) target(%dma_start3A_2956 : memref<16x128xf32, #tpu.memory_space<vmem>>) target_semaphore(%arg14 : memref<!tpu.dma_semaphore, #tpu.memory_space<semaphore_mem>>)
        %dma_start3A_2959 = arith.constant 1 : i32
        %dma_start3A_2960 = arith.constant 0 : i32
        %dma_start3A_2961 = arith.constant 0 : i32
        %dma_start3A_2962 = arith.constant 0 : i32
        %dma_start3A_2963 = tpu.memref_slice %arg10[%dma_start3A_2959, %dma_start3A_2960, %dma_start3A_2961, %dma_start3A_2962] : memref<2x8x16x128xf32, #tpu.memory_space<vmem>> -> memref<1x1x16x128xf32, #tpu.memory_space<vmem>>
        %dma_start3A_2964 = tpu.memref_squeeze %dma_start3A_2963 : memref<1x1x16x128xf32, #tpu.memory_space<vmem>> -> memref<16x128xf32, #tpu.memory_space<vmem>>
        %dma_start3A_2965 = arith.constant 0 : i32
        %dma_start3A_2966 = tpu.memref_slice %arg5[%dma_start3A_2965, %multiple_of3A_2944] : memref<16x1000000xf32, #tpu.memory_space<hbm>> -> memref<16x128xf32, #tpu.memory_space<hbm>>
        %dma_start3A_2967 = arith.constant 0 : i32
        %dma_start3A_2968 = arith.constant 0 : i32
        %dma_start3A_2969 = tpu.memref_slice %arg10[%dma_start3A_2959, %dma_start3A_2960, %dma_start3A_2967, %dma_start3A_2968] : memref<2x8x16x128xf32, #tpu.memory_space<vmem>> -> memref<1x1x16x128xf32, #tpu.memory_space<vmem>>
        %dma_start3A_2970 = tpu.memref_squeeze %dma_start3A_2969 : memref<1x1x16x128xf32, #tpu.memory_space<vmem>> -> memref<16x128xf32, #tpu.memory_space<vmem>>
        %dma_start3A_2971 = arith.constant 0 : i32
        %dma_start3A_2972 = tpu.memref_slice %arg5[%dma_start3A_2971, %multiple_of3A_2944] : memref<16x1000000xf32, #tpu.memory_space<hbm>> -> memref<16x128xf32, #tpu.memory_space<hbm>>
        tpu.enqueue_dma source(%dma_start3A_2972 : memref<16x128xf32, #tpu.memory_space<hbm>>) target(%dma_start3A_2970 : memref<16x128xf32, #tpu.memory_space<vmem>>) target_semaphore(%arg14 : memref<!tpu.dma_semaphore, #tpu.memory_space<semaphore_mem>>)
        %slice3A_2973 = vector.extract_strided_slice %get3A_2882 {offsets = [9], sizes = [1], strides = [1]} : vector<16xi32> to vector<1xi32>
        %squeeze3A_2974 = vector.extract %slice3A_2973[0] : i32 from vector<1xi32>
        %jit3A_2975 = arith.constant 128 : i32
        %div3A_2976 = arith.divsi %squeeze3A_2974, %jit3A_2975 : i32
        %sign3A_2977 = arith.constant 0 : i32
        %sign3A_2978 = arith.cmpi sgt, %squeeze3A_2974, %sign3A_2977 : i32
        %sign3A_2979 = arith.extui %sign3A_2978 : i1 to i32
        %sign3A_2980 = arith.constant 0 : i32
        %sign3A_2981 = arith.cmpi slt, %squeeze3A_2974, %sign3A_2980 : i32
        %sign3A_2982 = arith.extui %sign3A_2981 : i1 to i32
        %sign3A_2983 = arith.subi %sign3A_2979, %sign3A_2982 : i32
        %sign3A_2984 = arith.constant 0 : i32
        %sign3A_2985 = arith.cmpi sgt, %jit3A_2975, %sign3A_2984 : i32
        %sign3A_2986 = arith.extui %sign3A_2985 : i1 to i32
        %sign3A_2987 = arith.constant 0 : i32
        %sign3A_2988 = arith.cmpi slt, %jit3A_2975, %sign3A_2987 : i32
        %sign3A_2989 = arith.extui %sign3A_2988 : i1 to i32
        %sign3A_2990 = arith.subi %sign3A_2986, %sign3A_2989 : i32
        %ne3A_2991 = arith.cmpi ne, %sign3A_2983, %sign3A_2990 : i32
        %rem3A_2992 = arith.remsi %squeeze3A_2974, %jit3A_2975 : i32
        %ne3A_2993 = arith.constant 0 : i32
        %ne3A_2994 = arith.cmpi ne, %rem3A_2992, %ne3A_2993 : i32
        %and3A_2995 = arith.andi %ne3A_2991, %ne3A_2994 : i1
        %sub3A_2996 = arith.constant 1 : i32
        %sub3A_2997 = arith.subi %div3A_2976, %sub3A_2996 : i32
        %select_n3A_2998 = arith.select %and3A_2995, %sub3A_2997, %div3A_2976 : i32
        %mul3A_2999 = arith.constant 128 : i32
        %mul3A_3000 = arith.muli %select_n3A_2998, %mul3A_2999 : i32
        %multiple_of3A_3001 = tpu.assume_multiple %mul3A_3000, 128 : i32
        %slice3A_3002 = vector.extract_strided_slice %get3A_2886 {offsets = [9], sizes = [1], strides = [1]} : vector<16xi32> to vector<1xi32>
        %squeeze3A_3003 = vector.extract %slice3A_3002[0] : i32 from vector<1xi32>
        %jit3A_3004 = arith.constant 128 : i32
        %div3A_3005 = arith.divsi %squeeze3A_3003, %jit3A_3004 : i32
        %sign3A_3006 = arith.constant 0 : i32
        %sign3A_3007 = arith.cmpi sgt, %squeeze3A_3003, %sign3A_3006 : i32
        %sign3A_3008 = arith.extui %sign3A_3007 : i1 to i32
        %sign3A_3009 = arith.constant 0 : i32
        %sign3A_3010 = arith.cmpi slt, %squeeze3A_3003, %sign3A_3009 : i32
        %sign3A_3011 = arith.extui %sign3A_3010 : i1 to i32
        %sign3A_3012 = arith.subi %sign3A_3008, %sign3A_3011 : i32
        %sign3A_3013 = arith.constant 0 : i32
        %sign3A_3014 = arith.cmpi sgt, %jit3A_3004, %sign3A_3013 : i32
        %sign3A_3015 = arith.extui %sign3A_3014 : i1 to i32
        %sign3A_3016 = arith.constant 0 : i32
        %sign3A_3017 = arith.cmpi slt, %jit3A_3004, %sign3A_3016 : i32
        %sign3A_3018 = arith.extui %sign3A_3017 : i1 to i32
        %sign3A_3019 = arith.subi %sign3A_3015, %sign3A_3018 : i32
        %ne3A_3020 = arith.cmpi ne, %sign3A_3012, %sign3A_3019 : i32
        %rem3A_3021 = arith.remsi %squeeze3A_3003, %jit3A_3004 : i32
        %ne3A_3022 = arith.constant 0 : i32
        %ne3A_3023 = arith.cmpi ne, %rem3A_3021, %ne3A_3022 : i32
        %and3A_3024 = arith.andi %ne3A_3020, %ne3A_3023 : i1
        %sub3A_3025 = arith.constant 1 : i32
        %sub3A_3026 = arith.subi %div3A_3005, %sub3A_3025 : i32
        %select_n3A_3027 = arith.select %and3A_3024, %sub3A_3026, %div3A_3005 : i32
        %mul3A_3028 = arith.constant 128 : i32
        %mul3A_3029 = arith.muli %select_n3A_3027, %mul3A_3028 : i32
        %multiple_of3A_3030 = tpu.assume_multiple %mul3A_3029, 128 : i32
        %dma_start3A_3031 = arith.constant 1 : i32
        %dma_start3A_3032 = arith.constant 1 : i32
        %dma_start3A_3033 = arith.constant 0 : i32
        %dma_start3A_3034 = arith.constant 0 : i32
        %dma_start3A_3035 = tpu.memref_slice %arg9[%dma_start3A_3031, %dma_start3A_3032, %dma_start3A_3033, %dma_start3A_3034] : memref<2x8x16x128xf32, #tpu.memory_space<vmem>> -> memref<1x1x16x128xf32, #tpu.memory_space<vmem>>
        %dma_start3A_3036 = tpu.memref_squeeze %dma_start3A_3035 : memref<1x1x16x128xf32, #tpu.memory_space<vmem>> -> memref<16x128xf32, #tpu.memory_space<vmem>>
        %dma_start3A_3037 = arith.constant 0 : i32
        %dma_start3A_3038 = tpu.memref_slice %arg4[%dma_start3A_3037, %multiple_of3A_3001] : memref<16x1000000xf32, #tpu.memory_space<hbm>> -> memref<16x128xf32, #tpu.memory_space<hbm>>
        %dma_start3A_3039 = arith.constant 0 : i32
        %dma_start3A_3040 = arith.constant 0 : i32
        %dma_start3A_3041 = tpu.memref_slice %arg9[%dma_start3A_3031, %dma_start3A_3032, %dma_start3A_3039, %dma_start3A_3040] : memref<2x8x16x128xf32, #tpu.memory_space<vmem>> -> memref<1x1x16x128xf32, #tpu.memory_space<vmem>>
        %dma_start3A_3042 = tpu.memref_squeeze %dma_start3A_3041 : memref<1x1x16x128xf32, #tpu.memory_space<vmem>> -> memref<16x128xf32, #tpu.memory_space<vmem>>
        %dma_start3A_3043 = arith.constant 0 : i32
        %dma_start3A_3044 = tpu.memref_slice %arg4[%dma_start3A_3043, %multiple_of3A_3001] : memref<16x1000000xf32, #tpu.memory_space<hbm>> -> memref<16x128xf32, #tpu.memory_space<hbm>>
        tpu.enqueue_dma source(%dma_start3A_3044 : memref<16x128xf32, #tpu.memory_space<hbm>>) target(%dma_start3A_3042 : memref<16x128xf32, #tpu.memory_space<vmem>>) target_semaphore(%arg14 : memref<!tpu.dma_semaphore, #tpu.memory_space<semaphore_mem>>)
        %dma_start3A_3045 = arith.constant 1 : i32
        %dma_start3A_3046 = arith.constant 1 : i32
        %dma_start3A_3047 = arith.constant 0 : i32
        %dma_start3A_3048 = arith.constant 0 : i32
        %dma_start3A_3049 = tpu.memref_slice %arg10[%dma_start3A_3045, %dma_start3A_3046, %dma_start3A_3047, %dma_start3A_3048] : memref<2x8x16x128xf32, #tpu.memory_space<vmem>> -> memref<1x1x16x128xf32, #tpu.memory_space<vmem>>
        %dma_start3A_3050 = tpu.memref_squeeze %dma_start3A_3049 : memref<1x1x16x128xf32, #tpu.memory_space<vmem>> -> memref<16x128xf32, #tpu.memory_space<vmem>>
        %dma_start3A_3051 = arith.constant 0 : i32
        %dma_start3A_3052 = tpu.memref_slice %arg5[%dma_start3A_3051, %multiple_of3A_3030] : memref<16x1000000xf32, #tpu.memory_space<hbm>> -> memref<16x128xf32, #tpu.memory_space<hbm>>
        %dma_start3A_3053 = arith.constant 0 : i32
        %dma_start3A_3054 = arith.constant 0 : i32
        %dma_start3A_3055 = tpu.memref_slice %arg10[%dma_start3A_3045, %dma_start3A_3046, %dma_start3A_3053, %dma_start3A_3054] : memref<2x8x16x128xf32, #tpu.memory_space<vmem>> -> memref<1x1x16x128xf32, #tpu.memory_space<vmem>>
        %dma_start3A_3056 = tpu.memref_squeeze %dma_start3A_3055 : memref<1x1x16x128xf32, #tpu.memory_space<vmem>> -> memref<16x128xf32, #tpu.memory_space<vmem>>
        %dma_start3A_3057 = arith.constant 0 : i32
        %dma_start3A_3058 = tpu.memref_slice %arg5[%dma_start3A_3057, %multiple_of3A_3030] : memref<16x1000000xf32, #tpu.memory_space<hbm>> -> memref<16x128xf32, #tpu.memory_space<hbm>>
        tpu.enqueue_dma source(%dma_start3A_3058 : memref<16x128xf32, #tpu.memory_space<hbm>>) target(%dma_start3A_3056 : memref<16x128xf32, #tpu.memory_space<vmem>>) target_semaphore(%arg14 : memref<!tpu.dma_semaphore, #tpu.memory_space<semaphore_mem>>)
        %slice3A_3059 = vector.extract_strided_slice %get3A_2882 {offsets = [10], sizes = [1], strides = [1]} : vector<16xi32> to vector<1xi32>
        %squeeze3A_3060 = vector.extract %slice3A_3059[0] : i32 from vector<1xi32>
        %jit3A_3061 = arith.constant 128 : i32
        %div3A_3062 = arith.divsi %squeeze3A_3060, %jit3A_3061 : i32
        %sign3A_3063 = arith.constant 0 : i32
        %sign3A_3064 = arith.cmpi sgt, %squeeze3A_3060, %sign3A_3063 : i32
        %sign3A_3065 = arith.extui %sign3A_3064 : i1 to i32
        %sign3A_3066 = arith.constant 0 : i32
        %sign3A_3067 = arith.cmpi slt, %squeeze3A_3060, %sign3A_3066 : i32
        %sign3A_3068 = arith.extui %sign3A_3067 : i1 to i32
        %sign3A_3069 = arith.subi %sign3A_3065, %sign3A_3068 : i32
        %sign3A_3070 = arith.constant 0 : i32
        %sign3A_3071 = arith.cmpi sgt, %jit3A_3061, %sign3A_3070 : i32
        %sign3A_3072 = arith.extui %sign3A_3071 : i1 to i32
        %sign3A_3073 = arith.constant 0 : i32
        %sign3A_3074 = arith.cmpi slt, %jit3A_3061, %sign3A_3073 : i32
        %sign3A_3075 = arith.extui %sign3A_3074 : i1 to i32
        %sign3A_3076 = arith.subi %sign3A_3072, %sign3A_3075 : i32
        %ne3A_3077 = arith.cmpi ne, %sign3A_3069, %sign3A_3076 : i32
        %rem3A_3078 = arith.remsi %squeeze3A_3060, %jit3A_3061 : i32
        %ne3A_3079 = arith.constant 0 : i32
        %ne3A_3080 = arith.cmpi ne, %rem3A_3078, %ne3A_3079 : i32
        %and3A_3081 = arith.andi %ne3A_3077, %ne3A_3080 : i1
        %sub3A_3082 = arith.constant 1 : i32
        %sub3A_3083 = arith.subi %div3A_3062, %sub3A_3082 : i32
        %select_n3A_3084 = arith.select %and3A_3081, %sub3A_3083, %div3A_3062 : i32
        %mul3A_3085 = arith.constant 128 : i32
        %mul3A_3086 = arith.muli %select_n3A_3084, %mul3A_3085 : i32
        %multiple_of3A_3087 = tpu.assume_multiple %mul3A_3086, 128 : i32
        %slice3A_3088 = vector.extract_strided_slice %get3A_2886 {offsets = [10], sizes = [1], strides = [1]} : vector<16xi32> to vector<1xi32>
        %squeeze3A_3089 = vector.extract %slice3A_3088[0] : i32 from vector<1xi32>
        %jit3A_3090 = arith.constant 128 : i32
        %div3A_3091 = arith.divsi %squeeze3A_3089, %jit3A_3090 : i32
        %sign3A_3092 = arith.constant 0 : i32
        %sign3A_3093 = arith.cmpi sgt, %squeeze3A_3089, %sign3A_3092 : i32
        %sign3A_3094 = arith.extui %sign3A_3093 : i1 to i32
        %sign3A_3095 = arith.constant 0 : i32
        %sign3A_3096 = arith.cmpi slt, %squeeze3A_3089, %sign3A_3095 : i32
        %sign3A_3097 = arith.extui %sign3A_3096 : i1 to i32
        %sign3A_3098 = arith.subi %sign3A_3094, %sign3A_3097 : i32
        %sign3A_3099 = arith.constant 0 : i32
        %sign3A_3100 = arith.cmpi sgt, %jit3A_3090, %sign3A_3099 : i32
        %sign3A_3101 = arith.extui %sign3A_3100 : i1 to i32
        %sign3A_3102 = arith.constant 0 : i32
        %sign3A_3103 = arith.cmpi slt, %jit3A_3090, %sign3A_3102 : i32
        %sign3A_3104 = arith.extui %sign3A_3103 : i1 to i32
        %sign3A_3105 = arith.subi %sign3A_3101, %sign3A_3104 : i32
        %ne3A_3106 = arith.cmpi ne, %sign3A_3098, %sign3A_3105 : i32
        %rem3A_3107 = arith.remsi %squeeze3A_3089, %jit3A_3090 : i32
        %ne3A_3108 = arith.constant 0 : i32
        %ne3A_3109 = arith.cmpi ne, %rem3A_3107, %ne3A_3108 : i32
        %and3A_3110 = arith.andi %ne3A_3106, %ne3A_3109 : i1
        %sub3A_3111 = arith.constant 1 : i32
        %sub3A_3112 = arith.subi %div3A_3091, %sub3A_3111 : i32
        %select_n3A_3113 = arith.select %and3A_3110, %sub3A_3112, %div3A_3091 : i32
        %mul3A_3114 = arith.constant 128 : i32
        %mul3A_3115 = arith.muli %select_n3A_3113, %mul3A_3114 : i32
        %multiple_of3A_3116 = tpu.assume_multiple %mul3A_3115, 128 : i32
        %dma_start3A_3117 = arith.constant 1 : i32
        %dma_start3A_3118 = arith.constant 2 : i32
        %dma_start3A_3119 = arith.constant 0 : i32
        %dma_start3A_3120 = arith.constant 0 : i32
        %dma_start3A_3121 = tpu.memref_slice %arg9[%dma_start3A_3117, %dma_start3A_3118, %dma_start3A_3119, %dma_start3A_3120] : memref<2x8x16x128xf32, #tpu.memory_space<vmem>> -> memref<1x1x16x128xf32, #tpu.memory_space<vmem>>
        %dma_start3A_3122 = tpu.memref_squeeze %dma_start3A_3121 : memref<1x1x16x128xf32, #tpu.memory_space<vmem>> -> memref<16x128xf32, #tpu.memory_space<vmem>>
        %dma_start3A_3123 = arith.constant 0 : i32
        %dma_start3A_3124 = tpu.memref_slice %arg4[%dma_start3A_3123, %multiple_of3A_3087] : memref<16x1000000xf32, #tpu.memory_space<hbm>> -> memref<16x128xf32, #tpu.memory_space<hbm>>
        %dma_start3A_3125 = arith.constant 0 : i32
        %dma_start3A_3126 = arith.constant 0 : i32
        %dma_start3A_3127 = tpu.memref_slice %arg9[%dma_start3A_3117, %dma_start3A_3118, %dma_start3A_3125, %dma_start3A_3126] : memref<2x8x16x128xf32, #tpu.memory_space<vmem>> -> memref<1x1x16x128xf32, #tpu.memory_space<vmem>>
        %dma_start3A_3128 = tpu.memref_squeeze %dma_start3A_3127 : memref<1x1x16x128xf32, #tpu.memory_space<vmem>> -> memref<16x128xf32, #tpu.memory_space<vmem>>
        %dma_start3A_3129 = arith.constant 0 : i32
        %dma_start3A_3130 = tpu.memref_slice %arg4[%dma_start3A_3129, %multiple_of3A_3087] : memref<16x1000000xf32, #tpu.memory_space<hbm>> -> memref<16x128xf32, #tpu.memory_space<hbm>>
        tpu.enqueue_dma source(%dma_start3A_3130 : memref<16x128xf32, #tpu.memory_space<hbm>>) target(%dma_start3A_3128 : memref<16x128xf32, #tpu.memory_space<vmem>>) target_semaphore(%arg14 : memref<!tpu.dma_semaphore, #tpu.memory_space<semaphore_mem>>)
        %dma_start3A_3131 = arith.constant 1 : i32
        %dma_start3A_3132 = arith.constant 2 : i32
        %dma_start3A_3133 = arith.constant 0 : i32
        %dma_start3A_3134 = arith.constant 0 : i32
        %dma_start3A_3135 = tpu.memref_slice %arg10[%dma_start3A_3131, %dma_start3A_3132, %dma_start3A_3133, %dma_start3A_3134] : memref<2x8x16x128xf32, #tpu.memory_space<vmem>> -> memref<1x1x16x128xf32, #tpu.memory_space<vmem>>
        %dma_start3A_3136 = tpu.memref_squeeze %dma_start3A_3135 : memref<1x1x16x128xf32, #tpu.memory_space<vmem>> -> memref<16x128xf32, #tpu.memory_space<vmem>>
        %dma_start3A_3137 = arith.constant 0 : i32
        %dma_start3A_3138 = tpu.memref_slice %arg5[%dma_start3A_3137, %multiple_of3A_3116] : memref<16x1000000xf32, #tpu.memory_space<hbm>> -> memref<16x128xf32, #tpu.memory_space<hbm>>
        %dma_start3A_3139 = arith.constant 0 : i32
        %dma_start3A_3140 = arith.constant 0 : i32
        %dma_start3A_3141 = tpu.memref_slice %arg10[%dma_start3A_3131, %dma_start3A_3132, %dma_start3A_3139, %dma_start3A_3140] : memref<2x8x16x128xf32, #tpu.memory_space<vmem>> -> memref<1x1x16x128xf32, #tpu.memory_space<vmem>>
        %dma_start3A_3142 = tpu.memref_squeeze %dma_start3A_3141 : memref<1x1x16x128xf32, #tpu.memory_space<vmem>> -> memref<16x128xf32, #tpu.memory_space<vmem>>
        %dma_start3A_3143 = arith.constant 0 : i32
        %dma_start3A_3144 = tpu.memref_slice %arg5[%dma_start3A_3143, %multiple_of3A_3116] : memref<16x1000000xf32, #tpu.memory_space<hbm>> -> memref<16x128xf32, #tpu.memory_space<hbm>>
        tpu.enqueue_dma source(%dma_start3A_3144 : memref<16x128xf32, #tpu.memory_space<hbm>>) target(%dma_start3A_3142 : memref<16x128xf32, #tpu.memory_space<vmem>>) target_semaphore(%arg14 : memref<!tpu.dma_semaphore, #tpu.memory_space<semaphore_mem>>)
        %slice3A_3145 = vector.extract_strided_slice %get3A_2882 {offsets = [11], sizes = [1], strides = [1]} : vector<16xi32> to vector<1xi32>
        %squeeze3A_3146 = vector.extract %slice3A_3145[0] : i32 from vector<1xi32>
        %jit3A_3147 = arith.constant 128 : i32
        %div3A_3148 = arith.divsi %squeeze3A_3146, %jit3A_3147 : i32
        %sign3A_3149 = arith.constant 0 : i32
        %sign3A_3150 = arith.cmpi sgt, %squeeze3A_3146, %sign3A_3149 : i32
        %sign3A_3151 = arith.extui %sign3A_3150 : i1 to i32
        %sign3A_3152 = arith.constant 0 : i32
        %sign3A_3153 = arith.cmpi slt, %squeeze3A_3146, %sign3A_3152 : i32
        %sign3A_3154 = arith.extui %sign3A_3153 : i1 to i32
        %sign3A_3155 = arith.subi %sign3A_3151, %sign3A_3154 : i32
        %sign3A_3156 = arith.constant 0 : i32
        %sign3A_3157 = arith.cmpi sgt, %jit3A_3147, %sign3A_3156 : i32
        %sign3A_3158 = arith.extui %sign3A_3157 : i1 to i32
        %sign3A_3159 = arith.constant 0 : i32
        %sign3A_3160 = arith.cmpi slt, %jit3A_3147, %sign3A_3159 : i32
        %sign3A_3161 = arith.extui %sign3A_3160 : i1 to i32
        %sign3A_3162 = arith.subi %sign3A_3158, %sign3A_3161 : i32
        %ne3A_3163 = arith.cmpi ne, %sign3A_3155, %sign3A_3162 : i32
        %rem3A_3164 = arith.remsi %squeeze3A_3146, %jit3A_3147 : i32
        %ne3A_3165 = arith.constant 0 : i32
        %ne3A_3166 = arith.cmpi ne, %rem3A_3164, %ne3A_3165 : i32
        %and3A_3167 = arith.andi %ne3A_3163, %ne3A_3166 : i1
        %sub3A_3168 = arith.constant 1 : i32
        %sub3A_3169 = arith.subi %div3A_3148, %sub3A_3168 : i32
        %select_n3A_3170 = arith.select %and3A_3167, %sub3A_3169, %div3A_3148 : i32
        %mul3A_3171 = arith.constant 128 : i32
        %mul3A_3172 = arith.muli %select_n3A_3170, %mul3A_3171 : i32
        %multiple_of3A_3173 = tpu.assume_multiple %mul3A_3172, 128 : i32
        %slice3A_3174 = vector.extract_strided_slice %get3A_2886 {offsets = [11], sizes = [1], strides = [1]} : vector<16xi32> to vector<1xi32>
        %squeeze3A_3175 = vector.extract %slice3A_3174[0] : i32 from vector<1xi32>
        %jit3A_3176 = arith.constant 128 : i32
        %div3A_3177 = arith.divsi %squeeze3A_3175, %jit3A_3176 : i32
        %sign3A_3178 = arith.constant 0 : i32
        %sign3A_3179 = arith.cmpi sgt, %squeeze3A_3175, %sign3A_3178 : i32
        %sign3A_3180 = arith.extui %sign3A_3179 : i1 to i32
        %sign3A_3181 = arith.constant 0 : i32
        %sign3A_3182 = arith.cmpi slt, %squeeze3A_3175, %sign3A_3181 : i32
        %sign3A_3183 = arith.extui %sign3A_3182 : i1 to i32
        %sign3A_3184 = arith.subi %sign3A_3180, %sign3A_3183 : i32
        %sign3A_3185 = arith.constant 0 : i32
        %sign3A_3186 = arith.cmpi sgt, %jit3A_3176, %sign3A_3185 : i32
        %sign3A_3187 = arith.extui %sign3A_3186 : i1 to i32
        %sign3A_3188 = arith.constant 0 : i32
        %sign3A_3189 = arith.cmpi slt, %jit3A_3176, %sign3A_3188 : i32
        %sign3A_3190 = arith.extui %sign3A_3189 : i1 to i32
        %sign3A_3191 = arith.subi %sign3A_3187, %sign3A_3190 : i32
        %ne3A_3192 = arith.cmpi ne, %sign3A_3184, %sign3A_3191 : i32
        %rem3A_3193 = arith.remsi %squeeze3A_3175, %jit3A_3176 : i32
        %ne3A_3194 = arith.constant 0 : i32
        %ne3A_3195 = arith.cmpi ne, %rem3A_3193, %ne3A_3194 : i32
        %and3A_3196 = arith.andi %ne3A_3192, %ne3A_3195 : i1
        %sub3A_3197 = arith.constant 1 : i32
        %sub3A_3198 = arith.subi %div3A_3177, %sub3A_3197 : i32
        %select_n3A_3199 = arith.select %and3A_3196, %sub3A_3198, %div3A_3177 : i32
        %mul3A_3200 = arith.constant 128 : i32
        %mul3A_3201 = arith.muli %select_n3A_3199, %mul3A_3200 : i32
        %multiple_of3A_3202 = tpu.assume_multiple %mul3A_3201, 128 : i32
        %dma_start3A_3203 = arith.constant 1 : i32
        %dma_start3A_3204 = arith.constant 3 : i32
        %dma_start3A_3205 = arith.constant 0 : i32
        %dma_start3A_3206 = arith.constant 0 : i32
        %dma_start3A_3207 = tpu.memref_slice %arg9[%dma_start3A_3203, %dma_start3A_3204, %dma_start3A_3205, %dma_start3A_3206] : memref<2x8x16x128xf32, #tpu.memory_space<vmem>> -> memref<1x1x16x128xf32, #tpu.memory_space<vmem>>
        %dma_start3A_3208 = tpu.memref_squeeze %dma_start3A_3207 : memref<1x1x16x128xf32, #tpu.memory_space<vmem>> -> memref<16x128xf32, #tpu.memory_space<vmem>>
        %dma_start3A_3209 = arith.constant 0 : i32
        %dma_start3A_3210 = tpu.memref_slice %arg4[%dma_start3A_3209, %multiple_of3A_3173] : memref<16x1000000xf32, #tpu.memory_space<hbm>> -> memref<16x128xf32, #tpu.memory_space<hbm>>
        %dma_start3A_3211 = arith.constant 0 : i32
        %dma_start3A_3212 = arith.constant 0 : i32
        %dma_start3A_3213 = tpu.memref_slice %arg9[%dma_start3A_3203, %dma_start3A_3204, %dma_start3A_3211, %dma_start3A_3212] : memref<2x8x16x128xf32, #tpu.memory_space<vmem>> -> memref<1x1x16x128xf32, #tpu.memory_space<vmem>>
        %dma_start3A_3214 = tpu.memref_squeeze %dma_start3A_3213 : memref<1x1x16x128xf32, #tpu.memory_space<vmem>> -> memref<16x128xf32, #tpu.memory_space<vmem>>
        %dma_start3A_3215 = arith.constant 0 : i32
        %dma_start3A_3216 = tpu.memref_slice %arg4[%dma_start3A_3215, %multiple_of3A_3173] : memref<16x1000000xf32, #tpu.memory_space<hbm>> -> memref<16x128xf32, #tpu.memory_space<hbm>>
        tpu.enqueue_dma source(%dma_start3A_3216 : memref<16x128xf32, #tpu.memory_space<hbm>>) target(%dma_start3A_3214 : memref<16x128xf32, #tpu.memory_space<vmem>>) target_semaphore(%arg14 : memref<!tpu.dma_semaphore, #tpu.memory_space<semaphore_mem>>)
        %dma_start3A_3217 = arith.constant 1 : i32
        %dma_start3A_3218 = arith.constant 3 : i32
        %dma_start3A_3219 = arith.constant 0 : i32
        %dma_start3A_3220 = arith.constant 0 : i32
        %dma_start3A_3221 = tpu.memref_slice %arg10[%dma_start3A_3217, %dma_start3A_3218, %dma_start3A_3219, %dma_start3A_3220] : memref<2x8x16x128xf32, #tpu.memory_space<vmem>> -> memref<1x1x16x128xf32, #tpu.memory_space<vmem>>
        %dma_start3A_3222 = tpu.memref_squeeze %dma_start3A_3221 : memref<1x1x16x128xf32, #tpu.memory_space<vmem>> -> memref<16x128xf32, #tpu.memory_space<vmem>>
        %dma_start3A_3223 = arith.constant 0 : i32
        %dma_start3A_3224 = tpu.memref_slice %arg5[%dma_start3A_3223, %multiple_of3A_3202] : memref<16x1000000xf32, #tpu.memory_space<hbm>> -> memref<16x128xf32, #tpu.memory_space<hbm>>
        %dma_start3A_3225 = arith.constant 0 : i32
        %dma_start3A_3226 = arith.constant 0 : i32
        %dma_start3A_3227 = tpu.memref_slice %arg10[%dma_start3A_3217, %dma_start3A_3218, %dma_start3A_3225, %dma_start3A_3226] : memref<2x8x16x128xf32, #tpu.memory_space<vmem>> -> memref<1x1x16x128xf32, #tpu.memory_space<vmem>>
        %dma_start3A_3228 = tpu.memref_squeeze %dma_start3A_3227 : memref<1x1x16x128xf32, #tpu.memory_space<vmem>> -> memref<16x128xf32, #tpu.memory_space<vmem>>
        %dma_start3A_3229 = arith.constant 0 : i32
        %dma_start3A_3230 = tpu.memref_slice %arg5[%dma_start3A_3229, %multiple_of3A_3202] : memref<16x1000000xf32, #tpu.memory_space<hbm>> -> memref<16x128xf32, #tpu.memory_space<hbm>>
        tpu.enqueue_dma source(%dma_start3A_3230 : memref<16x128xf32, #tpu.memory_space<hbm>>) target(%dma_start3A_3228 : memref<16x128xf32, #tpu.memory_space<vmem>>) target_semaphore(%arg14 : memref<!tpu.dma_semaphore, #tpu.memory_space<semaphore_mem>>)
        %slice3A_3231 = vector.extract_strided_slice %get3A_2882 {offsets = [12], sizes = [1], strides = [1]} : vector<16xi32> to vector<1xi32>
        %squeeze3A_3232 = vector.extract %slice3A_3231[0] : i32 from vector<1xi32>
        %jit3A_3233 = arith.constant 128 : i32
        %div3A_3234 = arith.divsi %squeeze3A_3232, %jit3A_3233 : i32
        %sign3A_3235 = arith.constant 0 : i32
        %sign3A_3236 = arith.cmpi sgt, %squeeze3A_3232, %sign3A_3235 : i32
        %sign3A_3237 = arith.extui %sign3A_3236 : i1 to i32
        %sign3A_3238 = arith.constant 0 : i32
        %sign3A_3239 = arith.cmpi slt, %squeeze3A_3232, %sign3A_3238 : i32
        %sign3A_3240 = arith.extui %sign3A_3239 : i1 to i32
        %sign3A_3241 = arith.subi %sign3A_3237, %sign3A_3240 : i32
        %sign3A_3242 = arith.constant 0 : i32
        %sign3A_3243 = arith.cmpi sgt, %jit3A_3233, %sign3A_3242 : i32
        %sign3A_3244 = arith.extui %sign3A_3243 : i1 to i32
        %sign3A_3245 = arith.constant 0 : i32
        %sign3A_3246 = arith.cmpi slt, %jit3A_3233, %sign3A_3245 : i32
        %sign3A_3247 = arith.extui %sign3A_3246 : i1 to i32
        %sign3A_3248 = arith.subi %sign3A_3244, %sign3A_3247 : i32
        %ne3A_3249 = arith.cmpi ne, %sign3A_3241, %sign3A_3248 : i32
        %rem3A_3250 = arith.remsi %squeeze3A_3232, %jit3A_3233 : i32
        %ne3A_3251 = arith.constant 0 : i32
        %ne3A_3252 = arith.cmpi ne, %rem3A_3250, %ne3A_3251 : i32
        %and3A_3253 = arith.andi %ne3A_3249, %ne3A_3252 : i1
        %sub3A_3254 = arith.constant 1 : i32
        %sub3A_3255 = arith.subi %div3A_3234, %sub3A_3254 : i32
        %select_n3A_3256 = arith.select %and3A_3253, %sub3A_3255, %div3A_3234 : i32
        %mul3A_3257 = arith.constant 128 : i32
        %mul3A_3258 = arith.muli %select_n3A_3256, %mul3A_3257 : i32
        %multiple_of3A_3259 = tpu.assume_multiple %mul3A_3258, 128 : i32
        %slice3A_3260 = vector.extract_strided_slice %get3A_2886 {offsets = [12], sizes = [1], strides = [1]} : vector<16xi32> to vector<1xi32>
        %squeeze3A_3261 = vector.extract %slice3A_3260[0] : i32 from vector<1xi32>
        %jit3A_3262 = arith.constant 128 : i32
        %div3A_3263 = arith.divsi %squeeze3A_3261, %jit3A_3262 : i32
        %sign3A_3264 = arith.constant 0 : i32
        %sign3A_3265 = arith.cmpi sgt, %squeeze3A_3261, %sign3A_3264 : i32
        %sign3A_3266 = arith.extui %sign3A_3265 : i1 to i32
        %sign3A_3267 = arith.constant 0 : i32
        %sign3A_3268 = arith.cmpi slt, %squeeze3A_3261, %sign3A_3267 : i32
        %sign3A_3269 = arith.extui %sign3A_3268 : i1 to i32
        %sign3A_3270 = arith.subi %sign3A_3266, %sign3A_3269 : i32
        %sign3A_3271 = arith.constant 0 : i32
        %sign3A_3272 = arith.cmpi sgt, %jit3A_3262, %sign3A_3271 : i32
        %sign3A_3273 = arith.extui %sign3A_3272 : i1 to i32
        %sign3A_3274 = arith.constant 0 : i32
        %sign3A_3275 = arith.cmpi slt, %jit3A_3262, %sign3A_3274 : i32
        %sign3A_3276 = arith.extui %sign3A_3275 : i1 to i32
        %sign3A_3277 = arith.subi %sign3A_3273, %sign3A_3276 : i32
        %ne3A_3278 = arith.cmpi ne, %sign3A_3270, %sign3A_3277 : i32
        %rem3A_3279 = arith.remsi %squeeze3A_3261, %jit3A_3262 : i32
        %ne3A_3280 = arith.constant 0 : i32
        %ne3A_3281 = arith.cmpi ne, %rem3A_3279, %ne3A_3280 : i32
        %and3A_3282 = arith.andi %ne3A_3278, %ne3A_3281 : i1
        %sub3A_3283 = arith.constant 1 : i32
        %sub3A_3284 = arith.subi %div3A_3263, %sub3A_3283 : i32
        %select_n3A_3285 = arith.select %and3A_3282, %sub3A_3284, %div3A_3263 : i32
        %mul3A_3286 = arith.constant 128 : i32
        %mul3A_3287 = arith.muli %select_n3A_3285, %mul3A_3286 : i32
        %multiple_of3A_3288 = tpu.assume_multiple %mul3A_3287, 128 : i32
        %dma_start3A_3289 = arith.constant 1 : i32
        %dma_start3A_3290 = arith.constant 4 : i32
        %dma_start3A_3291 = arith.constant 0 : i32
        %dma_start3A_3292 = arith.constant 0 : i32
        %dma_start3A_3293 = tpu.memref_slice %arg9[%dma_start3A_3289, %dma_start3A_3290, %dma_start3A_3291, %dma_start3A_3292] : memref<2x8x16x128xf32, #tpu.memory_space<vmem>> -> memref<1x1x16x128xf32, #tpu.memory_space<vmem>>
        %dma_start3A_3294 = tpu.memref_squeeze %dma_start3A_3293 : memref<1x1x16x128xf32, #tpu.memory_space<vmem>> -> memref<16x128xf32, #tpu.memory_space<vmem>>
        %dma_start3A_3295 = arith.constant 0 : i32
        %dma_start3A_3296 = tpu.memref_slice %arg4[%dma_start3A_3295, %multiple_of3A_3259] : memref<16x1000000xf32, #tpu.memory_space<hbm>> -> memref<16x128xf32, #tpu.memory_space<hbm>>
        %dma_start3A_3297 = arith.constant 0 : i32
        %dma_start3A_3298 = arith.constant 0 : i32
        %dma_start3A_3299 = tpu.memref_slice %arg9[%dma_start3A_3289, %dma_start3A_3290, %dma_start3A_3297, %dma_start3A_3298] : memref<2x8x16x128xf32, #tpu.memory_space<vmem>> -> memref<1x1x16x128xf32, #tpu.memory_space<vmem>>
        %dma_start3A_3300 = tpu.memref_squeeze %dma_start3A_3299 : memref<1x1x16x128xf32, #tpu.memory_space<vmem>> -> memref<16x128xf32, #tpu.memory_space<vmem>>
        %dma_start3A_3301 = arith.constant 0 : i32
        %dma_start3A_3302 = tpu.memref_slice %arg4[%dma_start3A_3301, %multiple_of3A_3259] : memref<16x1000000xf32, #tpu.memory_space<hbm>> -> memref<16x128xf32, #tpu.memory_space<hbm>>
        tpu.enqueue_dma source(%dma_start3A_3302 : memref<16x128xf32, #tpu.memory_space<hbm>>) target(%dma_start3A_3300 : memref<16x128xf32, #tpu.memory_space<vmem>>) target_semaphore(%arg14 : memref<!tpu.dma_semaphore, #tpu.memory_space<semaphore_mem>>)
        %dma_start3A_3303 = arith.constant 1 : i32
        %dma_start3A_3304 = arith.constant 4 : i32
        %dma_start3A_3305 = arith.constant 0 : i32
        %dma_start3A_3306 = arith.constant 0 : i32
        %dma_start3A_3307 = tpu.memref_slice %arg10[%dma_start3A_3303, %dma_start3A_3304, %dma_start3A_3305, %dma_start3A_3306] : memref<2x8x16x128xf32, #tpu.memory_space<vmem>> -> memref<1x1x16x128xf32, #tpu.memory_space<vmem>>
        %dma_start3A_3308 = tpu.memref_squeeze %dma_start3A_3307 : memref<1x1x16x128xf32, #tpu.memory_space<vmem>> -> memref<16x128xf32, #tpu.memory_space<vmem>>
        %dma_start3A_3309 = arith.constant 0 : i32
        %dma_start3A_3310 = tpu.memref_slice %arg5[%dma_start3A_3309, %multiple_of3A_3288] : memref<16x1000000xf32, #tpu.memory_space<hbm>> -> memref<16x128xf32, #tpu.memory_space<hbm>>
        %dma_start3A_3311 = arith.constant 0 : i32
        %dma_start3A_3312 = arith.constant 0 : i32
        %dma_start3A_3313 = tpu.memref_slice %arg10[%dma_start3A_3303, %dma_start3A_3304, %dma_start3A_3311, %dma_start3A_3312] : memref<2x8x16x128xf32, #tpu.memory_space<vmem>> -> memref<1x1x16x128xf32, #tpu.memory_space<vmem>>
        %dma_start3A_3314 = tpu.memref_squeeze %dma_start3A_3313 : memref<1x1x16x128xf32, #tpu.memory_space<vmem>> -> memref<16x128xf32, #tpu.memory_space<vmem>>
        %dma_start3A_3315 = arith.constant 0 : i32
        %dma_start3A_3316 = tpu.memref_slice %arg5[%dma_start3A_3315, %multiple_of3A_3288] : memref<16x1000000xf32, #tpu.memory_space<hbm>> -> memref<16x128xf32, #tpu.memory_space<hbm>>
        tpu.enqueue_dma source(%dma_start3A_3316 : memref<16x128xf32, #tpu.memory_space<hbm>>) target(%dma_start3A_3314 : memref<16x128xf32, #tpu.memory_space<vmem>>) target_semaphore(%arg14 : memref<!tpu.dma_semaphore, #tpu.memory_space<semaphore_mem>>)
        %slice3A_3317 = vector.extract_strided_slice %get3A_2882 {offsets = [13], sizes = [1], strides = [1]} : vector<16xi32> to vector<1xi32>
        %squeeze3A_3318 = vector.extract %slice3A_3317[0] : i32 from vector<1xi32>
        %jit3A_3319 = arith.constant 128 : i32
        %div3A_3320 = arith.divsi %squeeze3A_3318, %jit3A_3319 : i32
        %sign3A_3321 = arith.constant 0 : i32
        %sign3A_3322 = arith.cmpi sgt, %squeeze3A_3318, %sign3A_3321 : i32
        %sign3A_3323 = arith.extui %sign3A_3322 : i1 to i32
        %sign3A_3324 = arith.constant 0 : i32
        %sign3A_3325 = arith.cmpi slt, %squeeze3A_3318, %sign3A_3324 : i32
        %sign3A_3326 = arith.extui %sign3A_3325 : i1 to i32
        %sign3A_3327 = arith.subi %sign3A_3323, %sign3A_3326 : i32
        %sign3A_3328 = arith.constant 0 : i32
        %sign3A_3329 = arith.cmpi sgt, %jit3A_3319, %sign3A_3328 : i32
        %sign3A_3330 = arith.extui %sign3A_3329 : i1 to i32
        %sign3A_3331 = arith.constant 0 : i32
        %sign3A_3332 = arith.cmpi slt, %jit3A_3319, %sign3A_3331 : i32
        %sign3A_3333 = arith.extui %sign3A_3332 : i1 to i32
        %sign3A_3334 = arith.subi %sign3A_3330, %sign3A_3333 : i32
        %ne3A_3335 = arith.cmpi ne, %sign3A_3327, %sign3A_3334 : i32
        %rem3A_3336 = arith.remsi %squeeze3A_3318, %jit3A_3319 : i32
        %ne3A_3337 = arith.constant 0 : i32
        %ne3A_3338 = arith.cmpi ne, %rem3A_3336, %ne3A_3337 : i32
        %and3A_3339 = arith.andi %ne3A_3335, %ne3A_3338 : i1
        %sub3A_3340 = arith.constant 1 : i32
        %sub3A_3341 = arith.subi %div3A_3320, %sub3A_3340 : i32
        %select_n3A_3342 = arith.select %and3A_3339, %sub3A_3341, %div3A_3320 : i32
        %mul3A_3343 = arith.constant 128 : i32
        %mul3A_3344 = arith.muli %select_n3A_3342, %mul3A_3343 : i32
        %multiple_of3A_3345 = tpu.assume_multiple %mul3A_3344, 128 : i32
        %slice3A_3346 = vector.extract_strided_slice %get3A_2886 {offsets = [13], sizes = [1], strides = [1]} : vector<16xi32> to vector<1xi32>
        %squeeze3A_3347 = vector.extract %slice3A_3346[0] : i32 from vector<1xi32>
        %jit3A_3348 = arith.constant 128 : i32
        %div3A_3349 = arith.divsi %squeeze3A_3347, %jit3A_3348 : i32
        %sign3A_3350 = arith.constant 0 : i32
        %sign3A_3351 = arith.cmpi sgt, %squeeze3A_3347, %sign3A_3350 : i32
        %sign3A_3352 = arith.extui %sign3A_3351 : i1 to i32
        %sign3A_3353 = arith.constant 0 : i32
        %sign3A_3354 = arith.cmpi slt, %squeeze3A_3347, %sign3A_3353 : i32
        %sign3A_3355 = arith.extui %sign3A_3354 : i1 to i32
        %sign3A_3356 = arith.subi %sign3A_3352, %sign3A_3355 : i32
        %sign3A_3357 = arith.constant 0 : i32
        %sign3A_3358 = arith.cmpi sgt, %jit3A_3348, %sign3A_3357 : i32
        %sign3A_3359 = arith.extui %sign3A_3358 : i1 to i32
        %sign3A_3360 = arith.constant 0 : i32
        %sign3A_3361 = arith.cmpi slt, %jit3A_3348, %sign3A_3360 : i32
        %sign3A_3362 = arith.extui %sign3A_3361 : i1 to i32
        %sign3A_3363 = arith.subi %sign3A_3359, %sign3A_3362 : i32
        %ne3A_3364 = arith.cmpi ne, %sign3A_3356, %sign3A_3363 : i32
        %rem3A_3365 = arith.remsi %squeeze3A_3347, %jit3A_3348 : i32
        %ne3A_3366 = arith.constant 0 : i32
        %ne3A_3367 = arith.cmpi ne, %rem3A_3365, %ne3A_3366 : i32
        %and3A_3368 = arith.andi %ne3A_3364, %ne3A_3367 : i1
        %sub3A_3369 = arith.constant 1 : i32
        %sub3A_3370 = arith.subi %div3A_3349, %sub3A_3369 : i32
        %select_n3A_3371 = arith.select %and3A_3368, %sub3A_3370, %div3A_3349 : i32
        %mul3A_3372 = arith.constant 128 : i32
        %mul3A_3373 = arith.muli %select_n3A_3371, %mul3A_3372 : i32
        %multiple_of3A_3374 = tpu.assume_multiple %mul3A_3373, 128 : i32
        %dma_start3A_3375 = arith.constant 1 : i32
        %dma_start3A_3376 = arith.constant 5 : i32
        %dma_start3A_3377 = arith.constant 0 : i32
        %dma_start3A_3378 = arith.constant 0 : i32
        %dma_start3A_3379 = tpu.memref_slice %arg9[%dma_start3A_3375, %dma_start3A_3376, %dma_start3A_3377, %dma_start3A_3378] : memref<2x8x16x128xf32, #tpu.memory_space<vmem>> -> memref<1x1x16x128xf32, #tpu.memory_space<vmem>>
        %dma_start3A_3380 = tpu.memref_squeeze %dma_start3A_3379 : memref<1x1x16x128xf32, #tpu.memory_space<vmem>> -> memref<16x128xf32, #tpu.memory_space<vmem>>
        %dma_start3A_3381 = arith.constant 0 : i32
        %dma_start3A_3382 = tpu.memref_slice %arg4[%dma_start3A_3381, %multiple_of3A_3345] : memref<16x1000000xf32, #tpu.memory_space<hbm>> -> memref<16x128xf32, #tpu.memory_space<hbm>>
        %dma_start3A_3383 = arith.constant 0 : i32
        %dma_start3A_3384 = arith.constant 0 : i32
        %dma_start3A_3385 = tpu.memref_slice %arg9[%dma_start3A_3375, %dma_start3A_3376, %dma_start3A_3383, %dma_start3A_3384] : memref<2x8x16x128xf32, #tpu.memory_space<vmem>> -> memref<1x1x16x128xf32, #tpu.memory_space<vmem>>
        %dma_start3A_3386 = tpu.memref_squeeze %dma_start3A_3385 : memref<1x1x16x128xf32, #tpu.memory_space<vmem>> -> memref<16x128xf32, #tpu.memory_space<vmem>>
        %dma_start3A_3387 = arith.constant 0 : i32
        %dma_start3A_3388 = tpu.memref_slice %arg4[%dma_start3A_3387, %multiple_of3A_3345] : memref<16x1000000xf32, #tpu.memory_space<hbm>> -> memref<16x128xf32, #tpu.memory_space<hbm>>
        tpu.enqueue_dma source(%dma_start3A_3388 : memref<16x128xf32, #tpu.memory_space<hbm>>) target(%dma_start3A_3386 : memref<16x128xf32, #tpu.memory_space<vmem>>) target_semaphore(%arg14 : memref<!tpu.dma_semaphore, #tpu.memory_space<semaphore_mem>>)
        %dma_start3A_3389 = arith.constant 1 : i32
        %dma_start3A_3390 = arith.constant 5 : i32
        %dma_start3A_3391 = arith.constant 0 : i32
        %dma_start3A_3392 = arith.constant 0 : i32
        %dma_start3A_3393 = tpu.memref_slice %arg10[%dma_start3A_3389, %dma_start3A_3390, %dma_start3A_3391, %dma_start3A_3392] : memref<2x8x16x128xf32, #tpu.memory_space<vmem>> -> memref<1x1x16x128xf32, #tpu.memory_space<vmem>>
        %dma_start3A_3394 = tpu.memref_squeeze %dma_start3A_3393 : memref<1x1x16x128xf32, #tpu.memory_space<vmem>> -> memref<16x128xf32, #tpu.memory_space<vmem>>
        %dma_start3A_3395 = arith.constant 0 : i32
        %dma_start3A_3396 = tpu.memref_slice %arg5[%dma_start3A_3395, %multiple_of3A_3374] : memref<16x1000000xf32, #tpu.memory_space<hbm>> -> memref<16x128xf32, #tpu.memory_space<hbm>>
        %dma_start3A_3397 = arith.constant 0 : i32
        %dma_start3A_3398 = arith.constant 0 : i32
        %dma_start3A_3399 = tpu.memref_slice %arg10[%dma_start3A_3389, %dma_start3A_3390, %dma_start3A_3397, %dma_start3A_3398] : memref<2x8x16x128xf32, #tpu.memory_space<vmem>> -> memref<1x1x16x128xf32, #tpu.memory_space<vmem>>
        %dma_start3A_3400 = tpu.memref_squeeze %dma_start3A_3399 : memref<1x1x16x128xf32, #tpu.memory_space<vmem>> -> memref<16x128xf32, #tpu.memory_space<vmem>>
        %dma_start3A_3401 = arith.constant 0 : i32
        %dma_start3A_3402 = tpu.memref_slice %arg5[%dma_start3A_3401, %multiple_of3A_3374] : memref<16x1000000xf32, #tpu.memory_space<hbm>> -> memref<16x128xf32, #tpu.memory_space<hbm>>
        tpu.enqueue_dma source(%dma_start3A_3402 : memref<16x128xf32, #tpu.memory_space<hbm>>) target(%dma_start3A_3400 : memref<16x128xf32, #tpu.memory_space<vmem>>) target_semaphore(%arg14 : memref<!tpu.dma_semaphore, #tpu.memory_space<semaphore_mem>>)
        %slice3A_3403 = vector.extract_strided_slice %get3A_2882 {offsets = [14], sizes = [1], strides = [1]} : vector<16xi32> to vector<1xi32>
        %squeeze3A_3404 = vector.extract %slice3A_3403[0] : i32 from vector<1xi32>
        %jit3A_3405 = arith.constant 128 : i32
        %div3A_3406 = arith.divsi %squeeze3A_3404, %jit3A_3405 : i32
        %sign3A_3407 = arith.constant 0 : i32
        %sign3A_3408 = arith.cmpi sgt, %squeeze3A_3404, %sign3A_3407 : i32
        %sign3A_3409 = arith.extui %sign3A_3408 : i1 to i32
        %sign3A_3410 = arith.constant 0 : i32
        %sign3A_3411 = arith.cmpi slt, %squeeze3A_3404, %sign3A_3410 : i32
        %sign3A_3412 = arith.extui %sign3A_3411 : i1 to i32
        %sign3A_3413 = arith.subi %sign3A_3409, %sign3A_3412 : i32
        %sign3A_3414 = arith.constant 0 : i32
        %sign3A_3415 = arith.cmpi sgt, %jit3A_3405, %sign3A_3414 : i32
        %sign3A_3416 = arith.extui %sign3A_3415 : i1 to i32
        %sign3A_3417 = arith.constant 0 : i32
        %sign3A_3418 = arith.cmpi slt, %jit3A_3405, %sign3A_3417 : i32
        %sign3A_3419 = arith.extui %sign3A_3418 : i1 to i32
        %sign3A_3420 = arith.subi %sign3A_3416, %sign3A_3419 : i32
        %ne3A_3421 = arith.cmpi ne, %sign3A_3413, %sign3A_3420 : i32
        %rem3A_3422 = arith.remsi %squeeze3A_3404, %jit3A_3405 : i32
        %ne3A_3423 = arith.constant 0 : i32
        %ne3A_3424 = arith.cmpi ne, %rem3A_3422, %ne3A_3423 : i32
        %and3A_3425 = arith.andi %ne3A_3421, %ne3A_3424 : i1
        %sub3A_3426 = arith.constant 1 : i32
        %sub3A_3427 = arith.subi %div3A_3406, %sub3A_3426 : i32
        %select_n3A_3428 = arith.select %and3A_3425, %sub3A_3427, %div3A_3406 : i32
        %mul3A_3429 = arith.constant 128 : i32
        %mul3A_3430 = arith.muli %select_n3A_3428, %mul3A_3429 : i32
        %multiple_of3A_3431 = tpu.assume_multiple %mul3A_3430, 128 : i32
        %slice3A_3432 = vector.extract_strided_slice %get3A_2886 {offsets = [14], sizes = [1], strides = [1]} : vector<16xi32> to vector<1xi32>
        %squeeze3A_3433 = vector.extract %slice3A_3432[0] : i32 from vector<1xi32>
        %jit3A_3434 = arith.constant 128 : i32
        %div3A_3435 = arith.divsi %squeeze3A_3433, %jit3A_3434 : i32
        %sign3A_3436 = arith.constant 0 : i32
        %sign3A_3437 = arith.cmpi sgt, %squeeze3A_3433, %sign3A_3436 : i32
        %sign3A_3438 = arith.extui %sign3A_3437 : i1 to i32
        %sign3A_3439 = arith.constant 0 : i32
        %sign3A_3440 = arith.cmpi slt, %squeeze3A_3433, %sign3A_3439 : i32
        %sign3A_3441 = arith.extui %sign3A_3440 : i1 to i32
        %sign3A_3442 = arith.subi %sign3A_3438, %sign3A_3441 : i32
        %sign3A_3443 = arith.constant 0 : i32
        %sign3A_3444 = arith.cmpi sgt, %jit3A_3434, %sign3A_3443 : i32
        %sign3A_3445 = arith.extui %sign3A_3444 : i1 to i32
        %sign3A_3446 = arith.constant 0 : i32
        %sign3A_3447 = arith.cmpi slt, %jit3A_3434, %sign3A_3446 : i32
        %sign3A_3448 = arith.extui %sign3A_3447 : i1 to i32
        %sign3A_3449 = arith.subi %sign3A_3445, %sign3A_3448 : i32
        %ne3A_3450 = arith.cmpi ne, %sign3A_3442, %sign3A_3449 : i32
        %rem3A_3451 = arith.remsi %squeeze3A_3433, %jit3A_3434 : i32
        %ne3A_3452 = arith.constant 0 : i32
        %ne3A_3453 = arith.cmpi ne, %rem3A_3451, %ne3A_3452 : i32
        %and3A_3454 = arith.andi %ne3A_3450, %ne3A_3453 : i1
        %sub3A_3455 = arith.constant 1 : i32
        %sub3A_3456 = arith.subi %div3A_3435, %sub3A_3455 : i32
        %select_n3A_3457 = arith.select %and3A_3454, %sub3A_3456, %div3A_3435 : i32
        %mul3A_3458 = arith.constant 128 : i32
        %mul3A_3459 = arith.muli %select_n3A_3457, %mul3A_3458 : i32
        %multiple_of3A_3460 = tpu.assume_multiple %mul3A_3459, 128 : i32
        %dma_start3A_3461 = arith.constant 1 : i32
        %dma_start3A_3462 = arith.constant 6 : i32
        %dma_start3A_3463 = arith.constant 0 : i32
        %dma_start3A_3464 = arith.constant 0 : i32
        %dma_start3A_3465 = tpu.memref_slice %arg9[%dma_start3A_3461, %dma_start3A_3462, %dma_start3A_3463, %dma_start3A_3464] : memref<2x8x16x128xf32, #tpu.memory_space<vmem>> -> memref<1x1x16x128xf32, #tpu.memory_space<vmem>>
        %dma_start3A_3466 = tpu.memref_squeeze %dma_start3A_3465 : memref<1x1x16x128xf32, #tpu.memory_space<vmem>> -> memref<16x128xf32, #tpu.memory_space<vmem>>
        %dma_start3A_3467 = arith.constant 0 : i32
        %dma_start3A_3468 = tpu.memref_slice %arg4[%dma_start3A_3467, %multiple_of3A_3431] : memref<16x1000000xf32, #tpu.memory_space<hbm>> -> memref<16x128xf32, #tpu.memory_space<hbm>>
        %dma_start3A_3469 = arith.constant 0 : i32
        %dma_start3A_3470 = arith.constant 0 : i32
        %dma_start3A_3471 = tpu.memref_slice %arg9[%dma_start3A_3461, %dma_start3A_3462, %dma_start3A_3469, %dma_start3A_3470] : memref<2x8x16x128xf32, #tpu.memory_space<vmem>> -> memref<1x1x16x128xf32, #tpu.memory_space<vmem>>
        %dma_start3A_3472 = tpu.memref_squeeze %dma_start3A_3471 : memref<1x1x16x128xf32, #tpu.memory_space<vmem>> -> memref<16x128xf32, #tpu.memory_space<vmem>>
        %dma_start3A_3473 = arith.constant 0 : i32
        %dma_start3A_3474 = tpu.memref_slice %arg4[%dma_start3A_3473, %multiple_of3A_3431] : memref<16x1000000xf32, #tpu.memory_space<hbm>> -> memref<16x128xf32, #tpu.memory_space<hbm>>
        tpu.enqueue_dma source(%dma_start3A_3474 : memref<16x128xf32, #tpu.memory_space<hbm>>) target(%dma_start3A_3472 : memref<16x128xf32, #tpu.memory_space<vmem>>) target_semaphore(%arg14 : memref<!tpu.dma_semaphore, #tpu.memory_space<semaphore_mem>>)
        %dma_start3A_3475 = arith.constant 1 : i32
        %dma_start3A_3476 = arith.constant 6 : i32
        %dma_start3A_3477 = arith.constant 0 : i32
        %dma_start3A_3478 = arith.constant 0 : i32
        %dma_start3A_3479 = tpu.memref_slice %arg10[%dma_start3A_3475, %dma_start3A_3476, %dma_start3A_3477, %dma_start3A_3478] : memref<2x8x16x128xf32, #tpu.memory_space<vmem>> -> memref<1x1x16x128xf32, #tpu.memory_space<vmem>>
        %dma_start3A_3480 = tpu.memref_squeeze %dma_start3A_3479 : memref<1x1x16x128xf32, #tpu.memory_space<vmem>> -> memref<16x128xf32, #tpu.memory_space<vmem>>
        %dma_start3A_3481 = arith.constant 0 : i32
        %dma_start3A_3482 = tpu.memref_slice %arg5[%dma_start3A_3481, %multiple_of3A_3460] : memref<16x1000000xf32, #tpu.memory_space<hbm>> -> memref<16x128xf32, #tpu.memory_space<hbm>>
        %dma_start3A_3483 = arith.constant 0 : i32
        %dma_start3A_3484 = arith.constant 0 : i32
        %dma_start3A_3485 = tpu.memref_slice %arg10[%dma_start3A_3475, %dma_start3A_3476, %dma_start3A_3483, %dma_start3A_3484] : memref<2x8x16x128xf32, #tpu.memory_space<vmem>> -> memref<1x1x16x128xf32, #tpu.memory_space<vmem>>
        %dma_start3A_3486 = tpu.memref_squeeze %dma_start3A_3485 : memref<1x1x16x128xf32, #tpu.memory_space<vmem>> -> memref<16x128xf32, #tpu.memory_space<vmem>>
        %dma_start3A_3487 = arith.constant 0 : i32
        %dma_start3A_3488 = tpu.memref_slice %arg5[%dma_start3A_3487, %multiple_of3A_3460] : memref<16x1000000xf32, #tpu.memory_space<hbm>> -> memref<16x128xf32, #tpu.memory_space<hbm>>
        tpu.enqueue_dma source(%dma_start3A_3488 : memref<16x128xf32, #tpu.memory_space<hbm>>) target(%dma_start3A_3486 : memref<16x128xf32, #tpu.memory_space<vmem>>) target_semaphore(%arg14 : memref<!tpu.dma_semaphore, #tpu.memory_space<semaphore_mem>>)
        %slice3A_3489 = vector.extract_strided_slice %get3A_2882 {offsets = [15], sizes = [1], strides = [1]} : vector<16xi32> to vector<1xi32>
        %squeeze3A_3490 = vector.extract %slice3A_3489[0] : i32 from vector<1xi32>
        %jit3A_3491 = arith.constant 128 : i32
        %div3A_3492 = arith.divsi %squeeze3A_3490, %jit3A_3491 : i32
        %sign3A_3493 = arith.constant 0 : i32
        %sign3A_3494 = arith.cmpi sgt, %squeeze3A_3490, %sign3A_3493 : i32
        %sign3A_3495 = arith.extui %sign3A_3494 : i1 to i32
        %sign3A_3496 = arith.constant 0 : i32
        %sign3A_3497 = arith.cmpi slt, %squeeze3A_3490, %sign3A_3496 : i32
        %sign3A_3498 = arith.extui %sign3A_3497 : i1 to i32
        %sign3A_3499 = arith.subi %sign3A_3495, %sign3A_3498 : i32
        %sign3A_3500 = arith.constant 0 : i32
        %sign3A_3501 = arith.cmpi sgt, %jit3A_3491, %sign3A_3500 : i32
        %sign3A_3502 = arith.extui %sign3A_3501 : i1 to i32
        %sign3A_3503 = arith.constant 0 : i32
        %sign3A_3504 = arith.cmpi slt, %jit3A_3491, %sign3A_3503 : i32
        %sign3A_3505 = arith.extui %sign3A_3504 : i1 to i32
        %sign3A_3506 = arith.subi %sign3A_3502, %sign3A_3505 : i32
        %ne3A_3507 = arith.cmpi ne, %sign3A_3499, %sign3A_3506 : i32
        %rem3A_3508 = arith.remsi %squeeze3A_3490, %jit3A_3491 : i32
        %ne3A_3509 = arith.constant 0 : i32
        %ne3A_3510 = arith.cmpi ne, %rem3A_3508, %ne3A_3509 : i32
        %and3A_3511 = arith.andi %ne3A_3507, %ne3A_3510 : i1
        %sub3A_3512 = arith.constant 1 : i32
        %sub3A_3513 = arith.subi %div3A_3492, %sub3A_3512 : i32
        %select_n3A_3514 = arith.select %and3A_3511, %sub3A_3513, %div3A_3492 : i32
        %mul3A_3515 = arith.constant 128 : i32
        %mul3A_3516 = arith.muli %select_n3A_3514, %mul3A_3515 : i32
        %multiple_of3A_3517 = tpu.assume_multiple %mul3A_3516, 128 : i32
        %slice3A_3518 = vector.extract_strided_slice %get3A_2886 {offsets = [15], sizes = [1], strides = [1]} : vector<16xi32> to vector<1xi32>
        %squeeze3A_3519 = vector.extract %slice3A_3518[0] : i32 from vector<1xi32>
        %jit3A_3520 = arith.constant 128 : i32
        %div3A_3521 = arith.divsi %squeeze3A_3519, %jit3A_3520 : i32
        %sign3A_3522 = arith.constant 0 : i32
        %sign3A_3523 = arith.cmpi sgt, %squeeze3A_3519, %sign3A_3522 : i32
        %sign3A_3524 = arith.extui %sign3A_3523 : i1 to i32
        %sign3A_3525 = arith.constant 0 : i32
        %sign3A_3526 = arith.cmpi slt, %squeeze3A_3519, %sign3A_3525 : i32
        %sign3A_3527 = arith.extui %sign3A_3526 : i1 to i32
        %sign3A_3528 = arith.subi %sign3A_3524, %sign3A_3527 : i32
        %sign3A_3529 = arith.constant 0 : i32
        %sign3A_3530 = arith.cmpi sgt, %jit3A_3520, %sign3A_3529 : i32
        %sign3A_3531 = arith.extui %sign3A_3530 : i1 to i32
        %sign3A_3532 = arith.constant 0 : i32
        %sign3A_3533 = arith.cmpi slt, %jit3A_3520, %sign3A_3532 : i32
        %sign3A_3534 = arith.extui %sign3A_3533 : i1 to i32
        %sign3A_3535 = arith.subi %sign3A_3531, %sign3A_3534 : i32
        %ne3A_3536 = arith.cmpi ne, %sign3A_3528, %sign3A_3535 : i32
        %rem3A_3537 = arith.remsi %squeeze3A_3519, %jit3A_3520 : i32
        %ne3A_3538 = arith.constant 0 : i32
        %ne3A_3539 = arith.cmpi ne, %rem3A_3537, %ne3A_3538 : i32
        %and3A_3540 = arith.andi %ne3A_3536, %ne3A_3539 : i1
        %sub3A_3541 = arith.constant 1 : i32
        %sub3A_3542 = arith.subi %div3A_3521, %sub3A_3541 : i32
        %select_n3A_3543 = arith.select %and3A_3540, %sub3A_3542, %div3A_3521 : i32
        %mul3A_3544 = arith.constant 128 : i32
        %mul3A_3545 = arith.muli %select_n3A_3543, %mul3A_3544 : i32
        %multiple_of3A_3546 = tpu.assume_multiple %mul3A_3545, 128 : i32
        %dma_start3A_3547 = arith.constant 1 : i32
        %dma_start3A_3548 = arith.constant 7 : i32
        %dma_start3A_3549 = arith.constant 0 : i32
        %dma_start3A_3550 = arith.constant 0 : i32
        %dma_start3A_3551 = tpu.memref_slice %arg9[%dma_start3A_3547, %dma_start3A_3548, %dma_start3A_3549, %dma_start3A_3550] : memref<2x8x16x128xf32, #tpu.memory_space<vmem>> -> memref<1x1x16x128xf32, #tpu.memory_space<vmem>>
        %dma_start3A_3552 = tpu.memref_squeeze %dma_start3A_3551 : memref<1x1x16x128xf32, #tpu.memory_space<vmem>> -> memref<16x128xf32, #tpu.memory_space<vmem>>
        %dma_start3A_3553 = arith.constant 0 : i32
        %dma_start3A_3554 = tpu.memref_slice %arg4[%dma_start3A_3553, %multiple_of3A_3517] : memref<16x1000000xf32, #tpu.memory_space<hbm>> -> memref<16x128xf32, #tpu.memory_space<hbm>>
        %dma_start3A_3555 = arith.constant 0 : i32
        %dma_start3A_3556 = arith.constant 0 : i32
        %dma_start3A_3557 = tpu.memref_slice %arg9[%dma_start3A_3547, %dma_start3A_3548, %dma_start3A_3555, %dma_start3A_3556] : memref<2x8x16x128xf32, #tpu.memory_space<vmem>> -> memref<1x1x16x128xf32, #tpu.memory_space<vmem>>
        %dma_start3A_3558 = tpu.memref_squeeze %dma_start3A_3557 : memref<1x1x16x128xf32, #tpu.memory_space<vmem>> -> memref<16x128xf32, #tpu.memory_space<vmem>>
        %dma_start3A_3559 = arith.constant 0 : i32
        %dma_start3A_3560 = tpu.memref_slice %arg4[%dma_start3A_3559, %multiple_of3A_3517] : memref<16x1000000xf32, #tpu.memory_space<hbm>> -> memref<16x128xf32, #tpu.memory_space<hbm>>
        tpu.enqueue_dma source(%dma_start3A_3560 : memref<16x128xf32, #tpu.memory_space<hbm>>) target(%dma_start3A_3558 : memref<16x128xf32, #tpu.memory_space<vmem>>) target_semaphore(%arg14 : memref<!tpu.dma_semaphore, #tpu.memory_space<semaphore_mem>>)
        %dma_start3A_3561 = arith.constant 1 : i32
        %dma_start3A_3562 = arith.constant 7 : i32
        %dma_start3A_3563 = arith.constant 0 : i32
        %dma_start3A_3564 = arith.constant 0 : i32
        %dma_start3A_3565 = tpu.memref_slice %arg10[%dma_start3A_3561, %dma_start3A_3562, %dma_start3A_3563, %dma_start3A_3564] : memref<2x8x16x128xf32, #tpu.memory_space<vmem>> -> memref<1x1x16x128xf32, #tpu.memory_space<vmem>>
        %dma_start3A_3566 = tpu.memref_squeeze %dma_start3A_3565 : memref<1x1x16x128xf32, #tpu.memory_space<vmem>> -> memref<16x128xf32, #tpu.memory_space<vmem>>
        %dma_start3A_3567 = arith.constant 0 : i32
        %dma_start3A_3568 = tpu.memref_slice %arg5[%dma_start3A_3567, %multiple_of3A_3546] : memref<16x1000000xf32, #tpu.memory_space<hbm>> -> memref<16x128xf32, #tpu.memory_space<hbm>>
        %dma_start3A_3569 = arith.constant 0 : i32
        %dma_start3A_3570 = arith.constant 0 : i32
        %dma_start3A_3571 = tpu.memref_slice %arg10[%dma_start3A_3561, %dma_start3A_3562, %dma_start3A_3569, %dma_start3A_3570] : memref<2x8x16x128xf32, #tpu.memory_space<vmem>> -> memref<1x1x16x128xf32, #tpu.memory_space<vmem>>
        %dma_start3A_3572 = tpu.memref_squeeze %dma_start3A_3571 : memref<1x1x16x128xf32, #tpu.memory_space<vmem>> -> memref<16x128xf32, #tpu.memory_space<vmem>>
        %dma_start3A_3573 = arith.constant 0 : i32
        %dma_start3A_3574 = tpu.memref_slice %arg5[%dma_start3A_3573, %multiple_of3A_3546] : memref<16x1000000xf32, #tpu.memory_space<hbm>> -> memref<16x128xf32, #tpu.memory_space<hbm>>
        tpu.enqueue_dma source(%dma_start3A_3574 : memref<16x128xf32, #tpu.memory_space<hbm>>) target(%dma_start3A_3572 : memref<16x128xf32, #tpu.memory_space<vmem>>) target_semaphore(%arg14 : memref<!tpu.dma_semaphore, #tpu.memory_space<semaphore_mem>>)
      } else {
      }
      %get3A_2795 = arith.constant 0 : i32
      %get3A_2796 = arith.index_cast %get3A_2795 : i32 to index
      %get3A_2797 = arith.constant 0 : index
      %get3A_2798 = tpu.vector_load %arg11[%get3A_2796, %get3A_2797] {strides = array<i32>} : memref<16x16xf32, #tpu.memory_space<vmem>>, vector<16xf32>,
      %get3A_2799 = arith.constant 1 : i32
      %get3A_2800 = arith.index_cast %get3A_2799 : i32 to index
      %get3A_2801 = arith.constant 0 : index
      %get3A_2802 = tpu.vector_load %arg11[%get3A_2800, %get3A_2801] {strides = array<i32>} : memref<16x16xf32, #tpu.memory_space<vmem>>, vector<16xf32>,
      %add3A_2803 = arith.addf %get3A_2798, %get3A_2802 : vector<16xf32>
      %get3A_2804 = arith.constant 2 : i32
      %get3A_2805 = arith.index_cast %get3A_2804 : i32 to index
      %get3A_2806 = arith.constant 0 : index
      %get3A_2807 = tpu.vector_load %arg11[%get3A_2805, %get3A_2806] {strides = array<i32>} : memref<16x16xf32, #tpu.memory_space<vmem>>, vector<16xf32>,
      %add3A_2808 = arith.addf %add3A_2803, %get3A_2807 : vector<16xf32>
      %get3A_2809 = arith.constant 3 : i32
      %get3A_2810 = arith.index_cast %get3A_2809 : i32 to index
      %get3A_2811 = arith.constant 0 : index
      %get3A_2812 = tpu.vector_load %arg11[%get3A_2810, %get3A_2811] {strides = array<i32>} : memref<16x16xf32, #tpu.memory_space<vmem>>, vector<16xf32>,
      %add3A_2813 = arith.addf %add3A_2808, %get3A_2812 : vector<16xf32>
      %get3A_2814 = arith.constant 4 : i32
      %get3A_2815 = arith.index_cast %get3A_2814 : i32 to index
      %get3A_2816 = arith.constant 0 : index
      %get3A_2817 = tpu.vector_load %arg11[%get3A_2815, %get3A_2816] {strides = array<i32>} : memref<16x16xf32, #tpu.memory_space<vmem>>, vector<16xf32>,
      %add3A_2818 = arith.addf %add3A_2813, %get3A_2817 : vector<16xf32>
      %get3A_2819 = arith.constant 5 : i32
      %get3A_2820 = arith.index_cast %get3A_2819 : i32 to index
      %get3A_2821 = arith.constant 0 : index
      %get3A_2822 = tpu.vector_load %arg11[%get3A_2820, %get3A_2821] {strides = array<i32>} : memref<16x16xf32, #tpu.memory_space<vmem>>, vector<16xf32>,
      %add3A_2823 = arith.addf %add3A_2818, %get3A_2822 : vector<16xf32>
      %get3A_2824 = arith.constant 6 : i32
      %get3A_2825 = arith.index_cast %get3A_2824 : i32 to index
      %get3A_2826 = arith.constant 0 : index
      %get3A_2827 = tpu.vector_load %arg11[%get3A_2825, %get3A_2826] {strides = array<i32>} : memref<16x16xf32, #tpu.memory_space<vmem>>, vector<16xf32>,
      %add3A_2828 = arith.addf %add3A_2823, %get3A_2827 : vector<16xf32>
      %get3A_2829 = arith.constant 7 : i32
      %get3A_2830 = arith.index_cast %get3A_2829 : i32 to index
      %get3A_2831 = arith.constant 0 : index
      %get3A_2832 = tpu.vector_load %arg11[%get3A_2830, %get3A_2831] {strides = array<i32>} : memref<16x16xf32, #tpu.memory_space<vmem>>, vector<16xf32>,
      %add3A_2833 = arith.addf %add3A_2828, %get3A_2832 : vector<16xf32>
      %get3A_2834 = arith.constant 8 : i32
      %get3A_2835 = arith.index_cast %get3A_2834 : i32 to index
      %get3A_2836 = arith.constant 0 : index
      %get3A_2837 = tpu.vector_load %arg11[%get3A_2835, %get3A_2836] {strides = array<i32>} : memref<16x16xf32, #tpu.memory_space<vmem>>, vector<16xf32>,
      %add3A_2838 = arith.addf %add3A_2833, %get3A_2837 : vector<16xf32>
      %get3A_2839 = arith.constant 9 : i32
      %get3A_2840 = arith.index_cast %get3A_2839 : i32 to index
      %get3A_2841 = arith.constant 0 : index
      %get3A_2842 = tpu.vector_load %arg11[%get3A_2840, %get3A_2841] {strides = array<i32>} : memref<16x16xf32, #tpu.memory_space<vmem>>, vector<16xf32>,
      %add3A_2843 = arith.addf %add3A_2838, %get3A_2842 : vector<16xf32>
      %get3A_2844 = arith.constant 10 : i32
      %get3A_2845 = arith.index_cast %get3A_2844 : i32 to index
      %get3A_2846 = arith.constant 0 : index
      %get3A_2847 = tpu.vector_load %arg11[%get3A_2845, %get3A_2846] {strides = array<i32>} : memref<16x16xf32, #tpu.memory_space<vmem>>, vector<16xf32>,
      %add3A_2848 = arith.addf %add3A_2843, %get3A_2847 : vector<16xf32>
      %get3A_2849 = arith.constant 11 : i32
      %get3A_2850 = arith.index_cast %get3A_2849 : i32 to index
      %get3A_2851 = arith.constant 0 : index
      %get3A_2852 = tpu.vector_load %arg11[%get3A_2850, %get3A_2851] {strides = array<i32>} : memref<16x16xf32, #tpu.memory_space<vmem>>, vector<16xf32>,
      %add3A_2853 = arith.addf %add3A_2848, %get3A_2852 : vector<16xf32>
      %get3A_2854 = arith.constant 12 : i32
      %get3A_2855 = arith.index_cast %get3A_2854 : i32 to index
      %get3A_2856 = arith.constant 0 : index
      %get3A_2857 = tpu.vector_load %arg11[%get3A_2855, %get3A_2856] {strides = array<i32>} : memref<16x16xf32, #tpu.memory_space<vmem>>, vector<16xf32>,
      %add3A_2858 = arith.addf %add3A_2853, %get3A_2857 : vector<16xf32>
      %get3A_2859 = arith.constant 13 : i32
      %get3A_2860 = arith.index_cast %get3A_2859 : i32 to index
      %get3A_2861 = arith.constant 0 : index
      %get3A_2862 = tpu.vector_load %arg11[%get3A_2860, %get3A_2861] {strides = array<i32>} : memref<16x16xf32, #tpu.memory_space<vmem>>, vector<16xf32>,
      %add3A_2863 = arith.addf %add3A_2858, %get3A_2862 : vector<16xf32>
      %get3A_2864 = arith.constant 14 : i32
      %get3A_2865 = arith.index_cast %get3A_2864 : i32 to index
      %get3A_2866 = arith.constant 0 : index
      %get3A_2867 = tpu.vector_load %arg11[%get3A_2865, %get3A_2866] {strides = array<i32>} : memref<16x16xf32, #tpu.memory_space<vmem>>, vector<16xf32>,
      %add3A_2868 = arith.addf %add3A_2863, %get3A_2867 : vector<16xf32>
      %get3A_2869 = arith.constant 15 : i32
      %get3A_2870 = arith.index_cast %get3A_2869 : i32 to index
      %get3A_2871 = arith.constant 0 : index
      %get3A_2872 = tpu.vector_load %arg11[%get3A_2870, %get3A_2871] {strides = array<i32>} : memref<16x16xf32, #tpu.memory_space<vmem>>, vector<16xf32>,
      %add3A_2873 = arith.addf %add3A_2868, %get3A_2872 : vector<16xf32>
      %mul3A_2874 = arith.constant 16 : i32
      %mul3A_2875 = arith.muli %scan3A_1379, %mul3A_2874 : i32
      %swap3A = arith.index_cast %mul3A_2875 : i32 to index
      %swap3A_2876 = tpu.vector_load %arg12[%swap3A] {strides = array<i32>} : memref<512xf32, #tpu.memory_space<vmem>>, vector<16xf32>,
      tpu.vector_store %arg12[%swap3A], %add3A_2873 {strides = array<i32>} : memref<512xf32, #tpu.memory_space<vmem>>, vector<16xf32>,
    }
    %scan3A_1378 = arith.constant 32 : i32
    "tpu.region"() ({
      %run_scoped3A = tpu.sem_alloc : memref<!tpu.dma_semaphore, #tpu.memory_space<semaphore_mem>>
      %dma_start3A_1379 = tpu.memref_slice %arg6[%mul3A_2] : memref<16384xf32, #tpu.memory_space<hbm>> -> memref<512xf32, #tpu.memory_space<hbm>>
      %dma_start3A_1380 = tpu.memref_slice %arg6[%mul3A_2] : memref<16384xf32, #tpu.memory_space<hbm>> -> memref<512xf32, #tpu.memory_space<hbm>>
      tpu.enqueue_dma source(%arg12 : memref<512xf32, #tpu.memory_space<vmem>>) target(%dma_start3A_1380 : memref<512xf32, #tpu.memory_space<hbm>>) target_semaphore(%run_scoped3A : memref<!tpu.dma_semaphore, #tpu.memory_space<semaphore_mem>>)
      %dma_wait3A = tpu.memref_slice %arg6[%mul3A_2] : memref<16384xf32, #tpu.memory_space<hbm>> -> memref<512xf32, #tpu.memory_space<hbm>>
      %dma_wait3A_1381 = tpu.memref_slice %arg6[%mul3A_2] : memref<16384xf32, #tpu.memory_space<hbm>> -> memref<512xf32, #tpu.memory_space<hbm>>
      tpu.wait_dma2 semaphore(%run_scoped3A : memref<!tpu.dma_semaphore, #tpu.memory_space<semaphore_mem>>) src(%arg12 : memref<512xf32, #tpu.memory_space<vmem>>) dst(%dma_wait3A_1381 : memref<512xf32, #tpu.memory_space<hbm>>)
      tpu.yield
    }) : () -> ()
    return
  }
}

</mosaic_0001>

<sc_bundles>
// kernel: kernel.4.cloned.1.call-start
scs
__scs_entry_jumppad:
0x0: {  	(pc) =	sbr.rel $0x88, $3  }
0x1: {  	(tag) =	ssettag $0x0;
	lr =	simm.s32 $0x1  }
0x2: {  	[smem:$0x3F97] =	sst lr;
	_ =	strace $0xD0000000  }
0x3: {  	_ = 	snop  }
0x4: {  	_ = 	snop  }
0x5: {  	_ = 	snop  }
0x6: {  	_ = 	snop  }
0x7: {  	_ = 	snop  }
__scs_overlays_trampoline_lowered:
0x8: {  	[smem:$0x3FA6] =	sst s0  }
0x9: {  	[smem:$0x3FA7] =	sst s1  }
0xa: {  	[smem:$0x3FA8] =	sst s2  }
0xb: {  	[smem:$0x3FA9] =	sst s3  }
0xc: {  	[smem:$0x3FAA] =	sst s4  }
0xd: {  	[smem:$0x3FAB] =	sst s5  }
0xe: {  	[smem:$0x3FAC] =	sst s6  }
0xf: {  	[smem:$0x3FAD] =	sst s7  }
0x10: {  	[smem:$0x3FAE] =	sst s8  }
0x11: {  	[smem:$0x3FAF] =	sst s9;
	s0 =	simm.s32 @!p0 $0x0  }
0x12: {  	s1 =	sld [smem:$0x3F95];
	s0 =	simm.s32 @p0 $0x1  }
0x13: {  	[smem:$0x3FB0] =	sst s0;
	s0 =	simm.s32 @!p1 $0x0  }
0x14: {  	s2 =	sld [smem:$0x3F94];
	s0 =	simm.s32 @p1 $0x1  }
0x15: {  	[smem:$0x3FB1] =	sst s0;
	s0 =	simm.s32 @!p2 $0x0  }
0x16: {  	s3 =	sld [smem:$0x3FDB];
	s0 =	simm.s32 @p2 $0x1  }
0x17: {  	s4 =	simm.s32 $0x1BF5;
	[smem:$0x3FB3] =	sst s0  }
0x18: {  	s0 =	sld [smem:$0x3F96];
	_ =	swait.ge [sflag:s4], $0x0  }
0x19: {  	s7 =	sld [smem:$0x3F97]  }
0x1a: {  	s8 =	sadd.s32 $0xFFFFE003, lr  }
0x1b: {  	s9 =	sadd.s32 $0xFFFFFEF7, lr;
	s5 =	simm.s32 $0xFFFFFFFF;
	p2 =	slt.u32 s8, $0xFFFFF086  }
0x1c: {  	p1 =	slt.u32 s9, $0xF7A;
	s5 =	simm.s32 @!p2 $0x0  }
0x1d: {  	s5 =	simm.s32 @p1 $0x1;
	p0 =	seq.s32 s7, s2  }
0x1e: {  	s7 =	smul.u32 @!p0 $0xF7A, s2;
	p2 =	seq.s32 @!p0 s5, $0x0  }
0x1f: {  	s9 =	smul.u32 $0xF7A, s1;
	s8 =	simm.s32 @!p0 $0x1BF5;
	p2 =	por !p2, p0  }
0x20: {  	[sflag:s8] =	ssyncset.s32 @!p0 $0xFFFFF086;
	s6 =	sadd.s32 @!p0 s3, s7;
	s7 =	simm.s32 @!p0 $0x108  }
0x21: {  	s3 =	sadd.s32 s3, s9;
	s6 =	sadd.s32 @!p0 $0x88, s6;
	s7 =	simm.s32 @p2 $0x1082  }
0x22: {  	[simem:s7], [sflag:s8] =	dma.local @!p0 [hbm:s6], $0xF7A  }
0x23: {  	s9 =	sor.u32 $0xD0000000, s2;
	s6 =	simm.s32 $0x108;
	_ =	swait.ge @!p0 [sflag:s8], $0x0  }
0x24: {  	s3 =	sadd.s32 $0x88, s3;
	s6 =	simm.s32 @!p1 $0x1082;
	[sflag:s4] =	ssyncset.s32 $0xFFFFF086  }
0x25: {  	[simem:s6], [sflag:s4] =	dma.local [hbm:s3], $0xF7A  }
0x26: {  	[smem:$0x3F97] =	sst s1;
	(tag) =	ssettag s2;
	_ =	strace s9  }
0x27: {  	s1 =	sld [smem:$0x3FA7]  }
0x28: {  	s2 =	sld [smem:$0x3FA8]  }
0x29: {  	s4 =	sld [smem:$0x3FAA]  }
0x2a: {  	p0 =	seq.s32 s5, $0x0;
	s5 =	sld [smem:$0x3FAB]  }
0x2b: {  	s6 =	sld [smem:$0x3FAC]  }
0x2c: {  	s7 =	sld [smem:$0x3FAD]  }
0x2d: {  	s3 =	simm.s32 $0x108;
	s8 =	sld [smem:$0x3FAE]  }
0x2e: {  	s3 =	simm.s32 @!p0 $0x1082;
	s9 =	sld [smem:$0x3FAF]  }
0x2f: {  	lr =	sadd.s32 s0, s3;
	s0 =	sld [smem:$0x3FA6]  }
0x30: {  	s3 =	sld [smem:$0x3FA9]  }
0x31: {  	[smem:$0x3FB2] =	sst s10  }
0x32: {  	s10 =	sld [smem:$0x3FB0];
	_ =	sdelay $0x3  }
0x33: {  	p0 =	seq.s32 s10, $0x1;
	s10 =	sld [smem:$0x3FB2];
	_ =	sdelay $0x3  }
0x34: {  	[smem:$0x3FB2] =	sst s10  }
0x35: {  	s10 =	sld [smem:$0x3FB1];
	_ =	sdelay $0x3  }
0x36: {  	p1 =	seq.s32 s10, $0x1;
	s10 =	sld [smem:$0x3FB2];
	_ =	sdelay $0x3  }
0x37: {  	[smem:$0x3FB2] =	sst s10  }
0x38: {  	s10 =	sld [smem:$0x3FB3]  }
0x39: {  	_ = 	snop;
	(pc) =	sbr.ind lr, $3  }
0x3a: {  	_ = 	snop  }
0x3b: {  	_ = 	snop  }
0x3c: {  	p2 =	seq.s32 s10, $0x1;
	s10 =	sld [smem:$0x3FB2]  }
0x3d: {  	_ =	shalt  }
0x3e: {  	_ =	shalt  }
0x3f: {  	_ =	shalt  }
0x40: {  	_ =	shalt  }
0x41: {  	_ =	shalt  }
0x42: {  	_ =	shalt  }
0x43: {  	_ =	shalt  }
0x44: {  	_ =	shalt  }
0x45: {  	_ =	shalt  }
0x46: {  	_ =	shalt  }
0x47: {  	_ =	shalt  }
0x48: {  	_ =	shalt  }
0x49: {  	_ =	shalt  }
0x4a: {  	_ =	shalt  }
0x4b: {  	_ =	shalt  }
0x4c: {  	_ =	shalt  }
0x4d: {  	_ =	shalt  }
0x4e: {  	_ =	shalt  }
0x4f: {  	_ =	shalt  }
0x50: {  	_ =	shalt  }
0x51: {  	_ =	shalt  }
0x52: {  	_ =	shalt  }
0x53: {  	_ =	shalt  }
0x54: {  	_ =	shalt  }
0x55: {  	_ =	shalt  }
0x56: {  	_ =	shalt  }
0x57: {  	_ =	shalt  }
0x58: {  	_ =	shalt  }
0x59: {  	_ =	shalt  }
0x5a: {  	_ =	shalt  }
0x5b: {  	_ =	shalt  }
0x5c: {  	_ =	shalt  }
0x5d: {  	_ =	shalt  }
0x5e: {  	_ =	shalt  }
0x5f: {  	_ =	shalt  }
0x60: {  	_ =	shalt  }
0x61: {  	_ =	shalt  }
0x62: {  	_ =	shalt  }
0x63: {  	_ =	shalt  }
0x64: {  	_ =	shalt  }
0x65: {  	_ =	shalt  }
0x66: {  	_ =	shalt  }
0x67: {  	_ =	shalt  }
0x68: {  	_ =	shalt  }
0x69: {  	_ =	shalt  }
0x6a: {  	_ =	shalt  }
0x6b: {  	_ =	shalt  }
0x6c: {  	_ =	shalt  }
0x6d: {  	_ =	shalt  }
0x6e: {  	_ =	shalt  }
0x6f: {  	_ =	shalt  }
0x70: {  	_ =	shalt  }
0x71: {  	_ =	shalt  }
0x72: {  	_ =	shalt  }
0x73: {  	_ =	shalt  }
0x74: {  	_ =	shalt  }
0x75: {  	_ =	shalt  }
0x76: {  	_ =	shalt  }
0x77: {  	_ =	shalt  }
0x78: {  	_ =	shalt  }
0x79: {  	_ =	shalt  }
0x7a: {  	_ =	shalt  }
0x7b: {  	_ =	shalt  }
0x7c: {  	_ =	shalt  }
0x7d: {  	_ =	shalt  }
0x7e: {  	_ =	shalt  }
0x7f: {  	_ =	shalt  }
0x80: {  	_ =	shalt  }
0x81: {  	_ =	shalt  }
0x82: {  	_ =	shalt  }
0x83: {  	_ =	shalt  }
0x84: {  	_ =	shalt  }
0x85: {  	_ =	shalt  }
0x86: {  	_ =	shalt  }
0x87: {  	_ =	shalt  }
.Lfunc_end0:
.L_simem_size_0:
called_computation_lowered:
.L_overlay_start_0:
0x88: {  	s2 =	sld [smem:$0x3FD9]  }
0x89: {  	s3 =	sld [smem:$0x3FFE];
	_ =	sdelay $0x1  }
0x8a: {  	s1 =	srdreg.scid  }
0x8b: {  	s0 =	sand.u32 $0x1, s1  }
0x8c: {  	s17 =	sshll.u32 s0, $0xA;
	s2 =	sadd.s32 s3, s2  }
0x8d: {  	s2 =	sadd.s32 s2, s17  }
0x8e: {  	[smem:$0x3FBE] =	sst s2  }
0x8f: {  	_ = 	snop  }
0x90: {  	s2 =	sld [smem:$0x3FC9]  }
0x91: {  	s18 =	sld [smem:$0x3FC8]  }
0x92: {  	s4 =	sld [smem:$0x3FC6]  }
0x93: {  	s5 =	sld [smem:$0x3FC5];
	(tm) =	ssettm $0x1  }
0x94: {  	s6 =	sld [smem:$0x3FFB];
	_ =	sdelay $0x3  }
0x95: {  	_ =	strace s6  }
0x96: {  	s6 =	sld [smem:$0x3FFC];
	_ =	sdelay $0x3  }
0x97: {  	_ =	strace s6  }
0x98: {  	s6 =	sld [smem:$0x3FFD];
	_ =	sdelay $0x3  }
0x99: {  	_ =	strace s6  }
0x9a: {  	_ =	strace $0x8FFFFFFF  }
0x9b: {  	s19 =	sld [smem:$0x3FDB];
	_ =	sdelay $0x1  }
0x9c: {  	s7 =	simm.s32 $_scs_section_size  }
0x9d: {  	s8 =	simm.s32 $_size__tile_overlayer_lowered;
	s9 =	simm.s32 $_tile_overlayer_lowered  }
0x9e: {  	s22 =	simm.s32 $0x1BFF;
	s21 =	sshll.u32 s9, $0x1;
	s6 =	sadd.s32 s7, s19  }
0x9f: {  	s10 =	simm.s32 $0x0;
	s20 =	sshll.u32 s8, $0x1;
	s8 =	sadd.s32 s21, s6  }
0xa0: {  	[timem:s10], [sflag:s22] =	dma.local [hbm:s8], s20  }
0xa1: {  	_ =	swait.ge [sflag:s22], s20  }
0xa2: {  	s7 =	ssub.s32 $0x0, s20;
	[sflag:s22] =	ssyncset.done $0x0  }
0xa3: {  	[sflag:s22] =	ssyncadd.s32 s7;
	_ =	sdelay $0x1  }
0xa4: {  	s23 =	simm.s32 $0x1B8B  }
0xa5: {  	_ =	swait.ge [sflag:s23], $0x1  }
0xa6: {  	[sflag:s23] =	ssyncset.done $0x0  }
0xa7: {  	s25 =	simm.s32 $0x1B8E;
	s24 =	sld [smem:$0x3FFE];
	[sflag:s23] =	ssyncadd.s32 $0xFFFFFFFF  }
0xa8: {  	s26 =	simm.s32 $execute0_lowered;
	[smem:$0x3FD2] =	sst s25  }
0xa9: {  	s8 =	sshll.u32 s26, $0x1;
	_ =	strace $0x80000046;
	[dreg:$0x1] =	wrdreg $0xFFFFFFFF  }
0xaa: {  	s28 =	simm.s32 $_size_execute0_lowered;
	s6 =	sadd.s32 s6, s8;
	[dreg:$0x0] =	wrdreg $0x0  }
0xab: {  	s8 =	sshll.u32 s28, $0x1;
	[dreg:$0x2] =	wrdreg s6  }
0xac: {  	[dreg:$0x3] =	wrdreg s8  }
0xad: {  	[dreg:$0x4] =	wrdreg $0xC0  }
0xae: {  	_ =	task [dreg:s10], $0x5FFFF  }
0xaf: {  	[dreg:$0x1] =	wrdreg $0xFFFFFFFF  }
0xb0: {  	[dreg:$0x0] =	wrdreg $0x60  }
0xb1: {  	[dreg:$0x2] =	wrdreg s2  }
0xb2: {  	[dreg:$0x3] =	wrdreg s18  }
0xb3: {  	[dreg:$0x4] =	wrdreg s4  }
0xb4: {  	[dreg:$0x5] =	wrdreg s5  }
0xb5: {  	[dreg:$0x6] =	wrdreg s24  }
0xb6: {  	[dreg:$0x7] =	wrdreg $0x9  }
0xb7: {  	_ =	task.clear_ibuf [dreg:s10], $0x8FFFF;
	_ =	strace $0x90000046  }
0xb8: {  	s29 =	simm.s32 $0x9;
	_ =	strace $0x80000048  }
0xb9: {  	_ =	swait.ge [sflag:s29], $0x1  }
0xba: {  	[sflag:s29] =	ssyncadd.s32 $0xFFFFFFFF  }
0xbb: {  	_ =	strace $0x90000048  }
0xbc: {  	_ =	sfence  }
0xbd: {  	s30 =	sld [smem:$0x0];
	_ =	sdelay $0x2  }
0xbe: {  	s31 =	sshll.u32 s1, $0xD;
	s1 =	sshrl.u32 s1, $0x2  }
0xbf: {  	s3 =	sand.u32 $0x4000, s31;
	s1 =	sadd.s32 s1, s30  }
0xc0: {  	s0 =	sor.u32 s3, s0;
	s1 =	sshll.u32 s1, $0x11  }
0xc1: {  	s0 =	sor.u32 s1, s0  }
0xc2: {  	s0 =	sadd.s32 $0x8F2B, s0  }
0xc3: {  	[sflag:s0] =	ssyncadd.remote.s32 $0x1  }
0xc4: {  	_ =	sfence.sel $0xFFFF  }
0xc5: {  	[dreg:$0x0] =	wrdreg $0xFFFFFFFF;
	(pc) =	sbr.abs _section_cstart, $3  }
0xc6: {  	[dreg:$0x1] =	wrdreg $0xFFFFFFFF  }
0xc7: {  	_ =	task.clear_ibuf [dreg:s10], $0x2FFFF;
	_ =	strace $0x9FFFFFFF  }
0xc8: {  	(tm) =	ssettm $0x7FFFFFFF  }
0xc9: {  	_ =	shalt  }
tec
execute0_lowered:
.L_overlay_start_1:
0x0: {  	(tag) =	ssettag $0x1  }
0x1: {  	s0 =	rddreg [dreg:$0x0]  }
0x2: {  	s2 =	rddreg [dreg:$0x1]  }
0x3: {  	s1 =	rddreg [dreg:$0x2]  }
0x4: {  	s3 =	rddreg [dreg:$0x3]  }
0x5: {  	s4 =	rddreg [dreg:$0x4]  }
0x6: {  	s5 =	srdreg.scid;
	s6 =	stileid.u32  }
0x7: {  	s21 =	simm.s32 $0x0;
	s11 =	simm.s32 $0x1;
	s12 =	simm.s32 $0x7A1400  }
0x8: {  	s13 =	simm.s32 $0x400;
	s28 =	simm.s32 $0x3C00;
	s29 =	simm.s32 $0xBC00  }
0x9: {  	s30 =	simm.s32 $0x4400;
	s31 =	simm.s32 $0xC400;
	s10 =	simm.s32 $0x5400  }
0xa: {  	s8 =	simm.s32 $0x6400;
	s9 =	simm.s32 $0x6C00;
	s14 =	simm.s32 $0xEC00  }
0xb: {  	s15 =	simm.s32 $0x7400;
	s16 =	simm.s32 $0xF400;
	s17 =	simm.s32 $0x7C00  }
0xc: {  	s18 =	simm.s32 $0xFC00;
	s19 =	simm.s32 $0x10400;
	s20 =	simm.s32 $0x2  }
0xd: {  	s5 =	sand.u32 $0x1, s5;
	s6 =	sshll.u32 s6, $0x7;
	[smem:$0x7FF] =	sst s21  }
0xe: {  	v0 =	vlaneseq.u32;
	s7 =	sshll.u32 s5, $0x6;
	s5 =	ssub.s32 $0x2, s5;
	_ =	strace $0x80000047  }
0xf: {  	v0 =	vmul.u32 $0x80, v0;
	s6 =	sor.u32 s7, s6;
	s23 =	sshrl.u32 s5, $0x1;
	s7 =	simm.s32 $0xDC00  }
0x10: {  	s4 =	sadd.s32 s6, s4;
	s5 =	ssub.s32 s5, s23;
	s0 =	sadd.s32 s0, s6  }
.Ltmp0:
0x11: {  	v1 =	vor.u32 $0x1, v0;
	v2 =	vor.u32 $0x2, v0;
	v3 =	vor.u32 $0x3, v0;
	s24 =	sadd.s32 s2, s6;
	s23 =	simm.s32 $0x3;
	(pc) =	sbr.rel .LBB2_1-.Ltmp0, $4  }
0x12: {  	v4 =	vor.u32 $0x4, v0;
	v5 =	vor.u32 $0x5, v0;
	v6 =	vor.u32 $0x6, v0;
	s2 =	simm.s32 $0xCC00;
	s6 =	simm.s32 $0x5C00;
	[dreg:$0x6] =	wrdreg s0  }
0x13: {  	v7 =	vor.u32 $0x7, v0;
	v8 =	vor.u32 $0x8, v0;
	v9 =	vor.u32 $0x9, v0;
	[dreg:$0x7] =	wrdreg s24;
	s25 =	sadd.s32 $0x600, s4;
	s26 =	smax.u32 s5, $0x1  }
0x14: {  	v10 =	vor.u32 $0xA, v0;
	v11 =	vor.u32 $0xB, v0;
	v12 =	vor.u32 $0xC, v0;
	s0 =	simm.s32 $0x4C00;
	s5 =	simm.s32 $0xD400;
	[dreg:$0x8] =	wrdreg s25  }
0x15: {  	v13 =	vor.u32 $0xD, v0;
	v14 =	vor.u32 $0xE, v0;
	v15 =	vor.u32 $0xF, v0;
	s4 =	simm.s32 $0xE400;
	s24 =	simm.s32 $0x0;
	[dreg:$0x9] =	wrdreg s26  }
.LBB2_7:
0x16: {  	s21 =	simm.s32 $0x0;
	s22 =	rddreg [dreg:$0x8];
	s23 =	simm.s32 $0x10C00  }
0x17: {  	[hbm4b:s22+s21] =	stream.linear.scatter [tilespmem:s23], [sflag:$0x3], $0x200, $0x38;
	[tilespmem:$0x10E00] =	vst v63  }
0x18: {  	s23 =	simm.s32 $0x3  }
0x19: {  	_ =	swait.ge [sflag:s23], $0x200  }
0x1a: {  	s24 =	rddreg [dreg:$0xa]  }
0x1b: {  	s26 =	rddreg [dreg:$0x9];
	s24 =	sadd.s32 $0x1, s24  }
0x1c: {  	p0 =	sne.s32 s24, s26  }
.Ltmp1:
0x1d: {  	_ = 	snop;
	(pc) =	sbr.rel @!p0 .LBB2_8-.Ltmp1, $3  }
0x1e: {  	_ =	sdelay $0x1  }
0x1f: {  	[sflag:s23] =	ssyncset.done $0x0  }
0x20: {  	[sflag:s23] =	ssyncadd.s32 $0xFFFFFE00  }
.LBB2_1:
0x21: {  	[dreg:$0xa] =	wrdreg s24  }
0x22: {  	s22 =	rddreg [dreg:$0x6]  }
0x23: {  	[tilespmem:s21], [sflag:$0x3] =	stream.linear.gather [hbm4b:s22+s21], $0x200, $0x38;
	[tilespmem:$0x10E00] =	vst v63  }
0x24: {  	_ =	swait.ge [sflag:s23], $0x200  }
0x25: {  	[sflag:s23] =	ssyncset.done $0x0  }
0x26: {  	s25 =	simm.s32 $0x200;
	s24 =	rddreg [dreg:$0x7];
	[sflag:s23] =	ssyncadd.s32 $0xFFFFFE00  }
0x27: {  	[tilespmem:s25], [sflag:$0x3] =	stream.linear.gather [hbm4b:s24+s21], $0x200, $0x38;
	[tilespmem:$0x10E00] =	vst v63  }
0x28: {  	_ =	swait.ge [sflag:s23], $0x200  }
0x29: {  	[sflag:s23] =	ssyncset.done $0x0  }
0x2a: {  	[sflag:s23] =	ssyncadd.s32 $0xFFFFFE00  }
0x2b: {  	v17 =	vld [tilespmem:$0x200]  }
0x2c: {  	v16 =	vld [tilespmem:$0x0];
	_ =	sdelay $0x3  }
0x2d: {  	(v2sf) =	vpush v17, $0x0  }
0x2e: {  	(v2sf) =	vpush v16, $0x0;
	_ =	sdelay $0xd  }
0x2f: {  	s21 =	spop (v2sf)  }
0x30: {  	s23 =	spop (v2sf);
	(v2sf) =	vpush v17, $0x1  }
0x31: {  	s26 =	sand.u32 $0x7F, s21;
	s24 =	sshra.s32 s21, $0x1F;
	p6 =	slt.s32 s21, $0x1  }
0x32: {  	p0 =	sne.s32 s26, $0x0;
	s25 =	sand.u32 $0x7F, s23;
	(v2sf) =	vpush v16, $0x1;
	s26 =	sshra.s32 s23, $0x1F  }
0x33: {  	p2 =	slt.s32 s23, $0x1;
	s24 =	sshrl.u32 s24, $0x19;
	p1 =	sne.s32 s25, $0x0  }
0x34: {  	s22 =	sshrl.u32 s26, $0x19;
	s21 =	sadd.s32 s24, s21;
	p1 =	por !p2, !p1  }
0x35: {  	s22 =	sadd.s32 s22, s23;
	s23 =	simm.s32 $0x1;
	p1 =	por !p1, !p1  }
0x36: {  	p0 =	por !p6, !p0;
	s22 =	sshrl.u32 s22, $0x7;
	s23 =	simm.s32 @!p1 $0x0  }
0x37: {  	p0 =	por !p0, !p0;
	s22 =	ssub.s32 s22, s23;
	s23 =	simm.s32 $0x1  }
0x38: {  	s21 =	sshrl.u32 s21, $0x7;
	s22 =	sshll.u32 s22, $0x7;
	s23 =	simm.s32 @!p0 $0x0  }
0x39: {  	s22 =	sand.u32 $0x1FFFFF80, s22;
	s21 =	ssub.s32 s21, s23  }
0x3a: {  	s22 =	sadd.s32 s1, s22;
	s21 =	sshll.u32 s21, $0x7  }
0x3b: {  	[tilespmem:s13], [sflag:$0x1] =	stream.strided.gather [hbm4b:s22+s13], $0x800, s12, s13, $0x38;
	[tilespmem:$0x10E00] =	vst v63  }
0x3c: {  	s21 =	sand.u32 $0x1FFFFF80, s21  }
0x3d: {  	s25 =	simm.s32 $0x8400;
	s21 =	sadd.s32 s3, s21  }
0x3e: {  	[tilespmem:s25], [sflag:$0x1] =	stream.strided.gather [hbm4b:s21+s13], $0x800, s12, s13, $0x38;
	[tilespmem:$0x10E00] =	vst v63  }
0x3f: {  	s21 =	spop (v2sf)  }
0x40: {  	(v2sf) =	vpush v17, $0x2;
	s26 =	sand.u32 $0x7F, s21  }
0x41: {  	s23 =	spop (v2sf);
	s24 =	sshra.s32 s21, $0x1F;
	p6 =	slt.s32 s21, $0x1  }
0x42: {  	(v2sf) =	vpush v16, $0x2;
	p3 =	sne.s32 s26, $0x0;
	s25 =	sand.u32 $0x7F, s23;
	s26 =	sshra.s32 s23, $0x1F  }
0x43: {  	p5 =	slt.s32 s23, $0x1;
	s24 =	sshrl.u32 s24, $0x19;
	p4 =	sne.s32 s25, $0x0  }
0x44: {  	s22 =	sshrl.u32 s26, $0x19;
	s21 =	sadd.s32 s24, s21;
	p1 =	por !p5, !p4  }
0x45: {  	s22 =	sadd.s32 s22, s23;
	s23 =	simm.s32 $0x1;
	p1 =	por !p1, !p1  }
0x46: {  	p0 =	por !p6, !p3;
	s22 =	sshrl.u32 s22, $0x7;
	s23 =	simm.s32 @!p1 $0x0  }
0x47: {  	p0 =	por !p0, !p0;
	s22 =	ssub.s32 s22, s23;
	s23 =	simm.s32 $0x1  }
0x48: {  	s21 =	sshrl.u32 s21, $0x7;
	s22 =	sshll.u32 s22, $0x7;
	s23 =	simm.s32 @!p0 $0x0  }
0x49: {  	s22 =	sand.u32 $0x1FFFFF80, s22;
	s21 =	ssub.s32 s21, s23  }
0x4a: {  	s24 =	simm.s32 $0xC00;
	s22 =	sadd.s32 s1, s22;
	s21 =	sshll.u32 s21, $0x7  }
0x4b: {  	[tilespmem:s24], [sflag:$0x1] =	stream.strided.gather [hbm4b:s22+s13], $0x800, s12, s13, $0x38;
	[tilespmem:$0x10E00] =	vst v63  }
0x4c: {  	s21 =	sand.u32 $0x1FFFFF80, s21  }
0x4d: {  	s25 =	simm.s32 $0x8C00;
	s21 =	sadd.s32 s3, s21  }
0x4e: {  	[tilespmem:s25], [sflag:$0x1] =	stream.strided.gather [hbm4b:s21+s13], $0x800, s12, s13, $0x38;
	[tilespmem:$0x10E00] =	vst v63  }
0x4f: {  	s21 =	spop (v2sf)  }
0x50: {  	(v2sf) =	vpush v17, $0x3;
	s26 =	sand.u32 $0x7F, s21  }
0x51: {  	s23 =	spop (v2sf);
	s24 =	sshra.s32 s21, $0x1F;
	p6 =	slt.s32 s21, $0x1  }
0x52: {  	(v2sf) =	vpush v16, $0x3;
	p3 =	sne.s32 s26, $0x0;
	s25 =	sand.u32 $0x7F, s23;
	s26 =	sshra.s32 s23, $0x1F  }
0x53: {  	p5 =	slt.s32 s23, $0x1;
	s24 =	sshrl.u32 s24, $0x19;
	p4 =	sne.s32 s25, $0x0  }
0x54: {  	s22 =	sshrl.u32 s26, $0x19;
	s21 =	sadd.s32 s24, s21;
	p1 =	por !p5, !p4  }
0x55: {  	s22 =	sadd.s32 s22, s23;
	s23 =	simm.s32 $0x1;
	p1 =	por !p1, !p1  }
0x56: {  	p0 =	por !p6, !p3;
	s22 =	sshrl.u32 s22, $0x7;
	s23 =	simm.s32 @!p1 $0x0  }
0x57: {  	p0 =	por !p0, !p0;
	s22 =	ssub.s32 s22, s23;
	s23 =	simm.s32 $0x1  }
0x58: {  	s21 =	sshrl.u32 s21, $0x7;
	s22 =	sshll.u32 s22, $0x7;
	s23 =	simm.s32 @!p0 $0x0  }
0x59: {  	s22 =	sand.u32 $0x1FFFFF80, s22;
	s21 =	ssub.s32 s21, s23  }
0x5a: {  	s24 =	simm.s32 $0x1400;
	s22 =	sadd.s32 s1, s22;
	s21 =	sshll.u32 s21, $0x7  }
0x5b: {  	[tilespmem:s24], [sflag:$0x1] =	stream.strided.gather [hbm4b:s22+s13], $0x800, s12, s13, $0x38;
	[tilespmem:$0x10E00] =	vst v63  }
0x5c: {  	s21 =	sand.u32 $0x1FFFFF80, s21  }
0x5d: {  	s25 =	simm.s32 $0x9400;
	s21 =	sadd.s32 s3, s21  }
0x5e: {  	[tilespmem:s25], [sflag:$0x1] =	stream.strided.gather [hbm4b:s21+s13], $0x800, s12, s13, $0x38;
	[tilespmem:$0x10E00] =	vst v63  }
0x5f: {  	s21 =	spop (v2sf)  }
0x60: {  	(v2sf) =	vpush v17, $0x4;
	s26 =	sand.u32 $0x7F, s21  }
0x61: {  	s23 =	spop (v2sf);
	s24 =	sshra.s32 s21, $0x1F;
	p6 =	slt.s32 s21, $0x1  }
0x62: {  	(v2sf) =	vpush v16, $0x4;
	p3 =	sne.s32 s26, $0x0;
	s25 =	sand.u32 $0x7F, s23;
	s26 =	sshra.s32 s23, $0x1F  }
0x63: {  	p5 =	slt.s32 s23, $0x1;
	s24 =	sshrl.u32 s24, $0x19;
	p4 =	sne.s32 s25, $0x0  }
0x64: {  	s22 =	sshrl.u32 s26, $0x19;
	s21 =	sadd.s32 s24, s21;
	p1 =	por !p5, !p4  }
0x65: {  	s22 =	sadd.s32 s22, s23;
	s23 =	simm.s32 $0x1;
	p1 =	por !p1, !p1  }
0x66: {  	p0 =	por !p6, !p3;
	s22 =	sshrl.u32 s22, $0x7;
	s23 =	simm.s32 @!p1 $0x0  }
0x67: {  	p0 =	por !p0, !p0;
	s22 =	ssub.s32 s22, s23;
	s23 =	simm.s32 $0x1  }
0x68: {  	s21 =	sshrl.u32 s21, $0x7;
	s22 =	sshll.u32 s22, $0x7;
	s23 =	simm.s32 @!p0 $0x0  }
0x69: {  	s22 =	sand.u32 $0x1FFFFF80, s22;
	s21 =	ssub.s32 s21, s23  }
0x6a: {  	s24 =	simm.s32 $0x1C00;
	s22 =	sadd.s32 s1, s22;
	s21 =	sshll.u32 s21, $0x7  }
0x6b: {  	[tilespmem:s24], [sflag:$0x1] =	stream.strided.gather [hbm4b:s22+s13], $0x800, s12, s13, $0x38;
	[tilespmem:$0x10E00] =	vst v63  }
0x6c: {  	s21 =	sand.u32 $0x1FFFFF80, s21  }
0x6d: {  	s25 =	simm.s32 $0x9C00;
	s21 =	sadd.s32 s3, s21  }
0x6e: {  	[tilespmem:s25], [sflag:$0x1] =	stream.strided.gather [hbm4b:s21+s13], $0x800, s12, s13, $0x38;
	[tilespmem:$0x10E00] =	vst v63  }
0x6f: {  	s21 =	spop (v2sf)  }
0x70: {  	(v2sf) =	vpush v17, $0x5;
	s26 =	sand.u32 $0x7F, s21  }
0x71: {  	s23 =	spop (v2sf);
	s24 =	sshra.s32 s21, $0x1F;
	p6 =	slt.s32 s21, $0x1  }
0x72: {  	(v2sf) =	vpush v16, $0x5;
	p3 =	sne.s32 s26, $0x0;
	s25 =	sand.u32 $0x7F, s23;
	s26 =	sshra.s32 s23, $0x1F  }
0x73: {  	p5 =	slt.s32 s23, $0x1;
	s24 =	sshrl.u32 s24, $0x19;
	p4 =	sne.s32 s25, $0x0  }
0x74: {  	s22 =	sshrl.u32 s26, $0x19;
	s21 =	sadd.s32 s24, s21;
	p1 =	por !p5, !p4  }
0x75: {  	s22 =	sadd.s32 s22, s23;
	s23 =	simm.s32 $0x1;
	p1 =	por !p1, !p1  }
0x76: {  	p0 =	por !p6, !p3;
	s22 =	sshrl.u32 s22, $0x7;
	s23 =	simm.s32 @!p1 $0x0  }
0x77: {  	p0 =	por !p0, !p0;
	s22 =	ssub.s32 s22, s23;
	s23 =	simm.s32 $0x1  }
0x78: {  	s21 =	sshrl.u32 s21, $0x7;
	s22 =	sshll.u32 s22, $0x7;
	s23 =	simm.s32 @!p0 $0x0  }
0x79: {  	s22 =	sand.u32 $0x1FFFFF80, s22;
	s21 =	ssub.s32 s21, s23  }
0x7a: {  	s24 =	simm.s32 $0x2400;
	s22 =	sadd.s32 s1, s22;
	s21 =	sshll.u32 s21, $0x7  }
0x7b: {  	[tilespmem:s24], [sflag:$0x1] =	stream.strided.gather [hbm4b:s22+s13], $0x800, s12, s13, $0x38;
	[tilespmem:$0x10E00] =	vst v63  }
0x7c: {  	s21 =	sand.u32 $0x1FFFFF80, s21  }
0x7d: {  	s25 =	simm.s32 $0xA400;
	s21 =	sadd.s32 s3, s21  }
0x7e: {  	[tilespmem:s25], [sflag:$0x1] =	stream.strided.gather [hbm4b:s21+s13], $0x800, s12, s13, $0x38;
	[tilespmem:$0x10E00] =	vst v63  }
0x7f: {  	s21 =	spop (v2sf)  }
0x80: {  	(v2sf) =	vpush v17, $0x6;
	s26 =	sand.u32 $0x7F, s21  }
0x81: {  	s23 =	spop (v2sf);
	s24 =	sshra.s32 s21, $0x1F;
	p6 =	slt.s32 s21, $0x1  }
0x82: {  	(v2sf) =	vpush v16, $0x6;
	p3 =	sne.s32 s26, $0x0;
	s25 =	sand.u32 $0x7F, s23;
	s26 =	sshra.s32 s23, $0x1F  }
0x83: {  	p5 =	slt.s32 s23, $0x1;
	s24 =	sshrl.u32 s24, $0x19;
	p4 =	sne.s32 s25, $0x0  }
0x84: {  	s22 =	sshrl.u32 s26, $0x19;
	s21 =	sadd.s32 s24, s21;
	p1 =	por !p5, !p4  }
0x85: {  	s22 =	sadd.s32 s22, s23;
	s23 =	simm.s32 $0x1;
	p1 =	por !p1, !p1  }
0x86: {  	p0 =	por !p6, !p3;
	s22 =	sshrl.u32 s22, $0x7;
	s23 =	simm.s32 @!p1 $0x0  }
0x87: {  	p0 =	por !p0, !p0;
	s22 =	ssub.s32 s22, s23;
	s23 =	simm.s32 $0x1  }
0x88: {  	s21 =	sshrl.u32 s21, $0x7;
	s22 =	sshll.u32 s22, $0x7;
	s23 =	simm.s32 @!p0 $0x0  }
0x89: {  	s22 =	sand.u32 $0x1FFFFF80, s22;
	s21 =	ssub.s32 s21, s23  }
0x8a: {  	s24 =	simm.s32 $0x2C00;
	s22 =	sadd.s32 s1, s22;
	s21 =	sshll.u32 s21, $0x7  }
0x8b: {  	[tilespmem:s24], [sflag:$0x1] =	stream.strided.gather [hbm4b:s22+s13], $0x800, s12, s13, $0x38;
	[tilespmem:$0x10E00] =	vst v63  }
0x8c: {  	s21 =	sand.u32 $0x1FFFFF80, s21  }
0x8d: {  	s25 =	simm.s32 $0xAC00;
	s21 =	sadd.s32 s3, s21  }
0x8e: {  	[tilespmem:s25], [sflag:$0x1] =	stream.strided.gather [hbm4b:s21+s13], $0x800, s12, s13, $0x38;
	[tilespmem:$0x10E00] =	vst v63  }
0x8f: {  	s21 =	spop (v2sf)  }
0x90: {  	(v2sf) =	vpush v17, $0x7;
	s26 =	sand.u32 $0x7F, s21  }
0x91: {  	s23 =	spop (v2sf);
	s24 =	sshra.s32 s21, $0x1F;
	p6 =	slt.s32 s21, $0x1  }
0x92: {  	(v2sf) =	vpush v16, $0x7;
	p3 =	sne.s32 s26, $0x0;
	s25 =	sand.u32 $0x7F, s23;
	s26 =	sshra.s32 s23, $0x1F  }
0x93: {  	p5 =	slt.s32 s23, $0x1;
	s24 =	sshrl.u32 s24, $0x19;
	p4 =	sne.s32 s25, $0x0  }
0x94: {  	s22 =	sshrl.u32 s26, $0x19;
	s21 =	sadd.s32 s24, s21;
	p1 =	por !p5, !p4  }
0x95: {  	s22 =	sadd.s32 s22, s23;
	s23 =	simm.s32 $0x1;
	p1 =	por !p1, !p1  }
0x96: {  	p0 =	por !p6, !p3;
	s22 =	sshrl.u32 s22, $0x7;
	s23 =	simm.s32 @!p1 $0x0  }
0x97: {  	p0 =	por !p0, !p0;
	s22 =	ssub.s32 s22, s23;
	s23 =	simm.s32 $0x1  }
0x98: {  	s21 =	sshrl.u32 s21, $0x7;
	s22 =	sshll.u32 s22, $0x7;
	s23 =	simm.s32 @!p0 $0x0  }
0x99: {  	s22 =	sand.u32 $0x1FFFFF80, s22;
	s21 =	ssub.s32 s21, s23  }
0x9a: {  	s24 =	simm.s32 $0x3400;
	s22 =	sadd.s32 s1, s22;
	s21 =	sshll.u32 s21, $0x7  }
0x9b: {  	[tilespmem:s24], [sflag:$0x1] =	stream.strided.gather [hbm4b:s22+s13], $0x800, s12, s13, $0x38;
	[tilespmem:$0x10E00] =	vst v63  }
0x9c: {  	s21 =	sand.u32 $0x1FFFFF80, s21  }
0x9d: {  	s25 =	simm.s32 $0xB400;
	s21 =	sadd.s32 s3, s21  }
0x9e: {  	[tilespmem:s25], [sflag:$0x1] =	stream.strided.gather [hbm4b:s21+s13], $0x800, s12, s13, $0x38;
	[tilespmem:$0x10E00] =	vst v63  }
0x9f: {  	s21 =	spop (v2sf)  }
0xa0: {  	s26 =	sand.u32 $0x7F, s21  }
0xa1: {  	s23 =	spop (v2sf);
	s24 =	sshra.s32 s21, $0x1F;
	p6 =	slt.s32 s21, $0x1  }
0xa2: {  	p3 =	sne.s32 s26, $0x0;
	s25 =	sand.u32 $0x7F, s23;
	s26 =	sshra.s32 s23, $0x1F  }
0xa3: {  	p5 =	slt.s32 s23, $0x1;
	s24 =	sshrl.u32 s24, $0x19;
	p4 =	sne.s32 s25, $0x0  }
0xa4: {  	s22 =	sshrl.u32 s26, $0x19;
	s21 =	sadd.s32 s24, s21;
	p1 =	por !p5, !p4  }
0xa5: {  	s22 =	sadd.s32 s22, s23;
	s23 =	simm.s32 $0x1;
	p1 =	por !p1, !p1  }
0xa6: {  	p0 =	por !p6, !p3;
	s22 =	sshrl.u32 s22, $0x7;
	s23 =	simm.s32 @!p1 $0x0  }
0xa7: {  	p0 =	por !p0, !p0;
	s22 =	ssub.s32 s22, s23;
	s23 =	simm.s32 $0x1  }
0xa8: {  	s21 =	sshrl.u32 s21, $0x7;
	s22 =	sshll.u32 s22, $0x7;
	s23 =	simm.s32 @!p0 $0x0  }
0xa9: {  	s22 =	sand.u32 $0x1FFFFF80, s22;
	s21 =	ssub.s32 s21, s23  }
0xaa: {  	s22 =	sadd.s32 s1, s22;
	s21 =	sshll.u32 s21, $0x7  }
0xab: {  	[tilespmem:s28], [sflag:$0x1] =	stream.strided.gather [hbm4b:s22+s13], $0x800, s12, s13, $0x38;
	[tilespmem:$0x10E00] =	vst v63  }
0xac: {  	s21 =	sand.u32 $0x1FFFFF80, s21  }
0xad: {  	s21 =	sadd.s32 s3, s21  }
0xae: {  	[tilespmem:s29], [sflag:$0x1] =	stream.strided.gather [hbm4b:s21+s13], $0x800, s12, s13, $0x38;
	[tilespmem:$0x10E00] =	vst v63  }
0xaf: {  	v17 =	vld [tilespmem:$0x200];
	_ =	sdelay $0x2  }
0xb0: {  	v16 =	vld [tilespmem:$0x0];
	_ =	sdelay $0x1  }
0xb1: {  	(v2sf) =	vpush v17, $0x8;
	_ =	sdelay $0x2  }
0xb2: {  	(v2sf) =	vpush v16, $0x8;
	_ =	sdelay $0xa  }
0xb3: {  	(v2sf) =	vpush v17, $0x9  }
0xb4: {  	s21 =	spop (v2sf);
	(v2sf) =	vpush v16, $0x9;
	_ =	sdelay $0x2  }
0xb5: {  	s25 =	sand.u32 $0x7F, s21;
	s23 =	spop (v2sf)  }
0xb6: {  	s24 =	sshra.s32 s21, $0x1F;
	p3 =	sne.s32 s25, $0x0;
	s26 =	sand.u32 $0x7F, s23  }
0xb7: {  	s25 =	sshra.s32 s23, $0x1F;
	p5 =	slt.s32 s23, $0x1;
	p4 =	sne.s32 s26, $0x0  }
0xb8: {  	p6 =	slt.s32 s21, $0x1;
	s22 =	sshrl.u32 s25, $0x19;
	p1 =	por !p5, !p4  }
0xb9: {  	s22 =	sadd.s32 s22, s23;
	s23 =	simm.s32 $0x1;
	p1 =	por !p1, !p1  }
0xba: {  	s24 =	sshrl.u32 s24, $0x19;
	s22 =	sshrl.u32 s22, $0x7;
	s23 =	simm.s32 @!p1 $0x0  }
0xbb: {  	s21 =	sadd.s32 s24, s21;
	p0 =	por !p6, !p3;
	s22 =	ssub.s32 s22, s23  }
0xbc: {  	p0 =	por !p0, !p0;
	s23 =	simm.s32 $0x1;
	s22 =	sshll.u32 s22, $0x7  }
0xbd: {  	s21 =	sshrl.u32 s21, $0x7;
	s23 =	simm.s32 @!p0 $0x0;
	s22 =	sand.u32 $0x1FFFFF80, s22  }
0xbe: {  	(v2sf) =	vpush v17, $0xA;
	s21 =	ssub.s32 s21, s23;
	s22 =	sadd.s32 s1, s22  }
0xbf: {  	[tilespmem:s30], [sflag:$0x2] =	stream.strided.gather [hbm4b:s22+s13], $0x800, s12, s13, $0x38;
	[tilespmem:$0x10E00] =	vst v63  }
0xc0: {  	s21 =	sshll.u32 s21, $0x7;
	s22 =	spop (v2sf)  }
0xc1: {  	s21 =	sand.u32 $0x1FFFFF80, s21;
	s23 =	spop (v2sf);
	(v2sf) =	vpush v16, $0xA  }
0xc2: {  	s21 =	sadd.s32 s3, s21  }
0xc3: {  	s26 =	sand.u32 $0x7F, s22;
	s24 =	sshra.s32 s22, $0x1F;
	p6 =	slt.s32 s22, $0x1  }
0xc4: {  	[tilespmem:s31], [sflag:$0x2] =	stream.strided.gather [hbm4b:s21+s13], $0x800, s12, s13, $0x38;
	[tilespmem:$0x10E00] =	vst v63  }
0xc5: {  	p3 =	sne.s32 s26, $0x0;
	s24 =	sshrl.u32 s24, $0x19;
	s25 =	sand.u32 $0x7F, s23  }
0xc6: {  	s26 =	sshra.s32 s23, $0x1F;
	p5 =	slt.s32 s23, $0x1;
	p4 =	sne.s32 s25, $0x0  }
0xc7: {  	s22 =	sadd.s32 s24, s22;
	s21 =	sshrl.u32 s26, $0x19;
	p1 =	por !p5, !p4  }
0xc8: {  	s21 =	sadd.s32 s21, s23;
	s23 =	simm.s32 $0x1;
	p1 =	por !p1, !p1  }
0xc9: {  	p0 =	por !p6, !p3;
	s21 =	sshrl.u32 s21, $0x7;
	s23 =	simm.s32 @!p1 $0x0  }
0xca: {  	p0 =	por !p0, !p0;
	s21 =	ssub.s32 s21, s23;
	s23 =	simm.s32 $0x1  }
0xcb: {  	s22 =	sshrl.u32 s22, $0x7;
	s23 =	simm.s32 @!p0 $0x0  }
0xcc: {  	s21 =	sshll.u32 s21, $0x7;
	s22 =	ssub.s32 s22, s23  }
0xcd: {  	s21 =	sand.u32 $0x1FFFFF80, s21;
	s25 =	sshll.u32 s22, $0x7;
	s22 =	spop (v2sf);
	(v2sf) =	vpush v17, $0xB  }
0xce: {  	s21 =	sadd.s32 s1, s21  }
0xcf: {  	[tilespmem:s0], [sflag:$0x2] =	stream.strided.gather [hbm4b:s21+s13], $0x800, s12, s13, $0x38;
	[tilespmem:$0x10E00] =	vst v63  }
0xd0: {  	s23 =	spop (v2sf);
	(v2sf) =	vpush v16, $0xB  }
0xd1: {  	s21 =	sand.u32 $0x1FFFFF80, s25;
	s26 =	sand.u32 $0x7F, s22  }
0xd2: {  	s24 =	sshra.s32 s22, $0x1F;
	p6 =	slt.s32 s22, $0x1;
	s21 =	sadd.s32 s3, s21  }
0xd3: {  	[tilespmem:s2], [sflag:$0x2] =	stream.strided.gather [hbm4b:s21+s13], $0x800, s12, s13, $0x38;
	[tilespmem:$0x10E00] =	vst v63  }
0xd4: {  	p3 =	sne.s32 s26, $0x0;
	s24 =	sshrl.u32 s24, $0x19;
	s25 =	sand.u32 $0x7F, s23  }
0xd5: {  	s26 =	sshra.s32 s23, $0x1F;
	p5 =	slt.s32 s23, $0x1;
	p4 =	sne.s32 s25, $0x0  }
0xd6: {  	s22 =	sadd.s32 s24, s22;
	s21 =	sshrl.u32 s26, $0x19;
	p1 =	por !p5, !p4  }
0xd7: {  	s21 =	sadd.s32 s21, s23;
	s23 =	simm.s32 $0x1;
	p1 =	por !p1, !p1  }
0xd8: {  	p0 =	por !p6, !p3;
	s21 =	sshrl.u32 s21, $0x7;
	s23 =	simm.s32 @!p1 $0x0  }
0xd9: {  	p0 =	por !p0, !p0;
	s21 =	ssub.s32 s21, s23;
	s23 =	simm.s32 $0x1  }
0xda: {  	s22 =	sshrl.u32 s22, $0x7;
	s23 =	simm.s32 @!p0 $0x0  }
0xdb: {  	s21 =	sshll.u32 s21, $0x7;
	s22 =	ssub.s32 s22, s23  }
0xdc: {  	s21 =	sand.u32 $0x1FFFFF80, s21;
	s25 =	sshll.u32 s22, $0x7;
	s22 =	spop (v2sf);
	(v2sf) =	vpush v17, $0xC  }
0xdd: {  	s21 =	sadd.s32 s1, s21  }
0xde: {  	[tilespmem:s10], [sflag:$0x2] =	stream.strided.gather [hbm4b:s21+s13], $0x800, s12, s13, $0x38;
	[tilespmem:$0x10E00] =	vst v63  }
0xdf: {  	s23 =	spop (v2sf);
	(v2sf) =	vpush v16, $0xC  }
0xe0: {  	s21 =	sand.u32 $0x1FFFFF80, s25;
	s26 =	sand.u32 $0x7F, s22  }
0xe1: {  	s24 =	sshra.s32 s22, $0x1F;
	p6 =	slt.s32 s22, $0x1;
	s21 =	sadd.s32 s3, s21  }
0xe2: {  	[tilespmem:s5], [sflag:$0x2] =	stream.strided.gather [hbm4b:s21+s13], $0x800, s12, s13, $0x38;
	[tilespmem:$0x10E00] =	vst v63  }
0xe3: {  	p3 =	sne.s32 s26, $0x0;
	s24 =	sshrl.u32 s24, $0x19;
	s25 =	sand.u32 $0x7F, s23  }
0xe4: {  	s26 =	sshra.s32 s23, $0x1F;
	p5 =	slt.s32 s23, $0x1;
	p4 =	sne.s32 s25, $0x0  }
0xe5: {  	s22 =	sadd.s32 s24, s22;
	s21 =	sshrl.u32 s26, $0x19;
	p1 =	por !p5, !p4  }
0xe6: {  	s21 =	sadd.s32 s21, s23;
	s23 =	simm.s32 $0x1;
	p1 =	por !p1, !p1  }
0xe7: {  	p0 =	por !p6, !p3;
	s21 =	sshrl.u32 s21, $0x7;
	s23 =	simm.s32 @!p1 $0x0  }
0xe8: {  	p0 =	por !p0, !p0;
	s21 =	ssub.s32 s21, s23;
	s23 =	simm.s32 $0x1  }
0xe9: {  	s22 =	sshrl.u32 s22, $0x7;
	s23 =	simm.s32 @!p0 $0x0  }
0xea: {  	s21 =	sshll.u32 s21, $0x7;
	s22 =	ssub.s32 s22, s23  }
0xeb: {  	s21 =	sand.u32 $0x1FFFFF80, s21;
	s25 =	sshll.u32 s22, $0x7;
	s22 =	spop (v2sf);
	(v2sf) =	vpush v17, $0xD  }
0xec: {  	s21 =	sadd.s32 s1, s21  }
0xed: {  	[tilespmem:s6], [sflag:$0x2] =	stream.strided.gather [hbm4b:s21+s13], $0x800, s12, s13, $0x38;
	[tilespmem:$0x10E00] =	vst v63  }
0xee: {  	s23 =	spop (v2sf);
	(v2sf) =	vpush v16, $0xD  }
0xef: {  	s21 =	sand.u32 $0x1FFFFF80, s25;
	s26 =	sand.u32 $0x7F, s22  }
0xf0: {  	s24 =	sshra.s32 s22, $0x1F;
	p6 =	slt.s32 s22, $0x1;
	s21 =	sadd.s32 s3, s21  }
0xf1: {  	[tilespmem:s7], [sflag:$0x2] =	stream.strided.gather [hbm4b:s21+s13], $0x800, s12, s13, $0x38;
	[tilespmem:$0x10E00] =	vst v63  }
0xf2: {  	p3 =	sne.s32 s26, $0x0;
	s24 =	sshrl.u32 s24, $0x19;
	s25 =	sand.u32 $0x7F, s23  }
0xf3: {  	s26 =	sshra.s32 s23, $0x1F;
	p5 =	slt.s32 s23, $0x1;
	p4 =	sne.s32 s25, $0x0  }
0xf4: {  	s22 =	sadd.s32 s24, s22;
	s21 =	sshrl.u32 s26, $0x19;
	p1 =	por !p5, !p4  }
0xf5: {  	s21 =	sadd.s32 s21, s23;
	s23 =	simm.s32 $0x1;
	p1 =	por !p1, !p1  }
0xf6: {  	p0 =	por !p6, !p3;
	s21 =	sshrl.u32 s21, $0x7;
	s23 =	simm.s32 @!p1 $0x0  }
0xf7: {  	p0 =	por !p0, !p0;
	s21 =	ssub.s32 s21, s23;
	s23 =	simm.s32 $0x1  }
0xf8: {  	s22 =	sshrl.u32 s22, $0x7;
	s23 =	simm.s32 @!p0 $0x0  }
0xf9: {  	s21 =	sshll.u32 s21, $0x7;
	s22 =	ssub.s32 s22, s23  }
0xfa: {  	s21 =	sand.u32 $0x1FFFFF80, s21;
	s25 =	sshll.u32 s22, $0x7;
	s22 =	spop (v2sf);
	(v2sf) =	vpush v17, $0xE  }
0xfb: {  	s21 =	sadd.s32 s1, s21  }
0xfc: {  	[tilespmem:s8], [sflag:$0x2] =	stream.strided.gather [hbm4b:s21+s13], $0x800, s12, s13, $0x38;
	[tilespmem:$0x10E00] =	vst v63  }
0xfd: {  	s23 =	spop (v2sf);
	(v2sf) =	vpush v16, $0xE  }
0xfe: {  	s21 =	sand.u32 $0x1FFFFF80, s25;
	s26 =	sand.u32 $0x7F, s22  }
0xff: {  	s24 =	sshra.s32 s22, $0x1F;
	p6 =	slt.s32 s22, $0x1;
	s21 =	sadd.s32 s3, s21  }
0x100: {  	[tilespmem:s4], [sflag:$0x2] =	stream.strided.gather [hbm4b:s21+s13], $0x800, s12, s13, $0x38;
	[tilespmem:$0x10E00] =	vst v63  }
0x101: {  	p3 =	sne.s32 s26, $0x0;
	s24 =	sshrl.u32 s24, $0x19;
	s25 =	sand.u32 $0x7F, s23  }
0x102: {  	s26 =	sshra.s32 s23, $0x1F;
	p5 =	slt.s32 s23, $0x1;
	p4 =	sne.s32 s25, $0x0  }
0x103: {  	s22 =	sadd.s32 s24, s22;
	s21 =	sshrl.u32 s26, $0x19;
	p1 =	por !p5, !p4  }
0x104: {  	s21 =	sadd.s32 s21, s23;
	s23 =	simm.s32 $0x1;
	p1 =	por !p1, !p1  }
0x105: {  	p0 =	por !p6, !p3;
	s21 =	sshrl.u32 s21, $0x7;
	s23 =	simm.s32 @!p1 $0x0  }
0x106: {  	p0 =	por !p0, !p0;
	s21 =	ssub.s32 s21, s23;
	s23 =	simm.s32 $0x1  }
0x107: {  	s22 =	sshrl.u32 s22, $0x7;
	s21 =	sshll.u32 s21, $0x7;
	s23 =	simm.s32 @!p0 $0x0  }
0x108: {  	s21 =	sand.u32 $0x1FFFFF80, s21;
	s22 =	ssub.s32 s22, s23  }
0x109: {  	s21 =	sadd.s32 s1, s21;
	s25 =	sshll.u32 s22, $0x7;
	s22 =	spop (v2sf)  }
0x10a: {  	(v2sf) =	vpush v17, $0xF;
	[tilespmem:s9], [sflag:$0x2] =	stream.strided.gather [hbm4b:s21+s13], $0x800, s12, s13, $0x38;
	[tilespmem:$0x10E00] =	vst v63  }
0x10b: {  	s21 =	sand.u32 $0x1FFFFF80, s25;
	s26 =	sand.u32 $0x7F, s22;
	s24 =	sshra.s32 s22, $0x1F  }
0x10c: {  	p6 =	slt.s32 s22, $0x1;
	s21 =	sadd.s32 s3, s21;
	s23 =	spop (v2sf);
	(v2sf) =	vpush v16, $0xF  }
0x10d: {  	[tilespmem:s14], [sflag:$0x2] =	stream.strided.gather [hbm4b:s21+s13], $0x800, s12, s13, $0x38;
	[tilespmem:$0x10E00] =	vst v63  }
0x10e: {  	p3 =	sne.s32 s26, $0x0;
	s24 =	sshrl.u32 s24, $0x19;
	s25 =	sand.u32 $0x7F, s23  }
0x10f: {  	s26 =	sshra.s32 s23, $0x1F;
	p5 =	slt.s32 s23, $0x1;
	p4 =	sne.s32 s25, $0x0  }
0x110: {  	s22 =	sadd.s32 s24, s22;
	s21 =	sshrl.u32 s26, $0x19;
	p1 =	por !p5, !p4  }
0x111: {  	s21 =	sadd.s32 s21, s23;
	s23 =	simm.s32 $0x1;
	p1 =	por !p1, !p1  }
0x112: {  	p0 =	por !p6, !p3;
	s21 =	sshrl.u32 s21, $0x7;
	s23 =	simm.s32 @!p1 $0x0  }
0x113: {  	p0 =	por !p0, !p0;
	s21 =	ssub.s32 s21, s23;
	s23 =	simm.s32 $0x1  }
0x114: {  	s22 =	sshrl.u32 s22, $0x7;
	s21 =	sshll.u32 s21, $0x7;
	s23 =	simm.s32 @!p0 $0x0  }
0x115: {  	s21 =	sand.u32 $0x1FFFFF80, s21;
	s22 =	ssub.s32 s22, s23  }
0x116: {  	s21 =	sadd.s32 s1, s21;
	s24 =	sshll.u32 s22, $0x7  }
0x117: {  	[tilespmem:s15], [sflag:$0x2] =	stream.strided.gather [hbm4b:s21+s13], $0x800, s12, s13, $0x38;
	[tilespmem:$0x10E00] =	vst v63  }
0x118: {  	s21 =	sand.u32 $0x1FFFFF80, s24  }
0x119: {  	s22 =	spop (v2sf);
	s21 =	sadd.s32 s3, s21  }
0x11a: {  	[tilespmem:s16], [sflag:$0x2] =	stream.strided.gather [hbm4b:s21+s13], $0x800, s12, s13, $0x38;
	[tilespmem:$0x10E00] =	vst v63  }
0x11b: {  	s25 =	sand.u32 $0x7F, s22;
	s23 =	spop (v2sf)  }
0x11c: {  	s24 =	sshra.s32 s22, $0x1F;
	p3 =	sne.s32 s25, $0x0;
	s26 =	sand.u32 $0x7F, s23  }
0x11d: {  	s25 =	sshra.s32 s23, $0x1F;
	p5 =	slt.s32 s23, $0x1;
	p4 =	sne.s32 s26, $0x0  }
0x11e: {  	p6 =	slt.s32 s22, $0x1;
	s21 =	sshrl.u32 s25, $0x19;
	p1 =	por !p5, !p4  }
0x11f: {  	s21 =	sadd.s32 s21, s23;
	s23 =	simm.s32 $0x1;
	p1 =	por !p1, !p1  }
0x120: {  	s24 =	sshrl.u32 s24, $0x19;
	s21 =	sshrl.u32 s21, $0x7;
	s23 =	simm.s32 @!p1 $0x0  }
0x121: {  	s22 =	sadd.s32 s24, s22;
	p0 =	por !p6, !p3;
	s21 =	ssub.s32 s21, s23  }
0x122: {  	p0 =	por !p0, !p0;
	s23 =	simm.s32 $0x1;
	s21 =	sshll.u32 s21, $0x7  }
0x123: {  	s22 =	sshrl.u32 s22, $0x7;
	s23 =	simm.s32 @!p0 $0x0;
	s21 =	sand.u32 $0x1FFFFF80, s21  }
0x124: {  	s22 =	ssub.s32 s22, s23;
	s21 =	sadd.s32 s1, s21  }
0x125: {  	[tilespmem:s17], [sflag:$0x2] =	stream.strided.gather [hbm4b:s21+s13], $0x800, s12, s13, $0x38;
	[tilespmem:$0x10E00] =	vst v63  }
.Ltmp2:
0x126: {  	s26 =	sshll.u32 s22, $0x7;
	(pc) =	sbr.rel .LBB2_2-.Ltmp2, $4  }
0x127: {  	s21 =	sand.u32 $0x1FFFFF80, s26  }
0x128: {  	s21 =	sadd.s32 s3, s21  }
0x129: {  	[tilespmem:s18], [sflag:$0x2] =	stream.strided.gather [hbm4b:s21+s13], $0x800, s12, s13, $0x38;
	[tilespmem:$0x10E00] =	vst v63  }
0x12a: {  	s21 =	simm.s32 $0x0  }
.LBB2_6:
0x12b: {  	v16 =	vld [tilespmem:$0x10400]  }
0x12c: {  	v17 =	vld [tilespmem:$0x10480];
	_ =	sdelay $0x1  }
0x12d: {  	v18 =	vld [tilespmem:$0x10500];
	_ =	sdelay $0x1  }
0x12e: {  	v19 =	vld [tilespmem:$0x10580]  }
0x12f: {  	v16 =	vadd.f32 v17, v16  }
0x130: {  	v17 =	vld [tilespmem:$0x10600]  }
0x131: {  	v16 =	vadd.f32 v18, v16  }
0x132: {  	v56 =	vld [tilespmem:$0x10680]  }
0x133: {  	v16 =	vadd.f32 v19, v16  }
0x134: {  	v57 =	vld [tilespmem:$0x10700]  }
0x135: {  	v16 =	vadd.f32 v17, v16  }
0x136: {  	v17 =	vld [tilespmem:$0x10780]  }
0x137: {  	v16 =	vadd.f32 v56, v16  }
0x138: {  	v58 =	vld [tilespmem:$0x10800]  }
0x139: {  	v16 =	vadd.f32 v57, v16  }
0x13a: {  	v59 =	vld [tilespmem:$0x10880]  }
0x13b: {  	v16 =	vadd.f32 v17, v16  }
0x13c: {  	v17 =	vld [tilespmem:$0x10900]  }
0x13d: {  	v16 =	vadd.f32 v58, v16  }
0x13e: {  	v60 =	vld [tilespmem:$0x10980]  }
0x13f: {  	v16 =	vadd.f32 v59, v16  }
0x140: {  	v61 =	vld [tilespmem:$0x10A00]  }
0x141: {  	v16 =	vadd.f32 v17, v16  }
0x142: {  	v17 =	vld [tilespmem:$0x10A80]  }
0x143: {  	v16 =	vadd.f32 v60, v16  }
0x144: {  	v62 =	vld [tilespmem:$0x10B00]  }
0x145: {  	v16 =	vadd.f32 v61, v16  }
0x146: {  	v63 =	vld [tilespmem:$0x10B80]  }
0x147: {  	s21 =	sadd.s32 $0x40, s21;
	v16 =	vadd.f32 v17, v16  }
0x148: {  	p0 =	sne.s32 s21, $0x800  }
.Ltmp3:
0x149: {  	v16 =	vadd.f32 v62, v16;
	(pc) =	sbr.rel @!p0 .LBB2_7-.Ltmp3, $3  }
0x14a: {  	_ = 	snop  }
0x14b: {  	v16 =	vadd.f32 v63, v16;
	_ =	sdelay $0x1  }
0x14c: {  	[tilespmem:s22+$0x10C00] =	vst v16  }
.LBB2_2:
0x14d: {  	_ =	swait.ge [sflag:s11], $0x800  }
0x14e: {  	[sflag:s11] =	ssyncset.done $0x0  }
0x14f: {  	[sflag:s11] =	ssyncadd.s32 $0xFFFFF800  }
0x150: {  	_ =	swait.ge [sflag:s11], $0x800  }
0x151: {  	[sflag:s11] =	ssyncset.done $0x0  }
0x152: {  	[sflag:s11] =	ssyncadd.s32 $0xFFFFF800  }
0x153: {  	_ =	swait.ge [sflag:s11], $0x800  }
0x154: {  	[sflag:s11] =	ssyncset.done $0x0  }
0x155: {  	[sflag:s11] =	ssyncadd.s32 $0xFFFFF800  }
0x156: {  	_ =	swait.ge [sflag:s11], $0x800  }
0x157: {  	[sflag:s11] =	ssyncset.done $0x0  }
0x158: {  	[sflag:s11] =	ssyncadd.s32 $0xFFFFF800  }
0x159: {  	_ =	swait.ge [sflag:s11], $0x800  }
0x15a: {  	[sflag:s11] =	ssyncset.done $0x0  }
0x15b: {  	[sflag:s11] =	ssyncadd.s32 $0xFFFFF800  }
0x15c: {  	_ =	swait.ge [sflag:s11], $0x800  }
0x15d: {  	[sflag:s11] =	ssyncset.done $0x0  }
0x15e: {  	[sflag:s11] =	ssyncadd.s32 $0xFFFFF800  }
0x15f: {  	_ =	swait.ge [sflag:s11], $0x800  }
0x160: {  	[sflag:s11] =	ssyncset.done $0x0  }
0x161: {  	[sflag:s11] =	ssyncadd.s32 $0xFFFFF800  }
0x162: {  	_ =	swait.ge [sflag:s11], $0x800  }
0x163: {  	[sflag:s11] =	ssyncset.done $0x0  }
0x164: {  	[sflag:s11] =	ssyncadd.s32 $0xFFFFF800  }
0x165: {  	_ =	swait.ge [sflag:s11], $0x800  }
0x166: {  	[sflag:s11] =	ssyncset.done $0x0  }
0x167: {  	[sflag:s11] =	ssyncadd.s32 $0xFFFFF800  }
0x168: {  	_ =	swait.ge [sflag:s11], $0x800  }
0x169: {  	[sflag:s11] =	ssyncset.done $0x0  }
0x16a: {  	[sflag:s11] =	ssyncadd.s32 $0xFFFFF800  }
0x16b: {  	_ =	swait.ge [sflag:s11], $0x800  }
0x16c: {  	[sflag:s11] =	ssyncset.done $0x0  }
0x16d: {  	[sflag:s11] =	ssyncadd.s32 $0xFFFFF800  }
0x16e: {  	_ =	swait.ge [sflag:s11], $0x800  }
0x16f: {  	[sflag:s11] =	ssyncset.done $0x0  }
0x170: {  	[sflag:s11] =	ssyncadd.s32 $0xFFFFF800  }
0x171: {  	_ =	swait.ge [sflag:s11], $0x800  }
0x172: {  	[sflag:s11] =	ssyncset.done $0x0  }
0x173: {  	[sflag:s11] =	ssyncadd.s32 $0xFFFFF800  }
0x174: {  	_ =	swait.ge [sflag:s11], $0x800  }
0x175: {  	[sflag:s11] =	ssyncset.done $0x0  }
0x176: {  	[sflag:s11] =	ssyncadd.s32 $0xFFFFF800  }
0x177: {  	_ =	swait.ge [sflag:s11], $0x800  }
0x178: {  	[sflag:s11] =	ssyncset.done $0x0  }
0x179: {  	[sflag:s11] =	ssyncadd.s32 $0xFFFFF800  }
0x17a: {  	_ =	swait.ge [sflag:s11], $0x800  }
0x17b: {  	[sflag:s11] =	ssyncset.done $0x0  }
0x17c: {  	s22 =	sshra.s32 s21, $0x2;
	[sflag:s11] =	ssyncadd.s32 $0xFFFFF800  }
0x17d: {  	v16 =	vld [tilespmem:s22+$0x0]  }
0x17e: {  	v17 =	vld [tilespmem:s22+$0x200];
	_ =	sdelay $0x3  }
0x17f: {  	(v2sf) =	vpush v16, $0x0  }
0x180: {  	(v2sf) =	vpush v17, $0x0;
	_ =	sdelay $0x7  }
0x181: {  	(v2sf) =	vpush v16, $0x1  }
0x182: {  	(v2sf) =	vpush v17, $0x1;
	_ =	sdelay $0x4  }
0x183: {  	s23 =	spop (v2sf)  }
0x184: {  	s23 =	sand.u32 $0x7F, s23;
	s24 =	spop (v2sf)  }
0x185: {  	s24 =	sand.u32 $0x7F, s24;
	v18 =	vor.u32 s23, v0  }
0x186: {  	(v2sf) =	vpush v16, $0x2;
	v19 =	vor.u32 s24, v0  }
0x187: {  	(v2sf) =	vpush v17, $0x2;
	_ =	sdelay $0x2  }
0x188: {  	s24 =	simm.s32 $0x8400;
	v18 =	vld.idx.msk [tilespmem:v18+s13+$0x0], $0xffff  }
0x189: {  	v19 =	vld.idx.msk [tilespmem:v19+s24+$0x0], $0xffff  }
0x18a: {  	s25 =	spop (v2sf)  }
0x18b: {  	s23 =	sand.u32 $0x7F, s25;
	s26 =	spop (v2sf)  }
0x18c: {  	v20 =	vor.u32 s23, v0;
	s24 =	sand.u32 $0x7F, s26  }
0x18d: {  	(v2sf) =	vpush v16, $0x3;
	v21 =	vor.u32 s24, v0  }
0x18e: {  	(v2sf) =	vpush v17, $0x3;
	v18 =	vmul.f32 v19, v18;
	_ =	sdelay $0x1  }
0x18f: {  	s25 =	simm.s32 $0xC00;
	[tilespmem:v0+s19+$0x0] =	vst.idx.msk $0xffff, v18  }
0x190: {  	s26 =	simm.s32 $0x8C00;
	v18 =	vld.idx.msk [tilespmem:v20+s25+$0x0], $0xffff  }
0x191: {  	v49 =	vld.idx.msk [tilespmem:v21+s26+$0x0], $0xffff  }
0x192: {  	s24 =	spop (v2sf)  }
0x193: {  	s23 =	sand.u32 $0x7F, s24;
	s25 =	spop (v2sf)  }
0x194: {  	s24 =	sand.u32 $0x7F, s25;
	v50 =	vor.u32 s23, v0  }
0x195: {  	(v2sf) =	vpush v16, $0x4;
	v51 =	vor.u32 s24, v0  }
0x196: {  	(v2sf) =	vpush v17, $0x4;
	v18 =	vmul.f32 v49, v18;
	_ =	sdelay $0x1  }
0x197: {  	s26 =	simm.s32 $0x1400;
	[tilespmem:v1+s19+$0x0] =	vst.idx.msk $0xffff, v18  }
0x198: {  	s24 =	simm.s32 $0x9400;
	v18 =	vld.idx.msk [tilespmem:v50+s26+$0x0], $0xffff  }
0x199: {  	v52 =	vld.idx.msk [tilespmem:v51+s24+$0x0], $0xffff  }
0x19a: {  	s25 =	spop (v2sf)  }
0x19b: {  	s23 =	sand.u32 $0x7F, s25;
	s26 =	spop (v2sf)  }
0x19c: {  	v53 =	vor.u32 s23, v0;
	s24 =	sand.u32 $0x7F, s26  }
0x19d: {  	(v2sf) =	vpush v16, $0x5;
	v54 =	vor.u32 s24, v0  }
0x19e: {  	(v2sf) =	vpush v17, $0x5;
	v18 =	vmul.f32 v52, v18;
	_ =	sdelay $0x1  }
0x19f: {  	s25 =	simm.s32 $0x1C00;
	[tilespmem:v2+s19+$0x0] =	vst.idx.msk $0xffff, v18  }
0x1a0: {  	s26 =	simm.s32 $0x9C00;
	v18 =	vld.idx.msk [tilespmem:v53+s25+$0x0], $0xffff  }
0x1a1: {  	v55 =	vld.idx.msk [tilespmem:v54+s26+$0x0], $0xffff  }
0x1a2: {  	s24 =	spop (v2sf)  }
0x1a3: {  	s23 =	sand.u32 $0x7F, s24;
	s25 =	spop (v2sf)  }
0x1a4: {  	v56 =	vor.u32 s23, v0;
	s24 =	sand.u32 $0x7F, s25  }
0x1a5: {  	(v2sf) =	vpush v16, $0x6;
	v57 =	vor.u32 s24, v0  }
0x1a6: {  	(v2sf) =	vpush v17, $0x6;
	v18 =	vmul.f32 v55, v18;
	_ =	sdelay $0x1  }
0x1a7: {  	s26 =	simm.s32 $0x2400;
	[tilespmem:v3+s19+$0x0] =	vst.idx.msk $0xffff, v18  }
0x1a8: {  	s24 =	simm.s32 $0xA400;
	v18 =	vld.idx.msk [tilespmem:v56+s26+$0x0], $0xffff  }
0x1a9: {  	v58 =	vld.idx.msk [tilespmem:v57+s24+$0x0], $0xffff  }
0x1aa: {  	s25 =	spop (v2sf)  }
0x1ab: {  	s23 =	sand.u32 $0x7F, s25;
	s26 =	spop (v2sf)  }
0x1ac: {  	v59 =	vor.u32 s23, v0;
	s24 =	sand.u32 $0x7F, s26  }
0x1ad: {  	(v2sf) =	vpush v16, $0x7;
	v16 =	vor.u32 s24, v0  }
0x1ae: {  	(v2sf) =	vpush v17, $0x7;
	v18 =	vmul.f32 v58, v18;
	_ =	sdelay $0x1  }
0x1af: {  	s25 =	simm.s32 $0x2C00;
	[tilespmem:v4+s19+$0x0] =	vst.idx.msk $0xffff, v18  }
0x1b0: {  	s26 =	simm.s32 $0xAC00;
	v17 =	vld.idx.msk [tilespmem:v59+s25+$0x0], $0xffff  }
0x1b1: {  	v16 =	vld.idx.msk [tilespmem:v16+s26+$0x0], $0xffff  }
0x1b2: {  	s24 =	spop (v2sf)  }
0x1b3: {  	s23 =	sand.u32 $0x7F, s24;
	s25 =	spop (v2sf)  }
0x1b4: {  	v60 =	vor.u32 s23, v0;
	s24 =	sand.u32 $0x7F, s25  }
0x1b5: {  	v61 =	vor.u32 s24, v0  }
0x1b6: {  	v16 =	vmul.f32 v16, v17;
	_ =	sdelay $0x1  }
0x1b7: {  	s26 =	simm.s32 $0x3400;
	[tilespmem:v5+s19+$0x0] =	vst.idx.msk $0xffff, v16  }
0x1b8: {  	s24 =	simm.s32 $0xB400;
	v16 =	vld.idx.msk [tilespmem:v60+s26+$0x0], $0xffff  }
0x1b9: {  	v17 =	vld.idx.msk [tilespmem:v61+s24+$0x0], $0xffff  }
0x1ba: {  	s25 =	spop (v2sf)  }
0x1bb: {  	s23 =	sand.u32 $0x7F, s25;
	s26 =	spop (v2sf)  }
0x1bc: {  	v62 =	vor.u32 s23, v0;
	s24 =	sand.u32 $0x7F, s26  }
0x1bd: {  	v63 =	vor.u32 s24, v0  }
0x1be: {  	v16 =	vmul.f32 v17, v16;
	_ =	sdelay $0x1  }
0x1bf: {  	[tilespmem:v6+s19+$0x0] =	vst.idx.msk $0xffff, v16  }
0x1c0: {  	v16 =	vld.idx.msk [tilespmem:v62+s28+$0x0], $0xffff  }
0x1c1: {  	v17 =	vld.idx.msk [tilespmem:v63+s29+$0x0], $0xffff;
	_ =	sdelay $0x1  }
0x1c2: {  	p0 =	seq.s32 s21, $0x7C0  }
.Ltmp4:
0x1c3: {  	_ = 	snop;
	(pc) =	sbr.rel @p0 .LBB2_4-.Ltmp4, $3  }
0x1c4: {  	_ = 	snop  }
0x1c5: {  	v16 =	vmul.f32 v17, v16;
	_ =	sdelay $0x1  }
0x1c6: {  	[tilespmem:v7+s19+$0x0] =	vst.idx.msk $0xffff, v16  }
0x1c7: {  	v17 =	vld [tilespmem:s22+$0x210];
	_ =	sdelay $0x1  }
0x1c8: {  	v16 =	vld [tilespmem:s22+$0x10];
	_ =	sdelay $0x2  }
0x1c9: {  	(v2sf) =	vpush v17, $0x0;
	_ =	sdelay $0x1  }
0x1ca: {  	(v2sf) =	vpush v16, $0x0;
	_ =	sdelay $0xb  }
0x1cb: {  	(v2sf) =	vpush v17, $0x1  }
0x1cc: {  	s23 =	spop (v2sf)  }
0x1cd: {  	(v2sf) =	vpush v16, $0x1;
	s24 =	sand.u32 $0x7F, s23  }
0x1ce: {  	s25 =	spop (v2sf);
	s26 =	sshra.s32 s23, $0x1F;
	p6 =	slt.s32 s23, $0x1  }
0x1cf: {  	p1 =	sne.s32 s24, $0x0;
	s24 =	sand.u32 $0x7F, s25;
	p3 =	slt.s32 s25, $0x1  }
0x1d0: {  	s26 =	sshrl.u32 s26, $0x19;
	p2 =	sne.s32 s24, $0x0;
	s24 =	sshra.s32 s25, $0x1F  }
0x1d1: {  	s23 =	sadd.s32 s26, s23;
	s24 =	sshrl.u32 s24, $0x19;
	p2 =	por !p3, !p2  }
0x1d2: {  	s24 =	sadd.s32 s24, s25;
	p2 =	por !p2, !p2;
	s25 =	simm.s32 $0x1  }
0x1d3: {  	p1 =	por !p6, !p1;
	s24 =	sshrl.u32 s24, $0x7;
	s25 =	simm.s32 @!p2 $0x0  }
0x1d4: {  	p1 =	por !p1, !p1;
	s24 =	ssub.s32 s24, s25;
	s25 =	simm.s32 $0x1  }
0x1d5: {  	s23 =	sshrl.u32 s23, $0x7;
	s24 =	sshll.u32 s24, $0x7;
	s25 =	simm.s32 @!p1 $0x0  }
0x1d6: {  	s24 =	sand.u32 $0x1FFFFF80, s24;
	s23 =	ssub.s32 s23, s25  }
0x1d7: {  	s24 =	sadd.s32 s1, s24;
	s23 =	sshll.u32 s23, $0x7  }
0x1d8: {  	[tilespmem:s13], [sflag:$0x1] =	stream.strided.gather [hbm4b:s24+s13], $0x800, s12, s13, $0x38;
	[tilespmem:$0x10E00] =	vst v63  }
0x1d9: {  	(v2sf) =	vpush v17, $0x2;
	s23 =	sand.u32 $0x1FFFFF80, s23  }
0x1da: {  	s26 =	simm.s32 $0x8400;
	s24 =	spop (v2sf);
	s23 =	sadd.s32 s3, s23  }
0x1db: {  	[tilespmem:s26], [sflag:$0x1] =	stream.strided.gather [hbm4b:s23+s13], $0x800, s12, s13, $0x38;
	[tilespmem:$0x10E00] =	vst v63  }
0x1dc: {  	s25 =	spop (v2sf);
	(v2sf) =	vpush v16, $0x2  }
0x1dd: {  	p6 =	slt.s32 s24, $0x1;
	s23 =	sand.u32 $0x7F, s24;
	s26 =	sshra.s32 s24, $0x1F  }
0x1de: {  	p1 =	sne.s32 s23, $0x0;
	s26 =	sshrl.u32 s26, $0x19;
	s23 =	sand.u32 $0x7F, s25  }
0x1df: {  	p5 =	slt.s32 s25, $0x1;
	p4 =	sne.s32 s23, $0x0;
	s23 =	sshra.s32 s25, $0x1F  }
0x1e0: {  	s24 =	sadd.s32 s26, s24;
	s23 =	sshrl.u32 s23, $0x19;
	p2 =	por !p5, !p4  }
0x1e1: {  	s23 =	sadd.s32 s23, s25;
	p2 =	por !p2, !p2;
	s25 =	simm.s32 $0x1  }
0x1e2: {  	p1 =	por !p6, !p1;
	s23 =	sshrl.u32 s23, $0x7;
	s25 =	simm.s32 @!p2 $0x0  }
0x1e3: {  	p1 =	por !p1, !p1;
	s23 =	ssub.s32 s23, s25;
	s25 =	simm.s32 $0x1  }
0x1e4: {  	s24 =	sshrl.u32 s24, $0x7;
	s23 =	sshll.u32 s23, $0x7;
	s25 =	simm.s32 @!p1 $0x0  }
0x1e5: {  	s23 =	sand.u32 $0x1FFFFF80, s23;
	s24 =	ssub.s32 s24, s25  }
0x1e6: {  	s26 =	simm.s32 $0xC00;
	s23 =	sadd.s32 s1, s23;
	s25 =	sshll.u32 s24, $0x7  }
0x1e7: {  	[tilespmem:s26], [sflag:$0x1] =	stream.strided.gather [hbm4b:s23+s13], $0x800, s12, s13, $0x38;
	[tilespmem:$0x10E00] =	vst v63  }
0x1e8: {  	s24 =	spop (v2sf);
	(v2sf) =	vpush v17, $0x3;
	s23 =	sand.u32 $0x1FFFFF80, s25  }
0x1e9: {  	s26 =	simm.s32 $0x8C00;
	s23 =	sadd.s32 s3, s23  }
0x1ea: {  	[tilespmem:s26], [sflag:$0x1] =	stream.strided.gather [hbm4b:s23+s13], $0x800, s12, s13, $0x38;
	[tilespmem:$0x10E00] =	vst v63  }
0x1eb: {  	s25 =	spop (v2sf);
	(v2sf) =	vpush v16, $0x3  }
0x1ec: {  	p6 =	slt.s32 s24, $0x1;
	s23 =	sand.u32 $0x7F, s24;
	s26 =	sshra.s32 s24, $0x1F  }
0x1ed: {  	p1 =	sne.s32 s23, $0x0;
	s26 =	sshrl.u32 s26, $0x19;
	s23 =	sand.u32 $0x7F, s25  }
0x1ee: {  	p5 =	slt.s32 s25, $0x1;
	p4 =	sne.s32 s23, $0x0;
	s23 =	sshra.s32 s25, $0x1F  }
0x1ef: {  	s24 =	sadd.s32 s26, s24;
	s23 =	sshrl.u32 s23, $0x19;
	p2 =	por !p5, !p4  }
0x1f0: {  	s23 =	sadd.s32 s23, s25;
	p2 =	por !p2, !p2;
	s25 =	simm.s32 $0x1  }
0x1f1: {  	p1 =	por !p6, !p1;
	s23 =	sshrl.u32 s23, $0x7;
	s25 =	simm.s32 @!p2 $0x0  }
0x1f2: {  	p1 =	por !p1, !p1;
	s23 =	ssub.s32 s23, s25;
	s25 =	simm.s32 $0x1  }
0x1f3: {  	s24 =	sshrl.u32 s24, $0x7;
	s23 =	sshll.u32 s23, $0x7;
	s25 =	simm.s32 @!p1 $0x0  }
0x1f4: {  	s23 =	sand.u32 $0x1FFFFF80, s23;
	s24 =	ssub.s32 s24, s25  }
0x1f5: {  	s26 =	simm.s32 $0x1400;
	s23 =	sadd.s32 s1, s23;
	s25 =	sshll.u32 s24, $0x7  }
0x1f6: {  	[tilespmem:s26], [sflag:$0x1] =	stream.strided.gather [hbm4b:s23+s13], $0x800, s12, s13, $0x38;
	[tilespmem:$0x10E00] =	vst v63  }
0x1f7: {  	s24 =	spop (v2sf);
	(v2sf) =	vpush v17, $0x4;
	s23 =	sand.u32 $0x1FFFFF80, s25  }
0x1f8: {  	s26 =	simm.s32 $0x9400;
	s23 =	sadd.s32 s3, s23  }
0x1f9: {  	[tilespmem:s26], [sflag:$0x1] =	stream.strided.gather [hbm4b:s23+s13], $0x800, s12, s13, $0x38;
	[tilespmem:$0x10E00] =	vst v63  }
0x1fa: {  	s25 =	spop (v2sf);
	(v2sf) =	vpush v16, $0x4  }
0x1fb: {  	p6 =	slt.s32 s24, $0x1;
	s23 =	sand.u32 $0x7F, s24;
	s26 =	sshra.s32 s24, $0x1F  }
0x1fc: {  	p1 =	sne.s32 s23, $0x0;
	s26 =	sshrl.u32 s26, $0x19;
	s23 =	sand.u32 $0x7F, s25  }
0x1fd: {  	p5 =	slt.s32 s25, $0x1;
	p4 =	sne.s32 s23, $0x0;
	s23 =	sshra.s32 s25, $0x1F  }
0x1fe: {  	s24 =	sadd.s32 s26, s24;
	s23 =	sshrl.u32 s23, $0x19;
	p2 =	por !p5, !p4  }
0x1ff: {  	s23 =	sadd.s32 s23, s25;
	p2 =	por !p2, !p2;
	s25 =	simm.s32 $0x1  }
0x200: {  	p1 =	por !p6, !p1;
	s23 =	sshrl.u32 s23, $0x7;
	s25 =	simm.s32 @!p2 $0x0  }
0x201: {  	p1 =	por !p1, !p1;
	s23 =	ssub.s32 s23, s25;
	s25 =	simm.s32 $0x1  }
0x202: {  	s24 =	sshrl.u32 s24, $0x7;
	s23 =	sshll.u32 s23, $0x7;
	s25 =	simm.s32 @!p1 $0x0  }
0x203: {  	s23 =	sand.u32 $0x1FFFFF80, s23;
	s24 =	ssub.s32 s24, s25  }
0x204: {  	s26 =	simm.s32 $0x1C00;
	s23 =	sadd.s32 s1, s23;
	s25 =	sshll.u32 s24, $0x7  }
0x205: {  	[tilespmem:s26], [sflag:$0x1] =	stream.strided.gather [hbm4b:s23+s13], $0x800, s12, s13, $0x38;
	[tilespmem:$0x10E00] =	vst v63  }
0x206: {  	s24 =	spop (v2sf);
	(v2sf) =	vpush v17, $0x5;
	s23 =	sand.u32 $0x1FFFFF80, s25  }
0x207: {  	s26 =	simm.s32 $0x9C00;
	s23 =	sadd.s32 s3, s23  }
0x208: {  	[tilespmem:s26], [sflag:$0x1] =	stream.strided.gather [hbm4b:s23+s13], $0x800, s12, s13, $0x38;
	[tilespmem:$0x10E00] =	vst v63  }
0x209: {  	s25 =	spop (v2sf);
	(v2sf) =	vpush v16, $0x5  }
0x20a: {  	p6 =	slt.s32 s24, $0x1;
	s23 =	sand.u32 $0x7F, s24;
	s26 =	sshra.s32 s24, $0x1F  }
0x20b: {  	p1 =	sne.s32 s23, $0x0;
	s26 =	sshrl.u32 s26, $0x19;
	s23 =	sand.u32 $0x7F, s25  }
0x20c: {  	p5 =	slt.s32 s25, $0x1;
	p4 =	sne.s32 s23, $0x0;
	s23 =	sshra.s32 s25, $0x1F  }
0x20d: {  	s24 =	sadd.s32 s26, s24;
	s23 =	sshrl.u32 s23, $0x19;
	p2 =	por !p5, !p4  }
0x20e: {  	s23 =	sadd.s32 s23, s25;
	p2 =	por !p2, !p2;
	s25 =	simm.s32 $0x1  }
0x20f: {  	p1 =	por !p6, !p1;
	s23 =	sshrl.u32 s23, $0x7;
	s25 =	simm.s32 @!p2 $0x0  }
0x210: {  	p1 =	por !p1, !p1;
	s23 =	ssub.s32 s23, s25;
	s25 =	simm.s32 $0x1  }
0x211: {  	s24 =	sshrl.u32 s24, $0x7;
	s23 =	sshll.u32 s23, $0x7;
	s25 =	simm.s32 @!p1 $0x0  }
0x212: {  	s23 =	sand.u32 $0x1FFFFF80, s23;
	s24 =	ssub.s32 s24, s25  }
0x213: {  	s26 =	simm.s32 $0x2400;
	s23 =	sadd.s32 s1, s23;
	s25 =	sshll.u32 s24, $0x7  }
0x214: {  	[tilespmem:s26], [sflag:$0x1] =	stream.strided.gather [hbm4b:s23+s13], $0x800, s12, s13, $0x38;
	[tilespmem:$0x10E00] =	vst v63  }
0x215: {  	s24 =	spop (v2sf);
	(v2sf) =	vpush v17, $0x6;
	s23 =	sand.u32 $0x1FFFFF80, s25  }
0x216: {  	s26 =	simm.s32 $0xA400;
	s23 =	sadd.s32 s3, s23  }
0x217: {  	[tilespmem:s26], [sflag:$0x1] =	stream.strided.gather [hbm4b:s23+s13], $0x800, s12, s13, $0x38;
	[tilespmem:$0x10E00] =	vst v63  }
0x218: {  	s25 =	spop (v2sf);
	(v2sf) =	vpush v16, $0x6  }
0x219: {  	p6 =	slt.s32 s24, $0x1;
	s23 =	sand.u32 $0x7F, s24;
	s26 =	sshra.s32 s24, $0x1F  }
0x21a: {  	p1 =	sne.s32 s23, $0x0;
	s26 =	sshrl.u32 s26, $0x19;
	s23 =	sand.u32 $0x7F, s25  }
0x21b: {  	p5 =	slt.s32 s25, $0x1;
	p4 =	sne.s32 s23, $0x0;
	s23 =	sshra.s32 s25, $0x1F  }
0x21c: {  	s24 =	sadd.s32 s26, s24;
	s23 =	sshrl.u32 s23, $0x19;
	p2 =	por !p5, !p4  }
0x21d: {  	s23 =	sadd.s32 s23, s25;
	p2 =	por !p2, !p2;
	s25 =	simm.s32 $0x1  }
0x21e: {  	p1 =	por !p6, !p1;
	s23 =	sshrl.u32 s23, $0x7;
	s25 =	simm.s32 @!p2 $0x0  }
0x21f: {  	p1 =	por !p1, !p1;
	s23 =	ssub.s32 s23, s25;
	s25 =	simm.s32 $0x1  }
0x220: {  	s24 =	sshrl.u32 s24, $0x7;
	s23 =	sshll.u32 s23, $0x7;
	s25 =	simm.s32 @!p1 $0x0  }
0x221: {  	s23 =	sand.u32 $0x1FFFFF80, s23;
	s24 =	ssub.s32 s24, s25  }
0x222: {  	s26 =	simm.s32 $0x2C00;
	s23 =	sadd.s32 s1, s23;
	s25 =	sshll.u32 s24, $0x7  }
0x223: {  	[tilespmem:s26], [sflag:$0x1] =	stream.strided.gather [hbm4b:s23+s13], $0x800, s12, s13, $0x38;
	[tilespmem:$0x10E00] =	vst v63  }
0x224: {  	s24 =	spop (v2sf);
	(v2sf) =	vpush v17, $0x7;
	s23 =	sand.u32 $0x1FFFFF80, s25  }
0x225: {  	s26 =	simm.s32 $0xAC00;
	s23 =	sadd.s32 s3, s23  }
0x226: {  	[tilespmem:s26], [sflag:$0x1] =	stream.strided.gather [hbm4b:s23+s13], $0x800, s12, s13, $0x38;
	[tilespmem:$0x10E00] =	vst v63  }
0x227: {  	s25 =	spop (v2sf);
	(v2sf) =	vpush v16, $0x7  }
0x228: {  	p6 =	slt.s32 s24, $0x1;
	s23 =	sand.u32 $0x7F, s24;
	s26 =	sshra.s32 s24, $0x1F  }
0x229: {  	p1 =	sne.s32 s23, $0x0;
	s26 =	sshrl.u32 s26, $0x19;
	s23 =	sand.u32 $0x7F, s25  }
0x22a: {  	p5 =	slt.s32 s25, $0x1;
	p4 =	sne.s32 s23, $0x0;
	s23 =	sshra.s32 s25, $0x1F  }
0x22b: {  	s24 =	sadd.s32 s26, s24;
	s23 =	sshrl.u32 s23, $0x19;
	p2 =	por !p5, !p4  }
0x22c: {  	s23 =	sadd.s32 s23, s25;
	p2 =	por !p2, !p2;
	s25 =	simm.s32 $0x1  }
0x22d: {  	p1 =	por !p6, !p1;
	s23 =	sshrl.u32 s23, $0x7;
	s25 =	simm.s32 @!p2 $0x0  }
0x22e: {  	p1 =	por !p1, !p1;
	s23 =	ssub.s32 s23, s25;
	s25 =	simm.s32 $0x1  }
0x22f: {  	s24 =	sshrl.u32 s24, $0x7;
	s23 =	sshll.u32 s23, $0x7;
	s25 =	simm.s32 @!p1 $0x0  }
0x230: {  	s23 =	sand.u32 $0x1FFFFF80, s23;
	s24 =	ssub.s32 s24, s25  }
0x231: {  	s26 =	simm.s32 $0x3400;
	s23 =	sadd.s32 s1, s23;
	s25 =	sshll.u32 s24, $0x7  }
0x232: {  	[tilespmem:s26], [sflag:$0x1] =	stream.strided.gather [hbm4b:s23+s13], $0x800, s12, s13, $0x38;
	[tilespmem:$0x10E00] =	vst v63  }
0x233: {  	s24 =	spop (v2sf);
	s23 =	sand.u32 $0x1FFFFF80, s25  }
0x234: {  	s26 =	simm.s32 $0xB400;
	p6 =	slt.s32 s24, $0x1;
	s23 =	sadd.s32 s3, s23  }
0x235: {  	[tilespmem:s26], [sflag:$0x1] =	stream.strided.gather [hbm4b:s23+s13], $0x800, s12, s13, $0x38;
	[tilespmem:$0x10E00] =	vst v63  }
0x236: {  	s23 =	sand.u32 $0x7F, s24;
	s26 =	sshra.s32 s24, $0x1F;
	s25 =	spop (v2sf)  }
0x237: {  	p1 =	sne.s32 s23, $0x0;
	s26 =	sshrl.u32 s26, $0x19;
	s23 =	sand.u32 $0x7F, s25  }
0x238: {  	p5 =	slt.s32 s25, $0x1;
	p4 =	sne.s32 s23, $0x0;
	s23 =	sshra.s32 s25, $0x1F  }
0x239: {  	s24 =	sadd.s32 s26, s24;
	p2 =	por !p5, !p4;
	s23 =	sshrl.u32 s23, $0x19  }
0x23a: {  	s23 =	sadd.s32 s23, s25;
	p2 =	por !p2, !p2;
	s25 =	simm.s32 $0x1  }
0x23b: {  	p1 =	por !p6, !p1;
	s25 =	simm.s32 @!p2 $0x0;
	s23 =	sshrl.u32 s23, $0x7  }
0x23c: {  	p1 =	por !p1, !p1;
	s23 =	ssub.s32 s23, s25;
	s25 =	simm.s32 $0x1  }
0x23d: {  	s24 =	sshrl.u32 s24, $0x7;
	s23 =	sshll.u32 s23, $0x7;
	s25 =	simm.s32 @!p1 $0x0  }
0x23e: {  	s23 =	sand.u32 $0x1FFFFF80, s23;
	s24 =	ssub.s32 s24, s25  }
0x23f: {  	s23 =	sadd.s32 s1, s23;
	s26 =	sshll.u32 s24, $0x7  }
0x240: {  	[tilespmem:s28], [sflag:$0x1] =	stream.strided.gather [hbm4b:s23+s13], $0x800, s12, s13, $0x38;
	[tilespmem:$0x10E00] =	vst v63  }
0x241: {  	s23 =	sand.u32 $0x1FFFFF80, s26  }
0x242: {  	s23 =	sadd.s32 s3, s23  }
0x243: {  	[tilespmem:s29], [sflag:$0x1] =	stream.strided.gather [hbm4b:s23+s13], $0x800, s12, s13, $0x38;
	[tilespmem:$0x10E00] =	vst v63  }
.LBB2_4:
0x244: {  	_ =	swait.ge [sflag:s20], $0x800  }
0x245: {  	[sflag:s20] =	ssyncset.done $0x0  }
0x246: {  	[sflag:s20] =	ssyncadd.s32 $0xFFFFF800  }
0x247: {  	_ =	swait.ge [sflag:s20], $0x800  }
0x248: {  	[sflag:s20] =	ssyncset.done $0x0  }
0x249: {  	[sflag:s20] =	ssyncadd.s32 $0xFFFFF800  }
0x24a: {  	_ =	swait.ge [sflag:s20], $0x800  }
0x24b: {  	[sflag:s20] =	ssyncset.done $0x0  }
0x24c: {  	[sflag:s20] =	ssyncadd.s32 $0xFFFFF800  }
0x24d: {  	_ =	swait.ge [sflag:s20], $0x800  }
0x24e: {  	[sflag:s20] =	ssyncset.done $0x0  }
0x24f: {  	[sflag:s20] =	ssyncadd.s32 $0xFFFFF800  }
0x250: {  	_ =	swait.ge [sflag:s20], $0x800  }
0x251: {  	[sflag:s20] =	ssyncset.done $0x0  }
0x252: {  	[sflag:s20] =	ssyncadd.s32 $0xFFFFF800  }
0x253: {  	_ =	swait.ge [sflag:s20], $0x800  }
0x254: {  	[sflag:s20] =	ssyncset.done $0x0  }
0x255: {  	[sflag:s20] =	ssyncadd.s32 $0xFFFFF800  }
0x256: {  	_ =	swait.ge [sflag:s20], $0x800  }
0x257: {  	[sflag:s20] =	ssyncset.done $0x0  }
0x258: {  	[sflag:s20] =	ssyncadd.s32 $0xFFFFF800  }
0x259: {  	_ =	swait.ge [sflag:s20], $0x800  }
0x25a: {  	[sflag:s20] =	ssyncset.done $0x0  }
0x25b: {  	[sflag:s20] =	ssyncadd.s32 $0xFFFFF800  }
0x25c: {  	_ =	swait.ge [sflag:s20], $0x800  }
0x25d: {  	[sflag:s20] =	ssyncset.done $0x0  }
0x25e: {  	[sflag:s20] =	ssyncadd.s32 $0xFFFFF800  }
0x25f: {  	_ =	swait.ge [sflag:s20], $0x800  }
0x260: {  	[sflag:s20] =	ssyncset.done $0x0  }
0x261: {  	[sflag:s20] =	ssyncadd.s32 $0xFFFFF800  }
0x262: {  	_ =	swait.ge [sflag:s20], $0x800  }
0x263: {  	[sflag:s20] =	ssyncset.done $0x0  }
0x264: {  	[sflag:s20] =	ssyncadd.s32 $0xFFFFF800  }
0x265: {  	_ =	swait.ge [sflag:s20], $0x800  }
0x266: {  	[sflag:s20] =	ssyncset.done $0x0  }
0x267: {  	[sflag:s20] =	ssyncadd.s32 $0xFFFFF800  }
0x268: {  	_ =	swait.ge [sflag:s20], $0x800  }
0x269: {  	[sflag:s20] =	ssyncset.done $0x0  }
0x26a: {  	[sflag:s20] =	ssyncadd.s32 $0xFFFFF800  }
0x26b: {  	_ =	swait.ge [sflag:s20], $0x800  }
0x26c: {  	[sflag:s20] =	ssyncset.done $0x0  }
0x26d: {  	[sflag:s20] =	ssyncadd.s32 $0xFFFFF800  }
0x26e: {  	_ =	swait.ge [sflag:s20], $0x800  }
0x26f: {  	[sflag:s20] =	ssyncset.done $0x0  }
0x270: {  	[sflag:s20] =	ssyncadd.s32 $0xFFFFF800  }
0x271: {  	_ =	swait.ge [sflag:s20], $0x800  }
0x272: {  	[sflag:s20] =	ssyncset.done $0x0  }
0x273: {  	[sflag:s20] =	ssyncadd.s32 $0xFFFFF800  }
0x274: {  	v16 =	vld [tilespmem:s22+$0x0]  }
0x275: {  	v17 =	vld [tilespmem:s22+$0x200];
	_ =	sdelay $0x3  }
0x276: {  	(v2sf) =	vpush v16, $0x8  }
0x277: {  	(v2sf) =	vpush v17, $0x8;
	_ =	sdelay $0x7  }
0x278: {  	(v2sf) =	vpush v16, $0x9  }
0x279: {  	(v2sf) =	vpush v17, $0x9;
	_ =	sdelay $0x4  }
0x27a: {  	s23 =	spop (v2sf)  }
0x27b: {  	s23 =	sand.u32 $0x7F, s23;
	s24 =	spop (v2sf)  }
0x27c: {  	s24 =	sand.u32 $0x7F, s24;
	v18 =	vor.u32 s23, v0  }
0x27d: {  	(v2sf) =	vpush v16, $0xA;
	v19 =	vor.u32 s24, v0  }
0x27e: {  	(v2sf) =	vpush v17, $0xA;
	_ =	sdelay $0x2  }
0x27f: {  	v18 =	vld.idx.msk [tilespmem:v18+s30+$0x0], $0xffff  }
0x280: {  	v19 =	vld.idx.msk [tilespmem:v19+s31+$0x0], $0xffff  }
0x281: {  	s25 =	spop (v2sf)  }
0x282: {  	s23 =	sand.u32 $0x7F, s25;
	s26 =	spop (v2sf)  }
0x283: {  	s24 =	sand.u32 $0x7F, s26;
	v20 =	vor.u32 s23, v0  }
0x284: {  	(v2sf) =	vpush v16, $0xB;
	v21 =	vor.u32 s24, v0  }
0x285: {  	(v2sf) =	vpush v17, $0xB;
	v18 =	vmul.f32 v19, v18;
	_ =	sdelay $0x1  }
0x286: {  	[tilespmem:v8+s19+$0x0] =	vst.idx.msk $0xffff, v18  }
0x287: {  	v18 =	vld.idx.msk [tilespmem:v20+s0+$0x0], $0xffff  }
0x288: {  	v49 =	vld.idx.msk [tilespmem:v21+s2+$0x0], $0xffff  }
0x289: {  	s25 =	spop (v2sf)  }
0x28a: {  	s23 =	sand.u32 $0x7F, s25;
	s26 =	spop (v2sf)  }
0x28b: {  	s24 =	sand.u32 $0x7F, s26;
	v50 =	vor.u32 s23, v0  }
0x28c: {  	(v2sf) =	vpush v16, $0xC;
	v51 =	vor.u32 s24, v0  }
0x28d: {  	(v2sf) =	vpush v17, $0xC;
	v18 =	vmul.f32 v49, v18;
	_ =	sdelay $0x1  }
0x28e: {  	[tilespmem:v9+s19+$0x0] =	vst.idx.msk $0xffff, v18  }
0x28f: {  	v18 =	vld.idx.msk [tilespmem:v50+s10+$0x0], $0xffff  }
0x290: {  	v52 =	vld.idx.msk [tilespmem:v51+s5+$0x0], $0xffff  }
0x291: {  	s25 =	spop (v2sf)  }
0x292: {  	s23 =	sand.u32 $0x7F, s25;
	s26 =	spop (v2sf)  }
0x293: {  	s24 =	sand.u32 $0x7F, s26;
	v53 =	vor.u32 s23, v0  }
0x294: {  	(v2sf) =	vpush v16, $0xD;
	v54 =	vor.u32 s24, v0  }
0x295: {  	(v2sf) =	vpush v17, $0xD;
	v18 =	vmul.f32 v52, v18;
	_ =	sdelay $0x1  }
0x296: {  	[tilespmem:v10+s19+$0x0] =	vst.idx.msk $0xffff, v18  }
0x297: {  	v18 =	vld.idx.msk [tilespmem:v53+s6+$0x0], $0xffff  }
0x298: {  	v55 =	vld.idx.msk [tilespmem:v54+s7+$0x0], $0xffff  }
0x299: {  	s25 =	spop (v2sf)  }
0x29a: {  	s23 =	sand.u32 $0x7F, s25;
	s26 =	spop (v2sf)  }
0x29b: {  	s24 =	sand.u32 $0x7F, s26;
	v56 =	vor.u32 s23, v0  }
0x29c: {  	(v2sf) =	vpush v16, $0xE;
	v57 =	vor.u32 s24, v0  }
0x29d: {  	(v2sf) =	vpush v17, $0xE;
	v18 =	vmul.f32 v55, v18;
	_ =	sdelay $0x1  }
0x29e: {  	[tilespmem:v11+s19+$0x0] =	vst.idx.msk $0xffff, v18  }
0x29f: {  	v18 =	vld.idx.msk [tilespmem:v56+s8+$0x0], $0xffff  }
0x2a0: {  	v58 =	vld.idx.msk [tilespmem:v57+s4+$0x0], $0xffff  }
0x2a1: {  	s25 =	spop (v2sf)  }
0x2a2: {  	s23 =	sand.u32 $0x7F, s25;
	s26 =	spop (v2sf)  }
0x2a3: {  	s24 =	sand.u32 $0x7F, s26;
	v59 =	vor.u32 s23, v0  }
0x2a4: {  	(v2sf) =	vpush v16, $0xF;
	v16 =	vor.u32 s24, v0  }
0x2a5: {  	(v2sf) =	vpush v17, $0xF;
	v18 =	vmul.f32 v58, v18;
	_ =	sdelay $0x1  }
0x2a6: {  	[tilespmem:v12+s19+$0x0] =	vst.idx.msk $0xffff, v18  }
0x2a7: {  	v17 =	vld.idx.msk [tilespmem:v59+s9+$0x0], $0xffff  }
0x2a8: {  	v16 =	vld.idx.msk [tilespmem:v16+s14+$0x0], $0xffff  }
0x2a9: {  	s25 =	spop (v2sf)  }
0x2aa: {  	s26 =	spop (v2sf);
	s23 =	sand.u32 $0x7F, s25  }
0x2ab: {  	s24 =	sand.u32 $0x7F, s26;
	v60 =	vor.u32 s23, v0  }
0x2ac: {  	v61 =	vor.u32 s24, v0  }
0x2ad: {  	v16 =	vmul.f32 v16, v17;
	_ =	sdelay $0x1  }
0x2ae: {  	[tilespmem:v13+s19+$0x0] =	vst.idx.msk $0xffff, v16  }
0x2af: {  	v16 =	vld.idx.msk [tilespmem:v60+s15+$0x0], $0xffff  }
0x2b0: {  	v17 =	vld.idx.msk [tilespmem:v61+s16+$0x0], $0xffff  }
0x2b1: {  	s25 =	spop (v2sf)  }
0x2b2: {  	s23 =	sand.u32 $0x7F, s25;
	s26 =	spop (v2sf)  }
0x2b3: {  	s24 =	sand.u32 $0x7F, s26;
	v62 =	vor.u32 s23, v0  }
0x2b4: {  	v63 =	vor.u32 s24, v0  }
0x2b5: {  	v16 =	vmul.f32 v17, v16;
	_ =	sdelay $0x1  }
0x2b6: {  	[tilespmem:v14+s19+$0x0] =	vst.idx.msk $0xffff, v16  }
0x2b7: {  	v16 =	vld.idx.msk [tilespmem:v62+s17+$0x0], $0xffff  }
0x2b8: {  	v17 =	vld.idx.msk [tilespmem:v63+s18+$0x0], $0xffff;
	_ =	sdelay $0x2  }
.Ltmp5:
0x2b9: {  	_ = 	snop;
	(pc) =	sbr.rel @p0 .LBB2_6-.Ltmp5, $3  }
0x2ba: {  	_ = 	snop  }
0x2bb: {  	v16 =	vmul.f32 v17, v16;
	_ =	sdelay $0x1  }
0x2bc: {  	[tilespmem:v15+s19+$0x0] =	vst.idx.msk $0xffff, v16  }
0x2bd: {  	v17 =	vld [tilespmem:s22+$0x210];
	_ =	sdelay $0x1  }
0x2be: {  	v16 =	vld [tilespmem:s22+$0x10];
	_ =	sdelay $0x2  }
0x2bf: {  	(v2sf) =	vpush v17, $0x8;
	_ =	sdelay $0x1  }
0x2c0: {  	(v2sf) =	vpush v16, $0x8;
	_ =	sdelay $0xb  }
0x2c1: {  	(v2sf) =	vpush v17, $0x9  }
0x2c2: {  	s23 =	spop (v2sf)  }
0x2c3: {  	(v2sf) =	vpush v16, $0x9;
	s24 =	sand.u32 $0x7F, s23  }
0x2c4: {  	s25 =	spop (v2sf);
	s26 =	sshra.s32 s23, $0x1F;
	p6 =	slt.s32 s23, $0x1  }
0x2c5: {  	p0 =	sne.s32 s24, $0x0;
	s24 =	sand.u32 $0x7F, s25;
	p2 =	slt.s32 s25, $0x1  }
0x2c6: {  	s26 =	sshrl.u32 s26, $0x19;
	p1 =	sne.s32 s24, $0x0;
	s24 =	sshra.s32 s25, $0x1F  }
0x2c7: {  	s23 =	sadd.s32 s26, s23;
	s24 =	sshrl.u32 s24, $0x19;
	p1 =	por !p2, !p1  }
0x2c8: {  	s24 =	sadd.s32 s24, s25;
	p1 =	por !p1, !p1;
	s25 =	simm.s32 $0x1  }
0x2c9: {  	p0 =	por !p6, !p0;
	s24 =	sshrl.u32 s24, $0x7;
	s25 =	simm.s32 @!p1 $0x0  }
0x2ca: {  	p0 =	por !p0, !p0;
	s24 =	ssub.s32 s24, s25;
	s25 =	simm.s32 $0x1  }
0x2cb: {  	s23 =	sshrl.u32 s23, $0x7;
	s24 =	sshll.u32 s24, $0x7;
	s25 =	simm.s32 @!p0 $0x0  }
0x2cc: {  	s24 =	sand.u32 $0x1FFFFF80, s24;
	s23 =	ssub.s32 s23, s25  }
0x2cd: {  	s24 =	sadd.s32 s1, s24;
	s23 =	sshll.u32 s23, $0x7  }
0x2ce: {  	[tilespmem:s30], [sflag:$0x2] =	stream.strided.gather [hbm4b:s24+s13], $0x800, s12, s13, $0x38;
	[tilespmem:$0x10E00] =	vst v63  }
0x2cf: {  	(v2sf) =	vpush v17, $0xA;
	s23 =	sand.u32 $0x1FFFFF80, s23  }
0x2d0: {  	s24 =	spop (v2sf);
	s23 =	sadd.s32 s3, s23  }
0x2d1: {  	[tilespmem:s31], [sflag:$0x2] =	stream.strided.gather [hbm4b:s23+s13], $0x800, s12, s13, $0x38;
	[tilespmem:$0x10E00] =	vst v63  }
0x2d2: {  	s25 =	spop (v2sf);
	(v2sf) =	vpush v16, $0xA  }
0x2d3: {  	s26 =	sshra.s32 s24, $0x1F;
	p6 =	slt.s32 s24, $0x1;
	s23 =	sand.u32 $0x7F, s24  }
0x2d4: {  	s26 =	sshrl.u32 s26, $0x19;
	p3 =	sne.s32 s23, $0x0;
	s23 =	sand.u32 $0x7F, s25  }
0x2d5: {  	p5 =	slt.s32 s25, $0x1;
	p4 =	sne.s32 s23, $0x0;
	s23 =	sshra.s32 s25, $0x1F  }
0x2d6: {  	s24 =	sadd.s32 s26, s24;
	s23 =	sshrl.u32 s23, $0x19;
	p1 =	por !p5, !p4  }
0x2d7: {  	s23 =	sadd.s32 s23, s25;
	p1 =	por !p1, !p1;
	s25 =	simm.s32 $0x1  }
0x2d8: {  	p0 =	por !p6, !p3;
	s23 =	sshrl.u32 s23, $0x7;
	s25 =	simm.s32 @!p1 $0x0  }
0x2d9: {  	p0 =	por !p0, !p0;
	s23 =	ssub.s32 s23, s25;
	s25 =	simm.s32 $0x1  }
0x2da: {  	s24 =	sshrl.u32 s24, $0x7;
	s23 =	sshll.u32 s23, $0x7;
	s25 =	simm.s32 @!p0 $0x0  }
0x2db: {  	s23 =	sand.u32 $0x1FFFFF80, s23;
	s24 =	ssub.s32 s24, s25  }
0x2dc: {  	s23 =	sadd.s32 s1, s23;
	s26 =	sshll.u32 s24, $0x7  }
0x2dd: {  	[tilespmem:s0], [sflag:$0x2] =	stream.strided.gather [hbm4b:s23+s13], $0x800, s12, s13, $0x38;
	[tilespmem:$0x10E00] =	vst v63  }
0x2de: {  	s24 =	spop (v2sf);
	(v2sf) =	vpush v17, $0xB;
	s23 =	sand.u32 $0x1FFFFF80, s26  }
0x2df: {  	s23 =	sadd.s32 s3, s23  }
0x2e0: {  	[tilespmem:s2], [sflag:$0x2] =	stream.strided.gather [hbm4b:s23+s13], $0x800, s12, s13, $0x38;
	[tilespmem:$0x10E00] =	vst v63  }
0x2e1: {  	s25 =	spop (v2sf);
	(v2sf) =	vpush v16, $0xB  }
0x2e2: {  	s26 =	sshra.s32 s24, $0x1F;
	p6 =	slt.s32 s24, $0x1;
	s23 =	sand.u32 $0x7F, s24  }
0x2e3: {  	s26 =	sshrl.u32 s26, $0x19;
	p3 =	sne.s32 s23, $0x0;
	s23 =	sand.u32 $0x7F, s25  }
0x2e4: {  	p5 =	slt.s32 s25, $0x1;
	p4 =	sne.s32 s23, $0x0;
	s23 =	sshra.s32 s25, $0x1F  }
0x2e5: {  	s24 =	sadd.s32 s26, s24;
	s23 =	sshrl.u32 s23, $0x19;
	p1 =	por !p5, !p4  }
0x2e6: {  	s23 =	sadd.s32 s23, s25;
	p1 =	por !p1, !p1;
	s25 =	simm.s32 $0x1  }
0x2e7: {  	p0 =	por !p6, !p3;
	s23 =	sshrl.u32 s23, $0x7;
	s25 =	simm.s32 @!p1 $0x0  }
0x2e8: {  	p0 =	por !p0, !p0;
	s23 =	ssub.s32 s23, s25;
	s25 =	simm.s32 $0x1  }
0x2e9: {  	s24 =	sshrl.u32 s24, $0x7;
	s23 =	sshll.u32 s23, $0x7;
	s25 =	simm.s32 @!p0 $0x0  }
0x2ea: {  	s23 =	sand.u32 $0x1FFFFF80, s23;
	s24 =	ssub.s32 s24, s25  }
0x2eb: {  	s23 =	sadd.s32 s1, s23;
	s24 =	sshll.u32 s24, $0x7  }
0x2ec: {  	[tilespmem:s10], [sflag:$0x2] =	stream.strided.gather [hbm4b:s23+s13], $0x800, s12, s13, $0x38;
	[tilespmem:$0x10E00] =	vst v63  }
0x2ed: {  	s23 =	sand.u32 $0x1FFFFF80, s24;
	s24 =	spop (v2sf);
	(v2sf) =	vpush v17, $0xC  }
0x2ee: {  	s23 =	sadd.s32 s3, s23  }
0x2ef: {  	[tilespmem:s5], [sflag:$0x2] =	stream.strided.gather [hbm4b:s23+s13], $0x800, s12, s13, $0x38;
	[tilespmem:$0x10E00] =	vst v63  }
0x2f0: {  	s25 =	spop (v2sf);
	(v2sf) =	vpush v16, $0xC  }
0x2f1: {  	s26 =	sshra.s32 s24, $0x1F;
	p6 =	slt.s32 s24, $0x1;
	s23 =	sand.u32 $0x7F, s24  }
0x2f2: {  	s26 =	sshrl.u32 s26, $0x19;
	p3 =	sne.s32 s23, $0x0;
	s23 =	sand.u32 $0x7F, s25  }
0x2f3: {  	p5 =	slt.s32 s25, $0x1;
	p4 =	sne.s32 s23, $0x0;
	s23 =	sshra.s32 s25, $0x1F  }
0x2f4: {  	s24 =	sadd.s32 s26, s24;
	s23 =	sshrl.u32 s23, $0x19;
	p1 =	por !p5, !p4  }
0x2f5: {  	s23 =	sadd.s32 s23, s25;
	p1 =	por !p1, !p1;
	s25 =	simm.s32 $0x1  }
0x2f6: {  	p0 =	por !p6, !p3;
	s23 =	sshrl.u32 s23, $0x7;
	s25 =	simm.s32 @!p1 $0x0  }
0x2f7: {  	p0 =	por !p0, !p0;
	s23 =	ssub.s32 s23, s25;
	s25 =	simm.s32 $0x1  }
0x2f8: {  	s24 =	sshrl.u32 s24, $0x7;
	s23 =	sshll.u32 s23, $0x7;
	s25 =	simm.s32 @!p0 $0x0  }
0x2f9: {  	s23 =	sand.u32 $0x1FFFFF80, s23;
	s24 =	ssub.s32 s24, s25  }
0x2fa: {  	s23 =	sadd.s32 s1, s23;
	s25 =	sshll.u32 s24, $0x7  }
0x2fb: {  	[tilespmem:s6], [sflag:$0x2] =	stream.strided.gather [hbm4b:s23+s13], $0x800, s12, s13, $0x38;
	[tilespmem:$0x10E00] =	vst v63  }
0x2fc: {  	s23 =	sand.u32 $0x1FFFFF80, s25;
	s24 =	spop (v2sf);
	(v2sf) =	vpush v17, $0xD  }
0x2fd: {  	s23 =	sadd.s32 s3, s23  }
0x2fe: {  	[tilespmem:s7], [sflag:$0x2] =	stream.strided.gather [hbm4b:s23+s13], $0x800, s12, s13, $0x38;
	[tilespmem:$0x10E00] =	vst v63  }
0x2ff: {  	s25 =	spop (v2sf);
	(v2sf) =	vpush v16, $0xD  }
0x300: {  	s26 =	sshra.s32 s24, $0x1F;
	p6 =	slt.s32 s24, $0x1;
	s23 =	sand.u32 $0x7F, s24  }
0x301: {  	s26 =	sshrl.u32 s26, $0x19;
	p3 =	sne.s32 s23, $0x0;
	s23 =	sand.u32 $0x7F, s25  }
0x302: {  	p5 =	slt.s32 s25, $0x1;
	p4 =	sne.s32 s23, $0x0;
	s23 =	sshra.s32 s25, $0x1F  }
0x303: {  	s24 =	sadd.s32 s26, s24;
	s23 =	sshrl.u32 s23, $0x19;
	p1 =	por !p5, !p4  }
0x304: {  	s23 =	sadd.s32 s23, s25;
	p1 =	por !p1, !p1;
	s25 =	simm.s32 $0x1  }
0x305: {  	p0 =	por !p6, !p3;
	s23 =	sshrl.u32 s23, $0x7;
	s25 =	simm.s32 @!p1 $0x0  }
0x306: {  	p0 =	por !p0, !p0;
	s23 =	ssub.s32 s23, s25;
	s25 =	simm.s32 $0x1  }
0x307: {  	s24 =	sshrl.u32 s24, $0x7;
	s23 =	sshll.u32 s23, $0x7;
	s25 =	simm.s32 @!p0 $0x0  }
0x308: {  	s23 =	sand.u32 $0x1FFFFF80, s23;
	s24 =	ssub.s32 s24, s25  }
0x309: {  	s23 =	sadd.s32 s1, s23;
	s26 =	sshll.u32 s24, $0x7  }
0x30a: {  	[tilespmem:s8], [sflag:$0x2] =	stream.strided.gather [hbm4b:s23+s13], $0x800, s12, s13, $0x38;
	[tilespmem:$0x10E00] =	vst v63  }
0x30b: {  	s23 =	sand.u32 $0x1FFFFF80, s26;
	s24 =	spop (v2sf);
	(v2sf) =	vpush v17, $0xE  }
0x30c: {  	s23 =	sadd.s32 s3, s23  }
0x30d: {  	[tilespmem:s4], [sflag:$0x2] =	stream.strided.gather [hbm4b:s23+s13], $0x800, s12, s13, $0x38;
	[tilespmem:$0x10E00] =	vst v63  }
0x30e: {  	s25 =	spop (v2sf);
	(v2sf) =	vpush v16, $0xE  }
0x30f: {  	s26 =	sshra.s32 s24, $0x1F;
	p6 =	slt.s32 s24, $0x1;
	s23 =	sand.u32 $0x7F, s24  }
0x310: {  	s26 =	sshrl.u32 s26, $0x19;
	p3 =	sne.s32 s23, $0x0;
	s23 =	sand.u32 $0x7F, s25  }
0x311: {  	p5 =	slt.s32 s25, $0x1;
	p4 =	sne.s32 s23, $0x0;
	s23 =	sshra.s32 s25, $0x1F  }
0x312: {  	s24 =	sadd.s32 s26, s24;
	s23 =	sshrl.u32 s23, $0x19;
	p1 =	por !p5, !p4  }
0x313: {  	s23 =	sadd.s32 s23, s25;
	p1 =	por !p1, !p1;
	s25 =	simm.s32 $0x1  }
0x314: {  	p0 =	por !p6, !p3;
	s23 =	sshrl.u32 s23, $0x7;
	s25 =	simm.s32 @!p1 $0x0  }
0x315: {  	p0 =	por !p0, !p0;
	s23 =	ssub.s32 s23, s25;
	s25 =	simm.s32 $0x1  }
0x316: {  	s24 =	sshrl.u32 s24, $0x7;
	s23 =	sshll.u32 s23, $0x7;
	s25 =	simm.s32 @!p0 $0x0  }
0x317: {  	s23 =	sand.u32 $0x1FFFFF80, s23;
	s24 =	ssub.s32 s24, s25  }
0x318: {  	s23 =	sadd.s32 s1, s23;
	s24 =	sshll.u32 s24, $0x7  }
0x319: {  	[tilespmem:s9], [sflag:$0x2] =	stream.strided.gather [hbm4b:s23+s13], $0x800, s12, s13, $0x38;
	[tilespmem:$0x10E00] =	vst v63  }
0x31a: {  	s23 =	sand.u32 $0x1FFFFF80, s24;
	s24 =	spop (v2sf);
	(v2sf) =	vpush v17, $0xF  }
0x31b: {  	s23 =	sadd.s32 s3, s23  }
0x31c: {  	[tilespmem:s14], [sflag:$0x2] =	stream.strided.gather [hbm4b:s23+s13], $0x800, s12, s13, $0x38;
	[tilespmem:$0x10E00] =	vst v63  }
0x31d: {  	s25 =	spop (v2sf);
	(v2sf) =	vpush v16, $0xF  }
0x31e: {  	s26 =	sshra.s32 s24, $0x1F;
	p6 =	slt.s32 s24, $0x1;
	s23 =	sand.u32 $0x7F, s24  }
0x31f: {  	s26 =	sshrl.u32 s26, $0x19;
	p3 =	sne.s32 s23, $0x0;
	s23 =	sand.u32 $0x7F, s25  }
0x320: {  	p5 =	slt.s32 s25, $0x1;
	p4 =	sne.s32 s23, $0x0;
	s23 =	sshra.s32 s25, $0x1F  }
0x321: {  	s24 =	sadd.s32 s26, s24;
	s23 =	sshrl.u32 s23, $0x19;
	p1 =	por !p5, !p4  }
0x322: {  	s23 =	sadd.s32 s23, s25;
	p1 =	por !p1, !p1;
	s25 =	simm.s32 $0x1  }
0x323: {  	p0 =	por !p6, !p3;
	s23 =	sshrl.u32 s23, $0x7;
	s25 =	simm.s32 @!p1 $0x0  }
0x324: {  	p0 =	por !p0, !p0;
	s23 =	ssub.s32 s23, s25;
	s25 =	simm.s32 $0x1  }
0x325: {  	s24 =	sshrl.u32 s24, $0x7;
	s23 =	sshll.u32 s23, $0x7;
	s25 =	simm.s32 @!p0 $0x0  }
0x326: {  	s23 =	sand.u32 $0x1FFFFF80, s23;
	s24 =	ssub.s32 s24, s25  }
0x327: {  	s23 =	sadd.s32 s1, s23;
	s25 =	sshll.u32 s24, $0x7  }
0x328: {  	[tilespmem:s15], [sflag:$0x2] =	stream.strided.gather [hbm4b:s23+s13], $0x800, s12, s13, $0x38;
	[tilespmem:$0x10E00] =	vst v63  }
0x329: {  	s23 =	sand.u32 $0x1FFFFF80, s25;
	s24 =	spop (v2sf)  }
0x32a: {  	s23 =	sadd.s32 s3, s23;
	s26 =	sshra.s32 s24, $0x1F  }
0x32b: {  	[tilespmem:s16], [sflag:$0x2] =	stream.strided.gather [hbm4b:s23+s13], $0x800, s12, s13, $0x38;
	[tilespmem:$0x10E00] =	vst v63  }
0x32c: {  	p6 =	slt.s32 s24, $0x1;
	s23 =	sand.u32 $0x7F, s24;
	s25 =	spop (v2sf)  }
0x32d: {  	s26 =	sshrl.u32 s26, $0x19;
	p3 =	sne.s32 s23, $0x0;
	s23 =	sand.u32 $0x7F, s25  }
0x32e: {  	p5 =	slt.s32 s25, $0x1;
	p4 =	sne.s32 s23, $0x0;
	s23 =	sshra.s32 s25, $0x1F  }
0x32f: {  	s24 =	sadd.s32 s26, s24;
	p1 =	por !p5, !p4;
	s23 =	sshrl.u32 s23, $0x19  }
0x330: {  	s23 =	sadd.s32 s23, s25;
	p1 =	por !p1, !p1;
	s25 =	simm.s32 $0x1  }
0x331: {  	p0 =	por !p6, !p3;
	s25 =	simm.s32 @!p1 $0x0;
	s23 =	sshrl.u32 s23, $0x7  }
0x332: {  	p0 =	por !p0, !p0;
	s23 =	ssub.s32 s23, s25;
	s25 =	simm.s32 $0x1  }
0x333: {  	s24 =	sshrl.u32 s24, $0x7;
	s23 =	sshll.u32 s23, $0x7;
	s25 =	simm.s32 @!p0 $0x0  }
0x334: {  	s23 =	sand.u32 $0x1FFFFF80, s23;
	s24 =	ssub.s32 s24, s25  }
.Ltmp6:
0x335: {  	s23 =	sadd.s32 s1, s23;
	s26 =	sshll.u32 s24, $0x7;
	(pc) =	sbr.rel .LBB2_6-.Ltmp6, $4  }
0x336: {  	[tilespmem:s17], [sflag:$0x2] =	stream.strided.gather [hbm4b:s23+s13], $0x800, s12, s13, $0x38;
	[tilespmem:$0x10E00] =	vst v63  }
0x337: {  	s23 =	sand.u32 $0x1FFFFF80, s26  }
0x338: {  	s23 =	sadd.s32 s3, s23  }
0x339: {  	[tilespmem:s18], [sflag:$0x2] =	stream.strided.gather [hbm4b:s23+s13], $0x800, s12, s13, $0x38;
	[tilespmem:$0x10E00] =	vst v63  }
.LBB2_8:
0x33a: {  	_ =	sfence.sel $0x180000  }
0x33b: {  	[bflag:$0x0] =	sbarrier.arrive $0xFFFF  }
0x33c: {  	_ =	strace $0x90000047  }
0x33d: {  	s0 =	stileid.u32;
	[bflag:$0x2] =	sbarrier.arrive $0xFFFF  }
0x33e: {  	p0 =	sne.s32 s0, $0x0;
	s0 =	rddreg [dreg:$0x5]  }
0x33f: {  	s0 =	sadd.s32 @!p0 $0x100000, s0  }
0x340: {  	[sflag:s0] =	ssyncadd.tile.s32 @!p0 $0x1;
	_ =	shalt  }
.Lfunc_end2:
_tile_overlayer_lowered:
.L_overlay_start_2:
0x341: {  	(tag) =	ssettag $0x2  }
0x342: {  	s0 =	rddreg [dreg:$0x0];
	s2 =	stileid.u32  }
0x343: {  	s1 =	rddreg [dreg:$0x1];
	p0 =	sne.s32 s2, $0x0  }
0x344: {  	s3 =	rddreg [dreg:$0x2];
	[bflag:$0x3] =	sbarrier.arrive $0xFFFF;
	s2 =	simm.s32 @!p0 $0x1C03  }
0x345: {  	[timem:s3], [sflag:s2] =	dma.local @!p0 [hbm:s0], s1  }
0x346: {  	s0 =	simm.s32 @!p0 $0x3  }
0x347: {  	_ =	swait.ge @!p0 [sflag:s0], s1  }
0x348: {  	s1 =	ssub.s32 @!p0 $0x0, s1;
	[sflag:s0] =	ssyncset.done @!p0 $0x0  }
0x349: {  	[sflag:s0] =	ssyncadd.s32 @!p0 s1  }
0x34a: {  	[bflag:$0x3] =	sbarrier.arrive $0xFFFF  }
0x34b: {  	_ =	shalt  }

// kernel: kernel.7.cloned.1.call-start
scs
__scs_entry_jumppad:
0x0: {  	(pc) =	sbr.rel $0x88, $3  }
0x1: {  	(tag) =	ssettag $0x0;
	lr =	simm.s32 $0x1  }
0x2: {  	[smem:$0x3F97] =	sst lr;
	_ =	strace $0xD0000000  }
0x3: {  	_ = 	snop  }
0x4: {  	_ = 	snop  }
0x5: {  	_ = 	snop  }
0x6: {  	_ = 	snop  }
0x7: {  	_ = 	snop  }
__scs_overlays_trampoline_lowered:
0x8: {  	[smem:$0x3FA6] =	sst s0  }
0x9: {  	[smem:$0x3FA7] =	sst s1  }
0xa: {  	[smem:$0x3FA8] =	sst s2  }
0xb: {  	[smem:$0x3FA9] =	sst s3  }
0xc: {  	[smem:$0x3FAA] =	sst s4  }
0xd: {  	[smem:$0x3FAB] =	sst s5  }
0xe: {  	[smem:$0x3FAC] =	sst s6  }
0xf: {  	[smem:$0x3FAD] =	sst s7  }
0x10: {  	[smem:$0x3FAE] =	sst s8  }
0x11: {  	[smem:$0x3FAF] =	sst s9;
	s0 =	simm.s32 @!p0 $0x0  }
0x12: {  	s1 =	sld [smem:$0x3F95];
	s0 =	simm.s32 @p0 $0x1  }
0x13: {  	[smem:$0x3FB0] =	sst s0;
	s0 =	simm.s32 @!p1 $0x0  }
0x14: {  	s2 =	sld [smem:$0x3F94];
	s0 =	simm.s32 @p1 $0x1  }
0x15: {  	[smem:$0x3FB1] =	sst s0;
	s0 =	simm.s32 @!p2 $0x0  }
0x16: {  	s3 =	sld [smem:$0x3FDB];
	s0 =	simm.s32 @p2 $0x1  }
0x17: {  	s4 =	simm.s32 $0x1BF5;
	[smem:$0x3FB3] =	sst s0  }
0x18: {  	s0 =	sld [smem:$0x3F96];
	_ =	swait.ge [sflag:s4], $0x0  }
0x19: {  	s7 =	sld [smem:$0x3F97]  }
0x1a: {  	s8 =	sadd.s32 $0xFFFFE003, lr  }
0x1b: {  	s9 =	sadd.s32 $0xFFFFFEF7, lr;
	s5 =	simm.s32 $0xFFFFFFFF;
	p2 =	slt.u32 s8, $0xFFFFF086  }
0x1c: {  	p1 =	slt.u32 s9, $0xF7A;
	s5 =	simm.s32 @!p2 $0x0  }
0x1d: {  	s5 =	simm.s32 @p1 $0x1;
	p0 =	seq.s32 s7, s2  }
0x1e: {  	s7 =	smul.u32 @!p0 $0xF7A, s2;
	p2 =	seq.s32 @!p0 s5, $0x0  }
0x1f: {  	s9 =	smul.u32 $0xF7A, s1;
	s8 =	simm.s32 @!p0 $0x1BF5;
	p2 =	por !p2, p0  }
0x20: {  	[sflag:s8] =	ssyncset.s32 @!p0 $0xFFFFF086;
	s6 =	sadd.s32 @!p0 s3, s7;
	s7 =	simm.s32 @!p0 $0x108  }
0x21: {  	s3 =	sadd.s32 s3, s9;
	s6 =	sadd.s32 @!p0 $0x88, s6;
	s7 =	simm.s32 @p2 $0x1082  }
0x22: {  	[simem:s7], [sflag:s8] =	dma.local @!p0 [hbm:s6], $0xF7A  }
0x23: {  	s9 =	sor.u32 $0xD0000000, s2;
	s6 =	simm.s32 $0x108;
	_ =	swait.ge @!p0 [sflag:s8], $0x0  }
0x24: {  	s3 =	sadd.s32 $0x88, s3;
	s6 =	simm.s32 @!p1 $0x1082;
	[sflag:s4] =	ssyncset.s32 $0xFFFFF086  }
0x25: {  	[simem:s6], [sflag:s4] =	dma.local [hbm:s3], $0xF7A  }
0x26: {  	[smem:$0x3F97] =	sst s1;
	(tag) =	ssettag s2;
	_ =	strace s9  }
0x27: {  	s1 =	sld [smem:$0x3FA7]  }
0x28: {  	s2 =	sld [smem:$0x3FA8]  }
0x29: {  	s4 =	sld [smem:$0x3FAA]  }
0x2a: {  	p0 =	seq.s32 s5, $0x0;
	s5 =	sld [smem:$0x3FAB]  }
0x2b: {  	s6 =	sld [smem:$0x3FAC]  }
0x2c: {  	s7 =	sld [smem:$0x3FAD]  }
0x2d: {  	s3 =	simm.s32 $0x108;
	s8 =	sld [smem:$0x3FAE]  }
0x2e: {  	s3 =	simm.s32 @!p0 $0x1082;
	s9 =	sld [smem:$0x3FAF]  }
0x2f: {  	lr =	sadd.s32 s0, s3;
	s0 =	sld [smem:$0x3FA6]  }
0x30: {  	s3 =	sld [smem:$0x3FA9]  }
0x31: {  	[smem:$0x3FB2] =	sst s10  }
0x32: {  	s10 =	sld [smem:$0x3FB0];
	_ =	sdelay $0x3  }
0x33: {  	p0 =	seq.s32 s10, $0x1;
	s10 =	sld [smem:$0x3FB2];
	_ =	sdelay $0x3  }
0x34: {  	[smem:$0x3FB2] =	sst s10  }
0x35: {  	s10 =	sld [smem:$0x3FB1];
	_ =	sdelay $0x3  }
0x36: {  	p1 =	seq.s32 s10, $0x1;
	s10 =	sld [smem:$0x3FB2];
	_ =	sdelay $0x3  }
0x37: {  	[smem:$0x3FB2] =	sst s10  }
0x38: {  	s10 =	sld [smem:$0x3FB3]  }
0x39: {  	_ = 	snop;
	(pc) =	sbr.ind lr, $3  }
0x3a: {  	_ = 	snop  }
0x3b: {  	_ = 	snop  }
0x3c: {  	p2 =	seq.s32 s10, $0x1;
	s10 =	sld [smem:$0x3FB2]  }
0x3d: {  	_ =	shalt  }
0x3e: {  	_ =	shalt  }
0x3f: {  	_ =	shalt  }
0x40: {  	_ =	shalt  }
0x41: {  	_ =	shalt  }
0x42: {  	_ =	shalt  }
0x43: {  	_ =	shalt  }
0x44: {  	_ =	shalt  }
0x45: {  	_ =	shalt  }
0x46: {  	_ =	shalt  }
0x47: {  	_ =	shalt  }
0x48: {  	_ =	shalt  }
0x49: {  	_ =	shalt  }
0x4a: {  	_ =	shalt  }
0x4b: {  	_ =	shalt  }
0x4c: {  	_ =	shalt  }
0x4d: {  	_ =	shalt  }
0x4e: {  	_ =	shalt  }
0x4f: {  	_ =	shalt  }
0x50: {  	_ =	shalt  }
0x51: {  	_ =	shalt  }
0x52: {  	_ =	shalt  }
0x53: {  	_ =	shalt  }
0x54: {  	_ =	shalt  }
0x55: {  	_ =	shalt  }
0x56: {  	_ =	shalt  }
0x57: {  	_ =	shalt  }
0x58: {  	_ =	shalt  }
0x59: {  	_ =	shalt  }
0x5a: {  	_ =	shalt  }
0x5b: {  	_ =	shalt  }
0x5c: {  	_ =	shalt  }
0x5d: {  	_ =	shalt  }
0x5e: {  	_ =	shalt  }
0x5f: {  	_ =	shalt  }
0x60: {  	_ =	shalt  }
0x61: {  	_ =	shalt  }
0x62: {  	_ =	shalt  }
0x63: {  	_ =	shalt  }
0x64: {  	_ =	shalt  }
0x65: {  	_ =	shalt  }
0x66: {  	_ =	shalt  }
0x67: {  	_ =	shalt  }
0x68: {  	_ =	shalt  }
0x69: {  	_ =	shalt  }
0x6a: {  	_ =	shalt  }
0x6b: {  	_ =	shalt  }
0x6c: {  	_ =	shalt  }
0x6d: {  	_ =	shalt  }
0x6e: {  	_ =	shalt  }
0x6f: {  	_ =	shalt  }
0x70: {  	_ =	shalt  }
0x71: {  	_ =	shalt  }
0x72: {  	_ =	shalt  }
0x73: {  	_ =	shalt  }
0x74: {  	_ =	shalt  }
0x75: {  	_ =	shalt  }
0x76: {  	_ =	shalt  }
0x77: {  	_ =	shalt  }
0x78: {  	_ =	shalt  }
0x79: {  	_ =	shalt  }
0x7a: {  	_ =	shalt  }
0x7b: {  	_ =	shalt  }
0x7c: {  	_ =	shalt  }
0x7d: {  	_ =	shalt  }
0x7e: {  	_ =	shalt  }
0x7f: {  	_ =	shalt  }
0x80: {  	_ =	shalt  }
0x81: {  	_ =	shalt  }
0x82: {  	_ =	shalt  }
0x83: {  	_ =	shalt  }
0x84: {  	_ =	shalt  }
0x85: {  	_ =	shalt  }
0x86: {  	_ =	shalt  }
0x87: {  	_ =	shalt  }
.Lfunc_end0:
.L_simem_size_0:
called_computation.1_lowered:
.L_overlay_start_0:
0x88: {  	s2 =	sld [smem:$0x3FD9]  }
0x89: {  	s3 =	sld [smem:$0x3FFE];
	_ =	sdelay $0x1  }
0x8a: {  	s1 =	srdreg.scid  }
0x8b: {  	s0 =	sand.u32 $0x1, s1  }
0x8c: {  	s17 =	sshll.u32 s0, $0xA;
	s2 =	sadd.s32 s3, s2  }
0x8d: {  	s2 =	sadd.s32 s2, s17  }
0x8e: {  	[smem:$0x3FBE] =	sst s2  }
0x8f: {  	_ = 	snop  }
0x90: {  	s2 =	sld [smem:$0x3FC9]  }
0x91: {  	s18 =	sld [smem:$0x3FC8]  }
0x92: {  	s4 =	sld [smem:$0x3FD0];
	(tm) =	ssettm $0x1  }
0x93: {  	s5 =	sld [smem:$0x3FFB];
	_ =	sdelay $0x3  }
0x94: {  	_ =	strace s5  }
0x95: {  	s5 =	sld [smem:$0x3FFC];
	_ =	sdelay $0x3  }
0x96: {  	_ =	strace s5  }
0x97: {  	s5 =	sld [smem:$0x3FFD];
	_ =	sdelay $0x3  }
0x98: {  	_ =	strace s5  }
0x99: {  	_ =	strace $0x8FFFFFFF  }
0x9a: {  	s19 =	sld [smem:$0x3FDB];
	_ =	sdelay $0x1  }
0x9b: {  	s6 =	simm.s32 $_scs_section_size  }
0x9c: {  	s7 =	simm.s32 $_size__tile_overlayer_lowered;
	s8 =	simm.s32 $_tile_overlayer_lowered  }
0x9d: {  	s22 =	simm.s32 $0x1BFF;
	s21 =	sshll.u32 s8, $0x1;
	s5 =	sadd.s32 s6, s19  }
0x9e: {  	s9 =	simm.s32 $0x0;
	s20 =	sshll.u32 s7, $0x1;
	s7 =	sadd.s32 s21, s5  }
0x9f: {  	[timem:s9], [sflag:s22] =	dma.local [hbm:s7], s20  }
0xa0: {  	_ =	swait.ge [sflag:s22], s20  }
0xa1: {  	s6 =	ssub.s32 $0x0, s20;
	[sflag:s22] =	ssyncset.done $0x0  }
0xa2: {  	[sflag:s22] =	ssyncadd.s32 s6;
	_ =	sdelay $0x1  }
0xa3: {  	s23 =	simm.s32 $0x1B8B  }
0xa4: {  	_ =	swait.ge [sflag:s23], $0x1  }
0xa5: {  	[sflag:s23] =	ssyncset.done $0x0  }
0xa6: {  	s25 =	simm.s32 $0x1B8E;
	s24 =	sld [smem:$0x3FFE];
	[sflag:s23] =	ssyncadd.s32 $0xFFFFFFFF  }
0xa7: {  	s26 =	simm.s32 $execute0_lowered;
	[smem:$0x3FD2] =	sst s25  }
0xa8: {  	s7 =	sshll.u32 s26, $0x1;
	_ =	strace $0x80000049;
	[dreg:$0x1] =	wrdreg $0xFFFFFFFF  }
0xa9: {  	s28 =	simm.s32 $_size_execute0_lowered;
	s5 =	sadd.s32 s5, s7;
	[dreg:$0x0] =	wrdreg $0x0  }
0xaa: {  	s7 =	sshll.u32 s28, $0x1;
	[dreg:$0x2] =	wrdreg s5  }
0xab: {  	[dreg:$0x3] =	wrdreg s7  }
0xac: {  	[dreg:$0x4] =	wrdreg $0xC0  }
0xad: {  	_ =	task [dreg:s9], $0x5FFFF  }
0xae: {  	[dreg:$0x1] =	wrdreg $0xFFFFFFFF  }
0xaf: {  	[dreg:$0x0] =	wrdreg $0x60  }
0xb0: {  	[dreg:$0x2] =	wrdreg s2  }
0xb1: {  	[dreg:$0x3] =	wrdreg s18  }
0xb2: {  	[dreg:$0x4] =	wrdreg s24  }
0xb3: {  	[dreg:$0x5] =	wrdreg s4  }
0xb4: {  	[dreg:$0x6] =	wrdreg $0x9  }
0xb5: {  	_ =	task.clear_ibuf [dreg:s9], $0x7FFFF;
	_ =	strace $0x90000049  }
0xb6: {  	s29 =	simm.s32 $0x9;
	_ =	strace $0x8000004B  }
0xb7: {  	_ =	swait.ge [sflag:s29], $0x1  }
0xb8: {  	[sflag:s29] =	ssyncadd.s32 $0xFFFFFFFF  }
0xb9: {  	_ =	strace $0x9000004B  }
0xba: {  	_ =	sfence  }
0xbb: {  	s30 =	sld [smem:$0x0];
	_ =	sdelay $0x2  }
0xbc: {  	s31 =	sshll.u32 s1, $0xD;
	s1 =	sshrl.u32 s1, $0x2  }
0xbd: {  	s3 =	sand.u32 $0x4000, s31;
	s1 =	sadd.s32 s1, s30  }
0xbe: {  	s0 =	sor.u32 s3, s0;
	s1 =	sshll.u32 s1, $0x11  }
0xbf: {  	s0 =	sor.u32 s1, s0  }
0xc0: {  	s0 =	sadd.s32 $0x8F2B, s0  }
0xc1: {  	[sflag:s0] =	ssyncadd.remote.s32 $0x1  }
0xc2: {  	_ =	sfence.sel $0xFFFF  }
0xc3: {  	[dreg:$0x0] =	wrdreg $0xFFFFFFFF;
	(pc) =	sbr.abs _section_cstart, $3  }
0xc4: {  	[dreg:$0x1] =	wrdreg $0xFFFFFFFF  }
0xc5: {  	_ =	task.clear_ibuf [dreg:s9], $0x2FFFF;
	_ =	strace $0x9FFFFFFF  }
0xc6: {  	(tm) =	ssettm $0x7FFFFFFF  }
0xc7: {  	_ =	shalt  }
tec
execute0_lowered:
.L_overlay_start_1:
0x0: {  	(tag) =	ssettag $0x1  }
0x1: {  	s0 =	rddreg [dreg:$0x0]  }
0x2: {  	s1 =	rddreg [dreg:$0x1]  }
0x3: {  	s6 =	rddreg [dreg:$0x2]  }
0x4: {  	s10 =	rddreg [dreg:$0x3]  }
0x5: {  	s2 =	simm.s32 $0x0;
	s3 =	srdreg.scid;
	s4 =	stileid.u32  }
0x6: {  	s14 =	simm.s32 $0x800;
	s16 =	simm.s32 $0x80;
	s17 =	simm.s32 $0x400  }
0x7: {  	s18 =	simm.s32 $0x600;
	s21 =	simm.s32 $0x680;
	s22 =	simm.s32 $0x100  }
0x8: {  	s23 =	simm.s32 $0x500;
	s24 =	simm.s32 $0x300;
	s28 =	simm.s32 $0x580  }
0x9: {  	s29 =	simm.s32 $0x380;
	s30 =	simm.s32 $0x780;
	s31 =	simm.s32 $0x1  }
0xa: {  	[smem:$0x7FF] =	sst s2;
	s5 =	sand.u32 $0x1, s3;
	s4 =	sshll.u32 s4, $0x1  }
0xb: {  	s3 =	sadd.s32 $0x21A00, s6;
	_ =	strace $0x8000004A;
	s7 =	sor.u32 s5, s4  }
0xc: {  	s4 =	sadd.s32 $0x3000, s6;
	s9 =	ssub.s32 $0x2, s5;
	s5 =	sadd.s32 $0x2E00, s6  }
0xd: {  	s8 =	sshll.u32 s7, $0x8;
	s12 =	sshll.u32 s7, $0x6;
	s25 =	sshrl.u32 s9, $0x1  }
0xe: {  	s11 =	sadd.s32 s8, s6;
	s26 =	sadd.s32 s12, s6;
	s13 =	ssub.s32 s9, s25  }
0xf: {  	s6 =	sadd.s32 s0, s12;
	s7 =	sadd.s32 s1, s12;
	s10 =	sadd.s32 s10, s12  }
0x10: {  	s12 =	simm.s32 $0x2;
	s25 =	simm.s32 $0x700;
	s0 =	simm.s32 $0x1250  }
0x11: {  	v0 =	vlaneseq.u32;
	s1 =	simm.s32 $0x0;
	s8 =	sadd.s32 $0x600, s26;
	s9 =	sadd.s32 $0xE00, s11  }
0x12: {  	v1 =	vor.u32 $0xFFFFFFF8, v0;
	s11 =	smax.u32 s13, $0x1;
	s13 =	simm.s32 $0x200;
	s26 =	simm.s32 $0x180  }
.LBB2_1:
0x13: {  	[tilespmem:s2], [sflag:$0x2] =	stream.linear.gather [hbm4b:s6+s2], $0x200, $0x38;
	[tilespmem:$0x1450] =	vst v63  }
0x14: {  	_ =	swait.ge [sflag:s12], $0x200  }
0x15: {  	[sflag:s12] =	ssyncset.done $0x0  }
0x16: {  	[sflag:s12] =	ssyncadd.s32 $0xFFFFFE00  }
0x17: {  	[tilespmem:s13], [sflag:$0x2] =	stream.linear.gather [hbm4b:s7+s2], $0x200, $0x38;
	[tilespmem:$0x1450] =	vst v63  }
0x18: {  	_ =	swait.ge [sflag:s12], $0x200  }
0x19: {  	[sflag:s12] =	ssyncset.done $0x0  }
0x1a: {  	s15 =	simm.s32 $0x1050;
	[sflag:s12] =	ssyncadd.s32 $0xFFFFFE00  }
0x1b: {  	[tilespmem:s15], [sflag:$0x2] =	stream.linear.gather [hbm4b:s8+s2], $0x200, $0x38;
	[tilespmem:$0x1450] =	vst v63  }
0x1c: {  	_ =	swait.ge [sflag:s12], $0x200  }
0x1d: {  	[sflag:s12] =	ssyncset.done $0x0  }
0x1e: {  	[sflag:s12] =	ssyncadd.s32 $0xFFFFFE00  }
0x1f: {  	[tilespmem:s14], [sflag:$0x2] =	stream.linear.gather [hbm4b:s9+s2], $0x800, $0x38;
	[tilespmem:$0x1450] =	vst v63  }
0x20: {  	_ =	swait.ge [sflag:s12], $0x800  }
0x21: {  	[sflag:s12] =	ssyncset.done $0x0  }
0x22: {  	s19 =	simm.s32 $0x1000;
	[sflag:s12] =	ssyncadd.s32 $0xFFFFF800  }
0x23: {  	[tilespmem:s19], [sflag:$0x2] =	stream.linear.gather [hbm4b:s5+s2], $0x50, $0x38;
	[tilespmem:$0x1450] =	vst v63  }
0x24: {  	_ =	swait.ge [sflag:s12], $0x50  }
0x25: {  	[sflag:s12] =	ssyncset.done $0x0  }
0x26: {  	[sflag:s12] =	ssyncadd.s32 $0xFFFFFFB0  }
0x27: {  	[tilespmem:s17], [sflag:$0x1] =	stream.indirect.gather [hbm4b:s3+s16], $0x1, s2, s16, $0xb8;
	[tilespmem:$0x1450] =	vst v63  }
0x28: {  	_ = 	snop  }
0x29: {  	[tilespmem:s18], [sflag:$0x1] =	stream.indirect.gather [hbm4b:s4+s16], $0x1, s13, s16, $0xb8;
	[tilespmem:$0x1450] =	vst v63  }
0x2a: {  	s20 =	simm.s32 $0x480  }
0x2b: {  	[tilespmem:s20], [sflag:$0x1] =	stream.indirect.gather [hbm4b:s3+s16], $0x1, s16, s16, $0xb8;
	[tilespmem:$0x1450] =	vst v63  }
0x2c: {  	s20 =	simm.s32 $0x280  }
0x2d: {  	[tilespmem:s21], [sflag:$0x1] =	stream.indirect.gather [hbm4b:s4+s16], $0x1, s20, s16, $0xb8;
	[tilespmem:$0x1450] =	vst v63  }
0x2e: {  	_ = 	snop  }
0x2f: {  	[tilespmem:s23], [sflag:$0x1] =	stream.indirect.gather [hbm4b:s3+s16], $0x1, s22, s16, $0xb8;
	[tilespmem:$0x1450] =	vst v63  }
0x30: {  	_ = 	snop  }
0x31: {  	[tilespmem:s25], [sflag:$0x1] =	stream.indirect.gather [hbm4b:s4+s16], $0x1, s24, s16, $0xb8;
	[tilespmem:$0x1450] =	vst v63  }
0x32: {  	_ = 	snop  }
0x33: {  	[tilespmem:s28], [sflag:$0x1] =	stream.indirect.gather [hbm4b:s3+s16], $0x1, s26, s16, $0xb8;
	[tilespmem:$0x1450] =	vst v63  }
0x34: {  	_ = 	snop  }
0x35: {  	[tilespmem:s30], [sflag:$0x1] =	stream.indirect.gather [hbm4b:s4+s16], $0x1, s29, s16, $0xb8;
	[tilespmem:$0x1450] =	vst v63  }
0x36: {  	_ =	swait.ge [sflag:s31], $0x80  }
0x37: {  	[sflag:s31] =	ssyncset.done $0x0  }
0x38: {  	[sflag:s31] =	ssyncadd.s32 $0xFFFFFF80  }
0x39: {  	_ =	swait.ge [sflag:s31], $0x80  }
0x3a: {  	[sflag:s31] =	ssyncset.done $0x0  }
0x3b: {  	[sflag:s31] =	ssyncadd.s32 $0xFFFFFF80  }
0x3c: {  	_ =	swait.ge [sflag:s31], $0x80  }
0x3d: {  	[sflag:s31] =	ssyncset.done $0x0  }
0x3e: {  	[sflag:s31] =	ssyncadd.s32 $0xFFFFFF80  }
0x3f: {  	_ =	swait.ge [sflag:s31], $0x80  }
0x40: {  	[sflag:s31] =	ssyncset.done $0x0  }
0x41: {  	[sflag:s31] =	ssyncadd.s32 $0xFFFFFF80  }
0x42: {  	_ =	swait.ge [sflag:s31], $0x80  }
0x43: {  	[sflag:s31] =	ssyncset.done $0x0  }
0x44: {  	[sflag:s31] =	ssyncadd.s32 $0xFFFFFF80  }
0x45: {  	_ =	swait.ge [sflag:s31], $0x80  }
0x46: {  	[sflag:s31] =	ssyncset.done $0x0  }
0x47: {  	[sflag:s31] =	ssyncadd.s32 $0xFFFFFF80  }
0x48: {  	_ =	swait.ge [sflag:s31], $0x80  }
0x49: {  	v2 =	vor.u32 s2, v0;
	[sflag:s31] =	ssyncset.done $0x0  }
0x4a: {  	v3 =	vshll.u32 v2, $0x2;
	[sflag:s31] =	ssyncadd.s32 $0xFFFFFF80  }
0x4b: {  	_ =	swait.ge [sflag:s31], $0x80  }
0x4c: {  	v4 =	vor.u32 $0x1, v3;
	[sflag:s31] =	ssyncset.done $0x0  }
0x4d: {  	[sflag:s31] =	ssyncadd.s32 $0xFFFFFF80  }
0x4e: {  	v6 =	vor.u32 $0x2, v3;
	v5 =	vld [tilespmem:$0x1040]  }
0x4f: {  	v7 =	vld.idx.msk [tilespmem:v3+s14+$0x0], $0xffff  }
0x50: {  	v8 =	vld [tilespmem:$0x1000]  }
0x51: {  	v3 =	vor.u32 $0x3, v3;
	v4 =	vld.idx.msk [tilespmem:v4+s14+$0x0], $0xffff  }
0x52: {  	v9 =	vld [tilespmem:$0x1010]  }
0x53: {  	v6 =	vld.idx.msk [tilespmem:v6+s14+$0x0], $0xffff  }
0x54: {  	v10 =	vld [tilespmem:$0x1020]  }
0x55: {  	v2 =	vand.u32 v1, v2;
	v59 =	vld [tilespmem:$0x1030];
	v7 =	vmul.f32 v8, v7  }
0x56: {  	v3 =	vld.idx.msk [tilespmem:v3+s14+$0x0], $0xffff  }
0x57: {  	v4 =	vmul.f32 v9, v4;
	v5 =	vadd.f32 v7, v5;
	_ =	sdelay $0x1  }
0x58: {  	v4 =	vadd.f32 v4, v5;
	v5 =	vmul.f32 v10, v6  }
0x59: {  	v6 =	vld.idx.msk [tilespmem:v2+s17+$0x0], $0xffff  }
0x5a: {  	v3 =	vmul.f32 v59, v3;
	v4 =	vadd.f32 v5, v4  }
0x5b: {  	v2 =	vld.idx.msk [tilespmem:v2+s18+$0x0], $0xffff  }
0x5c: {  	v3 =	vadd.f32 v3, v4  }
0x5d: {  	v4 =	vld [tilespmem:s15+$0x0]  }
0x5e: {  	v3 =	vadd.f32 v3, v6  }
0x5f: {  	s19 =	simm.s32 $0x10  }
0x60: {  	v5 =	vor.u32 s19, v0;
	v2 =	vadd.f32 v3, v2  }
0x61: {  	v3 =	vshll.u32 v5, $0x2  }
0x62: {  	v2 =	vadd.f32 v2, v4;
	_ =	sdelay $0x1  }
0x63: {  	v4 =	vor.u32 $0x1, v3;
	[tilespmem:s0+$0x0] =	vst v2  }
0x64: {  	v2 =	vld [tilespmem:$0x1040]  }
0x65: {  	v6 =	vor.u32 $0x2, v3;
	v7 =	vld.idx.msk [tilespmem:v3+s14+$0x0], $0xffff  }
0x66: {  	v60 =	vld [tilespmem:$0x1000]  }
0x67: {  	v3 =	vor.u32 $0x3, v3;
	v61 =	vld [tilespmem:$0x1010]  }
0x68: {  	v4 =	vld.idx.msk [tilespmem:v4+s14+$0x0], $0xffff  }
0x69: {  	v62 =	vld [tilespmem:$0x1020]  }
0x6a: {  	v6 =	vld.idx.msk [tilespmem:v6+s14+$0x0], $0xffff  }
0x6b: {  	v5 =	vand.u32 v1, v5;
	v63 =	vld [tilespmem:$0x1030];
	v7 =	vmul.f32 v60, v7  }
0x6c: {  	v3 =	vld.idx.msk [tilespmem:v3+s14+$0x0], $0xffff  }
0x6d: {  	v2 =	vadd.f32 v7, v2;
	v4 =	vmul.f32 v61, v4;
	_ =	sdelay $0x1  }
0x6e: {  	v2 =	vadd.f32 v4, v2;
	v4 =	vmul.f32 v62, v6  }
0x6f: {  	v6 =	vld.idx.msk [tilespmem:v5+s17+$0x0], $0xffff  }
0x70: {  	v3 =	vmul.f32 v63, v3;
	v2 =	vadd.f32 v4, v2  }
0x71: {  	v4 =	vld.idx.msk [tilespmem:v5+s18+$0x0], $0xffff  }
0x72: {  	s15 =	simm.s32 $0x1060;
	v2 =	vadd.f32 v3, v2  }
0x73: {  	v3 =	vld [tilespmem:s15+$0x0]  }
0x74: {  	v5 =	vadd.f32 v2, v6  }
0x75: {  	s20 =	simm.s32 $0x20  }
0x76: {  	s19 =	simm.s32 $0x1250;
	v2 =	vor.u32 s20, v0;
	s20 =	simm.s32 $0x30;
	v4 =	vadd.f32 v5, v4  }
.LBB2_2:
0x77: {  	p0 =	sne.s32 s20, $0x1F0;
	v5 =	vshll.u32 v2, $0x2  }
0x78: {  	v3 =	vadd.f32 v4, v3  }
0x79: {  	s19 =	sadd.s32 $0x10, s19;
	v4 =	vor.u32 $0x1, v5  }
0x7a: {  	[tilespmem:s19+$0x0] =	vst v3  }
0x7b: {  	v6 =	vor.u32 $0x2, v5;
	v3 =	vld [tilespmem:$0x1040]  }
0x7c: {  	v7 =	vld.idx.msk [tilespmem:v5+s14+$0x0], $0xffff  }
0x7d: {  	v5 =	vor.u32 $0x3, v5;
	v8 =	vld [tilespmem:$0x1000]  }
0x7e: {  	v4 =	vld.idx.msk [tilespmem:v4+s14+$0x0], $0xffff  }
0x7f: {  	v9 =	vld [tilespmem:$0x1010]  }
0x80: {  	v6 =	vld.idx.msk [tilespmem:v6+s14+$0x0], $0xffff  }
0x81: {  	v2 =	vand.u32 v1, v2;
	v10 =	vld [tilespmem:$0x1020]  }
0x82: {  	v7 =	vmul.f32 v8, v7;
	v5 =	vld.idx.msk [tilespmem:v5+s14+$0x0], $0xffff  }
0x83: {  	v8 =	vld [tilespmem:$0x1030]  }
0x84: {  	v3 =	vadd.f32 v7, v3;
	v4 =	vmul.f32 v9, v4;
	_ =	sdelay $0x1  }
0x85: {  	v3 =	vadd.f32 v4, v3;
	v4 =	vmul.f32 v10, v6;
	v6 =	vld.idx.msk [tilespmem:v2+s17+$0x0], $0xffff;
	_ =	sdelay $0x1  }
0x86: {  	v3 =	vadd.f32 v4, v3;
	v4 =	vmul.f32 v8, v5;
	v5 =	vld.idx.msk [tilespmem:v2+s18+$0x0], $0xffff;
	_ =	sdelay $0x1  }
.Ltmp0:
0x87: {  	s15 =	sadd.s32 $0x10, s15;
	v2 =	vadd.f32 v4, v3;
	(pc) =	sbr.rel @p0 .LBB2_2-.Ltmp0, $3  }
0x88: {  	v3 =	vld [tilespmem:s15+$0x0]  }
0x89: {  	v4 =	vadd.f32 v2, v6;
	_ =	sdelay $0x1  }
0x8a: {  	v2 =	vor.u32 s20, v0;
	s20 =	sadd.s32 $0x10, s20;
	v4 =	vadd.f32 v4, v5  }
0x8b: {  	_ = 	snop  }
0x8c: {  	v5 =	vshll.u32 v2, $0x2;
	v3 =	vadd.f32 v4, v3  }
0x8d: {  	s19 =	sadd.s32 $0x10, s19  }
0x8e: {  	v58 =	vor.u32 $0x1, v5;
	[tilespmem:s19+$0x0] =	vst v3  }
0x8f: {  	v3 =	vld [tilespmem:$0x1040]  }
0x90: {  	v6 =	vor.u32 $0x2, v5;
	v8 =	vld [tilespmem:$0x1000]  }
0x91: {  	v7 =	vld.idx.msk [tilespmem:v5+s14+$0x0], $0xffff  }
0x92: {  	v9 =	vld [tilespmem:$0x1010];
	v5 =	vor.u32 $0x3, v5  }
0x93: {  	v4 =	vld.idx.msk [tilespmem:v58+s14+$0x0], $0xffff  }
0x94: {  	v10 =	vld [tilespmem:$0x1020]  }
0x95: {  	v6 =	vld.idx.msk [tilespmem:v6+s14+$0x0], $0xffff  }
0x96: {  	v2 =	vand.u32 v1, v2;
	v59 =	vld [tilespmem:$0x1030];
	v7 =	vmul.f32 v8, v7  }
0x97: {  	v5 =	vld.idx.msk [tilespmem:v5+s14+$0x0], $0xffff  }
0x98: {  	v4 =	vmul.f32 v9, v4;
	v3 =	vadd.f32 v7, v3;
	_ =	sdelay $0x1  }
0x99: {  	v60 =	vmul.f32 v10, v6;
	v3 =	vadd.f32 v4, v3  }
0x9a: {  	v61 =	vld.idx.msk [tilespmem:v2+s17+$0x0], $0xffff  }
0x9b: {  	v62 =	vmul.f32 v59, v5;
	v3 =	vadd.f32 v60, v3  }
0x9c: {  	v2 =	vld.idx.msk [tilespmem:v2+s18+$0x0], $0xffff  }
0x9d: {  	s15 =	sadd.s32 $0x10, s15;
	v3 =	vadd.f32 v62, v3  }
0x9e: {  	v63 =	vld [tilespmem:s15+$0x0]  }
0x9f: {  	v3 =	vadd.f32 v3, v61;
	_ =	sdelay $0x1  }
0xa0: {  	v2 =	vadd.f32 v3, v2;
	_ =	sdelay $0x1  }
0xa1: {  	s1 =	sadd.s32 $0x1, s1;
	v2 =	vadd.f32 v2, v63  }
0xa2: {  	s20 =	sadd.s32 $0x10, s19;
	p0 =	sne.s32 s1, s11  }
.Ltmp1:
0xa3: {  	[tilespmem:s20+$0x0] =	vst v2;
	(pc) =	sbr.rel @p0 .LBB2_1-.Ltmp1, $4  }
0xa4: {  	[hbm4b:s10+s2] =	stream.linear.scatter [tilespmem:s0], [sflag:$0x2], $0x200, $0x38;
	[tilespmem:$0x1450] =	vst v63  }
0xa5: {  	_ =	swait.ge [sflag:s12], $0x200  }
0xa6: {  	[sflag:s12] =	ssyncset.done $0x0  }
0xa7: {  	[sflag:s12] =	ssyncadd.s32 $0xFFFFFE00  }
0xa8: {  	_ =	sfence.sel $0x180000  }
0xa9: {  	[bflag:$0x0] =	sbarrier.arrive $0xFFFF  }
0xaa: {  	_ =	strace $0x9000004A  }
0xab: {  	s0 =	stileid.u32;
	[bflag:$0x2] =	sbarrier.arrive $0xFFFF  }
0xac: {  	p0 =	sne.s32 s0, $0x0;
	s0 =	rddreg [dreg:$0x4]  }
0xad: {  	s0 =	sadd.s32 @!p0 $0x100000, s0  }
0xae: {  	[sflag:s0] =	ssyncadd.tile.s32 @!p0 $0x1;
	_ =	shalt  }
.Lfunc_end2:
_tile_overlayer_lowered:
.L_overlay_start_2:
0xaf: {  	(tag) =	ssettag $0x2  }
0xb0: {  	s0 =	rddreg [dreg:$0x0];
	s2 =	stileid.u32  }
0xb1: {  	s1 =	rddreg [dreg:$0x1];
	p0 =	sne.s32 s2, $0x0  }
0xb2: {  	s3 =	rddreg [dreg:$0x2];
	[bflag:$0x3] =	sbarrier.arrive $0xFFFF;
	s2 =	simm.s32 @!p0 $0x1C02  }
0xb3: {  	[timem:s3], [sflag:s2] =	dma.local @!p0 [hbm:s0], s1  }
0xb4: {  	s0 =	simm.s32 @!p0 $0x2  }
0xb5: {  	_ =	swait.ge @!p0 [sflag:s0], s1  }
0xb6: {  	s1 =	ssub.s32 @!p0 $0x0, s1;
	[sflag:s0] =	ssyncset.done @!p0 $0x0  }
0xb7: {  	[sflag:s0] =	ssyncadd.s32 @!p0 s1  }
0xb8: {  	[bflag:$0x3] =	sbarrier.arrive $0xFFFF  }
0xb9: {  	_ =	shalt  }

</sc_bundles>
